<compile_context>
chip_gen: v7x
topology: tpu7x:2x2x1
jax: 0.10.2.dev20260603
libtpu: 0.0.44.dev20260713+nightly
codegen_flags: <defaults>
</compile_context>

<pallas_src>
import functools

import jax
import jax.numpy as jnp
from jax import lax
from jax.experimental import pallas as pl
from jax.experimental.pallas import tpu as pltpu
from jax.experimental.pallas import tpu_sc as plsc

B = 128
C = 112
P = 256
D = 10
NC = 200
MAX_DIST = 128.0
ALPHA = 1.0
COEFS = {"crs_ent": 1.0, "clst": 0.8, "sep": -0.08, "l1": 1e-4,
         "ortho_p": 1.0, "ortho_c": 1.0}
EPS = 1e-8
R2 = 2 * C
L = 16
NW = 32
RPW = R2 // NW
NBLK = P // L
NBB = B // L
BIGF = 3.0e38
NEGF = -3.0e38


def _sc_dist_body(mdt_hbm, ppf_hbm, wt_hbm, out1_hbm, out2_hbm,
                  mdv, ppv, wv, sv, a1v, a2v, tix, sem_a, sem_m):
    cid = lax.axis_index("c")
    sid = lax.axis_index("s")
    wid = sid * 2 + cid
    cps = []
    for d in range(D):
        cps.append(pltpu.async_copy(
            ppf_hbm.at[pl.ds(d * (R2 * P) + wid * (RPW * P), RPW * P)],
            ppv.at[pl.ds(d * (RPW * P), RPW * P)], sem_a))
    cps.append(pltpu.async_copy(
        wt_hbm.at[pl.ds(wid * RPW * B, RPW * B)], wv, sem_a))
    cpm = pltpu.async_copy(mdt_hbm, mdv, sem_m)
    for cp in cps:
        cp.wait()

    iota = lax.iota(jnp.int32, L)

    def srow_body(i, _):
        pbase = i * P
        s_chunks = []
        for blk in range(NBLK):
            off = pbase + blk * L
            acc = ppv[pl.ds(off, L)]
            for d in range(1, D):
                acc = acc + ppv[pl.ds(d * (RPW * P) + off, L)]
            s_chunks.append(acc)

        for j in range(D):
            m = s_chunks[0]
            for blk in range(1, NBLK):
                m = jnp.maximum(m, s_chunks[blk])
            gm = jnp.max(m)
            cand = jnp.where(s_chunks[0] == gm, iota, jnp.int32(P))
            for blk in range(1, NBLK):
                cblk = jnp.where(s_chunks[blk] == gm, iota + blk * L,
                                 jnp.int32(P))
                cand = jnp.minimum(cand, cblk)
            idx = jnp.min(cand)
            tix[i * L + j] = idx
            for blk in range(NBLK):
                hit = (iota + blk * L) == idx
                s_chunks[blk] = jnp.where(hit, jnp.float32(NEGF),
                                          s_chunks[blk])
        return 0
    lax.fori_loop(0, RPW, srow_body, 0)

    cpm.wait()

    def row_body(i, accs):
        acc1, acc2 = accs
        tj = [tix[i * L + j] for j in range(D)]

        def patch_body(k, _):
            b0 = k * L
            for j in range(D):
                sv[j, pl.ds(b0, L)] = mdv[tj[j], pl.ds(b0, L)]
                mdv[tj[j], pl.ds(b0, L)] = jnp.full((L,), BIGF, jnp.float32)
            return 0
        lax.fori_loop(0, NBB, patch_body, 0)

        def bb_body(k, accs2):
            a1, a2 = accs2
            b0 = k * L
            big = jnp.full((L,), BIGF, jnp.float32)

            def p_body(q, c):
                p0 = q * 16
                cs = list(c)
                for j in range(16):
                    cs[j % 8] = jnp.minimum(cs[j % 8],
                                            mdv[p0 + j, pl.ds(b0, L)])
                return tuple(cs)
            cs = lax.fori_loop(0, P // 16, p_body, (big,) * 8)
            cs = list(cs)
            for st in (4, 2, 1):
                for j in range(st):
                    cs[j] = jnp.minimum(cs[j], cs[j + st])
            m2 = jnp.maximum(MAX_DIST - cs[0], 0.0)

            mt = sv[0, pl.ds(b0, L)]
            for j in range(1, D):
                mt = jnp.minimum(mt, sv[j, pl.ds(b0, L)])
            m1 = jnp.maximum(MAX_DIST - mt, 0.0)

            w = wv[pl.ds(i * B + b0, L)]
            return (a1 + w * m1, a2 + (1.0 - w) * m2)
        acc1, acc2 = lax.fori_loop(0, NBB, bb_body, (acc1, acc2))

        def rest_body(k, _):
            b0 = k * L
            for j in range(D):
                mdv[tj[j], pl.ds(b0, L)] = sv[j, pl.ds(b0, L)]
            return 0
        lax.fori_loop(0, NBB, rest_body, 0)
        return (acc1, acc2)

    zero = jnp.zeros((L,), jnp.float32)
    acc1, acc2 = lax.fori_loop(0, RPW, row_body, (zero, zero))
    a1v[...] = acc1
    a2v[...] = acc2
    pltpu.sync_copy(a1v, out1_hbm.at[wid])
    pltpu.sync_copy(a2v, out2_hbm.at[wid])


@functools.cache
def _sc_dist():
    return functools.partial(
        pl.kernel,
        mesh=plsc.VectorSubcoreMesh(core_axis_name="c", subcore_axis_name="s"),
        compiler_params=pltpu.CompilerParams(needs_layout_passes=False),
        out_type=[jax.ShapeDtypeStruct((NW, L), jnp.float32),
                  jax.ShapeDtypeStruct((NW, L), jnp.float32)],
        scratch_types=[
            pltpu.VMEM((P, B), jnp.float32),
            pltpu.VMEM((RPW * P * D,), jnp.float32),
            pltpu.VMEM((RPW * B,), jnp.float32),
            pltpu.VMEM((D, B), jnp.float32),
            pltpu.VMEM((L,), jnp.float32),
            pltpu.VMEM((L,), jnp.float32),
            pltpu.SMEM((RPW * L,), jnp.int32),
            pltpu.SemaphoreType.DMA,
            pltpu.SemaphoreType.DMA,
        ],
    )(_sc_dist_body)


def _dense_body(cpl_ref, ctf_ref, eppt_ref, tpl_ref, tt_ref, w_ref, l1m_ref,
                part_ref, closs_ref, rn_ref):
    x = cpl_ref[...]
    ct = ctf_ref[...]
    bce = (jnp.maximum(x, 0.0) - x * ct
           + jnp.log(1.0 + jnp.exp(-jnp.abs(x))))
    closs_ref[...] = jnp.mean(bce, axis=0, keepdims=True)
    entropy = jnp.mean(bce)

    def rn_body(d, _):
        xd = eppt_ref[d]
        na = jnp.sqrt(jnp.sum(xd * xd, axis=1, keepdims=True))
        rn_ref[d] = 1.0 / jnp.maximum(na, EPS)
        return 0
    lax.fori_loop(0, D, rn_body, 0)

    def u_body(d, u):
        return u + eppt_ref[d] * rn_ref[d]
    u = lax.fori_loop(0, D, u_body, jnp.zeros((R2, P), jnp.float32))
    accp = jnp.sum(u * u)
    accc = jnp.sum(u[C:, :] * u[:C, :])
    ortho_p = accp / (D * C * 2) - 1.0
    ortho_c = accc / (D * C)

    tl = tpl_ref[...]
    m = jnp.max(tl, axis=1, keepdims=True)
    lse = m + jnp.log(jnp.sum(jnp.exp(tl - m), axis=1, keepdims=True))
    lbl = tt_ref[...]
    onehot = lax.broadcasted_iota(jnp.int32, (B, NC), 1) == lbl
    picked = jnp.sum(jnp.where(onehot, tl, 0.0), axis=1, keepdims=True)
    target_loss = jnp.mean(lse - picked)

    l1 = jnp.sum(jnp.abs(w_ref[...] * l1m_ref[...]))

    li = lax.broadcasted_iota(jnp.int32, (1, 16), 1)
    vals = [target_loss, entropy, l1, ortho_p, ortho_c]
    out = jnp.zeros((1, 16), jnp.float32)
    for i, val in enumerate(vals):
        out = jnp.where(li == i, val, out)
    part_ref[...] = out


def _combine_body(part_ref, acc1_ref, acc2_ref, scal_ref):
    target_loss = part_ref[0, 0]
    entropy = part_ref[0, 1]
    l1 = part_ref[0, 2]
    ortho_p = part_ref[0, 3]
    ortho_c = part_ref[0, 4]
    clst = MAX_DIST - jnp.sum(acc1_ref[...]) / (B * C)
    sep = MAX_DIST - jnp.sum(acc2_ref[...]) / (B * C)
    summed = (COEFS["crs_ent"] * entropy + COEFS["clst"] * clst
              + COEFS["sep"] * sep + COEFS["l1"] * l1
              + COEFS["ortho_p"] * ortho_p + COEFS["ortho_c"] * ortho_c)
    total = target_loss + ALPHA * summed

    li = lax.broadcasted_iota(jnp.int32, (1, 16), 1)
    vals = [target_loss, summed, total, entropy, clst, sep, l1,
            ortho_p, ortho_c]
    out = jnp.zeros((1, 16), jnp.float32)
    for i, val in enumerate(vals):
        out = jnp.where(li == i, val, out)
    scal_ref[...] = out


@jax.jit
def kernel(concepts_pred_logits, concepts_true, min_distances, proto_presence,
           target_pred_logits, target_true, encoder_proto_presence,
           last_layer_weight, l1_mask):
    ctf = concepts_true.astype(jnp.float32)
    eppt = jnp.transpose(encoder_proto_presence, (2, 0, 1))
    w1t = jnp.concatenate([ctf, 1.0 - ctf], axis=1).T.reshape(-1)
    mdt = min_distances.T
    ppf = jnp.transpose(proto_presence, (2, 0, 1)).reshape(-1)
    tt2 = target_true.astype(jnp.int32).reshape(B, 1)

    acc1, acc2 = _sc_dist()(mdt, ppf, w1t)

    part, closs = pl.pallas_call(
        _dense_body,
        out_shape=[
            jax.ShapeDtypeStruct((1, 16), jnp.float32),
            jax.ShapeDtypeStruct((1, C), jnp.float32),
        ],
        scratch_shapes=[pltpu.VMEM((D, R2, 1), jnp.float32)],
    )(concepts_pred_logits, ctf, eppt, target_pred_logits, tt2,
      last_layer_weight, l1_mask)

    scal = pl.pallas_call(
        _combine_body,
        out_shape=jax.ShapeDtypeStruct((1, 16), jnp.float32),
    )(part, acc1, acc2)

    return (scal[0, 0], closs[0], scal[0, 1], scal[0, 2], scal[0, 3],
            scal[0, 4], scal[0, 5], scal[0, 6], scal[0, 7], scal[0, 8])

# --- scband reference (transcript-rebuilt; emitter-appended) ---
"""Pipeline reference for scband-ppool-loss-89335319757026 (READ-ONLY COPY).

The authoritative reference and input builder live on the scoring server;
editing this copy changes nothing except your own understanding.
"""

import jax, jax.numpy as jnp
import numpy as np

B = 128
C = 112
P = 256
D = 10
NC = 200
MAX_DIST = 128.0
ALPHA = 1.0
COEFS = {"crs_ent": 1.0, "clst": 0.8, "sep": -0.08, "l1": 1e-4, "ortho_p": 1.0, "ortho_c": 1.0}
EPS = 1e-8


def _bce_logits(x, z):
    return jnp.maximum(x, 0.0) - x * z + jnp.log1p(jnp.exp(-jnp.abs(x)))


def _ppool_dist_loss(min_d, pp, k):
    bp = jax.lax.stop_gradient(jnp.sum(pp, axis=-1))  # [B, C, P], detached
    _, idx = jax.lax.top_k(bp, k)  # top-k along last dim (dim=2)
    b_, c_, p_ = bp.shape
    bi = jnp.arange(b_)[:, None, None]
    ci = jnp.arange(c_)[None, :, None]
    binar = jnp.zeros_like(bp).at[bi, ci, idx].set(1.0)  # scatter ones at top-k
    inv = jnp.max((MAX_DIST - min_d)[:, None, :] * binar, axis=2)  # [B, C]
    inv = jnp.mean(inv, axis=1)  # [B]
    return jnp.mean(MAX_DIST - inv)


def setup_inputs(seed: int = 0):
    key = jax.random.key(seed)
    ks = jax.random.split(key, 9)
    return {
        "concepts_pred_logits": jax.random.normal(ks[0], (B, C), dtype=jnp.float32),
        "concepts_true": jax.random.randint(ks[1], (B, C), 0, 2, dtype=jnp.int32),
        "min_distances": jax.random.uniform(ks[2], (B, P), dtype=jnp.float32) * 100.0,
        "proto_presence": jax.random.uniform(ks[3], (2 * C, P, D), dtype=jnp.float32),
        "target_pred_logits": jax.random.normal(ks[4], (B, NC), dtype=jnp.float32),
        "target_true": jax.random.randint(ks[5], (B,), 0, NC, dtype=jnp.int32),
        "encoder_proto_presence": jax.random.uniform(ks[6], (2 * C, P, D), dtype=jnp.float32),
        "last_layer_weight": jax.random.normal(ks[7], (NC, C), dtype=jnp.float32),
        "l1_mask": jnp.ones((NC, C), dtype=jnp.float32),
    }


def reference(concepts_pred_logits, concepts_true, min_distances, proto_presence,
              target_pred_logits, target_true, encoder_proto_presence,
              last_layer_weight, l1_mask):
    ct = concepts_true.astype(jnp.float32)
    bce = _bce_logits(concepts_pred_logits, ct)
    concepts_loss = jnp.mean(bce, axis=0)  # per-concept BCE (list in torch -> array [C])
    entropy_loss = jnp.mean(bce)

    # orthogonality losses on the learned proto_presence parameter [2C, P, D]
    pp = encoder_proto_presence
    a = pp[:, :, None, :]   # unsqueeze(2)  -> [2C, P, 1, D]
    b = pp[:, :, :, None]   # unsqueeze(-1) -> [2C, P, D, 1]
    dot = jnp.sum(a * b, axis=1)
    na = jnp.sqrt(jnp.sum(a * a, axis=1))
    nb = jnp.sqrt(jnp.sum(b * b, axis=1))
    cos_p = dot / (jnp.maximum(na, EPS) * jnp.maximum(nb, EPS))
    orthogonal_loss_p = jnp.sum(cos_p) / (D * C * 2) - 1.0

    pos = pp[:C][:, :, None, :]
    neg = pp[C:][:, :, :, None]
    dot_c = jnp.sum(pos * neg, axis=1)
    npos = jnp.sqrt(jnp.sum(pos * pos, axis=1))
    nneg = jnp.sqrt(jnp.sum(neg * neg, axis=1))
    cos_c = dot_c / (jnp.maximum(npos, EPS) * jnp.maximum(nneg, EPS))
    orthogonal_loss_c = jnp.sum(cos_c) / (D * C)

    ar = jnp.arange(C, dtype=jnp.int32)[None, :]
    cti = concepts_true
    idx = cti * ar + (1 - cti) * (ar + C)          # [B, C]
    inv_idx = (1 - cti) * ar + cti * (ar + C)      # [B, C]
    gathered_pp = proto_presence[idx]              # [B, C, P, D] big gather
    gathered_inv_pp = (1.0 - proto_presence)[inv_idx]

    clst_loss_val = _ppool_dist_loss(min_distances, gathered_pp, D)
    sep_loss_val = _ppool_dist_loss(min_distances, gathered_inv_pp, P - D)

    correct = jax.lax.stop_gradient(jnp.sum(gathered_pp, axis=-1))  # [B, C, P]
    wrong = 1.0 - correct
    avg_sep = jnp.sum(min_distances[:, None, :] * wrong, axis=-1) / jnp.sum(wrong, axis=-1)
    avg_sep = jnp.mean(avg_sep)  # computed in torch code but unused in the return

    l1 = jnp.sum(jnp.abs(last_layer_weight * l1_mask))

    summed_concepts_loss = (COEFS["crs_ent"] * entropy_loss
                            + COEFS["clst"] * clst_loss_val
                            + COEFS["sep"] * sep_loss_val
                            + COEFS["l1"] * l1
                            + COEFS["ortho_p"] * orthogonal_loss_p
                            + COEFS["ortho_c"] * orthogonal_loss_c)

    logp = jax.nn.log_softmax(target_pred_logits, axis=-1)
    target_loss = -jnp.mean(jnp.take_along_axis(logp, target_true[:, None].astype(jnp.int32), axis=1))
    total_loss = target_loss + ALPHA * summed_concepts_loss
    return (target_loss, concepts_loss, summed_concepts_loss, total_loss, entropy_loss,
            clst_loss_val, sep_loss_val, l1, orthogonal_loss_p, orthogonal_loss_c)

if __name__ == "__main__":
    import jax
    _d = setup_inputs()
    print(jax.jit(kernel)(*tuple(_d.values())))

</pallas_src>

<mosaic_0001>
#map = affine_map<(d0, d1) -> (0, 0)>
#map1 = affine_map<(d0, d1) -> (0)>
module attributes {stable_mosaic.version = 14 : i64} {
  func.func @_sc_dist_body(%arg0: i32, %arg1: i32, %arg2: memref<256x128xf32, #tpu.memory_space<hbm>>, %arg3: memref<573440xf32, #tpu.memory_space<hbm>>, %arg4: memref<28672xf32, #tpu.memory_space<hbm>>, %arg5: memref<32x16xf32, #tpu.memory_space<hbm>>, %arg6: memref<32x16xf32, #tpu.memory_space<hbm>>, %arg7: memref<256x128xf32, #tpu.memory_space<vmem>>, %arg8: memref<17920xf32, #tpu.memory_space<vmem>>, %arg9: memref<896xf32, #tpu.memory_space<vmem>>, %arg10: memref<10x128xf32, #tpu.memory_space<vmem>>, %arg11: memref<16xf32, #tpu.memory_space<vmem>>, %arg12: memref<16xf32, #tpu.memory_space<vmem>>, %arg13: memref<112xi32, #tpu.memory_space<smem>>, %arg14: memref<!tpu.dma_semaphore, #tpu.memory_space<semaphore_mem>>, %arg15: memref<!tpu.dma_semaphore, #tpu.memory_space<semaphore_mem>>) attributes {dimension_semantics = [#tpu.dimension_semantics<core_parallel>, #tpu.dimension_semantics<subcore_parallel>], iteration_bounds = array<i64: 2, 16>, scalar_prefetch = 0 : i64, scratch_operands = 9 : i64, tpu.core_type = #tpu.core_type<sc_vector_subcore>, window_params = [{transform_indices = #map}, {transform_indices = #map1}, {transform_indices = #map1}, {transform_indices = #map}, {transform_indices = #map}]} {
    %mul3A = arith.constant 2 : i32
    %mul3A_0 = arith.muli %arg1, %mul3A : i32
    %add3A = arith.addi %mul3A_0, %arg0 : i32
    %mul3A_1 = arith.constant 1792 : i32
    %mul3A_2 = arith.muli %add3A, %mul3A_1 : i32
    %add3A_3 = arith.constant 0 : i32
    %add3A_4 = arith.addi %add3A_3, %mul3A_2 : i32
    %dma_start3A = arith.constant 0 : i32
    %dma_start3A_5 = tpu.memref_slice %arg8[%dma_start3A] : memref<17920xf32, #tpu.memory_space<vmem>> -> memref<1792xf32, #tpu.memory_space<vmem>>
    %dma_start3A_6 = tpu.memref_slice %arg3[%add3A_4] : memref<573440xf32, #tpu.memory_space<hbm>> -> memref<1792xf32, #tpu.memory_space<hbm>>
    %dma_start3A_7 = arith.constant 0 : i32
    %dma_start3A_8 = tpu.memref_slice %arg8[%dma_start3A_7] : memref<17920xf32, #tpu.memory_space<vmem>> -> memref<1792xf32, #tpu.memory_space<vmem>>
    %dma_start3A_9 = tpu.memref_slice %arg3[%add3A_4] : memref<573440xf32, #tpu.memory_space<hbm>> -> memref<1792xf32, #tpu.memory_space<hbm>>
    tpu.enqueue_dma source(%dma_start3A_9 : memref<1792xf32, #tpu.memory_space<hbm>>) target(%dma_start3A_8 : memref<1792xf32, #tpu.memory_space<vmem>>) target_semaphore(%arg14 : memref<!tpu.dma_semaphore, #tpu.memory_space<semaphore_mem>>)
    %mul3A_10 = arith.constant 1792 : i32
    %mul3A_11 = arith.muli %add3A, %mul3A_10 : i32
    %add3A_12 = arith.constant 57344 : i32
    %add3A_13 = arith.addi %add3A_12, %mul3A_11 : i32
    %dma_start3A_14 = arith.constant 1792 : i32
    %dma_start3A_15 = tpu.memref_slice %arg8[%dma_start3A_14] : memref<17920xf32, #tpu.memory_space<vmem>> -> memref<1792xf32, #tpu.memory_space<vmem>>
    %dma_start3A_16 = tpu.memref_slice %arg3[%add3A_13] : memref<573440xf32, #tpu.memory_space<hbm>> -> memref<1792xf32, #tpu.memory_space<hbm>>
    %dma_start3A_17 = arith.constant 1792 : i32
    %dma_start3A_18 = tpu.memref_slice %arg8[%dma_start3A_17] : memref<17920xf32, #tpu.memory_space<vmem>> -> memref<1792xf32, #tpu.memory_space<vmem>>
    %dma_start3A_19 = tpu.memref_slice %arg3[%add3A_13] : memref<573440xf32, #tpu.memory_space<hbm>> -> memref<1792xf32, #tpu.memory_space<hbm>>
    tpu.enqueue_dma source(%dma_start3A_19 : memref<1792xf32, #tpu.memory_space<hbm>>) target(%dma_start3A_18 : memref<1792xf32, #tpu.memory_space<vmem>>) target_semaphore(%arg14 : memref<!tpu.dma_semaphore, #tpu.memory_space<semaphore_mem>>)
    %mul3A_20 = arith.constant 1792 : i32
    %mul3A_21 = arith.muli %add3A, %mul3A_20 : i32
    %add3A_22 = arith.constant 114688 : i32
    %add3A_23 = arith.addi %add3A_22, %mul3A_21 : i32
    %dma_start3A_24 = arith.constant 3584 : i32
    %dma_start3A_25 = tpu.memref_slice %arg8[%dma_start3A_24] : memref<17920xf32, #tpu.memory_space<vmem>> -> memref<1792xf32, #tpu.memory_space<vmem>>
    %dma_start3A_26 = tpu.memref_slice %arg3[%add3A_23] : memref<573440xf32, #tpu.memory_space<hbm>> -> memref<1792xf32, #tpu.memory_space<hbm>>
    %dma_start3A_27 = arith.constant 3584 : i32
    %dma_start3A_28 = tpu.memref_slice %arg8[%dma_start3A_27] : memref<17920xf32, #tpu.memory_space<vmem>> -> memref<1792xf32, #tpu.memory_space<vmem>>
    %dma_start3A_29 = tpu.memref_slice %arg3[%add3A_23] : memref<573440xf32, #tpu.memory_space<hbm>> -> memref<1792xf32, #tpu.memory_space<hbm>>
    tpu.enqueue_dma source(%dma_start3A_29 : memref<1792xf32, #tpu.memory_space<hbm>>) target(%dma_start3A_28 : memref<1792xf32, #tpu.memory_space<vmem>>) target_semaphore(%arg14 : memref<!tpu.dma_semaphore, #tpu.memory_space<semaphore_mem>>)
    %mul3A_30 = arith.constant 1792 : i32
    %mul3A_31 = arith.muli %add3A, %mul3A_30 : i32
    %add3A_32 = arith.constant 172032 : i32
    %add3A_33 = arith.addi %add3A_32, %mul3A_31 : i32
    %dma_start3A_34 = arith.constant 5376 : i32
    %dma_start3A_35 = tpu.memref_slice %arg8[%dma_start3A_34] : memref<17920xf32, #tpu.memory_space<vmem>> -> memref<1792xf32, #tpu.memory_space<vmem>>
    %dma_start3A_36 = tpu.memref_slice %arg3[%add3A_33] : memref<573440xf32, #tpu.memory_space<hbm>> -> memref<1792xf32, #tpu.memory_space<hbm>>
    %dma_start3A_37 = arith.constant 5376 : i32
    %dma_start3A_38 = tpu.memref_slice %arg8[%dma_start3A_37] : memref<17920xf32, #tpu.memory_space<vmem>> -> memref<1792xf32, #tpu.memory_space<vmem>>
    %dma_start3A_39 = tpu.memref_slice %arg3[%add3A_33] : memref<573440xf32, #tpu.memory_space<hbm>> -> memref<1792xf32, #tpu.memory_space<hbm>>
    tpu.enqueue_dma source(%dma_start3A_39 : memref<1792xf32, #tpu.memory_space<hbm>>) target(%dma_start3A_38 : memref<1792xf32, #tpu.memory_space<vmem>>) target_semaphore(%arg14 : memref<!tpu.dma_semaphore, #tpu.memory_space<semaphore_mem>>)
    %mul3A_40 = arith.constant 1792 : i32
    %mul3A_41 = arith.muli %add3A, %mul3A_40 : i32
    %add3A_42 = arith.constant 229376 : i32
    %add3A_43 = arith.addi %add3A_42, %mul3A_41 : i32
    %dma_start3A_44 = arith.constant 7168 : i32
    %dma_start3A_45 = tpu.memref_slice %arg8[%dma_start3A_44] : memref<17920xf32, #tpu.memory_space<vmem>> -> memref<1792xf32, #tpu.memory_space<vmem>>
    %dma_start3A_46 = tpu.memref_slice %arg3[%add3A_43] : memref<573440xf32, #tpu.memory_space<hbm>> -> memref<1792xf32, #tpu.memory_space<hbm>>
    %dma_start3A_47 = arith.constant 7168 : i32
    %dma_start3A_48 = tpu.memref_slice %arg8[%dma_start3A_47] : memref<17920xf32, #tpu.memory_space<vmem>> -> memref<1792xf32, #tpu.memory_space<vmem>>
    %dma_start3A_49 = tpu.memref_slice %arg3[%add3A_43] : memref<573440xf32, #tpu.memory_space<hbm>> -> memref<1792xf32, #tpu.memory_space<hbm>>
    tpu.enqueue_dma source(%dma_start3A_49 : memref<1792xf32, #tpu.memory_space<hbm>>) target(%dma_start3A_48 : memref<1792xf32, #tpu.memory_space<vmem>>) target_semaphore(%arg14 : memref<!tpu.dma_semaphore, #tpu.memory_space<semaphore_mem>>)
    %mul3A_50 = arith.constant 1792 : i32
    %mul3A_51 = arith.muli %add3A, %mul3A_50 : i32
    %add3A_52 = arith.constant 286720 : i32
    %add3A_53 = arith.addi %add3A_52, %mul3A_51 : i32
    %dma_start3A_54 = arith.constant 8960 : i32
    %dma_start3A_55 = tpu.memref_slice %arg8[%dma_start3A_54] : memref<17920xf32, #tpu.memory_space<vmem>> -> memref<1792xf32, #tpu.memory_space<vmem>>
    %dma_start3A_56 = tpu.memref_slice %arg3[%add3A_53] : memref<573440xf32, #tpu.memory_space<hbm>> -> memref<1792xf32, #tpu.memory_space<hbm>>
    %dma_start3A_57 = arith.constant 8960 : i32
    %dma_start3A_58 = tpu.memref_slice %arg8[%dma_start3A_57] : memref<17920xf32, #tpu.memory_space<vmem>> -> memref<1792xf32, #tpu.memory_space<vmem>>
    %dma_start3A_59 = tpu.memref_slice %arg3[%add3A_53] : memref<573440xf32, #tpu.memory_space<hbm>> -> memref<1792xf32, #tpu.memory_space<hbm>>
    tpu.enqueue_dma source(%dma_start3A_59 : memref<1792xf32, #tpu.memory_space<hbm>>) target(%dma_start3A_58 : memref<1792xf32, #tpu.memory_space<vmem>>) target_semaphore(%arg14 : memref<!tpu.dma_semaphore, #tpu.memory_space<semaphore_mem>>)
    %mul3A_60 = arith.constant 1792 : i32
    %mul3A_61 = arith.muli %add3A, %mul3A_60 : i32
    %add3A_62 = arith.constant 344064 : i32
    %add3A_63 = arith.addi %add3A_62, %mul3A_61 : i32
    %dma_start3A_64 = arith.constant 10752 : i32
    %dma_start3A_65 = tpu.memref_slice %arg8[%dma_start3A_64] : memref<17920xf32, #tpu.memory_space<vmem>> -> memref<1792xf32, #tpu.memory_space<vmem>>
    %dma_start3A_66 = tpu.memref_slice %arg3[%add3A_63] : memref<573440xf32, #tpu.memory_space<hbm>> -> memref<1792xf32, #tpu.memory_space<hbm>>
    %dma_start3A_67 = arith.constant 10752 : i32
    %dma_start3A_68 = tpu.memref_slice %arg8[%dma_start3A_67] : memref<17920xf32, #tpu.memory_space<vmem>> -> memref<1792xf32, #tpu.memory_space<vmem>>
    %dma_start3A_69 = tpu.memref_slice %arg3[%add3A_63] : memref<573440xf32, #tpu.memory_space<hbm>> -> memref<1792xf32, #tpu.memory_space<hbm>>
    tpu.enqueue_dma source(%dma_start3A_69 : memref<1792xf32, #tpu.memory_space<hbm>>) target(%dma_start3A_68 : memref<1792xf32, #tpu.memory_space<vmem>>) target_semaphore(%arg14 : memref<!tpu.dma_semaphore, #tpu.memory_space<semaphore_mem>>)
    %mul3A_70 = arith.constant 1792 : i32
    %mul3A_71 = arith.muli %add3A, %mul3A_70 : i32
    %add3A_72 = arith.constant 401408 : i32
    %add3A_73 = arith.addi %add3A_72, %mul3A_71 : i32
    %dma_start3A_74 = arith.constant 12544 : i32
    %dma_start3A_75 = tpu.memref_slice %arg8[%dma_start3A_74] : memref<17920xf32, #tpu.memory_space<vmem>> -> memref<1792xf32, #tpu.memory_space<vmem>>
    %dma_start3A_76 = tpu.memref_slice %arg3[%add3A_73] : memref<573440xf32, #tpu.memory_space<hbm>> -> memref<1792xf32, #tpu.memory_space<hbm>>
    %dma_start3A_77 = arith.constant 12544 : i32
    %dma_start3A_78 = tpu.memref_slice %arg8[%dma_start3A_77] : memref<17920xf32, #tpu.memory_space<vmem>> -> memref<1792xf32, #tpu.memory_space<vmem>>
    %dma_start3A_79 = tpu.memref_slice %arg3[%add3A_73] : memref<573440xf32, #tpu.memory_space<hbm>> -> memref<1792xf32, #tpu.memory_space<hbm>>
    tpu.enqueue_dma source(%dma_start3A_79 : memref<1792xf32, #tpu.memory_space<hbm>>) target(%dma_start3A_78 : memref<1792xf32, #tpu.memory_space<vmem>>) target_semaphore(%arg14 : memref<!tpu.dma_semaphore, #tpu.memory_space<semaphore_mem>>)
    %mul3A_80 = arith.constant 1792 : i32
    %mul3A_81 = arith.muli %add3A, %mul3A_80 : i32
    %add3A_82 = arith.constant 458752 : i32
    %add3A_83 = arith.addi %add3A_82, %mul3A_81 : i32
    %dma_start3A_84 = arith.constant 14336 : i32
    %dma_start3A_85 = tpu.memref_slice %arg8[%dma_start3A_84] : memref<17920xf32, #tpu.memory_space<vmem>> -> memref<1792xf32, #tpu.memory_space<vmem>>
    %dma_start3A_86 = tpu.memref_slice %arg3[%add3A_83] : memref<573440xf32, #tpu.memory_space<hbm>> -> memref<1792xf32, #tpu.memory_space<hbm>>
    %dma_start3A_87 = arith.constant 14336 : i32
    %dma_start3A_88 = tpu.memref_slice %arg8[%dma_start3A_87] : memref<17920xf32, #tpu.memory_space<vmem>> -> memref<1792xf32, #tpu.memory_space<vmem>>
    %dma_start3A_89 = tpu.memref_slice %arg3[%add3A_83] : memref<573440xf32, #tpu.memory_space<hbm>> -> memref<1792xf32, #tpu.memory_space<hbm>>
    tpu.enqueue_dma source(%dma_start3A_89 : memref<1792xf32, #tpu.memory_space<hbm>>) target(%dma_start3A_88 : memref<1792xf32, #tpu.memory_space<vmem>>) target_semaphore(%arg14 : memref<!tpu.dma_semaphore, #tpu.memory_space<semaphore_mem>>)
    %mul3A_90 = arith.constant 1792 : i32
    %mul3A_91 = arith.muli %add3A, %mul3A_90 : i32
    %add3A_92 = arith.constant 516096 : i32
    %add3A_93 = arith.addi %add3A_92, %mul3A_91 : i32
    %dma_start3A_94 = arith.constant 16128 : i32
    %dma_start3A_95 = tpu.memref_slice %arg8[%dma_start3A_94] : memref<17920xf32, #tpu.memory_space<vmem>> -> memref<1792xf32, #tpu.memory_space<vmem>>
    %dma_start3A_96 = tpu.memref_slice %arg3[%add3A_93] : memref<573440xf32, #tpu.memory_space<hbm>> -> memref<1792xf32, #tpu.memory_space<hbm>>
    %dma_start3A_97 = arith.constant 16128 : i32
    %dma_start3A_98 = tpu.memref_slice %arg8[%dma_start3A_97] : memref<17920xf32, #tpu.memory_space<vmem>> -> memref<1792xf32, #tpu.memory_space<vmem>>
    %dma_start3A_99 = tpu.memref_slice %arg3[%add3A_93] : memref<573440xf32, #tpu.memory_space<hbm>> -> memref<1792xf32, #tpu.memory_space<hbm>>
    tpu.enqueue_dma source(%dma_start3A_99 : memref<1792xf32, #tpu.memory_space<hbm>>) target(%dma_start3A_98 : memref<1792xf32, #tpu.memory_space<vmem>>) target_semaphore(%arg14 : memref<!tpu.dma_semaphore, #tpu.memory_space<semaphore_mem>>)
    %mul3A_100 = arith.constant 7 : i32
    %mul3A_101 = arith.muli %add3A, %mul3A_100 : i32
    %mul3A_102 = arith.constant 128 : i32
    %mul3A_103 = arith.muli %mul3A_101, %mul3A_102 : i32
    %dma_start3A_104 = tpu.memref_slice %arg4[%mul3A_103] : memref<28672xf32, #tpu.memory_space<hbm>> -> memref<896xf32, #tpu.memory_space<hbm>>
    %dma_start3A_105 = tpu.memref_slice %arg4[%mul3A_103] : memref<28672xf32, #tpu.memory_space<hbm>> -> memref<896xf32, #tpu.memory_space<hbm>>
    tpu.enqueue_dma source(%dma_start3A_105 : memref<896xf32, #tpu.memory_space<hbm>>) target(%arg9 : memref<896xf32, #tpu.memory_space<vmem>>) target_semaphore(%arg14 : memref<!tpu.dma_semaphore, #tpu.memory_space<semaphore_mem>>)
    tpu.enqueue_dma source(%arg2 : memref<256x128xf32, #tpu.memory_space<hbm>>) target(%arg7 : memref<256x128xf32, #tpu.memory_space<vmem>>) target_semaphore(%arg15 : memref<!tpu.dma_semaphore, #tpu.memory_space<semaphore_mem>>)
    %dma_wait3A = arith.constant 0 : i32
    %dma_wait3A_106 = tpu.memref_slice %arg8[%dma_wait3A] : memref<17920xf32, #tpu.memory_space<vmem>> -> memref<1792xf32, #tpu.memory_space<vmem>>
    %dma_wait3A_107 = tpu.memref_slice %arg3[%add3A_4] : memref<573440xf32, #tpu.memory_space<hbm>> -> memref<1792xf32, #tpu.memory_space<hbm>>
    %dma_wait3A_108 = arith.constant 0 : i32
    %dma_wait3A_109 = tpu.memref_slice %arg8[%dma_wait3A_108] : memref<17920xf32, #tpu.memory_space<vmem>> -> memref<1792xf32, #tpu.memory_space<vmem>>
    %dma_wait3A_110 = tpu.memref_slice %arg3[%add3A_4] : memref<573440xf32, #tpu.memory_space<hbm>> -> memref<1792xf32, #tpu.memory_space<hbm>>
    tpu.wait_dma2 semaphore(%arg14 : memref<!tpu.dma_semaphore, #tpu.memory_space<semaphore_mem>>) src(%dma_wait3A_110 : memref<1792xf32, #tpu.memory_space<hbm>>) dst(%dma_wait3A_109 : memref<1792xf32, #tpu.memory_space<vmem>>)
    %dma_wait3A_111 = arith.constant 1792 : i32
    %dma_wait3A_112 = tpu.memref_slice %arg8[%dma_wait3A_111] : memref<17920xf32, #tpu.memory_space<vmem>> -> memref<1792xf32, #tpu.memory_space<vmem>>
    %dma_wait3A_113 = tpu.memref_slice %arg3[%add3A_13] : memref<573440xf32, #tpu.memory_space<hbm>> -> memref<1792xf32, #tpu.memory_space<hbm>>
    %dma_wait3A_114 = arith.constant 1792 : i32
    %dma_wait3A_115 = tpu.memref_slice %arg8[%dma_wait3A_114] : memref<17920xf32, #tpu.memory_space<vmem>> -> memref<1792xf32, #tpu.memory_space<vmem>>
    %dma_wait3A_116 = tpu.memref_slice %arg3[%add3A_13] : memref<573440xf32, #tpu.memory_space<hbm>> -> memref<1792xf32, #tpu.memory_space<hbm>>
    tpu.wait_dma2 semaphore(%arg14 : memref<!tpu.dma_semaphore, #tpu.memory_space<semaphore_mem>>) src(%dma_wait3A_116 : memref<1792xf32, #tpu.memory_space<hbm>>) dst(%dma_wait3A_115 : memref<1792xf32, #tpu.memory_space<vmem>>)
    %dma_wait3A_117 = arith.constant 3584 : i32
    %dma_wait3A_118 = tpu.memref_slice %arg8[%dma_wait3A_117] : memref<17920xf32, #tpu.memory_space<vmem>> -> memref<1792xf32, #tpu.memory_space<vmem>>
    %dma_wait3A_119 = tpu.memref_slice %arg3[%add3A_23] : memref<573440xf32, #tpu.memory_space<hbm>> -> memref<1792xf32, #tpu.memory_space<hbm>>
    %dma_wait3A_120 = arith.constant 3584 : i32
    %dma_wait3A_121 = tpu.memref_slice %arg8[%dma_wait3A_120] : memref<17920xf32, #tpu.memory_space<vmem>> -> memref<1792xf32, #tpu.memory_space<vmem>>
    %dma_wait3A_122 = tpu.memref_slice %arg3[%add3A_23] : memref<573440xf32, #tpu.memory_space<hbm>> -> memref<1792xf32, #tpu.memory_space<hbm>>
    tpu.wait_dma2 semaphore(%arg14 : memref<!tpu.dma_semaphore, #tpu.memory_space<semaphore_mem>>) src(%dma_wait3A_122 : memref<1792xf32, #tpu.memory_space<hbm>>) dst(%dma_wait3A_121 : memref<1792xf32, #tpu.memory_space<vmem>>)
    %dma_wait3A_123 = arith.constant 5376 : i32
    %dma_wait3A_124 = tpu.memref_slice %arg8[%dma_wait3A_123] : memref<17920xf32, #tpu.memory_space<vmem>> -> memref<1792xf32, #tpu.memory_space<vmem>>
    %dma_wait3A_125 = tpu.memref_slice %arg3[%add3A_33] : memref<573440xf32, #tpu.memory_space<hbm>> -> memref<1792xf32, #tpu.memory_space<hbm>>
    %dma_wait3A_126 = arith.constant 5376 : i32
    %dma_wait3A_127 = tpu.memref_slice %arg8[%dma_wait3A_126] : memref<17920xf32, #tpu.memory_space<vmem>> -> memref<1792xf32, #tpu.memory_space<vmem>>
    %dma_wait3A_128 = tpu.memref_slice %arg3[%add3A_33] : memref<573440xf32, #tpu.memory_space<hbm>> -> memref<1792xf32, #tpu.memory_space<hbm>>
    tpu.wait_dma2 semaphore(%arg14 : memref<!tpu.dma_semaphore, #tpu.memory_space<semaphore_mem>>) src(%dma_wait3A_128 : memref<1792xf32, #tpu.memory_space<hbm>>) dst(%dma_wait3A_127 : memref<1792xf32, #tpu.memory_space<vmem>>)
    %dma_wait3A_129 = arith.constant 7168 : i32
    %dma_wait3A_130 = tpu.memref_slice %arg8[%dma_wait3A_129] : memref<17920xf32, #tpu.memory_space<vmem>> -> memref<1792xf32, #tpu.memory_space<vmem>>
    %dma_wait3A_131 = tpu.memref_slice %arg3[%add3A_43] : memref<573440xf32, #tpu.memory_space<hbm>> -> memref<1792xf32, #tpu.memory_space<hbm>>
    %dma_wait3A_132 = arith.constant 7168 : i32
    %dma_wait3A_133 = tpu.memref_slice %arg8[%dma_wait3A_132] : memref<17920xf32, #tpu.memory_space<vmem>> -> memref<1792xf32, #tpu.memory_space<vmem>>
    %dma_wait3A_134 = tpu.memref_slice %arg3[%add3A_43] : memref<573440xf32, #tpu.memory_space<hbm>> -> memref<1792xf32, #tpu.memory_space<hbm>>
    tpu.wait_dma2 semaphore(%arg14 : memref<!tpu.dma_semaphore, #tpu.memory_space<semaphore_mem>>) src(%dma_wait3A_134 : memref<1792xf32, #tpu.memory_space<hbm>>) dst(%dma_wait3A_133 : memref<1792xf32, #tpu.memory_space<vmem>>)
    %dma_wait3A_135 = arith.constant 8960 : i32
    %dma_wait3A_136 = tpu.memref_slice %arg8[%dma_wait3A_135] : memref<17920xf32, #tpu.memory_space<vmem>> -> memref<1792xf32, #tpu.memory_space<vmem>>
    %dma_wait3A_137 = tpu.memref_slice %arg3[%add3A_53] : memref<573440xf32, #tpu.memory_space<hbm>> -> memref<1792xf32, #tpu.memory_space<hbm>>
    %dma_wait3A_138 = arith.constant 8960 : i32
    %dma_wait3A_139 = tpu.memref_slice %arg8[%dma_wait3A_138] : memref<17920xf32, #tpu.memory_space<vmem>> -> memref<1792xf32, #tpu.memory_space<vmem>>
    %dma_wait3A_140 = tpu.memref_slice %arg3[%add3A_53] : memref<573440xf32, #tpu.memory_space<hbm>> -> memref<1792xf32, #tpu.memory_space<hbm>>
    tpu.wait_dma2 semaphore(%arg14 : memref<!tpu.dma_semaphore, #tpu.memory_space<semaphore_mem>>) src(%dma_wait3A_140 : memref<1792xf32, #tpu.memory_space<hbm>>) dst(%dma_wait3A_139 : memref<1792xf32, #tpu.memory_space<vmem>>)
    %dma_wait3A_141 = arith.constant 10752 : i32
    %dma_wait3A_142 = tpu.memref_slice %arg8[%dma_wait3A_141] : memref<17920xf32, #tpu.memory_space<vmem>> -> memref<1792xf32, #tpu.memory_space<vmem>>
    %dma_wait3A_143 = tpu.memref_slice %arg3[%add3A_63] : memref<573440xf32, #tpu.memory_space<hbm>> -> memref<1792xf32, #tpu.memory_space<hbm>>
    %dma_wait3A_144 = arith.constant 10752 : i32
    %dma_wait3A_145 = tpu.memref_slice %arg8[%dma_wait3A_144] : memref<17920xf32, #tpu.memory_space<vmem>> -> memref<1792xf32, #tpu.memory_space<vmem>>
    %dma_wait3A_146 = tpu.memref_slice %arg3[%add3A_63] : memref<573440xf32, #tpu.memory_space<hbm>> -> memref<1792xf32, #tpu.memory_space<hbm>>
    tpu.wait_dma2 semaphore(%arg14 : memref<!tpu.dma_semaphore, #tpu.memory_space<semaphore_mem>>) src(%dma_wait3A_146 : memref<1792xf32, #tpu.memory_space<hbm>>) dst(%dma_wait3A_145 : memref<1792xf32, #tpu.memory_space<vmem>>)
    %dma_wait3A_147 = arith.constant 12544 : i32
    %dma_wait3A_148 = tpu.memref_slice %arg8[%dma_wait3A_147] : memref<17920xf32, #tpu.memory_space<vmem>> -> memref<1792xf32, #tpu.memory_space<vmem>>
    %dma_wait3A_149 = tpu.memref_slice %arg3[%add3A_73] : memref<573440xf32, #tpu.memory_space<hbm>> -> memref<1792xf32, #tpu.memory_space<hbm>>
    %dma_wait3A_150 = arith.constant 12544 : i32
    %dma_wait3A_151 = tpu.memref_slice %arg8[%dma_wait3A_150] : memref<17920xf32, #tpu.memory_space<vmem>> -> memref<1792xf32, #tpu.memory_space<vmem>>
    %dma_wait3A_152 = tpu.memref_slice %arg3[%add3A_73] : memref<573440xf32, #tpu.memory_space<hbm>> -> memref<1792xf32, #tpu.memory_space<hbm>>
    tpu.wait_dma2 semaphore(%arg14 : memref<!tpu.dma_semaphore, #tpu.memory_space<semaphore_mem>>) src(%dma_wait3A_152 : memref<1792xf32, #tpu.memory_space<hbm>>) dst(%dma_wait3A_151 : memref<1792xf32, #tpu.memory_space<vmem>>)
    %dma_wait3A_153 = arith.constant 14336 : i32
    %dma_wait3A_154 = tpu.memref_slice %arg8[%dma_wait3A_153] : memref<17920xf32, #tpu.memory_space<vmem>> -> memref<1792xf32, #tpu.memory_space<vmem>>
    %dma_wait3A_155 = tpu.memref_slice %arg3[%add3A_83] : memref<573440xf32, #tpu.memory_space<hbm>> -> memref<1792xf32, #tpu.memory_space<hbm>>
    %dma_wait3A_156 = arith.constant 14336 : i32
    %dma_wait3A_157 = tpu.memref_slice %arg8[%dma_wait3A_156] : memref<17920xf32, #tpu.memory_space<vmem>> -> memref<1792xf32, #tpu.memory_space<vmem>>
    %dma_wait3A_158 = tpu.memref_slice %arg3[%add3A_83] : memref<573440xf32, #tpu.memory_space<hbm>> -> memref<1792xf32, #tpu.memory_space<hbm>>
    tpu.wait_dma2 semaphore(%arg14 : memref<!tpu.dma_semaphore, #tpu.memory_space<semaphore_mem>>) src(%dma_wait3A_158 : memref<1792xf32, #tpu.memory_space<hbm>>) dst(%dma_wait3A_157 : memref<1792xf32, #tpu.memory_space<vmem>>)
    %dma_wait3A_159 = arith.constant 16128 : i32
    %dma_wait3A_160 = tpu.memref_slice %arg8[%dma_wait3A_159] : memref<17920xf32, #tpu.memory_space<vmem>> -> memref<1792xf32, #tpu.memory_space<vmem>>
    %dma_wait3A_161 = tpu.memref_slice %arg3[%add3A_93] : memref<573440xf32, #tpu.memory_space<hbm>> -> memref<1792xf32, #tpu.memory_space<hbm>>
    %dma_wait3A_162 = arith.constant 16128 : i32
    %dma_wait3A_163 = tpu.memref_slice %arg8[%dma_wait3A_162] : memref<17920xf32, #tpu.memory_space<vmem>> -> memref<1792xf32, #tpu.memory_space<vmem>>
    %dma_wait3A_164 = tpu.memref_slice %arg3[%add3A_93] : memref<573440xf32, #tpu.memory_space<hbm>> -> memref<1792xf32, #tpu.memory_space<hbm>>
    tpu.wait_dma2 semaphore(%arg14 : memref<!tpu.dma_semaphore, #tpu.memory_space<semaphore_mem>>) src(%dma_wait3A_164 : memref<1792xf32, #tpu.memory_space<hbm>>) dst(%dma_wait3A_163 : memref<1792xf32, #tpu.memory_space<vmem>>)
    %dma_wait3A_165 = tpu.memref_slice %arg4[%mul3A_103] : memref<28672xf32, #tpu.memory_space<hbm>> -> memref<896xf32, #tpu.memory_space<hbm>>
    %dma_wait3A_166 = tpu.memref_slice %arg4[%mul3A_103] : memref<28672xf32, #tpu.memory_space<hbm>> -> memref<896xf32, #tpu.memory_space<hbm>>
    tpu.wait_dma2 semaphore(%arg14 : memref<!tpu.dma_semaphore, #tpu.memory_space<semaphore_mem>>) src(%dma_wait3A_166 : memref<896xf32, #tpu.memory_space<hbm>>) dst(%arg9 : memref<896xf32, #tpu.memory_space<vmem>>)
    %iota3A = tpu.iota {dimensions = array<i32: 0>} : vector<16xi32>
    %scan3A = arith.constant 0 : i32
    %scan3A_167 = arith.constant 0 : i32
    %scan3A_168 = arith.constant 7 : i32
    %scan3A_169 = arith.addi %scan3A_167, %scan3A_168 : i32
    %scan3A_170 = arith.constant 1 : i32
    %scan3A_171 = scf.for %scan3A_183 = %scan3A_167 to %scan3A_169 step %scan3A_170 iter_args(%scan3A_184 = %scan3A) -> (i32)  : i32 {
      %mul3A_185 = arith.constant 256 : i32
      %mul3A_186 = arith.muli %scan3A_183, %mul3A_185 : i32
      %add3A_187 = arith.constant 0 : i32
      %add3A_188 = arith.addi %mul3A_186, %add3A_187 : i32
      %get3A = arith.index_cast %add3A_188 : i32 to index
      %get3A_189 = tpu.vector_load %arg8[%get3A] {strides = array<i32>} : memref<17920xf32, #tpu.memory_space<vmem>>, vector<16xf32>,
      %add3A_190 = arith.constant 1792 : i32
      %add3A_191 = arith.addi %add3A_190, %add3A_188 : i32
      %get3A_192 = arith.index_cast %add3A_191 : i32 to index
      %get3A_193 = tpu.vector_load %arg8[%get3A_192] {strides = array<i32>} : memref<17920xf32, #tpu.memory_space<vmem>>, vector<16xf32>,
      %add3A_194 = arith.addf %get3A_189, %get3A_193 : vector<16xf32>
      %add3A_195 = arith.constant 3584 : i32
      %add3A_196 = arith.addi %add3A_195, %add3A_188 : i32
      %get3A_197 = arith.index_cast %add3A_196 : i32 to index
      %get3A_198 = tpu.vector_load %arg8[%get3A_197] {strides = array<i32>} : memref<17920xf32, #tpu.memory_space<vmem>>, vector<16xf32>,
      %add3A_199 = arith.addf %add3A_194, %get3A_198 : vector<16xf32>
      %add3A_200 = arith.constant 5376 : i32
      %add3A_201 = arith.addi %add3A_200, %add3A_188 : i32
      %get3A_202 = arith.index_cast %add3A_201 : i32 to index
      %get3A_203 = tpu.vector_load %arg8[%get3A_202] {strides = array<i32>} : memref<17920xf32, #tpu.memory_space<vmem>>, vector<16xf32>,
      %add3A_204 = arith.addf %add3A_199, %get3A_203 : vector<16xf32>
      %add3A_205 = arith.constant 7168 : i32
      %add3A_206 = arith.addi %add3A_205, %add3A_188 : i32
      %get3A_207 = arith.index_cast %add3A_206 : i32 to index
      %get3A_208 = tpu.vector_load %arg8[%get3A_207] {strides = array<i32>} : memref<17920xf32, #tpu.memory_space<vmem>>, vector<16xf32>,
      %add3A_209 = arith.addf %add3A_204, %get3A_208 : vector<16xf32>
      %add3A_210 = arith.constant 8960 : i32
      %add3A_211 = arith.addi %add3A_210, %add3A_188 : i32
      %get3A_212 = arith.index_cast %add3A_211 : i32 to index
      %get3A_213 = tpu.vector_load %arg8[%get3A_212] {strides = array<i32>} : memref<17920xf32, #tpu.memory_space<vmem>>, vector<16xf32>,
      %add3A_214 = arith.addf %add3A_209, %get3A_213 : vector<16xf32>
      %add3A_215 = arith.constant 10752 : i32
      %add3A_216 = arith.addi %add3A_215, %add3A_188 : i32
      %get3A_217 = arith.index_cast %add3A_216 : i32 to index
      %get3A_218 = tpu.vector_load %arg8[%get3A_217] {strides = array<i32>} : memref<17920xf32, #tpu.memory_space<vmem>>, vector<16xf32>,
      %add3A_219 = arith.addf %add3A_214, %get3A_218 : vector<16xf32>
      %add3A_220 = arith.constant 12544 : i32
      %add3A_221 = arith.addi %add3A_220, %add3A_188 : i32
      %get3A_222 = arith.index_cast %add3A_221 : i32 to index
      %get3A_223 = tpu.vector_load %arg8[%get3A_222] {strides = array<i32>} : memref<17920xf32, #tpu.memory_space<vmem>>, vector<16xf32>,
      %add3A_224 = arith.addf %add3A_219, %get3A_223 : vector<16xf32>
      %add3A_225 = arith.constant 14336 : i32
      %add3A_226 = arith.addi %add3A_225, %add3A_188 : i32
      %get3A_227 = arith.index_cast %add3A_226 : i32 to index
      %get3A_228 = tpu.vector_load %arg8[%get3A_227] {strides = array<i32>} : memref<17920xf32, #tpu.memory_space<vmem>>, vector<16xf32>,
      %add3A_229 = arith.addf %add3A_224, %get3A_228 : vector<16xf32>
      %add3A_230 = arith.constant 16128 : i32
      %add3A_231 = arith.addi %add3A_230, %add3A_188 : i32
      %get3A_232 = arith.index_cast %add3A_231 : i32 to index
      %get3A_233 = tpu.vector_load %arg8[%get3A_232] {strides = array<i32>} : memref<17920xf32, #tpu.memory_space<vmem>>, vector<16xf32>,
      %add3A_234 = arith.addf %add3A_229, %get3A_233 : vector<16xf32>
      %add3A_235 = arith.constant 16 : i32
      %add3A_236 = arith.addi %mul3A_186, %add3A_235 : i32
      %get3A_237 = arith.index_cast %add3A_236 : i32 to index
      %get3A_238 = tpu.vector_load %arg8[%get3A_237] {strides = array<i32>} : memref<17920xf32, #tpu.memory_space<vmem>>, vector<16xf32>,
      %add3A_239 = arith.constant 1792 : i32
      %add3A_240 = arith.addi %add3A_239, %add3A_236 : i32
      %get3A_241 = arith.index_cast %add3A_240 : i32 to index
      %get3A_242 = tpu.vector_load %arg8[%get3A_241] {strides = array<i32>} : memref<17920xf32, #tpu.memory_space<vmem>>, vector<16xf32>,
      %add3A_243 = arith.addf %get3A_238, %get3A_242 : vector<16xf32>
      %add3A_244 = arith.constant 3584 : i32
      %add3A_245 = arith.addi %add3A_244, %add3A_236 : i32
      %get3A_246 = arith.index_cast %add3A_245 : i32 to index
      %get3A_247 = tpu.vector_load %arg8[%get3A_246] {strides = array<i32>} : memref<17920xf32, #tpu.memory_space<vmem>>, vector<16xf32>,
      %add3A_248 = arith.addf %add3A_243, %get3A_247 : vector<16xf32>
      %add3A_249 = arith.constant 5376 : i32
      %add3A_250 = arith.addi %add3A_249, %add3A_236 : i32
      %get3A_251 = arith.index_cast %add3A_250 : i32 to index
      %get3A_252 = tpu.vector_load %arg8[%get3A_251] {strides = array<i32>} : memref<17920xf32, #tpu.memory_space<vmem>>, vector<16xf32>,
      %add3A_253 = arith.addf %add3A_248, %get3A_252 : vector<16xf32>
      %add3A_254 = arith.constant 7168 : i32
      %add3A_255 = arith.addi %add3A_254, %add3A_236 : i32
      %get3A_256 = arith.index_cast %add3A_255 : i32 to index
      %get3A_257 = tpu.vector_load %arg8[%get3A_256] {strides = array<i32>} : memref<17920xf32, #tpu.memory_space<vmem>>, vector<16xf32>,
      %add3A_258 = arith.addf %add3A_253, %get3A_257 : vector<16xf32>
      %add3A_259 = arith.constant 8960 : i32
      %add3A_260 = arith.addi %add3A_259, %add3A_236 : i32
      %get3A_261 = arith.index_cast %add3A_260 : i32 to index
      %get3A_262 = tpu.vector_load %arg8[%get3A_261] {strides = array<i32>} : memref<17920xf32, #tpu.memory_space<vmem>>, vector<16xf32>,
      %add3A_263 = arith.addf %add3A_258, %get3A_262 : vector<16xf32>
      %add3A_264 = arith.constant 10752 : i32
      %add3A_265 = arith.addi %add3A_264, %add3A_236 : i32
      %get3A_266 = arith.index_cast %add3A_265 : i32 to index
      %get3A_267 = tpu.vector_load %arg8[%get3A_266] {strides = array<i32>} : memref<17920xf32, #tpu.memory_space<vmem>>, vector<16xf32>,
      %add3A_268 = arith.addf %add3A_263, %get3A_267 : vector<16xf32>
      %add3A_269 = arith.constant 12544 : i32
      %add3A_270 = arith.addi %add3A_269, %add3A_236 : i32
      %get3A_271 = arith.index_cast %add3A_270 : i32 to index
      %get3A_272 = tpu.vector_load %arg8[%get3A_271] {strides = array<i32>} : memref<17920xf32, #tpu.memory_space<vmem>>, vector<16xf32>,
      %add3A_273 = arith.addf %add3A_268, %get3A_272 : vector<16xf32>
      %add3A_274 = arith.constant 14336 : i32
      %add3A_275 = arith.addi %add3A_274, %add3A_236 : i32
      %get3A_276 = arith.index_cast %add3A_275 : i32 to index
      %get3A_277 = tpu.vector_load %arg8[%get3A_276] {strides = array<i32>} : memref<17920xf32, #tpu.memory_space<vmem>>, vector<16xf32>,
      %add3A_278 = arith.addf %add3A_273, %get3A_277 : vector<16xf32>
      %add3A_279 = arith.constant 16128 : i32
      %add3A_280 = arith.addi %add3A_279, %add3A_236 : i32
      %get3A_281 = arith.index_cast %add3A_280 : i32 to index
      %get3A_282 = tpu.vector_load %arg8[%get3A_281] {strides = array<i32>} : memref<17920xf32, #tpu.memory_space<vmem>>, vector<16xf32>,
      %add3A_283 = arith.addf %add3A_278, %get3A_282 : vector<16xf32>
      %add3A_284 = arith.constant 32 : i32
      %add3A_285 = arith.addi %mul3A_186, %add3A_284 : i32
      %get3A_286 = arith.index_cast %add3A_285 : i32 to index
      %get3A_287 = tpu.vector_load %arg8[%get3A_286] {strides = array<i32>} : memref<17920xf32, #tpu.memory_space<vmem>>, vector<16xf32>,
      %add3A_288 = arith.constant 1792 : i32
      %add3A_289 = arith.addi %add3A_288, %add3A_285 : i32
      %get3A_290 = arith.index_cast %add3A_289 : i32 to index
      %get3A_291 = tpu.vector_load %arg8[%get3A_290] {strides = array<i32>} : memref<17920xf32, #tpu.memory_space<vmem>>, vector<16xf32>,
      %add3A_292 = arith.addf %get3A_287, %get3A_291 : vector<16xf32>
      %add3A_293 = arith.constant 3584 : i32
      %add3A_294 = arith.addi %add3A_293, %add3A_285 : i32
      %get3A_295 = arith.index_cast %add3A_294 : i32 to index
      %get3A_296 = tpu.vector_load %arg8[%get3A_295] {strides = array<i32>} : memref<17920xf32, #tpu.memory_space<vmem>>, vector<16xf32>,
      %add3A_297 = arith.addf %add3A_292, %get3A_296 : vector<16xf32>
      %add3A_298 = arith.constant 5376 : i32
      %add3A_299 = arith.addi %add3A_298, %add3A_285 : i32
      %get3A_300 = arith.index_cast %add3A_299 : i32 to index
      %get3A_301 = tpu.vector_load %arg8[%get3A_300] {strides = array<i32>} : memref<17920xf32, #tpu.memory_space<vmem>>, vector<16xf32>,
      %add3A_302 = arith.addf %add3A_297, %get3A_301 : vector<16xf32>
      %add3A_303 = arith.constant 7168 : i32
      %add3A_304 = arith.addi %add3A_303, %add3A_285 : i32
      %get3A_305 = arith.index_cast %add3A_304 : i32 to index
      %get3A_306 = tpu.vector_load %arg8[%get3A_305] {strides = array<i32>} : memref<17920xf32, #tpu.memory_space<vmem>>, vector<16xf32>,
      %add3A_307 = arith.addf %add3A_302, %get3A_306 : vector<16xf32>
      %add3A_308 = arith.constant 8960 : i32
      %add3A_309 = arith.addi %add3A_308, %add3A_285 : i32
      %get3A_310 = arith.index_cast %add3A_309 : i32 to index
      %get3A_311 = tpu.vector_load %arg8[%get3A_310] {strides = array<i32>} : memref<17920xf32, #tpu.memory_space<vmem>>, vector<16xf32>,
      %add3A_312 = arith.addf %add3A_307, %get3A_311 : vector<16xf32>
      %add3A_313 = arith.constant 10752 : i32
      %add3A_314 = arith.addi %add3A_313, %add3A_285 : i32
      %get3A_315 = arith.index_cast %add3A_314 : i32 to index
      %get3A_316 = tpu.vector_load %arg8[%get3A_315] {strides = array<i32>} : memref<17920xf32, #tpu.memory_space<vmem>>, vector<16xf32>,
      %add3A_317 = arith.addf %add3A_312, %get3A_316 : vector<16xf32>
      %add3A_318 = arith.constant 12544 : i32
      %add3A_319 = arith.addi %add3A_318, %add3A_285 : i32
      %get3A_320 = arith.index_cast %add3A_319 : i32 to index
      %get3A_321 = tpu.vector_load %arg8[%get3A_320] {strides = array<i32>} : memref<17920xf32, #tpu.memory_space<vmem>>, vector<16xf32>,
      %add3A_322 = arith.addf %add3A_317, %get3A_321 : vector<16xf32>
      %add3A_323 = arith.constant 14336 : i32
      %add3A_324 = arith.addi %add3A_323, %add3A_285 : i32
      %get3A_325 = arith.index_cast %add3A_324 : i32 to index
      %get3A_326 = tpu.vector_load %arg8[%get3A_325] {strides = array<i32>} : memref<17920xf32, #tpu.memory_space<vmem>>, vector<16xf32>,
      %add3A_327 = arith.addf %add3A_322, %get3A_326 : vector<16xf32>
      %add3A_328 = arith.constant 16128 : i32
      %add3A_329 = arith.addi %add3A_328, %add3A_285 : i32
      %get3A_330 = arith.index_cast %add3A_329 : i32 to index
      %get3A_331 = tpu.vector_load %arg8[%get3A_330] {strides = array<i32>} : memref<17920xf32, #tpu.memory_space<vmem>>, vector<16xf32>,
      %add3A_332 = arith.addf %add3A_327, %get3A_331 : vector<16xf32>
      %add3A_333 = arith.constant 48 : i32
      %add3A_334 = arith.addi %mul3A_186, %add3A_333 : i32
      %get3A_335 = arith.index_cast %add3A_334 : i32 to index
      %get3A_336 = tpu.vector_load %arg8[%get3A_335] {strides = array<i32>} : memref<17920xf32, #tpu.memory_space<vmem>>, vector<16xf32>,
      %add3A_337 = arith.constant 1792 : i32
      %add3A_338 = arith.addi %add3A_337, %add3A_334 : i32
      %get3A_339 = arith.index_cast %add3A_338 : i32 to index
      %get3A_340 = tpu.vector_load %arg8[%get3A_339] {strides = array<i32>} : memref<17920xf32, #tpu.memory_space<vmem>>, vector<16xf32>,
      %add3A_341 = arith.addf %get3A_336, %get3A_340 : vector<16xf32>
      %add3A_342 = arith.constant 3584 : i32
      %add3A_343 = arith.addi %add3A_342, %add3A_334 : i32
      %get3A_344 = arith.index_cast %add3A_343 : i32 to index
      %get3A_345 = tpu.vector_load %arg8[%get3A_344] {strides = array<i32>} : memref<17920xf32, #tpu.memory_space<vmem>>, vector<16xf32>,
      %add3A_346 = arith.addf %add3A_341, %get3A_345 : vector<16xf32>
      %add3A_347 = arith.constant 5376 : i32
      %add3A_348 = arith.addi %add3A_347, %add3A_334 : i32
      %get3A_349 = arith.index_cast %add3A_348 : i32 to index
      %get3A_350 = tpu.vector_load %arg8[%get3A_349] {strides = array<i32>} : memref<17920xf32, #tpu.memory_space<vmem>>, vector<16xf32>,
      %add3A_351 = arith.addf %add3A_346, %get3A_350 : vector<16xf32>
      %add3A_352 = arith.constant 7168 : i32
      %add3A_353 = arith.addi %add3A_352, %add3A_334 : i32
      %get3A_354 = arith.index_cast %add3A_353 : i32 to index
      %get3A_355 = tpu.vector_load %arg8[%get3A_354] {strides = array<i32>} : memref<17920xf32, #tpu.memory_space<vmem>>, vector<16xf32>,
      %add3A_356 = arith.addf %add3A_351, %get3A_355 : vector<16xf32>
      %add3A_357 = arith.constant 8960 : i32
      %add3A_358 = arith.addi %add3A_357, %add3A_334 : i32
      %get3A_359 = arith.index_cast %add3A_358 : i32 to index
      %get3A_360 = tpu.vector_load %arg8[%get3A_359] {strides = array<i32>} : memref<17920xf32, #tpu.memory_space<vmem>>, vector<16xf32>,
      %add3A_361 = arith.addf %add3A_356, %get3A_360 : vector<16xf32>
      %add3A_362 = arith.constant 10752 : i32
      %add3A_363 = arith.addi %add3A_362, %add3A_334 : i32
      %get3A_364 = arith.index_cast %add3A_363 : i32 to index
      %get3A_365 = tpu.vector_load %arg8[%get3A_364] {strides = array<i32>} : memref<17920xf32, #tpu.memory_space<vmem>>, vector<16xf32>,
      %add3A_366 = arith.addf %add3A_361, %get3A_365 : vector<16xf32>
      %add3A_367 = arith.constant 12544 : i32
      %add3A_368 = arith.addi %add3A_367, %add3A_334 : i32
      %get3A_369 = arith.index_cast %add3A_368 : i32 to index
      %get3A_370 = tpu.vector_load %arg8[%get3A_369] {strides = array<i32>} : memref<17920xf32, #tpu.memory_space<vmem>>, vector<16xf32>,
      %add3A_371 = arith.addf %add3A_366, %get3A_370 : vector<16xf32>
      %add3A_372 = arith.constant 14336 : i32
      %add3A_373 = arith.addi %add3A_372, %add3A_334 : i32
      %get3A_374 = arith.index_cast %add3A_373 : i32 to index
      %get3A_375 = tpu.vector_load %arg8[%get3A_374] {strides = array<i32>} : memref<17920xf32, #tpu.memory_space<vmem>>, vector<16xf32>,
      %add3A_376 = arith.addf %add3A_371, %get3A_375 : vector<16xf32>
      %add3A_377 = arith.constant 16128 : i32
      %add3A_378 = arith.addi %add3A_377, %add3A_334 : i32
      %get3A_379 = arith.index_cast %add3A_378 : i32 to index
      %get3A_380 = tpu.vector_load %arg8[%get3A_379] {strides = array<i32>} : memref<17920xf32, #tpu.memory_space<vmem>>, vector<16xf32>,
      %add3A_381 = arith.addf %add3A_376, %get3A_380 : vector<16xf32>
      %add3A_382 = arith.constant 64 : i32
      %add3A_383 = arith.addi %mul3A_186, %add3A_382 : i32
      %get3A_384 = arith.index_cast %add3A_383 : i32 to index
      %get3A_385 = tpu.vector_load %arg8[%get3A_384] {strides = array<i32>} : memref<17920xf32, #tpu.memory_space<vmem>>, vector<16xf32>,
      %add3A_386 = arith.constant 1792 : i32
      %add3A_387 = arith.addi %add3A_386, %add3A_383 : i32
      %get3A_388 = arith.index_cast %add3A_387 : i32 to index
      %get3A_389 = tpu.vector_load %arg8[%get3A_388] {strides = array<i32>} : memref<17920xf32, #tpu.memory_space<vmem>>, vector<16xf32>,
      %add3A_390 = arith.addf %get3A_385, %get3A_389 : vector<16xf32>
      %add3A_391 = arith.constant 3584 : i32
      %add3A_392 = arith.addi %add3A_391, %add3A_383 : i32
      %get3A_393 = arith.index_cast %add3A_392 : i32 to index
      %get3A_394 = tpu.vector_load %arg8[%get3A_393] {strides = array<i32>} : memref<17920xf32, #tpu.memory_space<vmem>>, vector<16xf32>,
      %add3A_395 = arith.addf %add3A_390, %get3A_394 : vector<16xf32>
      %add3A_396 = arith.constant 5376 : i32
      %add3A_397 = arith.addi %add3A_396, %add3A_383 : i32
      %get3A_398 = arith.index_cast %add3A_397 : i32 to index
      %get3A_399 = tpu.vector_load %arg8[%get3A_398] {strides = array<i32>} : memref<17920xf32, #tpu.memory_space<vmem>>, vector<16xf32>,
      %add3A_400 = arith.addf %add3A_395, %get3A_399 : vector<16xf32>
      %add3A_401 = arith.constant 7168 : i32
      %add3A_402 = arith.addi %add3A_401, %add3A_383 : i32
      %get3A_403 = arith.index_cast %add3A_402 : i32 to index
      %get3A_404 = tpu.vector_load %arg8[%get3A_403] {strides = array<i32>} : memref<17920xf32, #tpu.memory_space<vmem>>, vector<16xf32>,
      %add3A_405 = arith.addf %add3A_400, %get3A_404 : vector<16xf32>
      %add3A_406 = arith.constant 8960 : i32
      %add3A_407 = arith.addi %add3A_406, %add3A_383 : i32
      %get3A_408 = arith.index_cast %add3A_407 : i32 to index
      %get3A_409 = tpu.vector_load %arg8[%get3A_408] {strides = array<i32>} : memref<17920xf32, #tpu.memory_space<vmem>>, vector<16xf32>,
      %add3A_410 = arith.addf %add3A_405, %get3A_409 : vector<16xf32>
      %add3A_411 = arith.constant 10752 : i32
      %add3A_412 = arith.addi %add3A_411, %add3A_383 : i32
      %get3A_413 = arith.index_cast %add3A_412 : i32 to index
      %get3A_414 = tpu.vector_load %arg8[%get3A_413] {strides = array<i32>} : memref<17920xf32, #tpu.memory_space<vmem>>, vector<16xf32>,
      %add3A_415 = arith.addf %add3A_410, %get3A_414 : vector<16xf32>
      %add3A_416 = arith.constant 12544 : i32
      %add3A_417 = arith.addi %add3A_416, %add3A_383 : i32
      %get3A_418 = arith.index_cast %add3A_417 : i32 to index
      %get3A_419 = tpu.vector_load %arg8[%get3A_418] {strides = array<i32>} : memref<17920xf32, #tpu.memory_space<vmem>>, vector<16xf32>,
      %add3A_420 = arith.addf %add3A_415, %get3A_419 : vector<16xf32>
      %add3A_421 = arith.constant 14336 : i32
      %add3A_422 = arith.addi %add3A_421, %add3A_383 : i32
      %get3A_423 = arith.index_cast %add3A_422 : i32 to index
      %get3A_424 = tpu.vector_load %arg8[%get3A_423] {strides = array<i32>} : memref<17920xf32, #tpu.memory_space<vmem>>, vector<16xf32>,
      %add3A_425 = arith.addf %add3A_420, %get3A_424 : vector<16xf32>
      %add3A_426 = arith.constant 16128 : i32
      %add3A_427 = arith.addi %add3A_426, %add3A_383 : i32
      %get3A_428 = arith.index_cast %add3A_427 : i32 to index
      %get3A_429 = tpu.vector_load %arg8[%get3A_428] {strides = array<i32>} : memref<17920xf32, #tpu.memory_space<vmem>>, vector<16xf32>,
      %add3A_430 = arith.addf %add3A_425, %get3A_429 : vector<16xf32>
      %add3A_431 = arith.constant 80 : i32
      %add3A_432 = arith.addi %mul3A_186, %add3A_431 : i32
      %get3A_433 = arith.index_cast %add3A_432 : i32 to index
      %get3A_434 = tpu.vector_load %arg8[%get3A_433] {strides = array<i32>} : memref<17920xf32, #tpu.memory_space<vmem>>, vector<16xf32>,
      %add3A_435 = arith.constant 1792 : i32
      %add3A_436 = arith.addi %add3A_435, %add3A_432 : i32
      %get3A_437 = arith.index_cast %add3A_436 : i32 to index
      %get3A_438 = tpu.vector_load %arg8[%get3A_437] {strides = array<i32>} : memref<17920xf32, #tpu.memory_space<vmem>>, vector<16xf32>,
      %add3A_439 = arith.addf %get3A_434, %get3A_438 : vector<16xf32>
      %add3A_440 = arith.constant 3584 : i32
      %add3A_441 = arith.addi %add3A_440, %add3A_432 : i32
      %get3A_442 = arith.index_cast %add3A_441 : i32 to index
      %get3A_443 = tpu.vector_load %arg8[%get3A_442] {strides = array<i32>} : memref<17920xf32, #tpu.memory_space<vmem>>, vector<16xf32>,
      %add3A_444 = arith.addf %add3A_439, %get3A_443 : vector<16xf32>
      %add3A_445 = arith.constant 5376 : i32
      %add3A_446 = arith.addi %add3A_445, %add3A_432 : i32
      %get3A_447 = arith.index_cast %add3A_446 : i32 to index
      %get3A_448 = tpu.vector_load %arg8[%get3A_447] {strides = array<i32>} : memref<17920xf32, #tpu.memory_space<vmem>>, vector<16xf32>,
      %add3A_449 = arith.addf %add3A_444, %get3A_448 : vector<16xf32>
      %add3A_450 = arith.constant 7168 : i32
      %add3A_451 = arith.addi %add3A_450, %add3A_432 : i32
      %get3A_452 = arith.index_cast %add3A_451 : i32 to index
      %get3A_453 = tpu.vector_load %arg8[%get3A_452] {strides = array<i32>} : memref<17920xf32, #tpu.memory_space<vmem>>, vector<16xf32>,
      %add3A_454 = arith.addf %add3A_449, %get3A_453 : vector<16xf32>
      %add3A_455 = arith.constant 8960 : i32
      %add3A_456 = arith.addi %add3A_455, %add3A_432 : i32
      %get3A_457 = arith.index_cast %add3A_456 : i32 to index
      %get3A_458 = tpu.vector_load %arg8[%get3A_457] {strides = array<i32>} : memref<17920xf32, #tpu.memory_space<vmem>>, vector<16xf32>,
      %add3A_459 = arith.addf %add3A_454, %get3A_458 : vector<16xf32>
      %add3A_460 = arith.constant 10752 : i32
      %add3A_461 = arith.addi %add3A_460, %add3A_432 : i32
      %get3A_462 = arith.index_cast %add3A_461 : i32 to index
      %get3A_463 = tpu.vector_load %arg8[%get3A_462] {strides = array<i32>} : memref<17920xf32, #tpu.memory_space<vmem>>, vector<16xf32>,
      %add3A_464 = arith.addf %add3A_459, %get3A_463 : vector<16xf32>
      %add3A_465 = arith.constant 12544 : i32
      %add3A_466 = arith.addi %add3A_465, %add3A_432 : i32
      %get3A_467 = arith.index_cast %add3A_466 : i32 to index
      %get3A_468 = tpu.vector_load %arg8[%get3A_467] {strides = array<i32>} : memref<17920xf32, #tpu.memory_space<vmem>>, vector<16xf32>,
      %add3A_469 = arith.addf %add3A_464, %get3A_468 : vector<16xf32>
      %add3A_470 = arith.constant 14336 : i32
      %add3A_471 = arith.addi %add3A_470, %add3A_432 : i32
      %get3A_472 = arith.index_cast %add3A_471 : i32 to index
      %get3A_473 = tpu.vector_load %arg8[%get3A_472] {strides = array<i32>} : memref<17920xf32, #tpu.memory_space<vmem>>, vector<16xf32>,
      %add3A_474 = arith.addf %add3A_469, %get3A_473 : vector<16xf32>
      %add3A_475 = arith.constant 16128 : i32
      %add3A_476 = arith.addi %add3A_475, %add3A_432 : i32
      %get3A_477 = arith.index_cast %add3A_476 : i32 to index
      %get3A_478 = tpu.vector_load %arg8[%get3A_477] {strides = array<i32>} : memref<17920xf32, #tpu.memory_space<vmem>>, vector<16xf32>,
      %add3A_479 = arith.addf %add3A_474, %get3A_478 : vector<16xf32>
      %add3A_480 = arith.constant 96 : i32
      %add3A_481 = arith.addi %mul3A_186, %add3A_480 : i32
      %get3A_482 = arith.index_cast %add3A_481 : i32 to index
      %get3A_483 = tpu.vector_load %arg8[%get3A_482] {strides = array<i32>} : memref<17920xf32, #tpu.memory_space<vmem>>, vector<16xf32>,
      %add3A_484 = arith.constant 1792 : i32
      %add3A_485 = arith.addi %add3A_484, %add3A_481 : i32
      %get3A_486 = arith.index_cast %add3A_485 : i32 to index
      %get3A_487 = tpu.vector_load %arg8[%get3A_486] {strides = array<i32>} : memref<17920xf32, #tpu.memory_space<vmem>>, vector<16xf32>,
      %add3A_488 = arith.addf %get3A_483, %get3A_487 : vector<16xf32>
      %add3A_489 = arith.constant 3584 : i32
      %add3A_490 = arith.addi %add3A_489, %add3A_481 : i32
      %get3A_491 = arith.index_cast %add3A_490 : i32 to index
      %get3A_492 = tpu.vector_load %arg8[%get3A_491] {strides = array<i32>} : memref<17920xf32, #tpu.memory_space<vmem>>, vector<16xf32>,
      %add3A_493 = arith.addf %add3A_488, %get3A_492 : vector<16xf32>
      %add3A_494 = arith.constant 5376 : i32
      %add3A_495 = arith.addi %add3A_494, %add3A_481 : i32
      %get3A_496 = arith.index_cast %add3A_495 : i32 to index
      %get3A_497 = tpu.vector_load %arg8[%get3A_496] {strides = array<i32>} : memref<17920xf32, #tpu.memory_space<vmem>>, vector<16xf32>,
      %add3A_498 = arith.addf %add3A_493, %get3A_497 : vector<16xf32>
      %add3A_499 = arith.constant 7168 : i32
      %add3A_500 = arith.addi %add3A_499, %add3A_481 : i32
      %get3A_501 = arith.index_cast %add3A_500 : i32 to index
      %get3A_502 = tpu.vector_load %arg8[%get3A_501] {strides = array<i32>} : memref<17920xf32, #tpu.memory_space<vmem>>, vector<16xf32>,
      %add3A_503 = arith.addf %add3A_498, %get3A_502 : vector<16xf32>
      %add3A_504 = arith.constant 8960 : i32
      %add3A_505 = arith.addi %add3A_504, %add3A_481 : i32
      %get3A_506 = arith.index_cast %add3A_505 : i32 to index
      %get3A_507 = tpu.vector_load %arg8[%get3A_506] {strides = array<i32>} : memref<17920xf32, #tpu.memory_space<vmem>>, vector<16xf32>,
      %add3A_508 = arith.addf %add3A_503, %get3A_507 : vector<16xf32>
      %add3A_509 = arith.constant 10752 : i32
      %add3A_510 = arith.addi %add3A_509, %add3A_481 : i32
      %get3A_511 = arith.index_cast %add3A_510 : i32 to index
      %get3A_512 = tpu.vector_load %arg8[%get3A_511] {strides = array<i32>} : memref<17920xf32, #tpu.memory_space<vmem>>, vector<16xf32>,
      %add3A_513 = arith.addf %add3A_508, %get3A_512 : vector<16xf32>
      %add3A_514 = arith.constant 12544 : i32
      %add3A_515 = arith.addi %add3A_514, %add3A_481 : i32
      %get3A_516 = arith.index_cast %add3A_515 : i32 to index
      %get3A_517 = tpu.vector_load %arg8[%get3A_516] {strides = array<i32>} : memref<17920xf32, #tpu.memory_space<vmem>>, vector<16xf32>,
      %add3A_518 = arith.addf %add3A_513, %get3A_517 : vector<16xf32>
      %add3A_519 = arith.constant 14336 : i32
      %add3A_520 = arith.addi %add3A_519, %add3A_481 : i32
      %get3A_521 = arith.index_cast %add3A_520 : i32 to index
      %get3A_522 = tpu.vector_load %arg8[%get3A_521] {strides = array<i32>} : memref<17920xf32, #tpu.memory_space<vmem>>, vector<16xf32>,
      %add3A_523 = arith.addf %add3A_518, %get3A_522 : vector<16xf32>
      %add3A_524 = arith.constant 16128 : i32
      %add3A_525 = arith.addi %add3A_524, %add3A_481 : i32
      %get3A_526 = arith.index_cast %add3A_525 : i32 to index
      %get3A_527 = tpu.vector_load %arg8[%get3A_526] {strides = array<i32>} : memref<17920xf32, #tpu.memory_space<vmem>>, vector<16xf32>,
      %add3A_528 = arith.addf %add3A_523, %get3A_527 : vector<16xf32>
      %add3A_529 = arith.constant 112 : i32
      %add3A_530 = arith.addi %mul3A_186, %add3A_529 : i32
      %get3A_531 = arith.index_cast %add3A_530 : i32 to index
      %get3A_532 = tpu.vector_load %arg8[%get3A_531] {strides = array<i32>} : memref<17920xf32, #tpu.memory_space<vmem>>, vector<16xf32>,
      %add3A_533 = arith.constant 1792 : i32
      %add3A_534 = arith.addi %add3A_533, %add3A_530 : i32
      %get3A_535 = arith.index_cast %add3A_534 : i32 to index
      %get3A_536 = tpu.vector_load %arg8[%get3A_535] {strides = array<i32>} : memref<17920xf32, #tpu.memory_space<vmem>>, vector<16xf32>,
      %add3A_537 = arith.addf %get3A_532, %get3A_536 : vector<16xf32>
      %add3A_538 = arith.constant 3584 : i32
      %add3A_539 = arith.addi %add3A_538, %add3A_530 : i32
      %get3A_540 = arith.index_cast %add3A_539 : i32 to index
      %get3A_541 = tpu.vector_load %arg8[%get3A_540] {strides = array<i32>} : memref<17920xf32, #tpu.memory_space<vmem>>, vector<16xf32>,
      %add3A_542 = arith.addf %add3A_537, %get3A_541 : vector<16xf32>
      %add3A_543 = arith.constant 5376 : i32
      %add3A_544 = arith.addi %add3A_543, %add3A_530 : i32
      %get3A_545 = arith.index_cast %add3A_544 : i32 to index
      %get3A_546 = tpu.vector_load %arg8[%get3A_545] {strides = array<i32>} : memref<17920xf32, #tpu.memory_space<vmem>>, vector<16xf32>,
      %add3A_547 = arith.addf %add3A_542, %get3A_546 : vector<16xf32>
      %add3A_548 = arith.constant 7168 : i32
      %add3A_549 = arith.addi %add3A_548, %add3A_530 : i32
      %get3A_550 = arith.index_cast %add3A_549 : i32 to index
      %get3A_551 = tpu.vector_load %arg8[%get3A_550] {strides = array<i32>} : memref<17920xf32, #tpu.memory_space<vmem>>, vector<16xf32>,
      %add3A_552 = arith.addf %add3A_547, %get3A_551 : vector<16xf32>
      %add3A_553 = arith.constant 8960 : i32
      %add3A_554 = arith.addi %add3A_553, %add3A_530 : i32
      %get3A_555 = arith.index_cast %add3A_554 : i32 to index
      %get3A_556 = tpu.vector_load %arg8[%get3A_555] {strides = array<i32>} : memref<17920xf32, #tpu.memory_space<vmem>>, vector<16xf32>,
      %add3A_557 = arith.addf %add3A_552, %get3A_556 : vector<16xf32>
      %add3A_558 = arith.constant 10752 : i32
      %add3A_559 = arith.addi %add3A_558, %add3A_530 : i32
      %get3A_560 = arith.index_cast %add3A_559 : i32 to index
      %get3A_561 = tpu.vector_load %arg8[%get3A_560] {strides = array<i32>} : memref<17920xf32, #tpu.memory_space<vmem>>, vector<16xf32>,
      %add3A_562 = arith.addf %add3A_557, %get3A_561 : vector<16xf32>
      %add3A_563 = arith.constant 12544 : i32
      %add3A_564 = arith.addi %add3A_563, %add3A_530 : i32
      %get3A_565 = arith.index_cast %add3A_564 : i32 to index
      %get3A_566 = tpu.vector_load %arg8[%get3A_565] {strides = array<i32>} : memref<17920xf32, #tpu.memory_space<vmem>>, vector<16xf32>,
      %add3A_567 = arith.addf %add3A_562, %get3A_566 : vector<16xf32>
      %add3A_568 = arith.constant 14336 : i32
      %add3A_569 = arith.addi %add3A_568, %add3A_530 : i32
      %get3A_570 = arith.index_cast %add3A_569 : i32 to index
      %get3A_571 = tpu.vector_load %arg8[%get3A_570] {strides = array<i32>} : memref<17920xf32, #tpu.memory_space<vmem>>, vector<16xf32>,
      %add3A_572 = arith.addf %add3A_567, %get3A_571 : vector<16xf32>
      %add3A_573 = arith.constant 16128 : i32
      %add3A_574 = arith.addi %add3A_573, %add3A_530 : i32
      %get3A_575 = arith.index_cast %add3A_574 : i32 to index
      %get3A_576 = tpu.vector_load %arg8[%get3A_575] {strides = array<i32>} : memref<17920xf32, #tpu.memory_space<vmem>>, vector<16xf32>,
      %add3A_577 = arith.addf %add3A_572, %get3A_576 : vector<16xf32>
      %add3A_578 = arith.constant 128 : i32
      %add3A_579 = arith.addi %mul3A_186, %add3A_578 : i32
      %get3A_580 = arith.index_cast %add3A_579 : i32 to index
      %get3A_581 = tpu.vector_load %arg8[%get3A_580] {strides = array<i32>} : memref<17920xf32, #tpu.memory_space<vmem>>, vector<16xf32>,
      %add3A_582 = arith.constant 1792 : i32
      %add3A_583 = arith.addi %add3A_582, %add3A_579 : i32
      %get3A_584 = arith.index_cast %add3A_583 : i32 to index
      %get3A_585 = tpu.vector_load %arg8[%get3A_584] {strides = array<i32>} : memref<17920xf32, #tpu.memory_space<vmem>>, vector<16xf32>,
      %add3A_586 = arith.addf %get3A_581, %get3A_585 : vector<16xf32>
      %add3A_587 = arith.constant 3584 : i32
      %add3A_588 = arith.addi %add3A_587, %add3A_579 : i32
      %get3A_589 = arith.index_cast %add3A_588 : i32 to index
      %get3A_590 = tpu.vector_load %arg8[%get3A_589] {strides = array<i32>} : memref<17920xf32, #tpu.memory_space<vmem>>, vector<16xf32>,
      %add3A_591 = arith.addf %add3A_586, %get3A_590 : vector<16xf32>
      %add3A_592 = arith.constant 5376 : i32
      %add3A_593 = arith.addi %add3A_592, %add3A_579 : i32
      %get3A_594 = arith.index_cast %add3A_593 : i32 to index
      %get3A_595 = tpu.vector_load %arg8[%get3A_594] {strides = array<i32>} : memref<17920xf32, #tpu.memory_space<vmem>>, vector<16xf32>,
      %add3A_596 = arith.addf %add3A_591, %get3A_595 : vector<16xf32>
      %add3A_597 = arith.constant 7168 : i32
      %add3A_598 = arith.addi %add3A_597, %add3A_579 : i32
      %get3A_599 = arith.index_cast %add3A_598 : i32 to index
      %get3A_600 = tpu.vector_load %arg8[%get3A_599] {strides = array<i32>} : memref<17920xf32, #tpu.memory_space<vmem>>, vector<16xf32>,
      %add3A_601 = arith.addf %add3A_596, %get3A_600 : vector<16xf32>
      %add3A_602 = arith.constant 8960 : i32
      %add3A_603 = arith.addi %add3A_602, %add3A_579 : i32
      %get3A_604 = arith.index_cast %add3A_603 : i32 to index
      %get3A_605 = tpu.vector_load %arg8[%get3A_604] {strides = array<i32>} : memref<17920xf32, #tpu.memory_space<vmem>>, vector<16xf32>,
      %add3A_606 = arith.addf %add3A_601, %get3A_605 : vector<16xf32>
      %add3A_607 = arith.constant 10752 : i32
      %add3A_608 = arith.addi %add3A_607, %add3A_579 : i32
      %get3A_609 = arith.index_cast %add3A_608 : i32 to index
      %get3A_610 = tpu.vector_load %arg8[%get3A_609] {strides = array<i32>} : memref<17920xf32, #tpu.memory_space<vmem>>, vector<16xf32>,
      %add3A_611 = arith.addf %add3A_606, %get3A_610 : vector<16xf32>
      %add3A_612 = arith.constant 12544 : i32
      %add3A_613 = arith.addi %add3A_612, %add3A_579 : i32
      %get3A_614 = arith.index_cast %add3A_613 : i32 to index
      %get3A_615 = tpu.vector_load %arg8[%get3A_614] {strides = array<i32>} : memref<17920xf32, #tpu.memory_space<vmem>>, vector<16xf32>,
      %add3A_616 = arith.addf %add3A_611, %get3A_615 : vector<16xf32>
      %add3A_617 = arith.constant 14336 : i32
      %add3A_618 = arith.addi %add3A_617, %add3A_579 : i32
      %get3A_619 = arith.index_cast %add3A_618 : i32 to index
      %get3A_620 = tpu.vector_load %arg8[%get3A_619] {strides = array<i32>} : memref<17920xf32, #tpu.memory_space<vmem>>, vector<16xf32>,
      %add3A_621 = arith.addf %add3A_616, %get3A_620 : vector<16xf32>
      %add3A_622 = arith.constant 16128 : i32
      %add3A_623 = arith.addi %add3A_622, %add3A_579 : i32
      %get3A_624 = arith.index_cast %add3A_623 : i32 to index
      %get3A_625 = tpu.vector_load %arg8[%get3A_624] {strides = array<i32>} : memref<17920xf32, #tpu.memory_space<vmem>>, vector<16xf32>,
      %add3A_626 = arith.addf %add3A_621, %get3A_625 : vector<16xf32>
      %add3A_627 = arith.constant 144 : i32
      %add3A_628 = arith.addi %mul3A_186, %add3A_627 : i32
      %get3A_629 = arith.index_cast %add3A_628 : i32 to index
      %get3A_630 = tpu.vector_load %arg8[%get3A_629] {strides = array<i32>} : memref<17920xf32, #tpu.memory_space<vmem>>, vector<16xf32>,
      %add3A_631 = arith.constant 1792 : i32
      %add3A_632 = arith.addi %add3A_631, %add3A_628 : i32
      %get3A_633 = arith.index_cast %add3A_632 : i32 to index
      %get3A_634 = tpu.vector_load %arg8[%get3A_633] {strides = array<i32>} : memref<17920xf32, #tpu.memory_space<vmem>>, vector<16xf32>,
      %add3A_635 = arith.addf %get3A_630, %get3A_634 : vector<16xf32>
      %add3A_636 = arith.constant 3584 : i32
      %add3A_637 = arith.addi %add3A_636, %add3A_628 : i32
      %get3A_638 = arith.index_cast %add3A_637 : i32 to index
      %get3A_639 = tpu.vector_load %arg8[%get3A_638] {strides = array<i32>} : memref<17920xf32, #tpu.memory_space<vmem>>, vector<16xf32>,
      %add3A_640 = arith.addf %add3A_635, %get3A_639 : vector<16xf32>
      %add3A_641 = arith.constant 5376 : i32
      %add3A_642 = arith.addi %add3A_641, %add3A_628 : i32
      %get3A_643 = arith.index_cast %add3A_642 : i32 to index
      %get3A_644 = tpu.vector_load %arg8[%get3A_643] {strides = array<i32>} : memref<17920xf32, #tpu.memory_space<vmem>>, vector<16xf32>,
      %add3A_645 = arith.addf %add3A_640, %get3A_644 : vector<16xf32>
      %add3A_646 = arith.constant 7168 : i32
      %add3A_647 = arith.addi %add3A_646, %add3A_628 : i32
      %get3A_648 = arith.index_cast %add3A_647 : i32 to index
      %get3A_649 = tpu.vector_load %arg8[%get3A_648] {strides = array<i32>} : memref<17920xf32, #tpu.memory_space<vmem>>, vector<16xf32>,
      %add3A_650 = arith.addf %add3A_645, %get3A_649 : vector<16xf32>
      %add3A_651 = arith.constant 8960 : i32
      %add3A_652 = arith.addi %add3A_651, %add3A_628 : i32
      %get3A_653 = arith.index_cast %add3A_652 : i32 to index
      %get3A_654 = tpu.vector_load %arg8[%get3A_653] {strides = array<i32>} : memref<17920xf32, #tpu.memory_space<vmem>>, vector<16xf32>,
      %add3A_655 = arith.addf %add3A_650, %get3A_654 : vector<16xf32>
      %add3A_656 = arith.constant 10752 : i32
      %add3A_657 = arith.addi %add3A_656, %add3A_628 : i32
      %get3A_658 = arith.index_cast %add3A_657 : i32 to index
      %get3A_659 = tpu.vector_load %arg8[%get3A_658] {strides = array<i32>} : memref<17920xf32, #tpu.memory_space<vmem>>, vector<16xf32>,
      %add3A_660 = arith.addf %add3A_655, %get3A_659 : vector<16xf32>
      %add3A_661 = arith.constant 12544 : i32
      %add3A_662 = arith.addi %add3A_661, %add3A_628 : i32
      %get3A_663 = arith.index_cast %add3A_662 : i32 to index
      %get3A_664 = tpu.vector_load %arg8[%get3A_663] {strides = array<i32>} : memref<17920xf32, #tpu.memory_space<vmem>>, vector<16xf32>,
      %add3A_665 = arith.addf %add3A_660, %get3A_664 : vector<16xf32>
      %add3A_666 = arith.constant 14336 : i32
      %add3A_667 = arith.addi %add3A_666, %add3A_628 : i32
      %get3A_668 = arith.index_cast %add3A_667 : i32 to index
      %get3A_669 = tpu.vector_load %arg8[%get3A_668] {strides = array<i32>} : memref<17920xf32, #tpu.memory_space<vmem>>, vector<16xf32>,
      %add3A_670 = arith.addf %add3A_665, %get3A_669 : vector<16xf32>
      %add3A_671 = arith.constant 16128 : i32
      %add3A_672 = arith.addi %add3A_671, %add3A_628 : i32
      %get3A_673 = arith.index_cast %add3A_672 : i32 to index
      %get3A_674 = tpu.vector_load %arg8[%get3A_673] {strides = array<i32>} : memref<17920xf32, #tpu.memory_space<vmem>>, vector<16xf32>,
      %add3A_675 = arith.addf %add3A_670, %get3A_674 : vector<16xf32>
      %add3A_676 = arith.constant 160 : i32
      %add3A_677 = arith.addi %mul3A_186, %add3A_676 : i32
      %get3A_678 = arith.index_cast %add3A_677 : i32 to index
      %get3A_679 = tpu.vector_load %arg8[%get3A_678] {strides = array<i32>} : memref<17920xf32, #tpu.memory_space<vmem>>, vector<16xf32>,
      %add3A_680 = arith.constant 1792 : i32
      %add3A_681 = arith.addi %add3A_680, %add3A_677 : i32
      %get3A_682 = arith.index_cast %add3A_681 : i32 to index
      %get3A_683 = tpu.vector_load %arg8[%get3A_682] {strides = array<i32>} : memref<17920xf32, #tpu.memory_space<vmem>>, vector<16xf32>,
      %add3A_684 = arith.addf %get3A_679, %get3A_683 : vector<16xf32>
      %add3A_685 = arith.constant 3584 : i32
      %add3A_686 = arith.addi %add3A_685, %add3A_677 : i32
      %get3A_687 = arith.index_cast %add3A_686 : i32 to index
      %get3A_688 = tpu.vector_load %arg8[%get3A_687] {strides = array<i32>} : memref<17920xf32, #tpu.memory_space<vmem>>, vector<16xf32>,
      %add3A_689 = arith.addf %add3A_684, %get3A_688 : vector<16xf32>
      %add3A_690 = arith.constant 5376 : i32
      %add3A_691 = arith.addi %add3A_690, %add3A_677 : i32
      %get3A_692 = arith.index_cast %add3A_691 : i32 to index
      %get3A_693 = tpu.vector_load %arg8[%get3A_692] {strides = array<i32>} : memref<17920xf32, #tpu.memory_space<vmem>>, vector<16xf32>,
      %add3A_694 = arith.addf %add3A_689, %get3A_693 : vector<16xf32>
      %add3A_695 = arith.constant 7168 : i32
      %add3A_696 = arith.addi %add3A_695, %add3A_677 : i32
      %get3A_697 = arith.index_cast %add3A_696 : i32 to index
      %get3A_698 = tpu.vector_load %arg8[%get3A_697] {strides = array<i32>} : memref<17920xf32, #tpu.memory_space<vmem>>, vector<16xf32>,
      %add3A_699 = arith.addf %add3A_694, %get3A_698 : vector<16xf32>
      %add3A_700 = arith.constant 8960 : i32
      %add3A_701 = arith.addi %add3A_700, %add3A_677 : i32
      %get3A_702 = arith.index_cast %add3A_701 : i32 to index
      %get3A_703 = tpu.vector_load %arg8[%get3A_702] {strides = array<i32>} : memref<17920xf32, #tpu.memory_space<vmem>>, vector<16xf32>,
      %add3A_704 = arith.addf %add3A_699, %get3A_703 : vector<16xf32>
      %add3A_705 = arith.constant 10752 : i32
      %add3A_706 = arith.addi %add3A_705, %add3A_677 : i32
      %get3A_707 = arith.index_cast %add3A_706 : i32 to index
      %get3A_708 = tpu.vector_load %arg8[%get3A_707] {strides = array<i32>} : memref<17920xf32, #tpu.memory_space<vmem>>, vector<16xf32>,
      %add3A_709 = arith.addf %add3A_704, %get3A_708 : vector<16xf32>
      %add3A_710 = arith.constant 12544 : i32
      %add3A_711 = arith.addi %add3A_710, %add3A_677 : i32
      %get3A_712 = arith.index_cast %add3A_711 : i32 to index
      %get3A_713 = tpu.vector_load %arg8[%get3A_712] {strides = array<i32>} : memref<17920xf32, #tpu.memory_space<vmem>>, vector<16xf32>,
      %add3A_714 = arith.addf %add3A_709, %get3A_713 : vector<16xf32>
      %add3A_715 = arith.constant 14336 : i32
      %add3A_716 = arith.addi %add3A_715, %add3A_677 : i32
      %get3A_717 = arith.index_cast %add3A_716 : i32 to index
      %get3A_718 = tpu.vector_load %arg8[%get3A_717] {strides = array<i32>} : memref<17920xf32, #tpu.memory_space<vmem>>, vector<16xf32>,
      %add3A_719 = arith.addf %add3A_714, %get3A_718 : vector<16xf32>
      %add3A_720 = arith.constant 16128 : i32
      %add3A_721 = arith.addi %add3A_720, %add3A_677 : i32
      %get3A_722 = arith.index_cast %add3A_721 : i32 to index
      %get3A_723 = tpu.vector_load %arg8[%get3A_722] {strides = array<i32>} : memref<17920xf32, #tpu.memory_space<vmem>>, vector<16xf32>,
      %add3A_724 = arith.addf %add3A_719, %get3A_723 : vector<16xf32>
      %add3A_725 = arith.constant 176 : i32
      %add3A_726 = arith.addi %mul3A_186, %add3A_725 : i32
      %get3A_727 = arith.index_cast %add3A_726 : i32 to index
      %get3A_728 = tpu.vector_load %arg8[%get3A_727] {strides = array<i32>} : memref<17920xf32, #tpu.memory_space<vmem>>, vector<16xf32>,
      %add3A_729 = arith.constant 1792 : i32
      %add3A_730 = arith.addi %add3A_729, %add3A_726 : i32
      %get3A_731 = arith.index_cast %add3A_730 : i32 to index
      %get3A_732 = tpu.vector_load %arg8[%get3A_731] {strides = array<i32>} : memref<17920xf32, #tpu.memory_space<vmem>>, vector<16xf32>,
      %add3A_733 = arith.addf %get3A_728, %get3A_732 : vector<16xf32>
      %add3A_734 = arith.constant 3584 : i32
      %add3A_735 = arith.addi %add3A_734, %add3A_726 : i32
      %get3A_736 = arith.index_cast %add3A_735 : i32 to index
      %get3A_737 = tpu.vector_load %arg8[%get3A_736] {strides = array<i32>} : memref<17920xf32, #tpu.memory_space<vmem>>, vector<16xf32>,
      %add3A_738 = arith.addf %add3A_733, %get3A_737 : vector<16xf32>
      %add3A_739 = arith.constant 5376 : i32
      %add3A_740 = arith.addi %add3A_739, %add3A_726 : i32
      %get3A_741 = arith.index_cast %add3A_740 : i32 to index
      %get3A_742 = tpu.vector_load %arg8[%get3A_741] {strides = array<i32>} : memref<17920xf32, #tpu.memory_space<vmem>>, vector<16xf32>,
      %add3A_743 = arith.addf %add3A_738, %get3A_742 : vector<16xf32>
      %add3A_744 = arith.constant 7168 : i32
      %add3A_745 = arith.addi %add3A_744, %add3A_726 : i32
      %get3A_746 = arith.index_cast %add3A_745 : i32 to index
      %get3A_747 = tpu.vector_load %arg8[%get3A_746] {strides = array<i32>} : memref<17920xf32, #tpu.memory_space<vmem>>, vector<16xf32>,
      %add3A_748 = arith.addf %add3A_743, %get3A_747 : vector<16xf32>
      %add3A_749 = arith.constant 8960 : i32
      %add3A_750 = arith.addi %add3A_749, %add3A_726 : i32
      %get3A_751 = arith.index_cast %add3A_750 : i32 to index
      %get3A_752 = tpu.vector_load %arg8[%get3A_751] {strides = array<i32>} : memref<17920xf32, #tpu.memory_space<vmem>>, vector<16xf32>,
      %add3A_753 = arith.addf %add3A_748, %get3A_752 : vector<16xf32>
      %add3A_754 = arith.constant 10752 : i32
      %add3A_755 = arith.addi %add3A_754, %add3A_726 : i32
      %get3A_756 = arith.index_cast %add3A_755 : i32 to index
      %get3A_757 = tpu.vector_load %arg8[%get3A_756] {strides = array<i32>} : memref<17920xf32, #tpu.memory_space<vmem>>, vector<16xf32>,
      %add3A_758 = arith.addf %add3A_753, %get3A_757 : vector<16xf32>
      %add3A_759 = arith.constant 12544 : i32
      %add3A_760 = arith.addi %add3A_759, %add3A_726 : i32
      %get3A_761 = arith.index_cast %add3A_760 : i32 to index
      %get3A_762 = tpu.vector_load %arg8[%get3A_761] {strides = array<i32>} : memref<17920xf32, #tpu.memory_space<vmem>>, vector<16xf32>,
      %add3A_763 = arith.addf %add3A_758, %get3A_762 : vector<16xf32>
      %add3A_764 = arith.constant 14336 : i32
      %add3A_765 = arith.addi %add3A_764, %add3A_726 : i32
      %get3A_766 = arith.index_cast %add3A_765 : i32 to index
      %get3A_767 = tpu.vector_load %arg8[%get3A_766] {strides = array<i32>} : memref<17920xf32, #tpu.memory_space<vmem>>, vector<16xf32>,
      %add3A_768 = arith.addf %add3A_763, %get3A_767 : vector<16xf32>
      %add3A_769 = arith.constant 16128 : i32
      %add3A_770 = arith.addi %add3A_769, %add3A_726 : i32
      %get3A_771 = arith.index_cast %add3A_770 : i32 to index
      %get3A_772 = tpu.vector_load %arg8[%get3A_771] {strides = array<i32>} : memref<17920xf32, #tpu.memory_space<vmem>>, vector<16xf32>,
      %add3A_773 = arith.addf %add3A_768, %get3A_772 : vector<16xf32>
      %add3A_774 = arith.constant 192 : i32
      %add3A_775 = arith.addi %mul3A_186, %add3A_774 : i32
      %get3A_776 = arith.index_cast %add3A_775 : i32 to index
      %get3A_777 = tpu.vector_load %arg8[%get3A_776] {strides = array<i32>} : memref<17920xf32, #tpu.memory_space<vmem>>, vector<16xf32>,
      %add3A_778 = arith.constant 1792 : i32
      %add3A_779 = arith.addi %add3A_778, %add3A_775 : i32
      %get3A_780 = arith.index_cast %add3A_779 : i32 to index
      %get3A_781 = tpu.vector_load %arg8[%get3A_780] {strides = array<i32>} : memref<17920xf32, #tpu.memory_space<vmem>>, vector<16xf32>,
      %add3A_782 = arith.addf %get3A_777, %get3A_781 : vector<16xf32>
      %add3A_783 = arith.constant 3584 : i32
      %add3A_784 = arith.addi %add3A_783, %add3A_775 : i32
      %get3A_785 = arith.index_cast %add3A_784 : i32 to index
      %get3A_786 = tpu.vector_load %arg8[%get3A_785] {strides = array<i32>} : memref<17920xf32, #tpu.memory_space<vmem>>, vector<16xf32>,
      %add3A_787 = arith.addf %add3A_782, %get3A_786 : vector<16xf32>
      %add3A_788 = arith.constant 5376 : i32
      %add3A_789 = arith.addi %add3A_788, %add3A_775 : i32
      %get3A_790 = arith.index_cast %add3A_789 : i32 to index
      %get3A_791 = tpu.vector_load %arg8[%get3A_790] {strides = array<i32>} : memref<17920xf32, #tpu.memory_space<vmem>>, vector<16xf32>,
      %add3A_792 = arith.addf %add3A_787, %get3A_791 : vector<16xf32>
      %add3A_793 = arith.constant 7168 : i32
      %add3A_794 = arith.addi %add3A_793, %add3A_775 : i32
      %get3A_795 = arith.index_cast %add3A_794 : i32 to index
      %get3A_796 = tpu.vector_load %arg8[%get3A_795] {strides = array<i32>} : memref<17920xf32, #tpu.memory_space<vmem>>, vector<16xf32>,
      %add3A_797 = arith.addf %add3A_792, %get3A_796 : vector<16xf32>
      %add3A_798 = arith.constant 8960 : i32
      %add3A_799 = arith.addi %add3A_798, %add3A_775 : i32
      %get3A_800 = arith.index_cast %add3A_799 : i32 to index
      %get3A_801 = tpu.vector_load %arg8[%get3A_800] {strides = array<i32>} : memref<17920xf32, #tpu.memory_space<vmem>>, vector<16xf32>,
      %add3A_802 = arith.addf %add3A_797, %get3A_801 : vector<16xf32>
      %add3A_803 = arith.constant 10752 : i32
      %add3A_804 = arith.addi %add3A_803, %add3A_775 : i32
      %get3A_805 = arith.index_cast %add3A_804 : i32 to index
      %get3A_806 = tpu.vector_load %arg8[%get3A_805] {strides = array<i32>} : memref<17920xf32, #tpu.memory_space<vmem>>, vector<16xf32>,
      %add3A_807 = arith.addf %add3A_802, %get3A_806 : vector<16xf32>
      %add3A_808 = arith.constant 12544 : i32
      %add3A_809 = arith.addi %add3A_808, %add3A_775 : i32
      %get3A_810 = arith.index_cast %add3A_809 : i32 to index
      %get3A_811 = tpu.vector_load %arg8[%get3A_810] {strides = array<i32>} : memref<17920xf32, #tpu.memory_space<vmem>>, vector<16xf32>,
      %add3A_812 = arith.addf %add3A_807, %get3A_811 : vector<16xf32>
      %add3A_813 = arith.constant 14336 : i32
      %add3A_814 = arith.addi %add3A_813, %add3A_775 : i32
      %get3A_815 = arith.index_cast %add3A_814 : i32 to index
      %get3A_816 = tpu.vector_load %arg8[%get3A_815] {strides = array<i32>} : memref<17920xf32, #tpu.memory_space<vmem>>, vector<16xf32>,
      %add3A_817 = arith.addf %add3A_812, %get3A_816 : vector<16xf32>
      %add3A_818 = arith.constant 16128 : i32
      %add3A_819 = arith.addi %add3A_818, %add3A_775 : i32
      %get3A_820 = arith.index_cast %add3A_819 : i32 to index
      %get3A_821 = tpu.vector_load %arg8[%get3A_820] {strides = array<i32>} : memref<17920xf32, #tpu.memory_space<vmem>>, vector<16xf32>,
      %add3A_822 = arith.addf %add3A_817, %get3A_821 : vector<16xf32>
      %add3A_823 = arith.constant 208 : i32
      %add3A_824 = arith.addi %mul3A_186, %add3A_823 : i32
      %get3A_825 = arith.index_cast %add3A_824 : i32 to index
      %get3A_826 = tpu.vector_load %arg8[%get3A_825] {strides = array<i32>} : memref<17920xf32, #tpu.memory_space<vmem>>, vector<16xf32>,
      %add3A_827 = arith.constant 1792 : i32
      %add3A_828 = arith.addi %add3A_827, %add3A_824 : i32
      %get3A_829 = arith.index_cast %add3A_828 : i32 to index
      %get3A_830 = tpu.vector_load %arg8[%get3A_829] {strides = array<i32>} : memref<17920xf32, #tpu.memory_space<vmem>>, vector<16xf32>,
      %add3A_831 = arith.addf %get3A_826, %get3A_830 : vector<16xf32>
      %add3A_832 = arith.constant 3584 : i32
      %add3A_833 = arith.addi %add3A_832, %add3A_824 : i32
      %get3A_834 = arith.index_cast %add3A_833 : i32 to index
      %get3A_835 = tpu.vector_load %arg8[%get3A_834] {strides = array<i32>} : memref<17920xf32, #tpu.memory_space<vmem>>, vector<16xf32>,
      %add3A_836 = arith.addf %add3A_831, %get3A_835 : vector<16xf32>
      %add3A_837 = arith.constant 5376 : i32
      %add3A_838 = arith.addi %add3A_837, %add3A_824 : i32
      %get3A_839 = arith.index_cast %add3A_838 : i32 to index
      %get3A_840 = tpu.vector_load %arg8[%get3A_839] {strides = array<i32>} : memref<17920xf32, #tpu.memory_space<vmem>>, vector<16xf32>,
      %add3A_841 = arith.addf %add3A_836, %get3A_840 : vector<16xf32>
      %add3A_842 = arith.constant 7168 : i32
      %add3A_843 = arith.addi %add3A_842, %add3A_824 : i32
      %get3A_844 = arith.index_cast %add3A_843 : i32 to index
      %get3A_845 = tpu.vector_load %arg8[%get3A_844] {strides = array<i32>} : memref<17920xf32, #tpu.memory_space<vmem>>, vector<16xf32>,
      %add3A_846 = arith.addf %add3A_841, %get3A_845 : vector<16xf32>
      %add3A_847 = arith.constant 8960 : i32
      %add3A_848 = arith.addi %add3A_847, %add3A_824 : i32
      %get3A_849 = arith.index_cast %add3A_848 : i32 to index
      %get3A_850 = tpu.vector_load %arg8[%get3A_849] {strides = array<i32>} : memref<17920xf32, #tpu.memory_space<vmem>>, vector<16xf32>,
      %add3A_851 = arith.addf %add3A_846, %get3A_850 : vector<16xf32>
      %add3A_852 = arith.constant 10752 : i32
      %add3A_853 = arith.addi %add3A_852, %add3A_824 : i32
      %get3A_854 = arith.index_cast %add3A_853 : i32 to index
      %get3A_855 = tpu.vector_load %arg8[%get3A_854] {strides = array<i32>} : memref<17920xf32, #tpu.memory_space<vmem>>, vector<16xf32>,
      %add3A_856 = arith.addf %add3A_851, %get3A_855 : vector<16xf32>
      %add3A_857 = arith.constant 12544 : i32
      %add3A_858 = arith.addi %add3A_857, %add3A_824 : i32
      %get3A_859 = arith.index_cast %add3A_858 : i32 to index
      %get3A_860 = tpu.vector_load %arg8[%get3A_859] {strides = array<i32>} : memref<17920xf32, #tpu.memory_space<vmem>>, vector<16xf32>,
      %add3A_861 = arith.addf %add3A_856, %get3A_860 : vector<16xf32>
      %add3A_862 = arith.constant 14336 : i32
      %add3A_863 = arith.addi %add3A_862, %add3A_824 : i32
      %get3A_864 = arith.index_cast %add3A_863 : i32 to index
      %get3A_865 = tpu.vector_load %arg8[%get3A_864] {strides = array<i32>} : memref<17920xf32, #tpu.memory_space<vmem>>, vector<16xf32>,
      %add3A_866 = arith.addf %add3A_861, %get3A_865 : vector<16xf32>
      %add3A_867 = arith.constant 16128 : i32
      %add3A_868 = arith.addi %add3A_867, %add3A_824 : i32
      %get3A_869 = arith.index_cast %add3A_868 : i32 to index
      %get3A_870 = tpu.vector_load %arg8[%get3A_869] {strides = array<i32>} : memref<17920xf32, #tpu.memory_space<vmem>>, vector<16xf32>,
      %add3A_871 = arith.addf %add3A_866, %get3A_870 : vector<16xf32>
      %add3A_872 = arith.constant 224 : i32
      %add3A_873 = arith.addi %mul3A_186, %add3A_872 : i32
      %get3A_874 = arith.index_cast %add3A_873 : i32 to index
      %get3A_875 = tpu.vector_load %arg8[%get3A_874] {strides = array<i32>} : memref<17920xf32, #tpu.memory_space<vmem>>, vector<16xf32>,
      %add3A_876 = arith.constant 1792 : i32
      %add3A_877 = arith.addi %add3A_876, %add3A_873 : i32
      %get3A_878 = arith.index_cast %add3A_877 : i32 to index
      %get3A_879 = tpu.vector_load %arg8[%get3A_878] {strides = array<i32>} : memref<17920xf32, #tpu.memory_space<vmem>>, vector<16xf32>,
      %add3A_880 = arith.addf %get3A_875, %get3A_879 : vector<16xf32>
      %add3A_881 = arith.constant 3584 : i32
      %add3A_882 = arith.addi %add3A_881, %add3A_873 : i32
      %get3A_883 = arith.index_cast %add3A_882 : i32 to index
      %get3A_884 = tpu.vector_load %arg8[%get3A_883] {strides = array<i32>} : memref<17920xf32, #tpu.memory_space<vmem>>, vector<16xf32>,
      %add3A_885 = arith.addf %add3A_880, %get3A_884 : vector<16xf32>
      %add3A_886 = arith.constant 5376 : i32
      %add3A_887 = arith.addi %add3A_886, %add3A_873 : i32
      %get3A_888 = arith.index_cast %add3A_887 : i32 to index
      %get3A_889 = tpu.vector_load %arg8[%get3A_888] {strides = array<i32>} : memref<17920xf32, #tpu.memory_space<vmem>>, vector<16xf32>,
      %add3A_890 = arith.addf %add3A_885, %get3A_889 : vector<16xf32>
      %add3A_891 = arith.constant 7168 : i32
      %add3A_892 = arith.addi %add3A_891, %add3A_873 : i32
      %get3A_893 = arith.index_cast %add3A_892 : i32 to index
      %get3A_894 = tpu.vector_load %arg8[%get3A_893] {strides = array<i32>} : memref<17920xf32, #tpu.memory_space<vmem>>, vector<16xf32>,
      %add3A_895 = arith.addf %add3A_890, %get3A_894 : vector<16xf32>
      %add3A_896 = arith.constant 8960 : i32
      %add3A_897 = arith.addi %add3A_896, %add3A_873 : i32
      %get3A_898 = arith.index_cast %add3A_897 : i32 to index
      %get3A_899 = tpu.vector_load %arg8[%get3A_898] {strides = array<i32>} : memref<17920xf32, #tpu.memory_space<vmem>>, vector<16xf32>,
      %add3A_900 = arith.addf %add3A_895, %get3A_899 : vector<16xf32>
      %add3A_901 = arith.constant 10752 : i32
      %add3A_902 = arith.addi %add3A_901, %add3A_873 : i32
      %get3A_903 = arith.index_cast %add3A_902 : i32 to index
      %get3A_904 = tpu.vector_load %arg8[%get3A_903] {strides = array<i32>} : memref<17920xf32, #tpu.memory_space<vmem>>, vector<16xf32>,
      %add3A_905 = arith.addf %add3A_900, %get3A_904 : vector<16xf32>
      %add3A_906 = arith.constant 12544 : i32
      %add3A_907 = arith.addi %add3A_906, %add3A_873 : i32
      %get3A_908 = arith.index_cast %add3A_907 : i32 to index
      %get3A_909 = tpu.vector_load %arg8[%get3A_908] {strides = array<i32>} : memref<17920xf32, #tpu.memory_space<vmem>>, vector<16xf32>,
      %add3A_910 = arith.addf %add3A_905, %get3A_909 : vector<16xf32>
      %add3A_911 = arith.constant 14336 : i32
      %add3A_912 = arith.addi %add3A_911, %add3A_873 : i32
      %get3A_913 = arith.index_cast %add3A_912 : i32 to index
      %get3A_914 = tpu.vector_load %arg8[%get3A_913] {strides = array<i32>} : memref<17920xf32, #tpu.memory_space<vmem>>, vector<16xf32>,
      %add3A_915 = arith.addf %add3A_910, %get3A_914 : vector<16xf32>
      %add3A_916 = arith.constant 16128 : i32
      %add3A_917 = arith.addi %add3A_916, %add3A_873 : i32
      %get3A_918 = arith.index_cast %add3A_917 : i32 to index
      %get3A_919 = tpu.vector_load %arg8[%get3A_918] {strides = array<i32>} : memref<17920xf32, #tpu.memory_space<vmem>>, vector<16xf32>,
      %add3A_920 = arith.addf %add3A_915, %get3A_919 : vector<16xf32>
      %add3A_921 = arith.constant 240 : i32
      %add3A_922 = arith.addi %mul3A_186, %add3A_921 : i32
      %get3A_923 = arith.index_cast %add3A_922 : i32 to index
      %get3A_924 = tpu.vector_load %arg8[%get3A_923] {strides = array<i32>} : memref<17920xf32, #tpu.memory_space<vmem>>, vector<16xf32>,
      %add3A_925 = arith.constant 1792 : i32
      %add3A_926 = arith.addi %add3A_925, %add3A_922 : i32
      %get3A_927 = arith.index_cast %add3A_926 : i32 to index
      %get3A_928 = tpu.vector_load %arg8[%get3A_927] {strides = array<i32>} : memref<17920xf32, #tpu.memory_space<vmem>>, vector<16xf32>,
      %add3A_929 = arith.addf %get3A_924, %get3A_928 : vector<16xf32>
      %add3A_930 = arith.constant 3584 : i32
      %add3A_931 = arith.addi %add3A_930, %add3A_922 : i32
      %get3A_932 = arith.index_cast %add3A_931 : i32 to index
      %get3A_933 = tpu.vector_load %arg8[%get3A_932] {strides = array<i32>} : memref<17920xf32, #tpu.memory_space<vmem>>, vector<16xf32>,
      %add3A_934 = arith.addf %add3A_929, %get3A_933 : vector<16xf32>
      %add3A_935 = arith.constant 5376 : i32
      %add3A_936 = arith.addi %add3A_935, %add3A_922 : i32
      %get3A_937 = arith.index_cast %add3A_936 : i32 to index
      %get3A_938 = tpu.vector_load %arg8[%get3A_937] {strides = array<i32>} : memref<17920xf32, #tpu.memory_space<vmem>>, vector<16xf32>,
      %add3A_939 = arith.addf %add3A_934, %get3A_938 : vector<16xf32>
      %add3A_940 = arith.constant 7168 : i32
      %add3A_941 = arith.addi %add3A_940, %add3A_922 : i32
      %get3A_942 = arith.index_cast %add3A_941 : i32 to index
      %get3A_943 = tpu.vector_load %arg8[%get3A_942] {strides = array<i32>} : memref<17920xf32, #tpu.memory_space<vmem>>, vector<16xf32>,
      %add3A_944 = arith.addf %add3A_939, %get3A_943 : vector<16xf32>
      %add3A_945 = arith.constant 8960 : i32
      %add3A_946 = arith.addi %add3A_945, %add3A_922 : i32
      %get3A_947 = arith.index_cast %add3A_946 : i32 to index
      %get3A_948 = tpu.vector_load %arg8[%get3A_947] {strides = array<i32>} : memref<17920xf32, #tpu.memory_space<vmem>>, vector<16xf32>,
      %add3A_949 = arith.addf %add3A_944, %get3A_948 : vector<16xf32>
      %add3A_950 = arith.constant 10752 : i32
      %add3A_951 = arith.addi %add3A_950, %add3A_922 : i32
      %get3A_952 = arith.index_cast %add3A_951 : i32 to index
      %get3A_953 = tpu.vector_load %arg8[%get3A_952] {strides = array<i32>} : memref<17920xf32, #tpu.memory_space<vmem>>, vector<16xf32>,
      %add3A_954 = arith.addf %add3A_949, %get3A_953 : vector<16xf32>
      %add3A_955 = arith.constant 12544 : i32
      %add3A_956 = arith.addi %add3A_955, %add3A_922 : i32
      %get3A_957 = arith.index_cast %add3A_956 : i32 to index
      %get3A_958 = tpu.vector_load %arg8[%get3A_957] {strides = array<i32>} : memref<17920xf32, #tpu.memory_space<vmem>>, vector<16xf32>,
      %add3A_959 = arith.addf %add3A_954, %get3A_958 : vector<16xf32>
      %add3A_960 = arith.constant 14336 : i32
      %add3A_961 = arith.addi %add3A_960, %add3A_922 : i32
      %get3A_962 = arith.index_cast %add3A_961 : i32 to index
      %get3A_963 = tpu.vector_load %arg8[%get3A_962] {strides = array<i32>} : memref<17920xf32, #tpu.memory_space<vmem>>, vector<16xf32>,
      %add3A_964 = arith.addf %add3A_959, %get3A_963 : vector<16xf32>
      %add3A_965 = arith.constant 16128 : i32
      %add3A_966 = arith.addi %add3A_965, %add3A_922 : i32
      %get3A_967 = arith.index_cast %add3A_966 : i32 to index
      %get3A_968 = tpu.vector_load %arg8[%get3A_967] {strides = array<i32>} : memref<17920xf32, #tpu.memory_space<vmem>>, vector<16xf32>,
      %add3A_969 = arith.addf %add3A_964, %get3A_968 : vector<16xf32>
      %max3A = arith.maximumf %add3A_234, %add3A_283 : vector<16xf32>
      %max3A_970 = arith.maximumf %max3A, %add3A_332 : vector<16xf32>
      %max3A_971 = arith.maximumf %max3A_970, %add3A_381 : vector<16xf32>
      %max3A_972 = arith.maximumf %max3A_971, %add3A_430 : vector<16xf32>
      %max3A_973 = arith.maximumf %max3A_972, %add3A_479 : vector<16xf32>
      %max3A_974 = arith.maximumf %max3A_973, %add3A_528 : vector<16xf32>
      %max3A_975 = arith.maximumf %max3A_974, %add3A_577 : vector<16xf32>
      %max3A_976 = arith.maximumf %max3A_975, %add3A_626 : vector<16xf32>
      %max3A_977 = arith.maximumf %max3A_976, %add3A_675 : vector<16xf32>
      %max3A_978 = arith.maximumf %max3A_977, %add3A_724 : vector<16xf32>
      %max3A_979 = arith.maximumf %max3A_978, %add3A_773 : vector<16xf32>
      %max3A_980 = arith.maximumf %max3A_979, %add3A_822 : vector<16xf32>
      %max3A_981 = arith.maximumf %max3A_980, %add3A_871 : vector<16xf32>
      %max3A_982 = arith.maximumf %max3A_981, %add3A_920 : vector<16xf32>
      %max3A_983 = arith.maximumf %max3A_982, %add3A_969 : vector<16xf32>
      %reduce_max3A = arith.constant true
      %reduce_max3A_984 = vector.broadcast %reduce_max3A : i1 to vector<16xi1>
      %reduce_max3A_985 = tpu.scan <max>, %max3A_983 masked %reduce_max3A_984 : vector<16xf32>, vector<16xi1> -> vector<16xf32>
      %reduce_max3A_986 = vector.extract %reduce_max3A_985[15] : f32 from vector<16xf32>
      %eq3A = vector.broadcast %reduce_max3A_986 : f32 to vector<16xf32>
      %eq3A_987 = arith.cmpf oeq, %add3A_234, %eq3A : vector<16xf32>
      %jit3A = arith.constant 256 : i32
      %broadcast_in_dim3A_988 = vector.broadcast %jit3A : i32 to vector<16xi32>
      %select_n3A = arith.select %eq3A_987, %iota3A, %broadcast_in_dim3A_988 : vector<16xi1>, vector<16xi32>
      %eq3A_989 = vector.broadcast %reduce_max3A_986 : f32 to vector<16xf32>
      %eq3A_990 = arith.cmpf oeq, %add3A_283, %eq3A_989 : vector<16xf32>
      %add3A_991 = arith.constant 16 : i32
      %add3A_992 = vector.broadcast %add3A_991 : i32 to vector<16xi32>
      %add3A_993 = arith.addi %iota3A, %add3A_992 : vector<16xi32>
      %jit3A_994 = arith.constant 256 : i32
      %broadcast_in_dim3A_995 = vector.broadcast %jit3A_994 : i32 to vector<16xi32>
      %select_n3A_996 = arith.select %eq3A_990, %add3A_993, %broadcast_in_dim3A_995 : vector<16xi1>, vector<16xi32>
      %min3A = arith.minsi %select_n3A, %select_n3A_996 : vector<16xi32>
      %eq3A_997 = vector.broadcast %reduce_max3A_986 : f32 to vector<16xf32>
      %eq3A_998 = arith.cmpf oeq, %add3A_332, %eq3A_997 : vector<16xf32>
      %add3A_999 = arith.constant 32 : i32
      %add3A_1000 = vector.broadcast %add3A_999 : i32 to vector<16xi32>
      %add3A_1001 = arith.addi %iota3A, %add3A_1000 : vector<16xi32>
      %jit3A_1002 = arith.constant 256 : i32
      %broadcast_in_dim3A_1003 = vector.broadcast %jit3A_1002 : i32 to vector<16xi32>
      %select_n3A_1004 = arith.select %eq3A_998, %add3A_1001, %broadcast_in_dim3A_1003 : vector<16xi1>, vector<16xi32>
      %min3A_1005 = arith.minsi %min3A, %select_n3A_1004 : vector<16xi32>
      %eq3A_1006 = vector.broadcast %reduce_max3A_986 : f32 to vector<16xf32>
      %eq3A_1007 = arith.cmpf oeq, %add3A_381, %eq3A_1006 : vector<16xf32>
      %add3A_1008 = arith.constant 48 : i32
      %add3A_1009 = vector.broadcast %add3A_1008 : i32 to vector<16xi32>
      %add3A_1010 = arith.addi %iota3A, %add3A_1009 : vector<16xi32>
      %jit3A_1011 = arith.constant 256 : i32
      %broadcast_in_dim3A_1012 = vector.broadcast %jit3A_1011 : i32 to vector<16xi32>
      %select_n3A_1013 = arith.select %eq3A_1007, %add3A_1010, %broadcast_in_dim3A_1012 : vector<16xi1>, vector<16xi32>
      %min3A_1014 = arith.minsi %min3A_1005, %select_n3A_1013 : vector<16xi32>
      %eq3A_1015 = vector.broadcast %reduce_max3A_986 : f32 to vector<16xf32>
      %eq3A_1016 = arith.cmpf oeq, %add3A_430, %eq3A_1015 : vector<16xf32>
      %add3A_1017 = arith.constant 64 : i32
      %add3A_1018 = vector.broadcast %add3A_1017 : i32 to vector<16xi32>
      %add3A_1019 = arith.addi %iota3A, %add3A_1018 : vector<16xi32>
      %jit3A_1020 = arith.constant 256 : i32
      %broadcast_in_dim3A_1021 = vector.broadcast %jit3A_1020 : i32 to vector<16xi32>
      %select_n3A_1022 = arith.select %eq3A_1016, %add3A_1019, %broadcast_in_dim3A_1021 : vector<16xi1>, vector<16xi32>
      %min3A_1023 = arith.minsi %min3A_1014, %select_n3A_1022 : vector<16xi32>
      %eq3A_1024 = vector.broadcast %reduce_max3A_986 : f32 to vector<16xf32>
      %eq3A_1025 = arith.cmpf oeq, %add3A_479, %eq3A_1024 : vector<16xf32>
      %add3A_1026 = arith.constant 80 : i32
      %add3A_1027 = vector.broadcast %add3A_1026 : i32 to vector<16xi32>
      %add3A_1028 = arith.addi %iota3A, %add3A_1027 : vector<16xi32>
      %jit3A_1029 = arith.constant 256 : i32
      %broadcast_in_dim3A_1030 = vector.broadcast %jit3A_1029 : i32 to vector<16xi32>
      %select_n3A_1031 = arith.select %eq3A_1025, %add3A_1028, %broadcast_in_dim3A_1030 : vector<16xi1>, vector<16xi32>
      %min3A_1032 = arith.minsi %min3A_1023, %select_n3A_1031 : vector<16xi32>
      %eq3A_1033 = vector.broadcast %reduce_max3A_986 : f32 to vector<16xf32>
      %eq3A_1034 = arith.cmpf oeq, %add3A_528, %eq3A_1033 : vector<16xf32>
      %add3A_1035 = arith.constant 96 : i32
      %add3A_1036 = vector.broadcast %add3A_1035 : i32 to vector<16xi32>
      %add3A_1037 = arith.addi %iota3A, %add3A_1036 : vector<16xi32>
      %jit3A_1038 = arith.constant 256 : i32
      %broadcast_in_dim3A_1039 = vector.broadcast %jit3A_1038 : i32 to vector<16xi32>
      %select_n3A_1040 = arith.select %eq3A_1034, %add3A_1037, %broadcast_in_dim3A_1039 : vector<16xi1>, vector<16xi32>
      %min3A_1041 = arith.minsi %min3A_1032, %select_n3A_1040 : vector<16xi32>
      %eq3A_1042 = vector.broadcast %reduce_max3A_986 : f32 to vector<16xf32>
      %eq3A_1043 = arith.cmpf oeq, %add3A_577, %eq3A_1042 : vector<16xf32>
      %add3A_1044 = arith.constant 112 : i32
      %add3A_1045 = vector.broadcast %add3A_1044 : i32 to vector<16xi32>
      %add3A_1046 = arith.addi %iota3A, %add3A_1045 : vector<16xi32>
      %jit3A_1047 = arith.constant 256 : i32
      %broadcast_in_dim3A_1048 = vector.broadcast %jit3A_1047 : i32 to vector<16xi32>
      %select_n3A_1049 = arith.select %eq3A_1043, %add3A_1046, %broadcast_in_dim3A_1048 : vector<16xi1>, vector<16xi32>
      %min3A_1050 = arith.minsi %min3A_1041, %select_n3A_1049 : vector<16xi32>
      %eq3A_1051 = vector.broadcast %reduce_max3A_986 : f32 to vector<16xf32>
      %eq3A_1052 = arith.cmpf oeq, %add3A_626, %eq3A_1051 : vector<16xf32>
      %add3A_1053 = arith.constant 128 : i32
      %add3A_1054 = vector.broadcast %add3A_1053 : i32 to vector<16xi32>
      %add3A_1055 = arith.addi %iota3A, %add3A_1054 : vector<16xi32>
      %jit3A_1056 = arith.constant 256 : i32
      %broadcast_in_dim3A_1057 = vector.broadcast %jit3A_1056 : i32 to vector<16xi32>
      %select_n3A_1058 = arith.select %eq3A_1052, %add3A_1055, %broadcast_in_dim3A_1057 : vector<16xi1>, vector<16xi32>
      %min3A_1059 = arith.minsi %min3A_1050, %select_n3A_1058 : vector<16xi32>
      %eq3A_1060 = vector.broadcast %reduce_max3A_986 : f32 to vector<16xf32>
      %eq3A_1061 = arith.cmpf oeq, %add3A_675, %eq3A_1060 : vector<16xf32>
      %add3A_1062 = arith.constant 144 : i32
      %add3A_1063 = vector.broadcast %add3A_1062 : i32 to vector<16xi32>
      %add3A_1064 = arith.addi %iota3A, %add3A_1063 : vector<16xi32>
      %jit3A_1065 = arith.constant 256 : i32
      %broadcast_in_dim3A_1066 = vector.broadcast %jit3A_1065 : i32 to vector<16xi32>
      %select_n3A_1067 = arith.select %eq3A_1061, %add3A_1064, %broadcast_in_dim3A_1066 : vector<16xi1>, vector<16xi32>
      %min3A_1068 = arith.minsi %min3A_1059, %select_n3A_1067 : vector<16xi32>
      %eq3A_1069 = vector.broadcast %reduce_max3A_986 : f32 to vector<16xf32>
      %eq3A_1070 = arith.cmpf oeq, %add3A_724, %eq3A_1069 : vector<16xf32>
      %add3A_1071 = arith.constant 160 : i32
      %add3A_1072 = vector.broadcast %add3A_1071 : i32 to vector<16xi32>
      %add3A_1073 = arith.addi %iota3A, %add3A_1072 : vector<16xi32>
      %jit3A_1074 = arith.constant 256 : i32
      %broadcast_in_dim3A_1075 = vector.broadcast %jit3A_1074 : i32 to vector<16xi32>
      %select_n3A_1076 = arith.select %eq3A_1070, %add3A_1073, %broadcast_in_dim3A_1075 : vector<16xi1>, vector<16xi32>
      %min3A_1077 = arith.minsi %min3A_1068, %select_n3A_1076 : vector<16xi32>
      %eq3A_1078 = vector.broadcast %reduce_max3A_986 : f32 to vector<16xf32>
      %eq3A_1079 = arith.cmpf oeq, %add3A_773, %eq3A_1078 : vector<16xf32>
      %add3A_1080 = arith.constant 176 : i32
      %add3A_1081 = vector.broadcast %add3A_1080 : i32 to vector<16xi32>
      %add3A_1082 = arith.addi %iota3A, %add3A_1081 : vector<16xi32>
      %jit3A_1083 = arith.constant 256 : i32
      %broadcast_in_dim3A_1084 = vector.broadcast %jit3A_1083 : i32 to vector<16xi32>
      %select_n3A_1085 = arith.select %eq3A_1079, %add3A_1082, %broadcast_in_dim3A_1084 : vector<16xi1>, vector<16xi32>
      %min3A_1086 = arith.minsi %min3A_1077, %select_n3A_1085 : vector<16xi32>
      %eq3A_1087 = vector.broadcast %reduce_max3A_986 : f32 to vector<16xf32>
      %eq3A_1088 = arith.cmpf oeq, %add3A_822, %eq3A_1087 : vector<16xf32>
      %add3A_1089 = arith.constant 192 : i32
      %add3A_1090 = vector.broadcast %add3A_1089 : i32 to vector<16xi32>
      %add3A_1091 = arith.addi %iota3A, %add3A_1090 : vector<16xi32>
      %jit3A_1092 = arith.constant 256 : i32
      %broadcast_in_dim3A_1093 = vector.broadcast %jit3A_1092 : i32 to vector<16xi32>
      %select_n3A_1094 = arith.select %eq3A_1088, %add3A_1091, %broadcast_in_dim3A_1093 : vector<16xi1>, vector<16xi32>
      %min3A_1095 = arith.minsi %min3A_1086, %select_n3A_1094 : vector<16xi32>
      %eq3A_1096 = vector.broadcast %reduce_max3A_986 : f32 to vector<16xf32>
      %eq3A_1097 = arith.cmpf oeq, %add3A_871, %eq3A_1096 : vector<16xf32>
      %add3A_1098 = arith.constant 208 : i32
      %add3A_1099 = vector.broadcast %add3A_1098 : i32 to vector<16xi32>
      %add3A_1100 = arith.addi %iota3A, %add3A_1099 : vector<16xi32>
      %jit3A_1101 = arith.constant 256 : i32
      %broadcast_in_dim3A_1102 = vector.broadcast %jit3A_1101 : i32 to vector<16xi32>
      %select_n3A_1103 = arith.select %eq3A_1097, %add3A_1100, %broadcast_in_dim3A_1102 : vector<16xi1>, vector<16xi32>
      %min3A_1104 = arith.minsi %min3A_1095, %select_n3A_1103 : vector<16xi32>
      %eq3A_1105 = vector.broadcast %reduce_max3A_986 : f32 to vector<16xf32>
      %eq3A_1106 = arith.cmpf oeq, %add3A_920, %eq3A_1105 : vector<16xf32>
      %add3A_1107 = arith.constant 224 : i32
      %add3A_1108 = vector.broadcast %add3A_1107 : i32 to vector<16xi32>
      %add3A_1109 = arith.addi %iota3A, %add3A_1108 : vector<16xi32>
      %jit3A_1110 = arith.constant 256 : i32
      %broadcast_in_dim3A_1111 = vector.broadcast %jit3A_1110 : i32 to vector<16xi32>
      %select_n3A_1112 = arith.select %eq3A_1106, %add3A_1109, %broadcast_in_dim3A_1111 : vector<16xi1>, vector<16xi32>
      %min3A_1113 = arith.minsi %min3A_1104, %select_n3A_1112 : vector<16xi32>
      %eq3A_1114 = vector.broadcast %reduce_max3A_986 : f32 to vector<16xf32>
      %eq3A_1115 = arith.cmpf oeq, %add3A_969, %eq3A_1114 : vector<16xf32>
      %add3A_1116 = arith.constant 240 : i32
      %add3A_1117 = vector.broadcast %add3A_1116 : i32 to vector<16xi32>
      %add3A_1118 = arith.addi %iota3A, %add3A_1117 : vector<16xi32>
      %jit3A_1119 = arith.constant 256 : i32
      %broadcast_in_dim3A_1120 = vector.broadcast %jit3A_1119 : i32 to vector<16xi32>
      %select_n3A_1121 = arith.select %eq3A_1115, %add3A_1118, %broadcast_in_dim3A_1120 : vector<16xi1>, vector<16xi32>
      %min3A_1122 = arith.minsi %min3A_1113, %select_n3A_1121 : vector<16xi32>
      %reduce_min3A = arith.constant true
      %reduce_min3A_1123 = vector.broadcast %reduce_min3A : i1 to vector<16xi1>
      %reduce_min3A_1124 = arith.constant -2147483648 : i32
      %reduce_min3A_1125 = vector.broadcast %reduce_min3A_1124 : i32 to vector<16xi32>
      %reduce_min3A_1126 = arith.xori %min3A_1122, %reduce_min3A_1125 : vector<16xi32>
      %reduce_min3A_1127 = tpu.scan <min>, %reduce_min3A_1126 masked %reduce_min3A_1123 : vector<16xi32>, vector<16xi1> -> vector<16xi32>
      %reduce_min3A_1128 = arith.xori %reduce_min3A_1127, %reduce_min3A_1125 : vector<16xi32>
      %reduce_min3A_1129 = vector.extract %reduce_min3A_1128[15] : i32 from vector<16xi32>
      %mul3A_1130 = arith.constant 16 : i32
      %mul3A_1131 = arith.muli %scan3A_183, %mul3A_1130 : i32
      %add3A_1132 = arith.constant 0 : i32
      %add3A_1133 = arith.addi %mul3A_1131, %add3A_1132 : i32
      %swap3A_1134 = arith.index_cast %add3A_1133 : i32 to index
      %swap3A_1135 = memref.load %arg13[%swap3A_1134] : memref<112xi32, #tpu.memory_space<smem>>
      memref.store %reduce_min3A_1129, %arg13[%swap3A_1134] : memref<112xi32, #tpu.memory_space<smem>>
      %add3A_1136 = arith.constant 0 : i32
      %add3A_1137 = vector.broadcast %add3A_1136 : i32 to vector<16xi32>
      %add3A_1138 = arith.addi %iota3A, %add3A_1137 : vector<16xi32>
      %eq3A_1139 = vector.broadcast %reduce_min3A_1129 : i32 to vector<16xi32>
      %eq3A_1140 = arith.cmpi eq, %add3A_1138, %eq3A_1139 : vector<16xi32>
      %jit3A_1141 = arith.constant -3.000000e+38 : f32
      %broadcast_in_dim3A_1142 = vector.broadcast %jit3A_1141 : f32 to vector<16xf32>
      %select_n3A_1143 = arith.select %eq3A_1140, %broadcast_in_dim3A_1142, %add3A_234 : vector<16xi1>, vector<16xf32>
      %add3A_1144 = arith.constant 16 : i32
      %add3A_1145 = vector.broadcast %add3A_1144 : i32 to vector<16xi32>
      %add3A_1146 = arith.addi %iota3A, %add3A_1145 : vector<16xi32>
      %eq3A_1147 = vector.broadcast %reduce_min3A_1129 : i32 to vector<16xi32>
      %eq3A_1148 = arith.cmpi eq, %add3A_1146, %eq3A_1147 : vector<16xi32>
      %jit3A_1149 = arith.constant -3.000000e+38 : f32
      %broadcast_in_dim3A_1150 = vector.broadcast %jit3A_1149 : f32 to vector<16xf32>
      %select_n3A_1151 = arith.select %eq3A_1148, %broadcast_in_dim3A_1150, %add3A_283 : vector<16xi1>, vector<16xf32>
      %add3A_1152 = arith.constant 32 : i32
      %add3A_1153 = vector.broadcast %add3A_1152 : i32 to vector<16xi32>
      %add3A_1154 = arith.addi %iota3A, %add3A_1153 : vector<16xi32>
      %eq3A_1155 = vector.broadcast %reduce_min3A_1129 : i32 to vector<16xi32>
      %eq3A_1156 = arith.cmpi eq, %add3A_1154, %eq3A_1155 : vector<16xi32>
      %jit3A_1157 = arith.constant -3.000000e+38 : f32
      %broadcast_in_dim3A_1158 = vector.broadcast %jit3A_1157 : f32 to vector<16xf32>
      %select_n3A_1159 = arith.select %eq3A_1156, %broadcast_in_dim3A_1158, %add3A_332 : vector<16xi1>, vector<16xf32>
      %add3A_1160 = arith.constant 48 : i32
      %add3A_1161 = vector.broadcast %add3A_1160 : i32 to vector<16xi32>
      %add3A_1162 = arith.addi %iota3A, %add3A_1161 : vector<16xi32>
      %eq3A_1163 = vector.broadcast %reduce_min3A_1129 : i32 to vector<16xi32>
      %eq3A_1164 = arith.cmpi eq, %add3A_1162, %eq3A_1163 : vector<16xi32>
      %jit3A_1165 = arith.constant -3.000000e+38 : f32
      %broadcast_in_dim3A_1166 = vector.broadcast %jit3A_1165 : f32 to vector<16xf32>
      %select_n3A_1167 = arith.select %eq3A_1164, %broadcast_in_dim3A_1166, %add3A_381 : vector<16xi1>, vector<16xf32>
      %add3A_1168 = arith.constant 64 : i32
      %add3A_1169 = vector.broadcast %add3A_1168 : i32 to vector<16xi32>
      %add3A_1170 = arith.addi %iota3A, %add3A_1169 : vector<16xi32>
      %eq3A_1171 = vector.broadcast %reduce_min3A_1129 : i32 to vector<16xi32>
      %eq3A_1172 = arith.cmpi eq, %add3A_1170, %eq3A_1171 : vector<16xi32>
      %jit3A_1173 = arith.constant -3.000000e+38 : f32
      %broadcast_in_dim3A_1174 = vector.broadcast %jit3A_1173 : f32 to vector<16xf32>
      %select_n3A_1175 = arith.select %eq3A_1172, %broadcast_in_dim3A_1174, %add3A_430 : vector<16xi1>, vector<16xf32>
      %add3A_1176 = arith.constant 80 : i32
      %add3A_1177 = vector.broadcast %add3A_1176 : i32 to vector<16xi32>
      %add3A_1178 = arith.addi %iota3A, %add3A_1177 : vector<16xi32>
      %eq3A_1179 = vector.broadcast %reduce_min3A_1129 : i32 to vector<16xi32>
      %eq3A_1180 = arith.cmpi eq, %add3A_1178, %eq3A_1179 : vector<16xi32>
      %jit3A_1181 = arith.constant -3.000000e+38 : f32
      %broadcast_in_dim3A_1182 = vector.broadcast %jit3A_1181 : f32 to vector<16xf32>
      %select_n3A_1183 = arith.select %eq3A_1180, %broadcast_in_dim3A_1182, %add3A_479 : vector<16xi1>, vector<16xf32>
      %add3A_1184 = arith.constant 96 : i32
      %add3A_1185 = vector.broadcast %add3A_1184 : i32 to vector<16xi32>
      %add3A_1186 = arith.addi %iota3A, %add3A_1185 : vector<16xi32>
      %eq3A_1187 = vector.broadcast %reduce_min3A_1129 : i32 to vector<16xi32>
      %eq3A_1188 = arith.cmpi eq, %add3A_1186, %eq3A_1187 : vector<16xi32>
      %jit3A_1189 = arith.constant -3.000000e+38 : f32
      %broadcast_in_dim3A_1190 = vector.broadcast %jit3A_1189 : f32 to vector<16xf32>
      %select_n3A_1191 = arith.select %eq3A_1188, %broadcast_in_dim3A_1190, %add3A_528 : vector<16xi1>, vector<16xf32>
      %add3A_1192 = arith.constant 112 : i32
      %add3A_1193 = vector.broadcast %add3A_1192 : i32 to vector<16xi32>
      %add3A_1194 = arith.addi %iota3A, %add3A_1193 : vector<16xi32>
      %eq3A_1195 = vector.broadcast %reduce_min3A_1129 : i32 to vector<16xi32>
      %eq3A_1196 = arith.cmpi eq, %add3A_1194, %eq3A_1195 : vector<16xi32>
      %jit3A_1197 = arith.constant -3.000000e+38 : f32
      %broadcast_in_dim3A_1198 = vector.broadcast %jit3A_1197 : f32 to vector<16xf32>
      %select_n3A_1199 = arith.select %eq3A_1196, %broadcast_in_dim3A_1198, %add3A_577 : vector<16xi1>, vector<16xf32>
      %add3A_1200 = arith.constant 128 : i32
      %add3A_1201 = vector.broadcast %add3A_1200 : i32 to vector<16xi32>
      %add3A_1202 = arith.addi %iota3A, %add3A_1201 : vector<16xi32>
      %eq3A_1203 = vector.broadcast %reduce_min3A_1129 : i32 to vector<16xi32>
      %eq3A_1204 = arith.cmpi eq, %add3A_1202, %eq3A_1203 : vector<16xi32>
      %jit3A_1205 = arith.constant -3.000000e+38 : f32
      %broadcast_in_dim3A_1206 = vector.broadcast %jit3A_1205 : f32 to vector<16xf32>
      %select_n3A_1207 = arith.select %eq3A_1204, %broadcast_in_dim3A_1206, %add3A_626 : vector<16xi1>, vector<16xf32>
      %add3A_1208 = arith.constant 144 : i32
      %add3A_1209 = vector.broadcast %add3A_1208 : i32 to vector<16xi32>
      %add3A_1210 = arith.addi %iota3A, %add3A_1209 : vector<16xi32>
      %eq3A_1211 = vector.broadcast %reduce_min3A_1129 : i32 to vector<16xi32>
      %eq3A_1212 = arith.cmpi eq, %add3A_1210, %eq3A_1211 : vector<16xi32>
      %jit3A_1213 = arith.constant -3.000000e+38 : f32
      %broadcast_in_dim3A_1214 = vector.broadcast %jit3A_1213 : f32 to vector<16xf32>
      %select_n3A_1215 = arith.select %eq3A_1212, %broadcast_in_dim3A_1214, %add3A_675 : vector<16xi1>, vector<16xf32>
      %add3A_1216 = arith.constant 160 : i32
      %add3A_1217 = vector.broadcast %add3A_1216 : i32 to vector<16xi32>
      %add3A_1218 = arith.addi %iota3A, %add3A_1217 : vector<16xi32>
      %eq3A_1219 = vector.broadcast %reduce_min3A_1129 : i32 to vector<16xi32>
      %eq3A_1220 = arith.cmpi eq, %add3A_1218, %eq3A_1219 : vector<16xi32>
      %jit3A_1221 = arith.constant -3.000000e+38 : f32
      %broadcast_in_dim3A_1222 = vector.broadcast %jit3A_1221 : f32 to vector<16xf32>
      %select_n3A_1223 = arith.select %eq3A_1220, %broadcast_in_dim3A_1222, %add3A_724 : vector<16xi1>, vector<16xf32>
      %add3A_1224 = arith.constant 176 : i32
      %add3A_1225 = vector.broadcast %add3A_1224 : i32 to vector<16xi32>
      %add3A_1226 = arith.addi %iota3A, %add3A_1225 : vector<16xi32>
      %eq3A_1227 = vector.broadcast %reduce_min3A_1129 : i32 to vector<16xi32>
      %eq3A_1228 = arith.cmpi eq, %add3A_1226, %eq3A_1227 : vector<16xi32>
      %jit3A_1229 = arith.constant -3.000000e+38 : f32
      %broadcast_in_dim3A_1230 = vector.broadcast %jit3A_1229 : f32 to vector<16xf32>
      %select_n3A_1231 = arith.select %eq3A_1228, %broadcast_in_dim3A_1230, %add3A_773 : vector<16xi1>, vector<16xf32>
      %add3A_1232 = arith.constant 192 : i32
      %add3A_1233 = vector.broadcast %add3A_1232 : i32 to vector<16xi32>
      %add3A_1234 = arith.addi %iota3A, %add3A_1233 : vector<16xi32>
      %eq3A_1235 = vector.broadcast %reduce_min3A_1129 : i32 to vector<16xi32>
      %eq3A_1236 = arith.cmpi eq, %add3A_1234, %eq3A_1235 : vector<16xi32>
      %jit3A_1237 = arith.constant -3.000000e+38 : f32
      %broadcast_in_dim3A_1238 = vector.broadcast %jit3A_1237 : f32 to vector<16xf32>
      %select_n3A_1239 = arith.select %eq3A_1236, %broadcast_in_dim3A_1238, %add3A_822 : vector<16xi1>, vector<16xf32>
      %add3A_1240 = arith.constant 208 : i32
      %add3A_1241 = vector.broadcast %add3A_1240 : i32 to vector<16xi32>
      %add3A_1242 = arith.addi %iota3A, %add3A_1241 : vector<16xi32>
      %eq3A_1243 = vector.broadcast %reduce_min3A_1129 : i32 to vector<16xi32>
      %eq3A_1244 = arith.cmpi eq, %add3A_1242, %eq3A_1243 : vector<16xi32>
      %jit3A_1245 = arith.constant -3.000000e+38 : f32
      %broadcast_in_dim3A_1246 = vector.broadcast %jit3A_1245 : f32 to vector<16xf32>
      %select_n3A_1247 = arith.select %eq3A_1244, %broadcast_in_dim3A_1246, %add3A_871 : vector<16xi1>, vector<16xf32>
      %add3A_1248 = arith.constant 224 : i32
      %add3A_1249 = vector.broadcast %add3A_1248 : i32 to vector<16xi32>
      %add3A_1250 = arith.addi %iota3A, %add3A_1249 : vector<16xi32>
      %eq3A_1251 = vector.broadcast %reduce_min3A_1129 : i32 to vector<16xi32>
      %eq3A_1252 = arith.cmpi eq, %add3A_1250, %eq3A_1251 : vector<16xi32>
      %jit3A_1253 = arith.constant -3.000000e+38 : f32
      %broadcast_in_dim3A_1254 = vector.broadcast %jit3A_1253 : f32 to vector<16xf32>
      %select_n3A_1255 = arith.select %eq3A_1252, %broadcast_in_dim3A_1254, %add3A_920 : vector<16xi1>, vector<16xf32>
      %add3A_1256 = arith.constant 240 : i32
      %add3A_1257 = vector.broadcast %add3A_1256 : i32 to vector<16xi32>
      %add3A_1258 = arith.addi %iota3A, %add3A_1257 : vector<16xi32>
      %eq3A_1259 = vector.broadcast %reduce_min3A_1129 : i32 to vector<16xi32>
      %eq3A_1260 = arith.cmpi eq, %add3A_1258, %eq3A_1259 : vector<16xi32>
      %jit3A_1261 = arith.constant -3.000000e+38 : f32
      %broadcast_in_dim3A_1262 = vector.broadcast %jit3A_1261 : f32 to vector<16xf32>
      %select_n3A_1263 = arith.select %eq3A_1260, %broadcast_in_dim3A_1262, %add3A_969 : vector<16xi1>, vector<16xf32>
      %max3A_1264 = arith.maximumf %select_n3A_1143, %select_n3A_1151 : vector<16xf32>
      %max3A_1265 = arith.maximumf %max3A_1264, %select_n3A_1159 : vector<16xf32>
      %max3A_1266 = arith.maximumf %max3A_1265, %select_n3A_1167 : vector<16xf32>
      %max3A_1267 = arith.maximumf %max3A_1266, %select_n3A_1175 : vector<16xf32>
      %max3A_1268 = arith.maximumf %max3A_1267, %select_n3A_1183 : vector<16xf32>
      %max3A_1269 = arith.maximumf %max3A_1268, %select_n3A_1191 : vector<16xf32>
      %max3A_1270 = arith.maximumf %max3A_1269, %select_n3A_1199 : vector<16xf32>
      %max3A_1271 = arith.maximumf %max3A_1270, %select_n3A_1207 : vector<16xf32>
      %max3A_1272 = arith.maximumf %max3A_1271, %select_n3A_1215 : vector<16xf32>
      %max3A_1273 = arith.maximumf %max3A_1272, %select_n3A_1223 : vector<16xf32>
      %max3A_1274 = arith.maximumf %max3A_1273, %select_n3A_1231 : vector<16xf32>
      %max3A_1275 = arith.maximumf %max3A_1274, %select_n3A_1239 : vector<16xf32>
      %max3A_1276 = arith.maximumf %max3A_1275, %select_n3A_1247 : vector<16xf32>
      %max3A_1277 = arith.maximumf %max3A_1276, %select_n3A_1255 : vector<16xf32>
      %max3A_1278 = arith.maximumf %max3A_1277, %select_n3A_1263 : vector<16xf32>
      %reduce_max3A_1279 = arith.constant true
      %reduce_max3A_1280 = vector.broadcast %reduce_max3A_1279 : i1 to vector<16xi1>
      %reduce_max3A_1281 = tpu.scan <max>, %max3A_1278 masked %reduce_max3A_1280 : vector<16xf32>, vector<16xi1> -> vector<16xf32>
      %reduce_max3A_1282 = vector.extract %reduce_max3A_1281[15] : f32 from vector<16xf32>
      %eq3A_1283 = vector.broadcast %reduce_max3A_1282 : f32 to vector<16xf32>
      %eq3A_1284 = arith.cmpf oeq, %select_n3A_1143, %eq3A_1283 : vector<16xf32>
      %jit3A_1285 = arith.constant 256 : i32
      %broadcast_in_dim3A_1286 = vector.broadcast %jit3A_1285 : i32 to vector<16xi32>
      %select_n3A_1287 = arith.select %eq3A_1284, %iota3A, %broadcast_in_dim3A_1286 : vector<16xi1>, vector<16xi32>
      %eq3A_1288 = vector.broadcast %reduce_max3A_1282 : f32 to vector<16xf32>
      %eq3A_1289 = arith.cmpf oeq, %select_n3A_1151, %eq3A_1288 : vector<16xf32>
      %add3A_1290 = arith.constant 16 : i32
      %add3A_1291 = vector.broadcast %add3A_1290 : i32 to vector<16xi32>
      %add3A_1292 = arith.addi %iota3A, %add3A_1291 : vector<16xi32>
      %jit3A_1293 = arith.constant 256 : i32
      %broadcast_in_dim3A_1294 = vector.broadcast %jit3A_1293 : i32 to vector<16xi32>
      %select_n3A_1295 = arith.select %eq3A_1289, %add3A_1292, %broadcast_in_dim3A_1294 : vector<16xi1>, vector<16xi32>
      %min3A_1296 = arith.minsi %select_n3A_1287, %select_n3A_1295 : vector<16xi32>
      %eq3A_1297 = vector.broadcast %reduce_max3A_1282 : f32 to vector<16xf32>
      %eq3A_1298 = arith.cmpf oeq, %select_n3A_1159, %eq3A_1297 : vector<16xf32>
      %add3A_1299 = arith.constant 32 : i32
      %add3A_1300 = vector.broadcast %add3A_1299 : i32 to vector<16xi32>
      %add3A_1301 = arith.addi %iota3A, %add3A_1300 : vector<16xi32>
      %jit3A_1302 = arith.constant 256 : i32
      %broadcast_in_dim3A_1303 = vector.broadcast %jit3A_1302 : i32 to vector<16xi32>
      %select_n3A_1304 = arith.select %eq3A_1298, %add3A_1301, %broadcast_in_dim3A_1303 : vector<16xi1>, vector<16xi32>
      %min3A_1305 = arith.minsi %min3A_1296, %select_n3A_1304 : vector<16xi32>
      %eq3A_1306 = vector.broadcast %reduce_max3A_1282 : f32 to vector<16xf32>
      %eq3A_1307 = arith.cmpf oeq, %select_n3A_1167, %eq3A_1306 : vector<16xf32>
      %add3A_1308 = arith.constant 48 : i32
      %add3A_1309 = vector.broadcast %add3A_1308 : i32 to vector<16xi32>
      %add3A_1310 = arith.addi %iota3A, %add3A_1309 : vector<16xi32>
      %jit3A_1311 = arith.constant 256 : i32
      %broadcast_in_dim3A_1312 = vector.broadcast %jit3A_1311 : i32 to vector<16xi32>
      %select_n3A_1313 = arith.select %eq3A_1307, %add3A_1310, %broadcast_in_dim3A_1312 : vector<16xi1>, vector<16xi32>
      %min3A_1314 = arith.minsi %min3A_1305, %select_n3A_1313 : vector<16xi32>
      %eq3A_1315 = vector.broadcast %reduce_max3A_1282 : f32 to vector<16xf32>
      %eq3A_1316 = arith.cmpf oeq, %select_n3A_1175, %eq3A_1315 : vector<16xf32>
      %add3A_1317 = arith.constant 64 : i32
      %add3A_1318 = vector.broadcast %add3A_1317 : i32 to vector<16xi32>
      %add3A_1319 = arith.addi %iota3A, %add3A_1318 : vector<16xi32>
      %jit3A_1320 = arith.constant 256 : i32
      %broadcast_in_dim3A_1321 = vector.broadcast %jit3A_1320 : i32 to vector<16xi32>
      %select_n3A_1322 = arith.select %eq3A_1316, %add3A_1319, %broadcast_in_dim3A_1321 : vector<16xi1>, vector<16xi32>
      %min3A_1323 = arith.minsi %min3A_1314, %select_n3A_1322 : vector<16xi32>
      %eq3A_1324 = vector.broadcast %reduce_max3A_1282 : f32 to vector<16xf32>
      %eq3A_1325 = arith.cmpf oeq, %select_n3A_1183, %eq3A_1324 : vector<16xf32>
      %add3A_1326 = arith.constant 80 : i32
      %add3A_1327 = vector.broadcast %add3A_1326 : i32 to vector<16xi32>
      %add3A_1328 = arith.addi %iota3A, %add3A_1327 : vector<16xi32>
      %jit3A_1329 = arith.constant 256 : i32
      %broadcast_in_dim3A_1330 = vector.broadcast %jit3A_1329 : i32 to vector<16xi32>
      %select_n3A_1331 = arith.select %eq3A_1325, %add3A_1328, %broadcast_in_dim3A_1330 : vector<16xi1>, vector<16xi32>
      %min3A_1332 = arith.minsi %min3A_1323, %select_n3A_1331 : vector<16xi32>
      %eq3A_1333 = vector.broadcast %reduce_max3A_1282 : f32 to vector<16xf32>
      %eq3A_1334 = arith.cmpf oeq, %select_n3A_1191, %eq3A_1333 : vector<16xf32>
      %add3A_1335 = arith.constant 96 : i32
      %add3A_1336 = vector.broadcast %add3A_1335 : i32 to vector<16xi32>
      %add3A_1337 = arith.addi %iota3A, %add3A_1336 : vector<16xi32>
      %jit3A_1338 = arith.constant 256 : i32
      %broadcast_in_dim3A_1339 = vector.broadcast %jit3A_1338 : i32 to vector<16xi32>
      %select_n3A_1340 = arith.select %eq3A_1334, %add3A_1337, %broadcast_in_dim3A_1339 : vector<16xi1>, vector<16xi32>
      %min3A_1341 = arith.minsi %min3A_1332, %select_n3A_1340 : vector<16xi32>
      %eq3A_1342 = vector.broadcast %reduce_max3A_1282 : f32 to vector<16xf32>
      %eq3A_1343 = arith.cmpf oeq, %select_n3A_1199, %eq3A_1342 : vector<16xf32>
      %add3A_1344 = arith.constant 112 : i32
      %add3A_1345 = vector.broadcast %add3A_1344 : i32 to vector<16xi32>
      %add3A_1346 = arith.addi %iota3A, %add3A_1345 : vector<16xi32>
      %jit3A_1347 = arith.constant 256 : i32
      %broadcast_in_dim3A_1348 = vector.broadcast %jit3A_1347 : i32 to vector<16xi32>
      %select_n3A_1349 = arith.select %eq3A_1343, %add3A_1346, %broadcast_in_dim3A_1348 : vector<16xi1>, vector<16xi32>
      %min3A_1350 = arith.minsi %min3A_1341, %select_n3A_1349 : vector<16xi32>
      %eq3A_1351 = vector.broadcast %reduce_max3A_1282 : f32 to vector<16xf32>
      %eq3A_1352 = arith.cmpf oeq, %select_n3A_1207, %eq3A_1351 : vector<16xf32>
      %add3A_1353 = arith.constant 128 : i32
      %add3A_1354 = vector.broadcast %add3A_1353 : i32 to vector<16xi32>
      %add3A_1355 = arith.addi %iota3A, %add3A_1354 : vector<16xi32>
      %jit3A_1356 = arith.constant 256 : i32
      %broadcast_in_dim3A_1357 = vector.broadcast %jit3A_1356 : i32 to vector<16xi32>
      %select_n3A_1358 = arith.select %eq3A_1352, %add3A_1355, %broadcast_in_dim3A_1357 : vector<16xi1>, vector<16xi32>
      %min3A_1359 = arith.minsi %min3A_1350, %select_n3A_1358 : vector<16xi32>
      %eq3A_1360 = vector.broadcast %reduce_max3A_1282 : f32 to vector<16xf32>
      %eq3A_1361 = arith.cmpf oeq, %select_n3A_1215, %eq3A_1360 : vector<16xf32>
      %add3A_1362 = arith.constant 144 : i32
      %add3A_1363 = vector.broadcast %add3A_1362 : i32 to vector<16xi32>
      %add3A_1364 = arith.addi %iota3A, %add3A_1363 : vector<16xi32>
      %jit3A_1365 = arith.constant 256 : i32
      %broadcast_in_dim3A_1366 = vector.broadcast %jit3A_1365 : i32 to vector<16xi32>
      %select_n3A_1367 = arith.select %eq3A_1361, %add3A_1364, %broadcast_in_dim3A_1366 : vector<16xi1>, vector<16xi32>
      %min3A_1368 = arith.minsi %min3A_1359, %select_n3A_1367 : vector<16xi32>
      %eq3A_1369 = vector.broadcast %reduce_max3A_1282 : f32 to vector<16xf32>
      %eq3A_1370 = arith.cmpf oeq, %select_n3A_1223, %eq3A_1369 : vector<16xf32>
      %add3A_1371 = arith.constant 160 : i32
      %add3A_1372 = vector.broadcast %add3A_1371 : i32 to vector<16xi32>
      %add3A_1373 = arith.addi %iota3A, %add3A_1372 : vector<16xi32>
      %jit3A_1374 = arith.constant 256 : i32
      %broadcast_in_dim3A_1375 = vector.broadcast %jit3A_1374 : i32 to vector<16xi32>
      %select_n3A_1376 = arith.select %eq3A_1370, %add3A_1373, %broadcast_in_dim3A_1375 : vector<16xi1>, vector<16xi32>
      %min3A_1377 = arith.minsi %min3A_1368, %select_n3A_1376 : vector<16xi32>
      %eq3A_1378 = vector.broadcast %reduce_max3A_1282 : f32 to vector<16xf32>
      %eq3A_1379 = arith.cmpf oeq, %select_n3A_1231, %eq3A_1378 : vector<16xf32>
      %add3A_1380 = arith.constant 176 : i32
      %add3A_1381 = vector.broadcast %add3A_1380 : i32 to vector<16xi32>
      %add3A_1382 = arith.addi %iota3A, %add3A_1381 : vector<16xi32>
      %jit3A_1383 = arith.constant 256 : i32
      %broadcast_in_dim3A_1384 = vector.broadcast %jit3A_1383 : i32 to vector<16xi32>
      %select_n3A_1385 = arith.select %eq3A_1379, %add3A_1382, %broadcast_in_dim3A_1384 : vector<16xi1>, vector<16xi32>
      %min3A_1386 = arith.minsi %min3A_1377, %select_n3A_1385 : vector<16xi32>
      %eq3A_1387 = vector.broadcast %reduce_max3A_1282 : f32 to vector<16xf32>
      %eq3A_1388 = arith.cmpf oeq, %select_n3A_1239, %eq3A_1387 : vector<16xf32>
      %add3A_1389 = arith.constant 192 : i32
      %add3A_1390 = vector.broadcast %add3A_1389 : i32 to vector<16xi32>
      %add3A_1391 = arith.addi %iota3A, %add3A_1390 : vector<16xi32>
      %jit3A_1392 = arith.constant 256 : i32
      %broadcast_in_dim3A_1393 = vector.broadcast %jit3A_1392 : i32 to vector<16xi32>
      %select_n3A_1394 = arith.select %eq3A_1388, %add3A_1391, %broadcast_in_dim3A_1393 : vector<16xi1>, vector<16xi32>
      %min3A_1395 = arith.minsi %min3A_1386, %select_n3A_1394 : vector<16xi32>
      %eq3A_1396 = vector.broadcast %reduce_max3A_1282 : f32 to vector<16xf32>
      %eq3A_1397 = arith.cmpf oeq, %select_n3A_1247, %eq3A_1396 : vector<16xf32>
      %add3A_1398 = arith.constant 208 : i32
      %add3A_1399 = vector.broadcast %add3A_1398 : i32 to vector<16xi32>
      %add3A_1400 = arith.addi %iota3A, %add3A_1399 : vector<16xi32>
      %jit3A_1401 = arith.constant 256 : i32
      %broadcast_in_dim3A_1402 = vector.broadcast %jit3A_1401 : i32 to vector<16xi32>
      %select_n3A_1403 = arith.select %eq3A_1397, %add3A_1400, %broadcast_in_dim3A_1402 : vector<16xi1>, vector<16xi32>
      %min3A_1404 = arith.minsi %min3A_1395, %select_n3A_1403 : vector<16xi32>
      %eq3A_1405 = vector.broadcast %reduce_max3A_1282 : f32 to vector<16xf32>
      %eq3A_1406 = arith.cmpf oeq, %select_n3A_1255, %eq3A_1405 : vector<16xf32>
      %add3A_1407 = arith.constant 224 : i32
      %add3A_1408 = vector.broadcast %add3A_1407 : i32 to vector<16xi32>
      %add3A_1409 = arith.addi %iota3A, %add3A_1408 : vector<16xi32>
      %jit3A_1410 = arith.constant 256 : i32
      %broadcast_in_dim3A_1411 = vector.broadcast %jit3A_1410 : i32 to vector<16xi32>
      %select_n3A_1412 = arith.select %eq3A_1406, %add3A_1409, %broadcast_in_dim3A_1411 : vector<16xi1>, vector<16xi32>
      %min3A_1413 = arith.minsi %min3A_1404, %select_n3A_1412 : vector<16xi32>
      %eq3A_1414 = vector.broadcast %reduce_max3A_1282 : f32 to vector<16xf32>
      %eq3A_1415 = arith.cmpf oeq, %select_n3A_1263, %eq3A_1414 : vector<16xf32>
      %add3A_1416 = arith.constant 240 : i32
      %add3A_1417 = vector.broadcast %add3A_1416 : i32 to vector<16xi32>
      %add3A_1418 = arith.addi %iota3A, %add3A_1417 : vector<16xi32>
      %jit3A_1419 = arith.constant 256 : i32
      %broadcast_in_dim3A_1420 = vector.broadcast %jit3A_1419 : i32 to vector<16xi32>
      %select_n3A_1421 = arith.select %eq3A_1415, %add3A_1418, %broadcast_in_dim3A_1420 : vector<16xi1>, vector<16xi32>
      %min3A_1422 = arith.minsi %min3A_1413, %select_n3A_1421 : vector<16xi32>
      %reduce_min3A_1423 = arith.constant true
      %reduce_min3A_1424 = vector.broadcast %reduce_min3A_1423 : i1 to vector<16xi1>
      %reduce_min3A_1425 = arith.constant -2147483648 : i32
      %reduce_min3A_1426 = vector.broadcast %reduce_min3A_1425 : i32 to vector<16xi32>
      %reduce_min3A_1427 = arith.xori %min3A_1422, %reduce_min3A_1426 : vector<16xi32>
      %reduce_min3A_1428 = tpu.scan <min>, %reduce_min3A_1427 masked %reduce_min3A_1424 : vector<16xi32>, vector<16xi1> -> vector<16xi32>
      %reduce_min3A_1429 = arith.xori %reduce_min3A_1428, %reduce_min3A_1426 : vector<16xi32>
      %reduce_min3A_1430 = vector.extract %reduce_min3A_1429[15] : i32 from vector<16xi32>
      %mul3A_1431 = arith.constant 16 : i32
      %mul3A_1432 = arith.muli %scan3A_183, %mul3A_1431 : i32
      %add3A_1433 = arith.constant 1 : i32
      %add3A_1434 = arith.addi %mul3A_1432, %add3A_1433 : i32
      %swap3A_1435 = arith.index_cast %add3A_1434 : i32 to index
      %swap3A_1436 = memref.load %arg13[%swap3A_1435] : memref<112xi32, #tpu.memory_space<smem>>
      memref.store %reduce_min3A_1430, %arg13[%swap3A_1435] : memref<112xi32, #tpu.memory_space<smem>>
      %add3A_1437 = arith.constant 0 : i32
      %add3A_1438 = vector.broadcast %add3A_1437 : i32 to vector<16xi32>
      %add3A_1439 = arith.addi %iota3A, %add3A_1438 : vector<16xi32>
      %eq3A_1440 = vector.broadcast %reduce_min3A_1430 : i32 to vector<16xi32>
      %eq3A_1441 = arith.cmpi eq, %add3A_1439, %eq3A_1440 : vector<16xi32>
      %jit3A_1442 = arith.constant -3.000000e+38 : f32
      %broadcast_in_dim3A_1443 = vector.broadcast %jit3A_1442 : f32 to vector<16xf32>
      %select_n3A_1444 = arith.select %eq3A_1441, %broadcast_in_dim3A_1443, %select_n3A_1143 : vector<16xi1>, vector<16xf32>
      %add3A_1445 = arith.constant 16 : i32
      %add3A_1446 = vector.broadcast %add3A_1445 : i32 to vector<16xi32>
      %add3A_1447 = arith.addi %iota3A, %add3A_1446 : vector<16xi32>
      %eq3A_1448 = vector.broadcast %reduce_min3A_1430 : i32 to vector<16xi32>
      %eq3A_1449 = arith.cmpi eq, %add3A_1447, %eq3A_1448 : vector<16xi32>
      %jit3A_1450 = arith.constant -3.000000e+38 : f32
      %broadcast_in_dim3A_1451 = vector.broadcast %jit3A_1450 : f32 to vector<16xf32>
      %select_n3A_1452 = arith.select %eq3A_1449, %broadcast_in_dim3A_1451, %select_n3A_1151 : vector<16xi1>, vector<16xf32>
      %add3A_1453 = arith.constant 32 : i32
      %add3A_1454 = vector.broadcast %add3A_1453 : i32 to vector<16xi32>
      %add3A_1455 = arith.addi %iota3A, %add3A_1454 : vector<16xi32>
      %eq3A_1456 = vector.broadcast %reduce_min3A_1430 : i32 to vector<16xi32>
      %eq3A_1457 = arith.cmpi eq, %add3A_1455, %eq3A_1456 : vector<16xi32>
      %jit3A_1458 = arith.constant -3.000000e+38 : f32
      %broadcast_in_dim3A_1459 = vector.broadcast %jit3A_1458 : f32 to vector<16xf32>
      %select_n3A_1460 = arith.select %eq3A_1457, %broadcast_in_dim3A_1459, %select_n3A_1159 : vector<16xi1>, vector<16xf32>
      %add3A_1461 = arith.constant 48 : i32
      %add3A_1462 = vector.broadcast %add3A_1461 : i32 to vector<16xi32>
      %add3A_1463 = arith.addi %iota3A, %add3A_1462 : vector<16xi32>
      %eq3A_1464 = vector.broadcast %reduce_min3A_1430 : i32 to vector<16xi32>
      %eq3A_1465 = arith.cmpi eq, %add3A_1463, %eq3A_1464 : vector<16xi32>
      %jit3A_1466 = arith.constant -3.000000e+38 : f32
      %broadcast_in_dim3A_1467 = vector.broadcast %jit3A_1466 : f32 to vector<16xf32>
      %select_n3A_1468 = arith.select %eq3A_1465, %broadcast_in_dim3A_1467, %select_n3A_1167 : vector<16xi1>, vector<16xf32>
      %add3A_1469 = arith.constant 64 : i32
      %add3A_1470 = vector.broadcast %add3A_1469 : i32 to vector<16xi32>
      %add3A_1471 = arith.addi %iota3A, %add3A_1470 : vector<16xi32>
      %eq3A_1472 = vector.broadcast %reduce_min3A_1430 : i32 to vector<16xi32>
      %eq3A_1473 = arith.cmpi eq, %add3A_1471, %eq3A_1472 : vector<16xi32>
      %jit3A_1474 = arith.constant -3.000000e+38 : f32
      %broadcast_in_dim3A_1475 = vector.broadcast %jit3A_1474 : f32 to vector<16xf32>
      %select_n3A_1476 = arith.select %eq3A_1473, %broadcast_in_dim3A_1475, %select_n3A_1175 : vector<16xi1>, vector<16xf32>
      %add3A_1477 = arith.constant 80 : i32
      %add3A_1478 = vector.broadcast %add3A_1477 : i32 to vector<16xi32>
      %add3A_1479 = arith.addi %iota3A, %add3A_1478 : vector<16xi32>
      %eq3A_1480 = vector.broadcast %reduce_min3A_1430 : i32 to vector<16xi32>
      %eq3A_1481 = arith.cmpi eq, %add3A_1479, %eq3A_1480 : vector<16xi32>
      %jit3A_1482 = arith.constant -3.000000e+38 : f32
      %broadcast_in_dim3A_1483 = vector.broadcast %jit3A_1482 : f32 to vector<16xf32>
      %select_n3A_1484 = arith.select %eq3A_1481, %broadcast_in_dim3A_1483, %select_n3A_1183 : vector<16xi1>, vector<16xf32>
      %add3A_1485 = arith.constant 96 : i32
      %add3A_1486 = vector.broadcast %add3A_1485 : i32 to vector<16xi32>
      %add3A_1487 = arith.addi %iota3A, %add3A_1486 : vector<16xi32>
      %eq3A_1488 = vector.broadcast %reduce_min3A_1430 : i32 to vector<16xi32>
      %eq3A_1489 = arith.cmpi eq, %add3A_1487, %eq3A_1488 : vector<16xi32>
      %jit3A_1490 = arith.constant -3.000000e+38 : f32
      %broadcast_in_dim3A_1491 = vector.broadcast %jit3A_1490 : f32 to vector<16xf32>
      %select_n3A_1492 = arith.select %eq3A_1489, %broadcast_in_dim3A_1491, %select_n3A_1191 : vector<16xi1>, vector<16xf32>
      %add3A_1493 = arith.constant 112 : i32
      %add3A_1494 = vector.broadcast %add3A_1493 : i32 to vector<16xi32>
      %add3A_1495 = arith.addi %iota3A, %add3A_1494 : vector<16xi32>
      %eq3A_1496 = vector.broadcast %reduce_min3A_1430 : i32 to vector<16xi32>
      %eq3A_1497 = arith.cmpi eq, %add3A_1495, %eq3A_1496 : vector<16xi32>
      %jit3A_1498 = arith.constant -3.000000e+38 : f32
      %broadcast_in_dim3A_1499 = vector.broadcast %jit3A_1498 : f32 to vector<16xf32>
      %select_n3A_1500 = arith.select %eq3A_1497, %broadcast_in_dim3A_1499, %select_n3A_1199 : vector<16xi1>, vector<16xf32>
      %add3A_1501 = arith.constant 128 : i32
      %add3A_1502 = vector.broadcast %add3A_1501 : i32 to vector<16xi32>
      %add3A_1503 = arith.addi %iota3A, %add3A_1502 : vector<16xi32>
      %eq3A_1504 = vector.broadcast %reduce_min3A_1430 : i32 to vector<16xi32>
      %eq3A_1505 = arith.cmpi eq, %add3A_1503, %eq3A_1504 : vector<16xi32>
      %jit3A_1506 = arith.constant -3.000000e+38 : f32
      %broadcast_in_dim3A_1507 = vector.broadcast %jit3A_1506 : f32 to vector<16xf32>
      %select_n3A_1508 = arith.select %eq3A_1505, %broadcast_in_dim3A_1507, %select_n3A_1207 : vector<16xi1>, vector<16xf32>
      %add3A_1509 = arith.constant 144 : i32
      %add3A_1510 = vector.broadcast %add3A_1509 : i32 to vector<16xi32>
      %add3A_1511 = arith.addi %iota3A, %add3A_1510 : vector<16xi32>
      %eq3A_1512 = vector.broadcast %reduce_min3A_1430 : i32 to vector<16xi32>
      %eq3A_1513 = arith.cmpi eq, %add3A_1511, %eq3A_1512 : vector<16xi32>
      %jit3A_1514 = arith.constant -3.000000e+38 : f32
      %broadcast_in_dim3A_1515 = vector.broadcast %jit3A_1514 : f32 to vector<16xf32>
      %select_n3A_1516 = arith.select %eq3A_1513, %broadcast_in_dim3A_1515, %select_n3A_1215 : vector<16xi1>, vector<16xf32>
      %add3A_1517 = arith.constant 160 : i32
      %add3A_1518 = vector.broadcast %add3A_1517 : i32 to vector<16xi32>
      %add3A_1519 = arith.addi %iota3A, %add3A_1518 : vector<16xi32>
      %eq3A_1520 = vector.broadcast %reduce_min3A_1430 : i32 to vector<16xi32>
      %eq3A_1521 = arith.cmpi eq, %add3A_1519, %eq3A_1520 : vector<16xi32>
      %jit3A_1522 = arith.constant -3.000000e+38 : f32
      %broadcast_in_dim3A_1523 = vector.broadcast %jit3A_1522 : f32 to vector<16xf32>
      %select_n3A_1524 = arith.select %eq3A_1521, %broadcast_in_dim3A_1523, %select_n3A_1223 : vector<16xi1>, vector<16xf32>
      %add3A_1525 = arith.constant 176 : i32
      %add3A_1526 = vector.broadcast %add3A_1525 : i32 to vector<16xi32>
      %add3A_1527 = arith.addi %iota3A, %add3A_1526 : vector<16xi32>
      %eq3A_1528 = vector.broadcast %reduce_min3A_1430 : i32 to vector<16xi32>
      %eq3A_1529 = arith.cmpi eq, %add3A_1527, %eq3A_1528 : vector<16xi32>
      %jit3A_1530 = arith.constant -3.000000e+38 : f32
      %broadcast_in_dim3A_1531 = vector.broadcast %jit3A_1530 : f32 to vector<16xf32>
      %select_n3A_1532 = arith.select %eq3A_1529, %broadcast_in_dim3A_1531, %select_n3A_1231 : vector<16xi1>, vector<16xf32>
      %add3A_1533 = arith.constant 192 : i32
      %add3A_1534 = vector.broadcast %add3A_1533 : i32 to vector<16xi32>
      %add3A_1535 = arith.addi %iota3A, %add3A_1534 : vector<16xi32>
      %eq3A_1536 = vector.broadcast %reduce_min3A_1430 : i32 to vector<16xi32>
      %eq3A_1537 = arith.cmpi eq, %add3A_1535, %eq3A_1536 : vector<16xi32>
      %jit3A_1538 = arith.constant -3.000000e+38 : f32
      %broadcast_in_dim3A_1539 = vector.broadcast %jit3A_1538 : f32 to vector<16xf32>
      %select_n3A_1540 = arith.select %eq3A_1537, %broadcast_in_dim3A_1539, %select_n3A_1239 : vector<16xi1>, vector<16xf32>
      %add3A_1541 = arith.constant 208 : i32
      %add3A_1542 = vector.broadcast %add3A_1541 : i32 to vector<16xi32>
      %add3A_1543 = arith.addi %iota3A, %add3A_1542 : vector<16xi32>
      %eq3A_1544 = vector.broadcast %reduce_min3A_1430 : i32 to vector<16xi32>
      %eq3A_1545 = arith.cmpi eq, %add3A_1543, %eq3A_1544 : vector<16xi32>
      %jit3A_1546 = arith.constant -3.000000e+38 : f32
      %broadcast_in_dim3A_1547 = vector.broadcast %jit3A_1546 : f32 to vector<16xf32>
      %select_n3A_1548 = arith.select %eq3A_1545, %broadcast_in_dim3A_1547, %select_n3A_1247 : vector<16xi1>, vector<16xf32>
      %add3A_1549 = arith.constant 224 : i32
      %add3A_1550 = vector.broadcast %add3A_1549 : i32 to vector<16xi32>
      %add3A_1551 = arith.addi %iota3A, %add3A_1550 : vector<16xi32>
      %eq3A_1552 = vector.broadcast %reduce_min3A_1430 : i32 to vector<16xi32>
      %eq3A_1553 = arith.cmpi eq, %add3A_1551, %eq3A_1552 : vector<16xi32>
      %jit3A_1554 = arith.constant -3.000000e+38 : f32
      %broadcast_in_dim3A_1555 = vector.broadcast %jit3A_1554 : f32 to vector<16xf32>
      %select_n3A_1556 = arith.select %eq3A_1553, %broadcast_in_dim3A_1555, %select_n3A_1255 : vector<16xi1>, vector<16xf32>
      %add3A_1557 = arith.constant 240 : i32
      %add3A_1558 = vector.broadcast %add3A_1557 : i32 to vector<16xi32>
      %add3A_1559 = arith.addi %iota3A, %add3A_1558 : vector<16xi32>
      %eq3A_1560 = vector.broadcast %reduce_min3A_1430 : i32 to vector<16xi32>
      %eq3A_1561 = arith.cmpi eq, %add3A_1559, %eq3A_1560 : vector<16xi32>
      %jit3A_1562 = arith.constant -3.000000e+38 : f32
      %broadcast_in_dim3A_1563 = vector.broadcast %jit3A_1562 : f32 to vector<16xf32>
      %select_n3A_1564 = arith.select %eq3A_1561, %broadcast_in_dim3A_1563, %select_n3A_1263 : vector<16xi1>, vector<16xf32>
      %max3A_1565 = arith.maximumf %select_n3A_1444, %select_n3A_1452 : vector<16xf32>
      %max3A_1566 = arith.maximumf %max3A_1565, %select_n3A_1460 : vector<16xf32>
      %max3A_1567 = arith.maximumf %max3A_1566, %select_n3A_1468 : vector<16xf32>
      %max3A_1568 = arith.maximumf %max3A_1567, %select_n3A_1476 : vector<16xf32>
      %max3A_1569 = arith.maximumf %max3A_1568, %select_n3A_1484 : vector<16xf32>
      %max3A_1570 = arith.maximumf %max3A_1569, %select_n3A_1492 : vector<16xf32>
      %max3A_1571 = arith.maximumf %max3A_1570, %select_n3A_1500 : vector<16xf32>
      %max3A_1572 = arith.maximumf %max3A_1571, %select_n3A_1508 : vector<16xf32>
      %max3A_1573 = arith.maximumf %max3A_1572, %select_n3A_1516 : vector<16xf32>
      %max3A_1574 = arith.maximumf %max3A_1573, %select_n3A_1524 : vector<16xf32>
      %max3A_1575 = arith.maximumf %max3A_1574, %select_n3A_1532 : vector<16xf32>
      %max3A_1576 = arith.maximumf %max3A_1575, %select_n3A_1540 : vector<16xf32>
      %max3A_1577 = arith.maximumf %max3A_1576, %select_n3A_1548 : vector<16xf32>
      %max3A_1578 = arith.maximumf %max3A_1577, %select_n3A_1556 : vector<16xf32>
      %max3A_1579 = arith.maximumf %max3A_1578, %select_n3A_1564 : vector<16xf32>
      %reduce_max3A_1580 = arith.constant true
      %reduce_max3A_1581 = vector.broadcast %reduce_max3A_1580 : i1 to vector<16xi1>
      %reduce_max3A_1582 = tpu.scan <max>, %max3A_1579 masked %reduce_max3A_1581 : vector<16xf32>, vector<16xi1> -> vector<16xf32>
      %reduce_max3A_1583 = vector.extract %reduce_max3A_1582[15] : f32 from vector<16xf32>
      %eq3A_1584 = vector.broadcast %reduce_max3A_1583 : f32 to vector<16xf32>
      %eq3A_1585 = arith.cmpf oeq, %select_n3A_1444, %eq3A_1584 : vector<16xf32>
      %jit3A_1586 = arith.constant 256 : i32
      %broadcast_in_dim3A_1587 = vector.broadcast %jit3A_1586 : i32 to vector<16xi32>
      %select_n3A_1588 = arith.select %eq3A_1585, %iota3A, %broadcast_in_dim3A_1587 : vector<16xi1>, vector<16xi32>
      %eq3A_1589 = vector.broadcast %reduce_max3A_1583 : f32 to vector<16xf32>
      %eq3A_1590 = arith.cmpf oeq, %select_n3A_1452, %eq3A_1589 : vector<16xf32>
      %add3A_1591 = arith.constant 16 : i32
      %add3A_1592 = vector.broadcast %add3A_1591 : i32 to vector<16xi32>
      %add3A_1593 = arith.addi %iota3A, %add3A_1592 : vector<16xi32>
      %jit3A_1594 = arith.constant 256 : i32
      %broadcast_in_dim3A_1595 = vector.broadcast %jit3A_1594 : i32 to vector<16xi32>
      %select_n3A_1596 = arith.select %eq3A_1590, %add3A_1593, %broadcast_in_dim3A_1595 : vector<16xi1>, vector<16xi32>
      %min3A_1597 = arith.minsi %select_n3A_1588, %select_n3A_1596 : vector<16xi32>
      %eq3A_1598 = vector.broadcast %reduce_max3A_1583 : f32 to vector<16xf32>
      %eq3A_1599 = arith.cmpf oeq, %select_n3A_1460, %eq3A_1598 : vector<16xf32>
      %add3A_1600 = arith.constant 32 : i32
      %add3A_1601 = vector.broadcast %add3A_1600 : i32 to vector<16xi32>
      %add3A_1602 = arith.addi %iota3A, %add3A_1601 : vector<16xi32>
      %jit3A_1603 = arith.constant 256 : i32
      %broadcast_in_dim3A_1604 = vector.broadcast %jit3A_1603 : i32 to vector<16xi32>
      %select_n3A_1605 = arith.select %eq3A_1599, %add3A_1602, %broadcast_in_dim3A_1604 : vector<16xi1>, vector<16xi32>
      %min3A_1606 = arith.minsi %min3A_1597, %select_n3A_1605 : vector<16xi32>
      %eq3A_1607 = vector.broadcast %reduce_max3A_1583 : f32 to vector<16xf32>
      %eq3A_1608 = arith.cmpf oeq, %select_n3A_1468, %eq3A_1607 : vector<16xf32>
      %add3A_1609 = arith.constant 48 : i32
      %add3A_1610 = vector.broadcast %add3A_1609 : i32 to vector<16xi32>
      %add3A_1611 = arith.addi %iota3A, %add3A_1610 : vector<16xi32>
      %jit3A_1612 = arith.constant 256 : i32
      %broadcast_in_dim3A_1613 = vector.broadcast %jit3A_1612 : i32 to vector<16xi32>
      %select_n3A_1614 = arith.select %eq3A_1608, %add3A_1611, %broadcast_in_dim3A_1613 : vector<16xi1>, vector<16xi32>
      %min3A_1615 = arith.minsi %min3A_1606, %select_n3A_1614 : vector<16xi32>
      %eq3A_1616 = vector.broadcast %reduce_max3A_1583 : f32 to vector<16xf32>
      %eq3A_1617 = arith.cmpf oeq, %select_n3A_1476, %eq3A_1616 : vector<16xf32>
      %add3A_1618 = arith.constant 64 : i32
      %add3A_1619 = vector.broadcast %add3A_1618 : i32 to vector<16xi32>
      %add3A_1620 = arith.addi %iota3A, %add3A_1619 : vector<16xi32>
      %jit3A_1621 = arith.constant 256 : i32
      %broadcast_in_dim3A_1622 = vector.broadcast %jit3A_1621 : i32 to vector<16xi32>
      %select_n3A_1623 = arith.select %eq3A_1617, %add3A_1620, %broadcast_in_dim3A_1622 : vector<16xi1>, vector<16xi32>
      %min3A_1624 = arith.minsi %min3A_1615, %select_n3A_1623 : vector<16xi32>
      %eq3A_1625 = vector.broadcast %reduce_max3A_1583 : f32 to vector<16xf32>
      %eq3A_1626 = arith.cmpf oeq, %select_n3A_1484, %eq3A_1625 : vector<16xf32>
      %add3A_1627 = arith.constant 80 : i32
      %add3A_1628 = vector.broadcast %add3A_1627 : i32 to vector<16xi32>
      %add3A_1629 = arith.addi %iota3A, %add3A_1628 : vector<16xi32>
      %jit3A_1630 = arith.constant 256 : i32
      %broadcast_in_dim3A_1631 = vector.broadcast %jit3A_1630 : i32 to vector<16xi32>
      %select_n3A_1632 = arith.select %eq3A_1626, %add3A_1629, %broadcast_in_dim3A_1631 : vector<16xi1>, vector<16xi32>
      %min3A_1633 = arith.minsi %min3A_1624, %select_n3A_1632 : vector<16xi32>
      %eq3A_1634 = vector.broadcast %reduce_max3A_1583 : f32 to vector<16xf32>
      %eq3A_1635 = arith.cmpf oeq, %select_n3A_1492, %eq3A_1634 : vector<16xf32>
      %add3A_1636 = arith.constant 96 : i32
      %add3A_1637 = vector.broadcast %add3A_1636 : i32 to vector<16xi32>
      %add3A_1638 = arith.addi %iota3A, %add3A_1637 : vector<16xi32>
      %jit3A_1639 = arith.constant 256 : i32
      %broadcast_in_dim3A_1640 = vector.broadcast %jit3A_1639 : i32 to vector<16xi32>
      %select_n3A_1641 = arith.select %eq3A_1635, %add3A_1638, %broadcast_in_dim3A_1640 : vector<16xi1>, vector<16xi32>
      %min3A_1642 = arith.minsi %min3A_1633, %select_n3A_1641 : vector<16xi32>
      %eq3A_1643 = vector.broadcast %reduce_max3A_1583 : f32 to vector<16xf32>
      %eq3A_1644 = arith.cmpf oeq, %select_n3A_1500, %eq3A_1643 : vector<16xf32>
      %add3A_1645 = arith.constant 112 : i32
      %add3A_1646 = vector.broadcast %add3A_1645 : i32 to vector<16xi32>
      %add3A_1647 = arith.addi %iota3A, %add3A_1646 : vector<16xi32>
      %jit3A_1648 = arith.constant 256 : i32
      %broadcast_in_dim3A_1649 = vector.broadcast %jit3A_1648 : i32 to vector<16xi32>
      %select_n3A_1650 = arith.select %eq3A_1644, %add3A_1647, %broadcast_in_dim3A_1649 : vector<16xi1>, vector<16xi32>
      %min3A_1651 = arith.minsi %min3A_1642, %select_n3A_1650 : vector<16xi32>
      %eq3A_1652 = vector.broadcast %reduce_max3A_1583 : f32 to vector<16xf32>
      %eq3A_1653 = arith.cmpf oeq, %select_n3A_1508, %eq3A_1652 : vector<16xf32>
      %add3A_1654 = arith.constant 128 : i32
      %add3A_1655 = vector.broadcast %add3A_1654 : i32 to vector<16xi32>
      %add3A_1656 = arith.addi %iota3A, %add3A_1655 : vector<16xi32>
      %jit3A_1657 = arith.constant 256 : i32
      %broadcast_in_dim3A_1658 = vector.broadcast %jit3A_1657 : i32 to vector<16xi32>
      %select_n3A_1659 = arith.select %eq3A_1653, %add3A_1656, %broadcast_in_dim3A_1658 : vector<16xi1>, vector<16xi32>
      %min3A_1660 = arith.minsi %min3A_1651, %select_n3A_1659 : vector<16xi32>
      %eq3A_1661 = vector.broadcast %reduce_max3A_1583 : f32 to vector<16xf32>
      %eq3A_1662 = arith.cmpf oeq, %select_n3A_1516, %eq3A_1661 : vector<16xf32>
      %add3A_1663 = arith.constant 144 : i32
      %add3A_1664 = vector.broadcast %add3A_1663 : i32 to vector<16xi32>
      %add3A_1665 = arith.addi %iota3A, %add3A_1664 : vector<16xi32>
      %jit3A_1666 = arith.constant 256 : i32
      %broadcast_in_dim3A_1667 = vector.broadcast %jit3A_1666 : i32 to vector<16xi32>
      %select_n3A_1668 = arith.select %eq3A_1662, %add3A_1665, %broadcast_in_dim3A_1667 : vector<16xi1>, vector<16xi32>
      %min3A_1669 = arith.minsi %min3A_1660, %select_n3A_1668 : vector<16xi32>
      %eq3A_1670 = vector.broadcast %reduce_max3A_1583 : f32 to vector<16xf32>
      %eq3A_1671 = arith.cmpf oeq, %select_n3A_1524, %eq3A_1670 : vector<16xf32>
      %add3A_1672 = arith.constant 160 : i32
      %add3A_1673 = vector.broadcast %add3A_1672 : i32 to vector<16xi32>
      %add3A_1674 = arith.addi %iota3A, %add3A_1673 : vector<16xi32>
      %jit3A_1675 = arith.constant 256 : i32
      %broadcast_in_dim3A_1676 = vector.broadcast %jit3A_1675 : i32 to vector<16xi32>
      %select_n3A_1677 = arith.select %eq3A_1671, %add3A_1674, %broadcast_in_dim3A_1676 : vector<16xi1>, vector<16xi32>
      %min3A_1678 = arith.minsi %min3A_1669, %select_n3A_1677 : vector<16xi32>
      %eq3A_1679 = vector.broadcast %reduce_max3A_1583 : f32 to vector<16xf32>
      %eq3A_1680 = arith.cmpf oeq, %select_n3A_1532, %eq3A_1679 : vector<16xf32>
      %add3A_1681 = arith.constant 176 : i32
      %add3A_1682 = vector.broadcast %add3A_1681 : i32 to vector<16xi32>
      %add3A_1683 = arith.addi %iota3A, %add3A_1682 : vector<16xi32>
      %jit3A_1684 = arith.constant 256 : i32
      %broadcast_in_dim3A_1685 = vector.broadcast %jit3A_1684 : i32 to vector<16xi32>
      %select_n3A_1686 = arith.select %eq3A_1680, %add3A_1683, %broadcast_in_dim3A_1685 : vector<16xi1>, vector<16xi32>
      %min3A_1687 = arith.minsi %min3A_1678, %select_n3A_1686 : vector<16xi32>
      %eq3A_1688 = vector.broadcast %reduce_max3A_1583 : f32 to vector<16xf32>
      %eq3A_1689 = arith.cmpf oeq, %select_n3A_1540, %eq3A_1688 : vector<16xf32>
      %add3A_1690 = arith.constant 192 : i32
      %add3A_1691 = vector.broadcast %add3A_1690 : i32 to vector<16xi32>
      %add3A_1692 = arith.addi %iota3A, %add3A_1691 : vector<16xi32>
      %jit3A_1693 = arith.constant 256 : i32
      %broadcast_in_dim3A_1694 = vector.broadcast %jit3A_1693 : i32 to vector<16xi32>
      %select_n3A_1695 = arith.select %eq3A_1689, %add3A_1692, %broadcast_in_dim3A_1694 : vector<16xi1>, vector<16xi32>
      %min3A_1696 = arith.minsi %min3A_1687, %select_n3A_1695 : vector<16xi32>
      %eq3A_1697 = vector.broadcast %reduce_max3A_1583 : f32 to vector<16xf32>
      %eq3A_1698 = arith.cmpf oeq, %select_n3A_1548, %eq3A_1697 : vector<16xf32>
      %add3A_1699 = arith.constant 208 : i32
      %add3A_1700 = vector.broadcast %add3A_1699 : i32 to vector<16xi32>
      %add3A_1701 = arith.addi %iota3A, %add3A_1700 : vector<16xi32>
      %jit3A_1702 = arith.constant 256 : i32
      %broadcast_in_dim3A_1703 = vector.broadcast %jit3A_1702 : i32 to vector<16xi32>
      %select_n3A_1704 = arith.select %eq3A_1698, %add3A_1701, %broadcast_in_dim3A_1703 : vector<16xi1>, vector<16xi32>
      %min3A_1705 = arith.minsi %min3A_1696, %select_n3A_1704 : vector<16xi32>
      %eq3A_1706 = vector.broadcast %reduce_max3A_1583 : f32 to vector<16xf32>
      %eq3A_1707 = arith.cmpf oeq, %select_n3A_1556, %eq3A_1706 : vector<16xf32>
      %add3A_1708 = arith.constant 224 : i32
      %add3A_1709 = vector.broadcast %add3A_1708 : i32 to vector<16xi32>
      %add3A_1710 = arith.addi %iota3A, %add3A_1709 : vector<16xi32>
      %jit3A_1711 = arith.constant 256 : i32
      %broadcast_in_dim3A_1712 = vector.broadcast %jit3A_1711 : i32 to vector<16xi32>
      %select_n3A_1713 = arith.select %eq3A_1707, %add3A_1710, %broadcast_in_dim3A_1712 : vector<16xi1>, vector<16xi32>
      %min3A_1714 = arith.minsi %min3A_1705, %select_n3A_1713 : vector<16xi32>
      %eq3A_1715 = vector.broadcast %reduce_max3A_1583 : f32 to vector<16xf32>
      %eq3A_1716 = arith.cmpf oeq, %select_n3A_1564, %eq3A_1715 : vector<16xf32>
      %add3A_1717 = arith.constant 240 : i32
      %add3A_1718 = vector.broadcast %add3A_1717 : i32 to vector<16xi32>
      %add3A_1719 = arith.addi %iota3A, %add3A_1718 : vector<16xi32>
      %jit3A_1720 = arith.constant 256 : i32
      %broadcast_in_dim3A_1721 = vector.broadcast %jit3A_1720 : i32 to vector<16xi32>
      %select_n3A_1722 = arith.select %eq3A_1716, %add3A_1719, %broadcast_in_dim3A_1721 : vector<16xi1>, vector<16xi32>
      %min3A_1723 = arith.minsi %min3A_1714, %select_n3A_1722 : vector<16xi32>
      %reduce_min3A_1724 = arith.constant true
      %reduce_min3A_1725 = vector.broadcast %reduce_min3A_1724 : i1 to vector<16xi1>
      %reduce_min3A_1726 = arith.constant -2147483648 : i32
      %reduce_min3A_1727 = vector.broadcast %reduce_min3A_1726 : i32 to vector<16xi32>
      %reduce_min3A_1728 = arith.xori %min3A_1723, %reduce_min3A_1727 : vector<16xi32>
      %reduce_min3A_1729 = tpu.scan <min>, %reduce_min3A_1728 masked %reduce_min3A_1725 : vector<16xi32>, vector<16xi1> -> vector<16xi32>
      %reduce_min3A_1730 = arith.xori %reduce_min3A_1729, %reduce_min3A_1727 : vector<16xi32>
      %reduce_min3A_1731 = vector.extract %reduce_min3A_1730[15] : i32 from vector<16xi32>
      %mul3A_1732 = arith.constant 16 : i32
      %mul3A_1733 = arith.muli %scan3A_183, %mul3A_1732 : i32
      %add3A_1734 = arith.constant 2 : i32
      %add3A_1735 = arith.addi %mul3A_1733, %add3A_1734 : i32
      %swap3A_1736 = arith.index_cast %add3A_1735 : i32 to index
      %swap3A_1737 = memref.load %arg13[%swap3A_1736] : memref<112xi32, #tpu.memory_space<smem>>
      memref.store %reduce_min3A_1731, %arg13[%swap3A_1736] : memref<112xi32, #tpu.memory_space<smem>>
      %add3A_1738 = arith.constant 0 : i32
      %add3A_1739 = vector.broadcast %add3A_1738 : i32 to vector<16xi32>
      %add3A_1740 = arith.addi %iota3A, %add3A_1739 : vector<16xi32>
      %eq3A_1741 = vector.broadcast %reduce_min3A_1731 : i32 to vector<16xi32>
      %eq3A_1742 = arith.cmpi eq, %add3A_1740, %eq3A_1741 : vector<16xi32>
      %jit3A_1743 = arith.constant -3.000000e+38 : f32
      %broadcast_in_dim3A_1744 = vector.broadcast %jit3A_1743 : f32 to vector<16xf32>
      %select_n3A_1745 = arith.select %eq3A_1742, %broadcast_in_dim3A_1744, %select_n3A_1444 : vector<16xi1>, vector<16xf32>
      %add3A_1746 = arith.constant 16 : i32
      %add3A_1747 = vector.broadcast %add3A_1746 : i32 to vector<16xi32>
      %add3A_1748 = arith.addi %iota3A, %add3A_1747 : vector<16xi32>
      %eq3A_1749 = vector.broadcast %reduce_min3A_1731 : i32 to vector<16xi32>
      %eq3A_1750 = arith.cmpi eq, %add3A_1748, %eq3A_1749 : vector<16xi32>
      %jit3A_1751 = arith.constant -3.000000e+38 : f32
      %broadcast_in_dim3A_1752 = vector.broadcast %jit3A_1751 : f32 to vector<16xf32>
      %select_n3A_1753 = arith.select %eq3A_1750, %broadcast_in_dim3A_1752, %select_n3A_1452 : vector<16xi1>, vector<16xf32>
      %add3A_1754 = arith.constant 32 : i32
      %add3A_1755 = vector.broadcast %add3A_1754 : i32 to vector<16xi32>
      %add3A_1756 = arith.addi %iota3A, %add3A_1755 : vector<16xi32>
      %eq3A_1757 = vector.broadcast %reduce_min3A_1731 : i32 to vector<16xi32>
      %eq3A_1758 = arith.cmpi eq, %add3A_1756, %eq3A_1757 : vector<16xi32>
      %jit3A_1759 = arith.constant -3.000000e+38 : f32
      %broadcast_in_dim3A_1760 = vector.broadcast %jit3A_1759 : f32 to vector<16xf32>
      %select_n3A_1761 = arith.select %eq3A_1758, %broadcast_in_dim3A_1760, %select_n3A_1460 : vector<16xi1>, vector<16xf32>
      %add3A_1762 = arith.constant 48 : i32
      %add3A_1763 = vector.broadcast %add3A_1762 : i32 to vector<16xi32>
      %add3A_1764 = arith.addi %iota3A, %add3A_1763 : vector<16xi32>
      %eq3A_1765 = vector.broadcast %reduce_min3A_1731 : i32 to vector<16xi32>
      %eq3A_1766 = arith.cmpi eq, %add3A_1764, %eq3A_1765 : vector<16xi32>
      %jit3A_1767 = arith.constant -3.000000e+38 : f32
      %broadcast_in_dim3A_1768 = vector.broadcast %jit3A_1767 : f32 to vector<16xf32>
      %select_n3A_1769 = arith.select %eq3A_1766, %broadcast_in_dim3A_1768, %select_n3A_1468 : vector<16xi1>, vector<16xf32>
      %add3A_1770 = arith.constant 64 : i32
      %add3A_1771 = vector.broadcast %add3A_1770 : i32 to vector<16xi32>
      %add3A_1772 = arith.addi %iota3A, %add3A_1771 : vector<16xi32>
      %eq3A_1773 = vector.broadcast %reduce_min3A_1731 : i32 to vector<16xi32>
      %eq3A_1774 = arith.cmpi eq, %add3A_1772, %eq3A_1773 : vector<16xi32>
      %jit3A_1775 = arith.constant -3.000000e+38 : f32
      %broadcast_in_dim3A_1776 = vector.broadcast %jit3A_1775 : f32 to vector<16xf32>
      %select_n3A_1777 = arith.select %eq3A_1774, %broadcast_in_dim3A_1776, %select_n3A_1476 : vector<16xi1>, vector<16xf32>
      %add3A_1778 = arith.constant 80 : i32
      %add3A_1779 = vector.broadcast %add3A_1778 : i32 to vector<16xi32>
      %add3A_1780 = arith.addi %iota3A, %add3A_1779 : vector<16xi32>
      %eq3A_1781 = vector.broadcast %reduce_min3A_1731 : i32 to vector<16xi32>
      %eq3A_1782 = arith.cmpi eq, %add3A_1780, %eq3A_1781 : vector<16xi32>
      %jit3A_1783 = arith.constant -3.000000e+38 : f32
      %broadcast_in_dim3A_1784 = vector.broadcast %jit3A_1783 : f32 to vector<16xf32>
      %select_n3A_1785 = arith.select %eq3A_1782, %broadcast_in_dim3A_1784, %select_n3A_1484 : vector<16xi1>, vector<16xf32>
      %add3A_1786 = arith.constant 96 : i32
      %add3A_1787 = vector.broadcast %add3A_1786 : i32 to vector<16xi32>
      %add3A_1788 = arith.addi %iota3A, %add3A_1787 : vector<16xi32>
      %eq3A_1789 = vector.broadcast %reduce_min3A_1731 : i32 to vector<16xi32>
      %eq3A_1790 = arith.cmpi eq, %add3A_1788, %eq3A_1789 : vector<16xi32>
      %jit3A_1791 = arith.constant -3.000000e+38 : f32
      %broadcast_in_dim3A_1792 = vector.broadcast %jit3A_1791 : f32 to vector<16xf32>
      %select_n3A_1793 = arith.select %eq3A_1790, %broadcast_in_dim3A_1792, %select_n3A_1492 : vector<16xi1>, vector<16xf32>
      %add3A_1794 = arith.constant 112 : i32
      %add3A_1795 = vector.broadcast %add3A_1794 : i32 to vector<16xi32>
      %add3A_1796 = arith.addi %iota3A, %add3A_1795 : vector<16xi32>
      %eq3A_1797 = vector.broadcast %reduce_min3A_1731 : i32 to vector<16xi32>
      %eq3A_1798 = arith.cmpi eq, %add3A_1796, %eq3A_1797 : vector<16xi32>
      %jit3A_1799 = arith.constant -3.000000e+38 : f32
      %broadcast_in_dim3A_1800 = vector.broadcast %jit3A_1799 : f32 to vector<16xf32>
      %select_n3A_1801 = arith.select %eq3A_1798, %broadcast_in_dim3A_1800, %select_n3A_1500 : vector<16xi1>, vector<16xf32>
      %add3A_1802 = arith.constant 128 : i32
      %add3A_1803 = vector.broadcast %add3A_1802 : i32 to vector<16xi32>
      %add3A_1804 = arith.addi %iota3A, %add3A_1803 : vector<16xi32>
      %eq3A_1805 = vector.broadcast %reduce_min3A_1731 : i32 to vector<16xi32>
      %eq3A_1806 = arith.cmpi eq, %add3A_1804, %eq3A_1805 : vector<16xi32>
      %jit3A_1807 = arith.constant -3.000000e+38 : f32
      %broadcast_in_dim3A_1808 = vector.broadcast %jit3A_1807 : f32 to vector<16xf32>
      %select_n3A_1809 = arith.select %eq3A_1806, %broadcast_in_dim3A_1808, %select_n3A_1508 : vector<16xi1>, vector<16xf32>
      %add3A_1810 = arith.constant 144 : i32
      %add3A_1811 = vector.broadcast %add3A_1810 : i32 to vector<16xi32>
      %add3A_1812 = arith.addi %iota3A, %add3A_1811 : vector<16xi32>
      %eq3A_1813 = vector.broadcast %reduce_min3A_1731 : i32 to vector<16xi32>
      %eq3A_1814 = arith.cmpi eq, %add3A_1812, %eq3A_1813 : vector<16xi32>
      %jit3A_1815 = arith.constant -3.000000e+38 : f32
      %broadcast_in_dim3A_1816 = vector.broadcast %jit3A_1815 : f32 to vector<16xf32>
      %select_n3A_1817 = arith.select %eq3A_1814, %broadcast_in_dim3A_1816, %select_n3A_1516 : vector<16xi1>, vector<16xf32>
      %add3A_1818 = arith.constant 160 : i32
      %add3A_1819 = vector.broadcast %add3A_1818 : i32 to vector<16xi32>
      %add3A_1820 = arith.addi %iota3A, %add3A_1819 : vector<16xi32>
      %eq3A_1821 = vector.broadcast %reduce_min3A_1731 : i32 to vector<16xi32>
      %eq3A_1822 = arith.cmpi eq, %add3A_1820, %eq3A_1821 : vector<16xi32>
      %jit3A_1823 = arith.constant -3.000000e+38 : f32
      %broadcast_in_dim3A_1824 = vector.broadcast %jit3A_1823 : f32 to vector<16xf32>
      %select_n3A_1825 = arith.select %eq3A_1822, %broadcast_in_dim3A_1824, %select_n3A_1524 : vector<16xi1>, vector<16xf32>
      %add3A_1826 = arith.constant 176 : i32
      %add3A_1827 = vector.broadcast %add3A_1826 : i32 to vector<16xi32>
      %add3A_1828 = arith.addi %iota3A, %add3A_1827 : vector<16xi32>
      %eq3A_1829 = vector.broadcast %reduce_min3A_1731 : i32 to vector<16xi32>
      %eq3A_1830 = arith.cmpi eq, %add3A_1828, %eq3A_1829 : vector<16xi32>
      %jit3A_1831 = arith.constant -3.000000e+38 : f32
      %broadcast_in_dim3A_1832 = vector.broadcast %jit3A_1831 : f32 to vector<16xf32>
      %select_n3A_1833 = arith.select %eq3A_1830, %broadcast_in_dim3A_1832, %select_n3A_1532 : vector<16xi1>, vector<16xf32>
      %add3A_1834 = arith.constant 192 : i32
      %add3A_1835 = vector.broadcast %add3A_1834 : i32 to vector<16xi32>
      %add3A_1836 = arith.addi %iota3A, %add3A_1835 : vector<16xi32>
      %eq3A_1837 = vector.broadcast %reduce_min3A_1731 : i32 to vector<16xi32>
      %eq3A_1838 = arith.cmpi eq, %add3A_1836, %eq3A_1837 : vector<16xi32>
      %jit3A_1839 = arith.constant -3.000000e+38 : f32
      %broadcast_in_dim3A_1840 = vector.broadcast %jit3A_1839 : f32 to vector<16xf32>
      %select_n3A_1841 = arith.select %eq3A_1838, %broadcast_in_dim3A_1840, %select_n3A_1540 : vector<16xi1>, vector<16xf32>
      %add3A_1842 = arith.constant 208 : i32
      %add3A_1843 = vector.broadcast %add3A_1842 : i32 to vector<16xi32>
      %add3A_1844 = arith.addi %iota3A, %add3A_1843 : vector<16xi32>
      %eq3A_1845 = vector.broadcast %reduce_min3A_1731 : i32 to vector<16xi32>
      %eq3A_1846 = arith.cmpi eq, %add3A_1844, %eq3A_1845 : vector<16xi32>
      %jit3A_1847 = arith.constant -3.000000e+38 : f32
      %broadcast_in_dim3A_1848 = vector.broadcast %jit3A_1847 : f32 to vector<16xf32>
      %select_n3A_1849 = arith.select %eq3A_1846, %broadcast_in_dim3A_1848, %select_n3A_1548 : vector<16xi1>, vector<16xf32>
      %add3A_1850 = arith.constant 224 : i32
      %add3A_1851 = vector.broadcast %add3A_1850 : i32 to vector<16xi32>
      %add3A_1852 = arith.addi %iota3A, %add3A_1851 : vector<16xi32>
      %eq3A_1853 = vector.broadcast %reduce_min3A_1731 : i32 to vector<16xi32>
      %eq3A_1854 = arith.cmpi eq, %add3A_1852, %eq3A_1853 : vector<16xi32>
      %jit3A_1855 = arith.constant -3.000000e+38 : f32
      %broadcast_in_dim3A_1856 = vector.broadcast %jit3A_1855 : f32 to vector<16xf32>
      %select_n3A_1857 = arith.select %eq3A_1854, %broadcast_in_dim3A_1856, %select_n3A_1556 : vector<16xi1>, vector<16xf32>
      %add3A_1858 = arith.constant 240 : i32
      %add3A_1859 = vector.broadcast %add3A_1858 : i32 to vector<16xi32>
      %add3A_1860 = arith.addi %iota3A, %add3A_1859 : vector<16xi32>
      %eq3A_1861 = vector.broadcast %reduce_min3A_1731 : i32 to vector<16xi32>
      %eq3A_1862 = arith.cmpi eq, %add3A_1860, %eq3A_1861 : vector<16xi32>
      %jit3A_1863 = arith.constant -3.000000e+38 : f32
      %broadcast_in_dim3A_1864 = vector.broadcast %jit3A_1863 : f32 to vector<16xf32>
      %select_n3A_1865 = arith.select %eq3A_1862, %broadcast_in_dim3A_1864, %select_n3A_1564 : vector<16xi1>, vector<16xf32>
      %max3A_1866 = arith.maximumf %select_n3A_1745, %select_n3A_1753 : vector<16xf32>
      %max3A_1867 = arith.maximumf %max3A_1866, %select_n3A_1761 : vector<16xf32>
      %max3A_1868 = arith.maximumf %max3A_1867, %select_n3A_1769 : vector<16xf32>
      %max3A_1869 = arith.maximumf %max3A_1868, %select_n3A_1777 : vector<16xf32>
      %max3A_1870 = arith.maximumf %max3A_1869, %select_n3A_1785 : vector<16xf32>
      %max3A_1871 = arith.maximumf %max3A_1870, %select_n3A_1793 : vector<16xf32>
      %max3A_1872 = arith.maximumf %max3A_1871, %select_n3A_1801 : vector<16xf32>
      %max3A_1873 = arith.maximumf %max3A_1872, %select_n3A_1809 : vector<16xf32>
      %max3A_1874 = arith.maximumf %max3A_1873, %select_n3A_1817 : vector<16xf32>
      %max3A_1875 = arith.maximumf %max3A_1874, %select_n3A_1825 : vector<16xf32>
      %max3A_1876 = arith.maximumf %max3A_1875, %select_n3A_1833 : vector<16xf32>
      %max3A_1877 = arith.maximumf %max3A_1876, %select_n3A_1841 : vector<16xf32>
      %max3A_1878 = arith.maximumf %max3A_1877, %select_n3A_1849 : vector<16xf32>
      %max3A_1879 = arith.maximumf %max3A_1878, %select_n3A_1857 : vector<16xf32>
      %max3A_1880 = arith.maximumf %max3A_1879, %select_n3A_1865 : vector<16xf32>
      %reduce_max3A_1881 = arith.constant true
      %reduce_max3A_1882 = vector.broadcast %reduce_max3A_1881 : i1 to vector<16xi1>
      %reduce_max3A_1883 = tpu.scan <max>, %max3A_1880 masked %reduce_max3A_1882 : vector<16xf32>, vector<16xi1> -> vector<16xf32>
      %reduce_max3A_1884 = vector.extract %reduce_max3A_1883[15] : f32 from vector<16xf32>
      %eq3A_1885 = vector.broadcast %reduce_max3A_1884 : f32 to vector<16xf32>
      %eq3A_1886 = arith.cmpf oeq, %select_n3A_1745, %eq3A_1885 : vector<16xf32>
      %jit3A_1887 = arith.constant 256 : i32
      %broadcast_in_dim3A_1888 = vector.broadcast %jit3A_1887 : i32 to vector<16xi32>
      %select_n3A_1889 = arith.select %eq3A_1886, %iota3A, %broadcast_in_dim3A_1888 : vector<16xi1>, vector<16xi32>
      %eq3A_1890 = vector.broadcast %reduce_max3A_1884 : f32 to vector<16xf32>
      %eq3A_1891 = arith.cmpf oeq, %select_n3A_1753, %eq3A_1890 : vector<16xf32>
      %add3A_1892 = arith.constant 16 : i32
      %add3A_1893 = vector.broadcast %add3A_1892 : i32 to vector<16xi32>
      %add3A_1894 = arith.addi %iota3A, %add3A_1893 : vector<16xi32>
      %jit3A_1895 = arith.constant 256 : i32
      %broadcast_in_dim3A_1896 = vector.broadcast %jit3A_1895 : i32 to vector<16xi32>
      %select_n3A_1897 = arith.select %eq3A_1891, %add3A_1894, %broadcast_in_dim3A_1896 : vector<16xi1>, vector<16xi32>
      %min3A_1898 = arith.minsi %select_n3A_1889, %select_n3A_1897 : vector<16xi32>
      %eq3A_1899 = vector.broadcast %reduce_max3A_1884 : f32 to vector<16xf32>
      %eq3A_1900 = arith.cmpf oeq, %select_n3A_1761, %eq3A_1899 : vector<16xf32>
      %add3A_1901 = arith.constant 32 : i32
      %add3A_1902 = vector.broadcast %add3A_1901 : i32 to vector<16xi32>
      %add3A_1903 = arith.addi %iota3A, %add3A_1902 : vector<16xi32>
      %jit3A_1904 = arith.constant 256 : i32
      %broadcast_in_dim3A_1905 = vector.broadcast %jit3A_1904 : i32 to vector<16xi32>
      %select_n3A_1906 = arith.select %eq3A_1900, %add3A_1903, %broadcast_in_dim3A_1905 : vector<16xi1>, vector<16xi32>
      %min3A_1907 = arith.minsi %min3A_1898, %select_n3A_1906 : vector<16xi32>
      %eq3A_1908 = vector.broadcast %reduce_max3A_1884 : f32 to vector<16xf32>
      %eq3A_1909 = arith.cmpf oeq, %select_n3A_1769, %eq3A_1908 : vector<16xf32>
      %add3A_1910 = arith.constant 48 : i32
      %add3A_1911 = vector.broadcast %add3A_1910 : i32 to vector<16xi32>
      %add3A_1912 = arith.addi %iota3A, %add3A_1911 : vector<16xi32>
      %jit3A_1913 = arith.constant 256 : i32
      %broadcast_in_dim3A_1914 = vector.broadcast %jit3A_1913 : i32 to vector<16xi32>
      %select_n3A_1915 = arith.select %eq3A_1909, %add3A_1912, %broadcast_in_dim3A_1914 : vector<16xi1>, vector<16xi32>
      %min3A_1916 = arith.minsi %min3A_1907, %select_n3A_1915 : vector<16xi32>
      %eq3A_1917 = vector.broadcast %reduce_max3A_1884 : f32 to vector<16xf32>
      %eq3A_1918 = arith.cmpf oeq, %select_n3A_1777, %eq3A_1917 : vector<16xf32>
      %add3A_1919 = arith.constant 64 : i32
      %add3A_1920 = vector.broadcast %add3A_1919 : i32 to vector<16xi32>
      %add3A_1921 = arith.addi %iota3A, %add3A_1920 : vector<16xi32>
      %jit3A_1922 = arith.constant 256 : i32
      %broadcast_in_dim3A_1923 = vector.broadcast %jit3A_1922 : i32 to vector<16xi32>
      %select_n3A_1924 = arith.select %eq3A_1918, %add3A_1921, %broadcast_in_dim3A_1923 : vector<16xi1>, vector<16xi32>
      %min3A_1925 = arith.minsi %min3A_1916, %select_n3A_1924 : vector<16xi32>
      %eq3A_1926 = vector.broadcast %reduce_max3A_1884 : f32 to vector<16xf32>
      %eq3A_1927 = arith.cmpf oeq, %select_n3A_1785, %eq3A_1926 : vector<16xf32>
      %add3A_1928 = arith.constant 80 : i32
      %add3A_1929 = vector.broadcast %add3A_1928 : i32 to vector<16xi32>
      %add3A_1930 = arith.addi %iota3A, %add3A_1929 : vector<16xi32>
      %jit3A_1931 = arith.constant 256 : i32
      %broadcast_in_dim3A_1932 = vector.broadcast %jit3A_1931 : i32 to vector<16xi32>
      %select_n3A_1933 = arith.select %eq3A_1927, %add3A_1930, %broadcast_in_dim3A_1932 : vector<16xi1>, vector<16xi32>
      %min3A_1934 = arith.minsi %min3A_1925, %select_n3A_1933 : vector<16xi32>
      %eq3A_1935 = vector.broadcast %reduce_max3A_1884 : f32 to vector<16xf32>
      %eq3A_1936 = arith.cmpf oeq, %select_n3A_1793, %eq3A_1935 : vector<16xf32>
      %add3A_1937 = arith.constant 96 : i32
      %add3A_1938 = vector.broadcast %add3A_1937 : i32 to vector<16xi32>
      %add3A_1939 = arith.addi %iota3A, %add3A_1938 : vector<16xi32>
      %jit3A_1940 = arith.constant 256 : i32
      %broadcast_in_dim3A_1941 = vector.broadcast %jit3A_1940 : i32 to vector<16xi32>
      %select_n3A_1942 = arith.select %eq3A_1936, %add3A_1939, %broadcast_in_dim3A_1941 : vector<16xi1>, vector<16xi32>
      %min3A_1943 = arith.minsi %min3A_1934, %select_n3A_1942 : vector<16xi32>
      %eq3A_1944 = vector.broadcast %reduce_max3A_1884 : f32 to vector<16xf32>
      %eq3A_1945 = arith.cmpf oeq, %select_n3A_1801, %eq3A_1944 : vector<16xf32>
      %add3A_1946 = arith.constant 112 : i32
      %add3A_1947 = vector.broadcast %add3A_1946 : i32 to vector<16xi32>
      %add3A_1948 = arith.addi %iota3A, %add3A_1947 : vector<16xi32>
      %jit3A_1949 = arith.constant 256 : i32
      %broadcast_in_dim3A_1950 = vector.broadcast %jit3A_1949 : i32 to vector<16xi32>
      %select_n3A_1951 = arith.select %eq3A_1945, %add3A_1948, %broadcast_in_dim3A_1950 : vector<16xi1>, vector<16xi32>
      %min3A_1952 = arith.minsi %min3A_1943, %select_n3A_1951 : vector<16xi32>
      %eq3A_1953 = vector.broadcast %reduce_max3A_1884 : f32 to vector<16xf32>
      %eq3A_1954 = arith.cmpf oeq, %select_n3A_1809, %eq3A_1953 : vector<16xf32>
      %add3A_1955 = arith.constant 128 : i32
      %add3A_1956 = vector.broadcast %add3A_1955 : i32 to vector<16xi32>
      %add3A_1957 = arith.addi %iota3A, %add3A_1956 : vector<16xi32>
      %jit3A_1958 = arith.constant 256 : i32
      %broadcast_in_dim3A_1959 = vector.broadcast %jit3A_1958 : i32 to vector<16xi32>
      %select_n3A_1960 = arith.select %eq3A_1954, %add3A_1957, %broadcast_in_dim3A_1959 : vector<16xi1>, vector<16xi32>
      %min3A_1961 = arith.minsi %min3A_1952, %select_n3A_1960 : vector<16xi32>
      %eq3A_1962 = vector.broadcast %reduce_max3A_1884 : f32 to vector<16xf32>
      %eq3A_1963 = arith.cmpf oeq, %select_n3A_1817, %eq3A_1962 : vector<16xf32>
      %add3A_1964 = arith.constant 144 : i32
      %add3A_1965 = vector.broadcast %add3A_1964 : i32 to vector<16xi32>
      %add3A_1966 = arith.addi %iota3A, %add3A_1965 : vector<16xi32>
      %jit3A_1967 = arith.constant 256 : i32
      %broadcast_in_dim3A_1968 = vector.broadcast %jit3A_1967 : i32 to vector<16xi32>
      %select_n3A_1969 = arith.select %eq3A_1963, %add3A_1966, %broadcast_in_dim3A_1968 : vector<16xi1>, vector<16xi32>
      %min3A_1970 = arith.minsi %min3A_1961, %select_n3A_1969 : vector<16xi32>
      %eq3A_1971 = vector.broadcast %reduce_max3A_1884 : f32 to vector<16xf32>
      %eq3A_1972 = arith.cmpf oeq, %select_n3A_1825, %eq3A_1971 : vector<16xf32>
      %add3A_1973 = arith.constant 160 : i32
      %add3A_1974 = vector.broadcast %add3A_1973 : i32 to vector<16xi32>
      %add3A_1975 = arith.addi %iota3A, %add3A_1974 : vector<16xi32>
      %jit3A_1976 = arith.constant 256 : i32
      %broadcast_in_dim3A_1977 = vector.broadcast %jit3A_1976 : i32 to vector<16xi32>
      %select_n3A_1978 = arith.select %eq3A_1972, %add3A_1975, %broadcast_in_dim3A_1977 : vector<16xi1>, vector<16xi32>
      %min3A_1979 = arith.minsi %min3A_1970, %select_n3A_1978 : vector<16xi32>
      %eq3A_1980 = vector.broadcast %reduce_max3A_1884 : f32 to vector<16xf32>
      %eq3A_1981 = arith.cmpf oeq, %select_n3A_1833, %eq3A_1980 : vector<16xf32>
      %add3A_1982 = arith.constant 176 : i32
      %add3A_1983 = vector.broadcast %add3A_1982 : i32 to vector<16xi32>
      %add3A_1984 = arith.addi %iota3A, %add3A_1983 : vector<16xi32>
      %jit3A_1985 = arith.constant 256 : i32
      %broadcast_in_dim3A_1986 = vector.broadcast %jit3A_1985 : i32 to vector<16xi32>
      %select_n3A_1987 = arith.select %eq3A_1981, %add3A_1984, %broadcast_in_dim3A_1986 : vector<16xi1>, vector<16xi32>
      %min3A_1988 = arith.minsi %min3A_1979, %select_n3A_1987 : vector<16xi32>
      %eq3A_1989 = vector.broadcast %reduce_max3A_1884 : f32 to vector<16xf32>
      %eq3A_1990 = arith.cmpf oeq, %select_n3A_1841, %eq3A_1989 : vector<16xf32>
      %add3A_1991 = arith.constant 192 : i32
      %add3A_1992 = vector.broadcast %add3A_1991 : i32 to vector<16xi32>
      %add3A_1993 = arith.addi %iota3A, %add3A_1992 : vector<16xi32>
      %jit3A_1994 = arith.constant 256 : i32
      %broadcast_in_dim3A_1995 = vector.broadcast %jit3A_1994 : i32 to vector<16xi32>
      %select_n3A_1996 = arith.select %eq3A_1990, %add3A_1993, %broadcast_in_dim3A_1995 : vector<16xi1>, vector<16xi32>
      %min3A_1997 = arith.minsi %min3A_1988, %select_n3A_1996 : vector<16xi32>
      %eq3A_1998 = vector.broadcast %reduce_max3A_1884 : f32 to vector<16xf32>
      %eq3A_1999 = arith.cmpf oeq, %select_n3A_1849, %eq3A_1998 : vector<16xf32>
      %add3A_2000 = arith.constant 208 : i32
      %add3A_2001 = vector.broadcast %add3A_2000 : i32 to vector<16xi32>
      %add3A_2002 = arith.addi %iota3A, %add3A_2001 : vector<16xi32>
      %jit3A_2003 = arith.constant 256 : i32
      %broadcast_in_dim3A_2004 = vector.broadcast %jit3A_2003 : i32 to vector<16xi32>
      %select_n3A_2005 = arith.select %eq3A_1999, %add3A_2002, %broadcast_in_dim3A_2004 : vector<16xi1>, vector<16xi32>
      %min3A_2006 = arith.minsi %min3A_1997, %select_n3A_2005 : vector<16xi32>
      %eq3A_2007 = vector.broadcast %reduce_max3A_1884 : f32 to vector<16xf32>
      %eq3A_2008 = arith.cmpf oeq, %select_n3A_1857, %eq3A_2007 : vector<16xf32>
      %add3A_2009 = arith.constant 224 : i32
      %add3A_2010 = vector.broadcast %add3A_2009 : i32 to vector<16xi32>
      %add3A_2011 = arith.addi %iota3A, %add3A_2010 : vector<16xi32>
      %jit3A_2012 = arith.constant 256 : i32
      %broadcast_in_dim3A_2013 = vector.broadcast %jit3A_2012 : i32 to vector<16xi32>
      %select_n3A_2014 = arith.select %eq3A_2008, %add3A_2011, %broadcast_in_dim3A_2013 : vector<16xi1>, vector<16xi32>
      %min3A_2015 = arith.minsi %min3A_2006, %select_n3A_2014 : vector<16xi32>
      %eq3A_2016 = vector.broadcast %reduce_max3A_1884 : f32 to vector<16xf32>
      %eq3A_2017 = arith.cmpf oeq, %select_n3A_1865, %eq3A_2016 : vector<16xf32>
      %add3A_2018 = arith.constant 240 : i32
      %add3A_2019 = vector.broadcast %add3A_2018 : i32 to vector<16xi32>
      %add3A_2020 = arith.addi %iota3A, %add3A_2019 : vector<16xi32>
      %jit3A_2021 = arith.constant 256 : i32
      %broadcast_in_dim3A_2022 = vector.broadcast %jit3A_2021 : i32 to vector<16xi32>
      %select_n3A_2023 = arith.select %eq3A_2017, %add3A_2020, %broadcast_in_dim3A_2022 : vector<16xi1>, vector<16xi32>
      %min3A_2024 = arith.minsi %min3A_2015, %select_n3A_2023 : vector<16xi32>
      %reduce_min3A_2025 = arith.constant true
      %reduce_min3A_2026 = vector.broadcast %reduce_min3A_2025 : i1 to vector<16xi1>
      %reduce_min3A_2027 = arith.constant -2147483648 : i32
      %reduce_min3A_2028 = vector.broadcast %reduce_min3A_2027 : i32 to vector<16xi32>
      %reduce_min3A_2029 = arith.xori %min3A_2024, %reduce_min3A_2028 : vector<16xi32>
      %reduce_min3A_2030 = tpu.scan <min>, %reduce_min3A_2029 masked %reduce_min3A_2026 : vector<16xi32>, vector<16xi1> -> vector<16xi32>
      %reduce_min3A_2031 = arith.xori %reduce_min3A_2030, %reduce_min3A_2028 : vector<16xi32>
      %reduce_min3A_2032 = vector.extract %reduce_min3A_2031[15] : i32 from vector<16xi32>
      %mul3A_2033 = arith.constant 16 : i32
      %mul3A_2034 = arith.muli %scan3A_183, %mul3A_2033 : i32
      %add3A_2035 = arith.constant 3 : i32
      %add3A_2036 = arith.addi %mul3A_2034, %add3A_2035 : i32
      %swap3A_2037 = arith.index_cast %add3A_2036 : i32 to index
      %swap3A_2038 = memref.load %arg13[%swap3A_2037] : memref<112xi32, #tpu.memory_space<smem>>
      memref.store %reduce_min3A_2032, %arg13[%swap3A_2037] : memref<112xi32, #tpu.memory_space<smem>>
      %add3A_2039 = arith.constant 0 : i32
      %add3A_2040 = vector.broadcast %add3A_2039 : i32 to vector<16xi32>
      %add3A_2041 = arith.addi %iota3A, %add3A_2040 : vector<16xi32>
      %eq3A_2042 = vector.broadcast %reduce_min3A_2032 : i32 to vector<16xi32>
      %eq3A_2043 = arith.cmpi eq, %add3A_2041, %eq3A_2042 : vector<16xi32>
      %jit3A_2044 = arith.constant -3.000000e+38 : f32
      %broadcast_in_dim3A_2045 = vector.broadcast %jit3A_2044 : f32 to vector<16xf32>
      %select_n3A_2046 = arith.select %eq3A_2043, %broadcast_in_dim3A_2045, %select_n3A_1745 : vector<16xi1>, vector<16xf32>
      %add3A_2047 = arith.constant 16 : i32
      %add3A_2048 = vector.broadcast %add3A_2047 : i32 to vector<16xi32>
      %add3A_2049 = arith.addi %iota3A, %add3A_2048 : vector<16xi32>
      %eq3A_2050 = vector.broadcast %reduce_min3A_2032 : i32 to vector<16xi32>
      %eq3A_2051 = arith.cmpi eq, %add3A_2049, %eq3A_2050 : vector<16xi32>
      %jit3A_2052 = arith.constant -3.000000e+38 : f32
      %broadcast_in_dim3A_2053 = vector.broadcast %jit3A_2052 : f32 to vector<16xf32>
      %select_n3A_2054 = arith.select %eq3A_2051, %broadcast_in_dim3A_2053, %select_n3A_1753 : vector<16xi1>, vector<16xf32>
      %add3A_2055 = arith.constant 32 : i32
      %add3A_2056 = vector.broadcast %add3A_2055 : i32 to vector<16xi32>
      %add3A_2057 = arith.addi %iota3A, %add3A_2056 : vector<16xi32>
      %eq3A_2058 = vector.broadcast %reduce_min3A_2032 : i32 to vector<16xi32>
      %eq3A_2059 = arith.cmpi eq, %add3A_2057, %eq3A_2058 : vector<16xi32>
      %jit3A_2060 = arith.constant -3.000000e+38 : f32
      %broadcast_in_dim3A_2061 = vector.broadcast %jit3A_2060 : f32 to vector<16xf32>
      %select_n3A_2062 = arith.select %eq3A_2059, %broadcast_in_dim3A_2061, %select_n3A_1761 : vector<16xi1>, vector<16xf32>
      %add3A_2063 = arith.constant 48 : i32
      %add3A_2064 = vector.broadcast %add3A_2063 : i32 to vector<16xi32>
      %add3A_2065 = arith.addi %iota3A, %add3A_2064 : vector<16xi32>
      %eq3A_2066 = vector.broadcast %reduce_min3A_2032 : i32 to vector<16xi32>
      %eq3A_2067 = arith.cmpi eq, %add3A_2065, %eq3A_2066 : vector<16xi32>
      %jit3A_2068 = arith.constant -3.000000e+38 : f32
      %broadcast_in_dim3A_2069 = vector.broadcast %jit3A_2068 : f32 to vector<16xf32>
      %select_n3A_2070 = arith.select %eq3A_2067, %broadcast_in_dim3A_2069, %select_n3A_1769 : vector<16xi1>, vector<16xf32>
      %add3A_2071 = arith.constant 64 : i32
      %add3A_2072 = vector.broadcast %add3A_2071 : i32 to vector<16xi32>
      %add3A_2073 = arith.addi %iota3A, %add3A_2072 : vector<16xi32>
      %eq3A_2074 = vector.broadcast %reduce_min3A_2032 : i32 to vector<16xi32>
      %eq3A_2075 = arith.cmpi eq, %add3A_2073, %eq3A_2074 : vector<16xi32>
      %jit3A_2076 = arith.constant -3.000000e+38 : f32
      %broadcast_in_dim3A_2077 = vector.broadcast %jit3A_2076 : f32 to vector<16xf32>
      %select_n3A_2078 = arith.select %eq3A_2075, %broadcast_in_dim3A_2077, %select_n3A_1777 : vector<16xi1>, vector<16xf32>
      %add3A_2079 = arith.constant 80 : i32
      %add3A_2080 = vector.broadcast %add3A_2079 : i32 to vector<16xi32>
      %add3A_2081 = arith.addi %iota3A, %add3A_2080 : vector<16xi32>
      %eq3A_2082 = vector.broadcast %reduce_min3A_2032 : i32 to vector<16xi32>
      %eq3A_2083 = arith.cmpi eq, %add3A_2081, %eq3A_2082 : vector<16xi32>
      %jit3A_2084 = arith.constant -3.000000e+38 : f32
      %broadcast_in_dim3A_2085 = vector.broadcast %jit3A_2084 : f32 to vector<16xf32>
      %select_n3A_2086 = arith.select %eq3A_2083, %broadcast_in_dim3A_2085, %select_n3A_1785 : vector<16xi1>, vector<16xf32>
      %add3A_2087 = arith.constant 96 : i32
      %add3A_2088 = vector.broadcast %add3A_2087 : i32 to vector<16xi32>
      %add3A_2089 = arith.addi %iota3A, %add3A_2088 : vector<16xi32>
      %eq3A_2090 = vector.broadcast %reduce_min3A_2032 : i32 to vector<16xi32>
      %eq3A_2091 = arith.cmpi eq, %add3A_2089, %eq3A_2090 : vector<16xi32>
      %jit3A_2092 = arith.constant -3.000000e+38 : f32
      %broadcast_in_dim3A_2093 = vector.broadcast %jit3A_2092 : f32 to vector<16xf32>
      %select_n3A_2094 = arith.select %eq3A_2091, %broadcast_in_dim3A_2093, %select_n3A_1793 : vector<16xi1>, vector<16xf32>
      %add3A_2095 = arith.constant 112 : i32
      %add3A_2096 = vector.broadcast %add3A_2095 : i32 to vector<16xi32>
      %add3A_2097 = arith.addi %iota3A, %add3A_2096 : vector<16xi32>
      %eq3A_2098 = vector.broadcast %reduce_min3A_2032 : i32 to vector<16xi32>
      %eq3A_2099 = arith.cmpi eq, %add3A_2097, %eq3A_2098 : vector<16xi32>
      %jit3A_2100 = arith.constant -3.000000e+38 : f32
      %broadcast_in_dim3A_2101 = vector.broadcast %jit3A_2100 : f32 to vector<16xf32>
      %select_n3A_2102 = arith.select %eq3A_2099, %broadcast_in_dim3A_2101, %select_n3A_1801 : vector<16xi1>, vector<16xf32>
      %add3A_2103 = arith.constant 128 : i32
      %add3A_2104 = vector.broadcast %add3A_2103 : i32 to vector<16xi32>
      %add3A_2105 = arith.addi %iota3A, %add3A_2104 : vector<16xi32>
      %eq3A_2106 = vector.broadcast %reduce_min3A_2032 : i32 to vector<16xi32>
      %eq3A_2107 = arith.cmpi eq, %add3A_2105, %eq3A_2106 : vector<16xi32>
      %jit3A_2108 = arith.constant -3.000000e+38 : f32
      %broadcast_in_dim3A_2109 = vector.broadcast %jit3A_2108 : f32 to vector<16xf32>
      %select_n3A_2110 = arith.select %eq3A_2107, %broadcast_in_dim3A_2109, %select_n3A_1809 : vector<16xi1>, vector<16xf32>
      %add3A_2111 = arith.constant 144 : i32
      %add3A_2112 = vector.broadcast %add3A_2111 : i32 to vector<16xi32>
      %add3A_2113 = arith.addi %iota3A, %add3A_2112 : vector<16xi32>
      %eq3A_2114 = vector.broadcast %reduce_min3A_2032 : i32 to vector<16xi32>
      %eq3A_2115 = arith.cmpi eq, %add3A_2113, %eq3A_2114 : vector<16xi32>
      %jit3A_2116 = arith.constant -3.000000e+38 : f32
      %broadcast_in_dim3A_2117 = vector.broadcast %jit3A_2116 : f32 to vector<16xf32>
      %select_n3A_2118 = arith.select %eq3A_2115, %broadcast_in_dim3A_2117, %select_n3A_1817 : vector<16xi1>, vector<16xf32>
      %add3A_2119 = arith.constant 160 : i32
      %add3A_2120 = vector.broadcast %add3A_2119 : i32 to vector<16xi32>
      %add3A_2121 = arith.addi %iota3A, %add3A_2120 : vector<16xi32>
      %eq3A_2122 = vector.broadcast %reduce_min3A_2032 : i32 to vector<16xi32>
      %eq3A_2123 = arith.cmpi eq, %add3A_2121, %eq3A_2122 : vector<16xi32>
      %jit3A_2124 = arith.constant -3.000000e+38 : f32
      %broadcast_in_dim3A_2125 = vector.broadcast %jit3A_2124 : f32 to vector<16xf32>
      %select_n3A_2126 = arith.select %eq3A_2123, %broadcast_in_dim3A_2125, %select_n3A_1825 : vector<16xi1>, vector<16xf32>
      %add3A_2127 = arith.constant 176 : i32
      %add3A_2128 = vector.broadcast %add3A_2127 : i32 to vector<16xi32>
      %add3A_2129 = arith.addi %iota3A, %add3A_2128 : vector<16xi32>
      %eq3A_2130 = vector.broadcast %reduce_min3A_2032 : i32 to vector<16xi32>
      %eq3A_2131 = arith.cmpi eq, %add3A_2129, %eq3A_2130 : vector<16xi32>
      %jit3A_2132 = arith.constant -3.000000e+38 : f32
      %broadcast_in_dim3A_2133 = vector.broadcast %jit3A_2132 : f32 to vector<16xf32>
      %select_n3A_2134 = arith.select %eq3A_2131, %broadcast_in_dim3A_2133, %select_n3A_1833 : vector<16xi1>, vector<16xf32>
      %add3A_2135 = arith.constant 192 : i32
      %add3A_2136 = vector.broadcast %add3A_2135 : i32 to vector<16xi32>
      %add3A_2137 = arith.addi %iota3A, %add3A_2136 : vector<16xi32>
      %eq3A_2138 = vector.broadcast %reduce_min3A_2032 : i32 to vector<16xi32>
      %eq3A_2139 = arith.cmpi eq, %add3A_2137, %eq3A_2138 : vector<16xi32>
      %jit3A_2140 = arith.constant -3.000000e+38 : f32
      %broadcast_in_dim3A_2141 = vector.broadcast %jit3A_2140 : f32 to vector<16xf32>
      %select_n3A_2142 = arith.select %eq3A_2139, %broadcast_in_dim3A_2141, %select_n3A_1841 : vector<16xi1>, vector<16xf32>
      %add3A_2143 = arith.constant 208 : i32
      %add3A_2144 = vector.broadcast %add3A_2143 : i32 to vector<16xi32>
      %add3A_2145 = arith.addi %iota3A, %add3A_2144 : vector<16xi32>
      %eq3A_2146 = vector.broadcast %reduce_min3A_2032 : i32 to vector<16xi32>
      %eq3A_2147 = arith.cmpi eq, %add3A_2145, %eq3A_2146 : vector<16xi32>
      %jit3A_2148 = arith.constant -3.000000e+38 : f32
      %broadcast_in_dim3A_2149 = vector.broadcast %jit3A_2148 : f32 to vector<16xf32>
      %select_n3A_2150 = arith.select %eq3A_2147, %broadcast_in_dim3A_2149, %select_n3A_1849 : vector<16xi1>, vector<16xf32>
      %add3A_2151 = arith.constant 224 : i32
      %add3A_2152 = vector.broadcast %add3A_2151 : i32 to vector<16xi32>
      %add3A_2153 = arith.addi %iota3A, %add3A_2152 : vector<16xi32>
      %eq3A_2154 = vector.broadcast %reduce_min3A_2032 : i32 to vector<16xi32>
      %eq3A_2155 = arith.cmpi eq, %add3A_2153, %eq3A_2154 : vector<16xi32>
      %jit3A_2156 = arith.constant -3.000000e+38 : f32
      %broadcast_in_dim3A_2157 = vector.broadcast %jit3A_2156 : f32 to vector<16xf32>
      %select_n3A_2158 = arith.select %eq3A_2155, %broadcast_in_dim3A_2157, %select_n3A_1857 : vector<16xi1>, vector<16xf32>
      %add3A_2159 = arith.constant 240 : i32
      %add3A_2160 = vector.broadcast %add3A_2159 : i32 to vector<16xi32>
      %add3A_2161 = arith.addi %iota3A, %add3A_2160 : vector<16xi32>
      %eq3A_2162 = vector.broadcast %reduce_min3A_2032 : i32 to vector<16xi32>
      %eq3A_2163 = arith.cmpi eq, %add3A_2161, %eq3A_2162 : vector<16xi32>
      %jit3A_2164 = arith.constant -3.000000e+38 : f32
      %broadcast_in_dim3A_2165 = vector.broadcast %jit3A_2164 : f32 to vector<16xf32>
      %select_n3A_2166 = arith.select %eq3A_2163, %broadcast_in_dim3A_2165, %select_n3A_1865 : vector<16xi1>, vector<16xf32>
      %max3A_2167 = arith.maximumf %select_n3A_2046, %select_n3A_2054 : vector<16xf32>
      %max3A_2168 = arith.maximumf %max3A_2167, %select_n3A_2062 : vector<16xf32>
      %max3A_2169 = arith.maximumf %max3A_2168, %select_n3A_2070 : vector<16xf32>
      %max3A_2170 = arith.maximumf %max3A_2169, %select_n3A_2078 : vector<16xf32>
      %max3A_2171 = arith.maximumf %max3A_2170, %select_n3A_2086 : vector<16xf32>
      %max3A_2172 = arith.maximumf %max3A_2171, %select_n3A_2094 : vector<16xf32>
      %max3A_2173 = arith.maximumf %max3A_2172, %select_n3A_2102 : vector<16xf32>
      %max3A_2174 = arith.maximumf %max3A_2173, %select_n3A_2110 : vector<16xf32>
      %max3A_2175 = arith.maximumf %max3A_2174, %select_n3A_2118 : vector<16xf32>
      %max3A_2176 = arith.maximumf %max3A_2175, %select_n3A_2126 : vector<16xf32>
      %max3A_2177 = arith.maximumf %max3A_2176, %select_n3A_2134 : vector<16xf32>
      %max3A_2178 = arith.maximumf %max3A_2177, %select_n3A_2142 : vector<16xf32>
      %max3A_2179 = arith.maximumf %max3A_2178, %select_n3A_2150 : vector<16xf32>
      %max3A_2180 = arith.maximumf %max3A_2179, %select_n3A_2158 : vector<16xf32>
      %max3A_2181 = arith.maximumf %max3A_2180, %select_n3A_2166 : vector<16xf32>
      %reduce_max3A_2182 = arith.constant true
      %reduce_max3A_2183 = vector.broadcast %reduce_max3A_2182 : i1 to vector<16xi1>
      %reduce_max3A_2184 = tpu.scan <max>, %max3A_2181 masked %reduce_max3A_2183 : vector<16xf32>, vector<16xi1> -> vector<16xf32>
      %reduce_max3A_2185 = vector.extract %reduce_max3A_2184[15] : f32 from vector<16xf32>
      %eq3A_2186 = vector.broadcast %reduce_max3A_2185 : f32 to vector<16xf32>
      %eq3A_2187 = arith.cmpf oeq, %select_n3A_2046, %eq3A_2186 : vector<16xf32>
      %jit3A_2188 = arith.constant 256 : i32
      %broadcast_in_dim3A_2189 = vector.broadcast %jit3A_2188 : i32 to vector<16xi32>
      %select_n3A_2190 = arith.select %eq3A_2187, %iota3A, %broadcast_in_dim3A_2189 : vector<16xi1>, vector<16xi32>
      %eq3A_2191 = vector.broadcast %reduce_max3A_2185 : f32 to vector<16xf32>
      %eq3A_2192 = arith.cmpf oeq, %select_n3A_2054, %eq3A_2191 : vector<16xf32>
      %add3A_2193 = arith.constant 16 : i32
      %add3A_2194 = vector.broadcast %add3A_2193 : i32 to vector<16xi32>
      %add3A_2195 = arith.addi %iota3A, %add3A_2194 : vector<16xi32>
      %jit3A_2196 = arith.constant 256 : i32
      %broadcast_in_dim3A_2197 = vector.broadcast %jit3A_2196 : i32 to vector<16xi32>
      %select_n3A_2198 = arith.select %eq3A_2192, %add3A_2195, %broadcast_in_dim3A_2197 : vector<16xi1>, vector<16xi32>
      %min3A_2199 = arith.minsi %select_n3A_2190, %select_n3A_2198 : vector<16xi32>
      %eq3A_2200 = vector.broadcast %reduce_max3A_2185 : f32 to vector<16xf32>
      %eq3A_2201 = arith.cmpf oeq, %select_n3A_2062, %eq3A_2200 : vector<16xf32>
      %add3A_2202 = arith.constant 32 : i32
      %add3A_2203 = vector.broadcast %add3A_2202 : i32 to vector<16xi32>
      %add3A_2204 = arith.addi %iota3A, %add3A_2203 : vector<16xi32>
      %jit3A_2205 = arith.constant 256 : i32
      %broadcast_in_dim3A_2206 = vector.broadcast %jit3A_2205 : i32 to vector<16xi32>
      %select_n3A_2207 = arith.select %eq3A_2201, %add3A_2204, %broadcast_in_dim3A_2206 : vector<16xi1>, vector<16xi32>
      %min3A_2208 = arith.minsi %min3A_2199, %select_n3A_2207 : vector<16xi32>
      %eq3A_2209 = vector.broadcast %reduce_max3A_2185 : f32 to vector<16xf32>
      %eq3A_2210 = arith.cmpf oeq, %select_n3A_2070, %eq3A_2209 : vector<16xf32>
      %add3A_2211 = arith.constant 48 : i32
      %add3A_2212 = vector.broadcast %add3A_2211 : i32 to vector<16xi32>
      %add3A_2213 = arith.addi %iota3A, %add3A_2212 : vector<16xi32>
      %jit3A_2214 = arith.constant 256 : i32
      %broadcast_in_dim3A_2215 = vector.broadcast %jit3A_2214 : i32 to vector<16xi32>
      %select_n3A_2216 = arith.select %eq3A_2210, %add3A_2213, %broadcast_in_dim3A_2215 : vector<16xi1>, vector<16xi32>
      %min3A_2217 = arith.minsi %min3A_2208, %select_n3A_2216 : vector<16xi32>
      %eq3A_2218 = vector.broadcast %reduce_max3A_2185 : f32 to vector<16xf32>
      %eq3A_2219 = arith.cmpf oeq, %select_n3A_2078, %eq3A_2218 : vector<16xf32>
      %add3A_2220 = arith.constant 64 : i32
      %add3A_2221 = vector.broadcast %add3A_2220 : i32 to vector<16xi32>
      %add3A_2222 = arith.addi %iota3A, %add3A_2221 : vector<16xi32>
      %jit3A_2223 = arith.constant 256 : i32
      %broadcast_in_dim3A_2224 = vector.broadcast %jit3A_2223 : i32 to vector<16xi32>
      %select_n3A_2225 = arith.select %eq3A_2219, %add3A_2222, %broadcast_in_dim3A_2224 : vector<16xi1>, vector<16xi32>
      %min3A_2226 = arith.minsi %min3A_2217, %select_n3A_2225 : vector<16xi32>
      %eq3A_2227 = vector.broadcast %reduce_max3A_2185 : f32 to vector<16xf32>
      %eq3A_2228 = arith.cmpf oeq, %select_n3A_2086, %eq3A_2227 : vector<16xf32>
      %add3A_2229 = arith.constant 80 : i32
      %add3A_2230 = vector.broadcast %add3A_2229 : i32 to vector<16xi32>
      %add3A_2231 = arith.addi %iota3A, %add3A_2230 : vector<16xi32>
      %jit3A_2232 = arith.constant 256 : i32
      %broadcast_in_dim3A_2233 = vector.broadcast %jit3A_2232 : i32 to vector<16xi32>
      %select_n3A_2234 = arith.select %eq3A_2228, %add3A_2231, %broadcast_in_dim3A_2233 : vector<16xi1>, vector<16xi32>
      %min3A_2235 = arith.minsi %min3A_2226, %select_n3A_2234 : vector<16xi32>
      %eq3A_2236 = vector.broadcast %reduce_max3A_2185 : f32 to vector<16xf32>
      %eq3A_2237 = arith.cmpf oeq, %select_n3A_2094, %eq3A_2236 : vector<16xf32>
      %add3A_2238 = arith.constant 96 : i32
      %add3A_2239 = vector.broadcast %add3A_2238 : i32 to vector<16xi32>
      %add3A_2240 = arith.addi %iota3A, %add3A_2239 : vector<16xi32>
      %jit3A_2241 = arith.constant 256 : i32
      %broadcast_in_dim3A_2242 = vector.broadcast %jit3A_2241 : i32 to vector<16xi32>
      %select_n3A_2243 = arith.select %eq3A_2237, %add3A_2240, %broadcast_in_dim3A_2242 : vector<16xi1>, vector<16xi32>
      %min3A_2244 = arith.minsi %min3A_2235, %select_n3A_2243 : vector<16xi32>
      %eq3A_2245 = vector.broadcast %reduce_max3A_2185 : f32 to vector<16xf32>
      %eq3A_2246 = arith.cmpf oeq, %select_n3A_2102, %eq3A_2245 : vector<16xf32>
      %add3A_2247 = arith.constant 112 : i32
      %add3A_2248 = vector.broadcast %add3A_2247 : i32 to vector<16xi32>
      %add3A_2249 = arith.addi %iota3A, %add3A_2248 : vector<16xi32>
      %jit3A_2250 = arith.constant 256 : i32
      %broadcast_in_dim3A_2251 = vector.broadcast %jit3A_2250 : i32 to vector<16xi32>
      %select_n3A_2252 = arith.select %eq3A_2246, %add3A_2249, %broadcast_in_dim3A_2251 : vector<16xi1>, vector<16xi32>
      %min3A_2253 = arith.minsi %min3A_2244, %select_n3A_2252 : vector<16xi32>
      %eq3A_2254 = vector.broadcast %reduce_max3A_2185 : f32 to vector<16xf32>
      %eq3A_2255 = arith.cmpf oeq, %select_n3A_2110, %eq3A_2254 : vector<16xf32>
      %add3A_2256 = arith.constant 128 : i32
      %add3A_2257 = vector.broadcast %add3A_2256 : i32 to vector<16xi32>
      %add3A_2258 = arith.addi %iota3A, %add3A_2257 : vector<16xi32>
      %jit3A_2259 = arith.constant 256 : i32
      %broadcast_in_dim3A_2260 = vector.broadcast %jit3A_2259 : i32 to vector<16xi32>
      %select_n3A_2261 = arith.select %eq3A_2255, %add3A_2258, %broadcast_in_dim3A_2260 : vector<16xi1>, vector<16xi32>
      %min3A_2262 = arith.minsi %min3A_2253, %select_n3A_2261 : vector<16xi32>
      %eq3A_2263 = vector.broadcast %reduce_max3A_2185 : f32 to vector<16xf32>
      %eq3A_2264 = arith.cmpf oeq, %select_n3A_2118, %eq3A_2263 : vector<16xf32>
      %add3A_2265 = arith.constant 144 : i32
      %add3A_2266 = vector.broadcast %add3A_2265 : i32 to vector<16xi32>
      %add3A_2267 = arith.addi %iota3A, %add3A_2266 : vector<16xi32>
      %jit3A_2268 = arith.constant 256 : i32
      %broadcast_in_dim3A_2269 = vector.broadcast %jit3A_2268 : i32 to vector<16xi32>
      %select_n3A_2270 = arith.select %eq3A_2264, %add3A_2267, %broadcast_in_dim3A_2269 : vector<16xi1>, vector<16xi32>
      %min3A_2271 = arith.minsi %min3A_2262, %select_n3A_2270 : vector<16xi32>
      %eq3A_2272 = vector.broadcast %reduce_max3A_2185 : f32 to vector<16xf32>
      %eq3A_2273 = arith.cmpf oeq, %select_n3A_2126, %eq3A_2272 : vector<16xf32>
      %add3A_2274 = arith.constant 160 : i32
      %add3A_2275 = vector.broadcast %add3A_2274 : i32 to vector<16xi32>
      %add3A_2276 = arith.addi %iota3A, %add3A_2275 : vector<16xi32>
      %jit3A_2277 = arith.constant 256 : i32
      %broadcast_in_dim3A_2278 = vector.broadcast %jit3A_2277 : i32 to vector<16xi32>
      %select_n3A_2279 = arith.select %eq3A_2273, %add3A_2276, %broadcast_in_dim3A_2278 : vector<16xi1>, vector<16xi32>
      %min3A_2280 = arith.minsi %min3A_2271, %select_n3A_2279 : vector<16xi32>
      %eq3A_2281 = vector.broadcast %reduce_max3A_2185 : f32 to vector<16xf32>
      %eq3A_2282 = arith.cmpf oeq, %select_n3A_2134, %eq3A_2281 : vector<16xf32>
      %add3A_2283 = arith.constant 176 : i32
      %add3A_2284 = vector.broadcast %add3A_2283 : i32 to vector<16xi32>
      %add3A_2285 = arith.addi %iota3A, %add3A_2284 : vector<16xi32>
      %jit3A_2286 = arith.constant 256 : i32
      %broadcast_in_dim3A_2287 = vector.broadcast %jit3A_2286 : i32 to vector<16xi32>
      %select_n3A_2288 = arith.select %eq3A_2282, %add3A_2285, %broadcast_in_dim3A_2287 : vector<16xi1>, vector<16xi32>
      %min3A_2289 = arith.minsi %min3A_2280, %select_n3A_2288 : vector<16xi32>
      %eq3A_2290 = vector.broadcast %reduce_max3A_2185 : f32 to vector<16xf32>
      %eq3A_2291 = arith.cmpf oeq, %select_n3A_2142, %eq3A_2290 : vector<16xf32>
      %add3A_2292 = arith.constant 192 : i32
      %add3A_2293 = vector.broadcast %add3A_2292 : i32 to vector<16xi32>
      %add3A_2294 = arith.addi %iota3A, %add3A_2293 : vector<16xi32>
      %jit3A_2295 = arith.constant 256 : i32
      %broadcast_in_dim3A_2296 = vector.broadcast %jit3A_2295 : i32 to vector<16xi32>
      %select_n3A_2297 = arith.select %eq3A_2291, %add3A_2294, %broadcast_in_dim3A_2296 : vector<16xi1>, vector<16xi32>
      %min3A_2298 = arith.minsi %min3A_2289, %select_n3A_2297 : vector<16xi32>
      %eq3A_2299 = vector.broadcast %reduce_max3A_2185 : f32 to vector<16xf32>
      %eq3A_2300 = arith.cmpf oeq, %select_n3A_2150, %eq3A_2299 : vector<16xf32>
      %add3A_2301 = arith.constant 208 : i32
      %add3A_2302 = vector.broadcast %add3A_2301 : i32 to vector<16xi32>
      %add3A_2303 = arith.addi %iota3A, %add3A_2302 : vector<16xi32>
      %jit3A_2304 = arith.constant 256 : i32
      %broadcast_in_dim3A_2305 = vector.broadcast %jit3A_2304 : i32 to vector<16xi32>
      %select_n3A_2306 = arith.select %eq3A_2300, %add3A_2303, %broadcast_in_dim3A_2305 : vector<16xi1>, vector<16xi32>
      %min3A_2307 = arith.minsi %min3A_2298, %select_n3A_2306 : vector<16xi32>
      %eq3A_2308 = vector.broadcast %reduce_max3A_2185 : f32 to vector<16xf32>
      %eq3A_2309 = arith.cmpf oeq, %select_n3A_2158, %eq3A_2308 : vector<16xf32>
      %add3A_2310 = arith.constant 224 : i32
      %add3A_2311 = vector.broadcast %add3A_2310 : i32 to vector<16xi32>
      %add3A_2312 = arith.addi %iota3A, %add3A_2311 : vector<16xi32>
      %jit3A_2313 = arith.constant 256 : i32
      %broadcast_in_dim3A_2314 = vector.broadcast %jit3A_2313 : i32 to vector<16xi32>
      %select_n3A_2315 = arith.select %eq3A_2309, %add3A_2312, %broadcast_in_dim3A_2314 : vector<16xi1>, vector<16xi32>
      %min3A_2316 = arith.minsi %min3A_2307, %select_n3A_2315 : vector<16xi32>
      %eq3A_2317 = vector.broadcast %reduce_max3A_2185 : f32 to vector<16xf32>
      %eq3A_2318 = arith.cmpf oeq, %select_n3A_2166, %eq3A_2317 : vector<16xf32>
      %add3A_2319 = arith.constant 240 : i32
      %add3A_2320 = vector.broadcast %add3A_2319 : i32 to vector<16xi32>
      %add3A_2321 = arith.addi %iota3A, %add3A_2320 : vector<16xi32>
      %jit3A_2322 = arith.constant 256 : i32
      %broadcast_in_dim3A_2323 = vector.broadcast %jit3A_2322 : i32 to vector<16xi32>
      %select_n3A_2324 = arith.select %eq3A_2318, %add3A_2321, %broadcast_in_dim3A_2323 : vector<16xi1>, vector<16xi32>
      %min3A_2325 = arith.minsi %min3A_2316, %select_n3A_2324 : vector<16xi32>
      %reduce_min3A_2326 = arith.constant true
      %reduce_min3A_2327 = vector.broadcast %reduce_min3A_2326 : i1 to vector<16xi1>
      %reduce_min3A_2328 = arith.constant -2147483648 : i32
      %reduce_min3A_2329 = vector.broadcast %reduce_min3A_2328 : i32 to vector<16xi32>
      %reduce_min3A_2330 = arith.xori %min3A_2325, %reduce_min3A_2329 : vector<16xi32>
      %reduce_min3A_2331 = tpu.scan <min>, %reduce_min3A_2330 masked %reduce_min3A_2327 : vector<16xi32>, vector<16xi1> -> vector<16xi32>
      %reduce_min3A_2332 = arith.xori %reduce_min3A_2331, %reduce_min3A_2329 : vector<16xi32>
      %reduce_min3A_2333 = vector.extract %reduce_min3A_2332[15] : i32 from vector<16xi32>
      %mul3A_2334 = arith.constant 16 : i32
      %mul3A_2335 = arith.muli %scan3A_183, %mul3A_2334 : i32
      %add3A_2336 = arith.constant 4 : i32
      %add3A_2337 = arith.addi %mul3A_2335, %add3A_2336 : i32
      %swap3A_2338 = arith.index_cast %add3A_2337 : i32 to index
      %swap3A_2339 = memref.load %arg13[%swap3A_2338] : memref<112xi32, #tpu.memory_space<smem>>
      memref.store %reduce_min3A_2333, %arg13[%swap3A_2338] : memref<112xi32, #tpu.memory_space<smem>>
      %add3A_2340 = arith.constant 0 : i32
      %add3A_2341 = vector.broadcast %add3A_2340 : i32 to vector<16xi32>
      %add3A_2342 = arith.addi %iota3A, %add3A_2341 : vector<16xi32>
      %eq3A_2343 = vector.broadcast %reduce_min3A_2333 : i32 to vector<16xi32>
      %eq3A_2344 = arith.cmpi eq, %add3A_2342, %eq3A_2343 : vector<16xi32>
      %jit3A_2345 = arith.constant -3.000000e+38 : f32
      %broadcast_in_dim3A_2346 = vector.broadcast %jit3A_2345 : f32 to vector<16xf32>
      %select_n3A_2347 = arith.select %eq3A_2344, %broadcast_in_dim3A_2346, %select_n3A_2046 : vector<16xi1>, vector<16xf32>
      %add3A_2348 = arith.constant 16 : i32
      %add3A_2349 = vector.broadcast %add3A_2348 : i32 to vector<16xi32>
      %add3A_2350 = arith.addi %iota3A, %add3A_2349 : vector<16xi32>
      %eq3A_2351 = vector.broadcast %reduce_min3A_2333 : i32 to vector<16xi32>
      %eq3A_2352 = arith.cmpi eq, %add3A_2350, %eq3A_2351 : vector<16xi32>
      %jit3A_2353 = arith.constant -3.000000e+38 : f32
      %broadcast_in_dim3A_2354 = vector.broadcast %jit3A_2353 : f32 to vector<16xf32>
      %select_n3A_2355 = arith.select %eq3A_2352, %broadcast_in_dim3A_2354, %select_n3A_2054 : vector<16xi1>, vector<16xf32>
      %add3A_2356 = arith.constant 32 : i32
      %add3A_2357 = vector.broadcast %add3A_2356 : i32 to vector<16xi32>
      %add3A_2358 = arith.addi %iota3A, %add3A_2357 : vector<16xi32>
      %eq3A_2359 = vector.broadcast %reduce_min3A_2333 : i32 to vector<16xi32>
      %eq3A_2360 = arith.cmpi eq, %add3A_2358, %eq3A_2359 : vector<16xi32>
      %jit3A_2361 = arith.constant -3.000000e+38 : f32
      %broadcast_in_dim3A_2362 = vector.broadcast %jit3A_2361 : f32 to vector<16xf32>
      %select_n3A_2363 = arith.select %eq3A_2360, %broadcast_in_dim3A_2362, %select_n3A_2062 : vector<16xi1>, vector<16xf32>
      %add3A_2364 = arith.constant 48 : i32
      %add3A_2365 = vector.broadcast %add3A_2364 : i32 to vector<16xi32>
      %add3A_2366 = arith.addi %iota3A, %add3A_2365 : vector<16xi32>
      %eq3A_2367 = vector.broadcast %reduce_min3A_2333 : i32 to vector<16xi32>
      %eq3A_2368 = arith.cmpi eq, %add3A_2366, %eq3A_2367 : vector<16xi32>
      %jit3A_2369 = arith.constant -3.000000e+38 : f32
      %broadcast_in_dim3A_2370 = vector.broadcast %jit3A_2369 : f32 to vector<16xf32>
      %select_n3A_2371 = arith.select %eq3A_2368, %broadcast_in_dim3A_2370, %select_n3A_2070 : vector<16xi1>, vector<16xf32>
      %add3A_2372 = arith.constant 64 : i32
      %add3A_2373 = vector.broadcast %add3A_2372 : i32 to vector<16xi32>
      %add3A_2374 = arith.addi %iota3A, %add3A_2373 : vector<16xi32>
      %eq3A_2375 = vector.broadcast %reduce_min3A_2333 : i32 to vector<16xi32>
      %eq3A_2376 = arith.cmpi eq, %add3A_2374, %eq3A_2375 : vector<16xi32>
      %jit3A_2377 = arith.constant -3.000000e+38 : f32
      %broadcast_in_dim3A_2378 = vector.broadcast %jit3A_2377 : f32 to vector<16xf32>
      %select_n3A_2379 = arith.select %eq3A_2376, %broadcast_in_dim3A_2378, %select_n3A_2078 : vector<16xi1>, vector<16xf32>
      %add3A_2380 = arith.constant 80 : i32
      %add3A_2381 = vector.broadcast %add3A_2380 : i32 to vector<16xi32>
      %add3A_2382 = arith.addi %iota3A, %add3A_2381 : vector<16xi32>
      %eq3A_2383 = vector.broadcast %reduce_min3A_2333 : i32 to vector<16xi32>
      %eq3A_2384 = arith.cmpi eq, %add3A_2382, %eq3A_2383 : vector<16xi32>
      %jit3A_2385 = arith.constant -3.000000e+38 : f32
      %broadcast_in_dim3A_2386 = vector.broadcast %jit3A_2385 : f32 to vector<16xf32>
      %select_n3A_2387 = arith.select %eq3A_2384, %broadcast_in_dim3A_2386, %select_n3A_2086 : vector<16xi1>, vector<16xf32>
      %add3A_2388 = arith.constant 96 : i32
      %add3A_2389 = vector.broadcast %add3A_2388 : i32 to vector<16xi32>
      %add3A_2390 = arith.addi %iota3A, %add3A_2389 : vector<16xi32>
      %eq3A_2391 = vector.broadcast %reduce_min3A_2333 : i32 to vector<16xi32>
      %eq3A_2392 = arith.cmpi eq, %add3A_2390, %eq3A_2391 : vector<16xi32>
      %jit3A_2393 = arith.constant -3.000000e+38 : f32
      %broadcast_in_dim3A_2394 = vector.broadcast %jit3A_2393 : f32 to vector<16xf32>
      %select_n3A_2395 = arith.select %eq3A_2392, %broadcast_in_dim3A_2394, %select_n3A_2094 : vector<16xi1>, vector<16xf32>
      %add3A_2396 = arith.constant 112 : i32
      %add3A_2397 = vector.broadcast %add3A_2396 : i32 to vector<16xi32>
      %add3A_2398 = arith.addi %iota3A, %add3A_2397 : vector<16xi32>
      %eq3A_2399 = vector.broadcast %reduce_min3A_2333 : i32 to vector<16xi32>
      %eq3A_2400 = arith.cmpi eq, %add3A_2398, %eq3A_2399 : vector<16xi32>
      %jit3A_2401 = arith.constant -3.000000e+38 : f32
      %broadcast_in_dim3A_2402 = vector.broadcast %jit3A_2401 : f32 to vector<16xf32>
      %select_n3A_2403 = arith.select %eq3A_2400, %broadcast_in_dim3A_2402, %select_n3A_2102 : vector<16xi1>, vector<16xf32>
      %add3A_2404 = arith.constant 128 : i32
      %add3A_2405 = vector.broadcast %add3A_2404 : i32 to vector<16xi32>
      %add3A_2406 = arith.addi %iota3A, %add3A_2405 : vector<16xi32>
      %eq3A_2407 = vector.broadcast %reduce_min3A_2333 : i32 to vector<16xi32>
      %eq3A_2408 = arith.cmpi eq, %add3A_2406, %eq3A_2407 : vector<16xi32>
      %jit3A_2409 = arith.constant -3.000000e+38 : f32
      %broadcast_in_dim3A_2410 = vector.broadcast %jit3A_2409 : f32 to vector<16xf32>
      %select_n3A_2411 = arith.select %eq3A_2408, %broadcast_in_dim3A_2410, %select_n3A_2110 : vector<16xi1>, vector<16xf32>
      %add3A_2412 = arith.constant 144 : i32
      %add3A_2413 = vector.broadcast %add3A_2412 : i32 to vector<16xi32>
      %add3A_2414 = arith.addi %iota3A, %add3A_2413 : vector<16xi32>
      %eq3A_2415 = vector.broadcast %reduce_min3A_2333 : i32 to vector<16xi32>
      %eq3A_2416 = arith.cmpi eq, %add3A_2414, %eq3A_2415 : vector<16xi32>
      %jit3A_2417 = arith.constant -3.000000e+38 : f32
      %broadcast_in_dim3A_2418 = vector.broadcast %jit3A_2417 : f32 to vector<16xf32>
      %select_n3A_2419 = arith.select %eq3A_2416, %broadcast_in_dim3A_2418, %select_n3A_2118 : vector<16xi1>, vector<16xf32>
      %add3A_2420 = arith.constant 160 : i32
      %add3A_2421 = vector.broadcast %add3A_2420 : i32 to vector<16xi32>
      %add3A_2422 = arith.addi %iota3A, %add3A_2421 : vector<16xi32>
      %eq3A_2423 = vector.broadcast %reduce_min3A_2333 : i32 to vector<16xi32>
      %eq3A_2424 = arith.cmpi eq, %add3A_2422, %eq3A_2423 : vector<16xi32>
      %jit3A_2425 = arith.constant -3.000000e+38 : f32
      %broadcast_in_dim3A_2426 = vector.broadcast %jit3A_2425 : f32 to vector<16xf32>
      %select_n3A_2427 = arith.select %eq3A_2424, %broadcast_in_dim3A_2426, %select_n3A_2126 : vector<16xi1>, vector<16xf32>
      %add3A_2428 = arith.constant 176 : i32
      %add3A_2429 = vector.broadcast %add3A_2428 : i32 to vector<16xi32>
      %add3A_2430 = arith.addi %iota3A, %add3A_2429 : vector<16xi32>
      %eq3A_2431 = vector.broadcast %reduce_min3A_2333 : i32 to vector<16xi32>
      %eq3A_2432 = arith.cmpi eq, %add3A_2430, %eq3A_2431 : vector<16xi32>
      %jit3A_2433 = arith.constant -3.000000e+38 : f32
      %broadcast_in_dim3A_2434 = vector.broadcast %jit3A_2433 : f32 to vector<16xf32>
      %select_n3A_2435 = arith.select %eq3A_2432, %broadcast_in_dim3A_2434, %select_n3A_2134 : vector<16xi1>, vector<16xf32>
      %add3A_2436 = arith.constant 192 : i32
      %add3A_2437 = vector.broadcast %add3A_2436 : i32 to vector<16xi32>
      %add3A_2438 = arith.addi %iota3A, %add3A_2437 : vector<16xi32>
      %eq3A_2439 = vector.broadcast %reduce_min3A_2333 : i32 to vector<16xi32>
      %eq3A_2440 = arith.cmpi eq, %add3A_2438, %eq3A_2439 : vector<16xi32>
      %jit3A_2441 = arith.constant -3.000000e+38 : f32
      %broadcast_in_dim3A_2442 = vector.broadcast %jit3A_2441 : f32 to vector<16xf32>
      %select_n3A_2443 = arith.select %eq3A_2440, %broadcast_in_dim3A_2442, %select_n3A_2142 : vector<16xi1>, vector<16xf32>
      %add3A_2444 = arith.constant 208 : i32
      %add3A_2445 = vector.broadcast %add3A_2444 : i32 to vector<16xi32>
      %add3A_2446 = arith.addi %iota3A, %add3A_2445 : vector<16xi32>
      %eq3A_2447 = vector.broadcast %reduce_min3A_2333 : i32 to vector<16xi32>
      %eq3A_2448 = arith.cmpi eq, %add3A_2446, %eq3A_2447 : vector<16xi32>
      %jit3A_2449 = arith.constant -3.000000e+38 : f32
      %broadcast_in_dim3A_2450 = vector.broadcast %jit3A_2449 : f32 to vector<16xf32>
      %select_n3A_2451 = arith.select %eq3A_2448, %broadcast_in_dim3A_2450, %select_n3A_2150 : vector<16xi1>, vector<16xf32>
      %add3A_2452 = arith.constant 224 : i32
      %add3A_2453 = vector.broadcast %add3A_2452 : i32 to vector<16xi32>
      %add3A_2454 = arith.addi %iota3A, %add3A_2453 : vector<16xi32>
      %eq3A_2455 = vector.broadcast %reduce_min3A_2333 : i32 to vector<16xi32>
      %eq3A_2456 = arith.cmpi eq, %add3A_2454, %eq3A_2455 : vector<16xi32>
      %jit3A_2457 = arith.constant -3.000000e+38 : f32
      %broadcast_in_dim3A_2458 = vector.broadcast %jit3A_2457 : f32 to vector<16xf32>
      %select_n3A_2459 = arith.select %eq3A_2456, %broadcast_in_dim3A_2458, %select_n3A_2158 : vector<16xi1>, vector<16xf32>
      %add3A_2460 = arith.constant 240 : i32
      %add3A_2461 = vector.broadcast %add3A_2460 : i32 to vector<16xi32>
      %add3A_2462 = arith.addi %iota3A, %add3A_2461 : vector<16xi32>
      %eq3A_2463 = vector.broadcast %reduce_min3A_2333 : i32 to vector<16xi32>
      %eq3A_2464 = arith.cmpi eq, %add3A_2462, %eq3A_2463 : vector<16xi32>
      %jit3A_2465 = arith.constant -3.000000e+38 : f32
      %broadcast_in_dim3A_2466 = vector.broadcast %jit3A_2465 : f32 to vector<16xf32>
      %select_n3A_2467 = arith.select %eq3A_2464, %broadcast_in_dim3A_2466, %select_n3A_2166 : vector<16xi1>, vector<16xf32>
      %max3A_2468 = arith.maximumf %select_n3A_2347, %select_n3A_2355 : vector<16xf32>
      %max3A_2469 = arith.maximumf %max3A_2468, %select_n3A_2363 : vector<16xf32>
      %max3A_2470 = arith.maximumf %max3A_2469, %select_n3A_2371 : vector<16xf32>
      %max3A_2471 = arith.maximumf %max3A_2470, %select_n3A_2379 : vector<16xf32>
      %max3A_2472 = arith.maximumf %max3A_2471, %select_n3A_2387 : vector<16xf32>
      %max3A_2473 = arith.maximumf %max3A_2472, %select_n3A_2395 : vector<16xf32>
      %max3A_2474 = arith.maximumf %max3A_2473, %select_n3A_2403 : vector<16xf32>
      %max3A_2475 = arith.maximumf %max3A_2474, %select_n3A_2411 : vector<16xf32>
      %max3A_2476 = arith.maximumf %max3A_2475, %select_n3A_2419 : vector<16xf32>
      %max3A_2477 = arith.maximumf %max3A_2476, %select_n3A_2427 : vector<16xf32>
      %max3A_2478 = arith.maximumf %max3A_2477, %select_n3A_2435 : vector<16xf32>
      %max3A_2479 = arith.maximumf %max3A_2478, %select_n3A_2443 : vector<16xf32>
      %max3A_2480 = arith.maximumf %max3A_2479, %select_n3A_2451 : vector<16xf32>
      %max3A_2481 = arith.maximumf %max3A_2480, %select_n3A_2459 : vector<16xf32>
      %max3A_2482 = arith.maximumf %max3A_2481, %select_n3A_2467 : vector<16xf32>
      %reduce_max3A_2483 = arith.constant true
      %reduce_max3A_2484 = vector.broadcast %reduce_max3A_2483 : i1 to vector<16xi1>
      %reduce_max3A_2485 = tpu.scan <max>, %max3A_2482 masked %reduce_max3A_2484 : vector<16xf32>, vector<16xi1> -> vector<16xf32>
      %reduce_max3A_2486 = vector.extract %reduce_max3A_2485[15] : f32 from vector<16xf32>
      %eq3A_2487 = vector.broadcast %reduce_max3A_2486 : f32 to vector<16xf32>
      %eq3A_2488 = arith.cmpf oeq, %select_n3A_2347, %eq3A_2487 : vector<16xf32>
      %jit3A_2489 = arith.constant 256 : i32
      %broadcast_in_dim3A_2490 = vector.broadcast %jit3A_2489 : i32 to vector<16xi32>
      %select_n3A_2491 = arith.select %eq3A_2488, %iota3A, %broadcast_in_dim3A_2490 : vector<16xi1>, vector<16xi32>
      %eq3A_2492 = vector.broadcast %reduce_max3A_2486 : f32 to vector<16xf32>
      %eq3A_2493 = arith.cmpf oeq, %select_n3A_2355, %eq3A_2492 : vector<16xf32>
      %add3A_2494 = arith.constant 16 : i32
      %add3A_2495 = vector.broadcast %add3A_2494 : i32 to vector<16xi32>
      %add3A_2496 = arith.addi %iota3A, %add3A_2495 : vector<16xi32>
      %jit3A_2497 = arith.constant 256 : i32
      %broadcast_in_dim3A_2498 = vector.broadcast %jit3A_2497 : i32 to vector<16xi32>
      %select_n3A_2499 = arith.select %eq3A_2493, %add3A_2496, %broadcast_in_dim3A_2498 : vector<16xi1>, vector<16xi32>
      %min3A_2500 = arith.minsi %select_n3A_2491, %select_n3A_2499 : vector<16xi32>
      %eq3A_2501 = vector.broadcast %reduce_max3A_2486 : f32 to vector<16xf32>
      %eq3A_2502 = arith.cmpf oeq, %select_n3A_2363, %eq3A_2501 : vector<16xf32>
      %add3A_2503 = arith.constant 32 : i32
      %add3A_2504 = vector.broadcast %add3A_2503 : i32 to vector<16xi32>
      %add3A_2505 = arith.addi %iota3A, %add3A_2504 : vector<16xi32>
      %jit3A_2506 = arith.constant 256 : i32
      %broadcast_in_dim3A_2507 = vector.broadcast %jit3A_2506 : i32 to vector<16xi32>
      %select_n3A_2508 = arith.select %eq3A_2502, %add3A_2505, %broadcast_in_dim3A_2507 : vector<16xi1>, vector<16xi32>
      %min3A_2509 = arith.minsi %min3A_2500, %select_n3A_2508 : vector<16xi32>
      %eq3A_2510 = vector.broadcast %reduce_max3A_2486 : f32 to vector<16xf32>
      %eq3A_2511 = arith.cmpf oeq, %select_n3A_2371, %eq3A_2510 : vector<16xf32>
      %add3A_2512 = arith.constant 48 : i32
      %add3A_2513 = vector.broadcast %add3A_2512 : i32 to vector<16xi32>
      %add3A_2514 = arith.addi %iota3A, %add3A_2513 : vector<16xi32>
      %jit3A_2515 = arith.constant 256 : i32
      %broadcast_in_dim3A_2516 = vector.broadcast %jit3A_2515 : i32 to vector<16xi32>
      %select_n3A_2517 = arith.select %eq3A_2511, %add3A_2514, %broadcast_in_dim3A_2516 : vector<16xi1>, vector<16xi32>
      %min3A_2518 = arith.minsi %min3A_2509, %select_n3A_2517 : vector<16xi32>
      %eq3A_2519 = vector.broadcast %reduce_max3A_2486 : f32 to vector<16xf32>
      %eq3A_2520 = arith.cmpf oeq, %select_n3A_2379, %eq3A_2519 : vector<16xf32>
      %add3A_2521 = arith.constant 64 : i32
      %add3A_2522 = vector.broadcast %add3A_2521 : i32 to vector<16xi32>
      %add3A_2523 = arith.addi %iota3A, %add3A_2522 : vector<16xi32>
      %jit3A_2524 = arith.constant 256 : i32
      %broadcast_in_dim3A_2525 = vector.broadcast %jit3A_2524 : i32 to vector<16xi32>
      %select_n3A_2526 = arith.select %eq3A_2520, %add3A_2523, %broadcast_in_dim3A_2525 : vector<16xi1>, vector<16xi32>
      %min3A_2527 = arith.minsi %min3A_2518, %select_n3A_2526 : vector<16xi32>
      %eq3A_2528 = vector.broadcast %reduce_max3A_2486 : f32 to vector<16xf32>
      %eq3A_2529 = arith.cmpf oeq, %select_n3A_2387, %eq3A_2528 : vector<16xf32>
      %add3A_2530 = arith.constant 80 : i32
      %add3A_2531 = vector.broadcast %add3A_2530 : i32 to vector<16xi32>
      %add3A_2532 = arith.addi %iota3A, %add3A_2531 : vector<16xi32>
      %jit3A_2533 = arith.constant 256 : i32
      %broadcast_in_dim3A_2534 = vector.broadcast %jit3A_2533 : i32 to vector<16xi32>
      %select_n3A_2535 = arith.select %eq3A_2529, %add3A_2532, %broadcast_in_dim3A_2534 : vector<16xi1>, vector<16xi32>
      %min3A_2536 = arith.minsi %min3A_2527, %select_n3A_2535 : vector<16xi32>
      %eq3A_2537 = vector.broadcast %reduce_max3A_2486 : f32 to vector<16xf32>
      %eq3A_2538 = arith.cmpf oeq, %select_n3A_2395, %eq3A_2537 : vector<16xf32>
      %add3A_2539 = arith.constant 96 : i32
      %add3A_2540 = vector.broadcast %add3A_2539 : i32 to vector<16xi32>
      %add3A_2541 = arith.addi %iota3A, %add3A_2540 : vector<16xi32>
      %jit3A_2542 = arith.constant 256 : i32
      %broadcast_in_dim3A_2543 = vector.broadcast %jit3A_2542 : i32 to vector<16xi32>
      %select_n3A_2544 = arith.select %eq3A_2538, %add3A_2541, %broadcast_in_dim3A_2543 : vector<16xi1>, vector<16xi32>
      %min3A_2545 = arith.minsi %min3A_2536, %select_n3A_2544 : vector<16xi32>
      %eq3A_2546 = vector.broadcast %reduce_max3A_2486 : f32 to vector<16xf32>
      %eq3A_2547 = arith.cmpf oeq, %select_n3A_2403, %eq3A_2546 : vector<16xf32>
      %add3A_2548 = arith.constant 112 : i32
      %add3A_2549 = vector.broadcast %add3A_2548 : i32 to vector<16xi32>
      %add3A_2550 = arith.addi %iota3A, %add3A_2549 : vector<16xi32>
      %jit3A_2551 = arith.constant 256 : i32
      %broadcast_in_dim3A_2552 = vector.broadcast %jit3A_2551 : i32 to vector<16xi32>
      %select_n3A_2553 = arith.select %eq3A_2547, %add3A_2550, %broadcast_in_dim3A_2552 : vector<16xi1>, vector<16xi32>
      %min3A_2554 = arith.minsi %min3A_2545, %select_n3A_2553 : vector<16xi32>
      %eq3A_2555 = vector.broadcast %reduce_max3A_2486 : f32 to vector<16xf32>
      %eq3A_2556 = arith.cmpf oeq, %select_n3A_2411, %eq3A_2555 : vector<16xf32>
      %add3A_2557 = arith.constant 128 : i32
      %add3A_2558 = vector.broadcast %add3A_2557 : i32 to vector<16xi32>
      %add3A_2559 = arith.addi %iota3A, %add3A_2558 : vector<16xi32>
      %jit3A_2560 = arith.constant 256 : i32
      %broadcast_in_dim3A_2561 = vector.broadcast %jit3A_2560 : i32 to vector<16xi32>
      %select_n3A_2562 = arith.select %eq3A_2556, %add3A_2559, %broadcast_in_dim3A_2561 : vector<16xi1>, vector<16xi32>
      %min3A_2563 = arith.minsi %min3A_2554, %select_n3A_2562 : vector<16xi32>
      %eq3A_2564 = vector.broadcast %reduce_max3A_2486 : f32 to vector<16xf32>
      %eq3A_2565 = arith.cmpf oeq, %select_n3A_2419, %eq3A_2564 : vector<16xf32>
      %add3A_2566 = arith.constant 144 : i32
      %add3A_2567 = vector.broadcast %add3A_2566 : i32 to vector<16xi32>
      %add3A_2568 = arith.addi %iota3A, %add3A_2567 : vector<16xi32>
      %jit3A_2569 = arith.constant 256 : i32
      %broadcast_in_dim3A_2570 = vector.broadcast %jit3A_2569 : i32 to vector<16xi32>
      %select_n3A_2571 = arith.select %eq3A_2565, %add3A_2568, %broadcast_in_dim3A_2570 : vector<16xi1>, vector<16xi32>
      %min3A_2572 = arith.minsi %min3A_2563, %select_n3A_2571 : vector<16xi32>
      %eq3A_2573 = vector.broadcast %reduce_max3A_2486 : f32 to vector<16xf32>
      %eq3A_2574 = arith.cmpf oeq, %select_n3A_2427, %eq3A_2573 : vector<16xf32>
      %add3A_2575 = arith.constant 160 : i32
      %add3A_2576 = vector.broadcast %add3A_2575 : i32 to vector<16xi32>
      %add3A_2577 = arith.addi %iota3A, %add3A_2576 : vector<16xi32>
      %jit3A_2578 = arith.constant 256 : i32
      %broadcast_in_dim3A_2579 = vector.broadcast %jit3A_2578 : i32 to vector<16xi32>
      %select_n3A_2580 = arith.select %eq3A_2574, %add3A_2577, %broadcast_in_dim3A_2579 : vector<16xi1>, vector<16xi32>
      %min3A_2581 = arith.minsi %min3A_2572, %select_n3A_2580 : vector<16xi32>
      %eq3A_2582 = vector.broadcast %reduce_max3A_2486 : f32 to vector<16xf32>
      %eq3A_2583 = arith.cmpf oeq, %select_n3A_2435, %eq3A_2582 : vector<16xf32>
      %add3A_2584 = arith.constant 176 : i32
      %add3A_2585 = vector.broadcast %add3A_2584 : i32 to vector<16xi32>
      %add3A_2586 = arith.addi %iota3A, %add3A_2585 : vector<16xi32>
      %jit3A_2587 = arith.constant 256 : i32
      %broadcast_in_dim3A_2588 = vector.broadcast %jit3A_2587 : i32 to vector<16xi32>
      %select_n3A_2589 = arith.select %eq3A_2583, %add3A_2586, %broadcast_in_dim3A_2588 : vector<16xi1>, vector<16xi32>
      %min3A_2590 = arith.minsi %min3A_2581, %select_n3A_2589 : vector<16xi32>
      %eq3A_2591 = vector.broadcast %reduce_max3A_2486 : f32 to vector<16xf32>
      %eq3A_2592 = arith.cmpf oeq, %select_n3A_2443, %eq3A_2591 : vector<16xf32>
      %add3A_2593 = arith.constant 192 : i32
      %add3A_2594 = vector.broadcast %add3A_2593 : i32 to vector<16xi32>
      %add3A_2595 = arith.addi %iota3A, %add3A_2594 : vector<16xi32>
      %jit3A_2596 = arith.constant 256 : i32
      %broadcast_in_dim3A_2597 = vector.broadcast %jit3A_2596 : i32 to vector<16xi32>
      %select_n3A_2598 = arith.select %eq3A_2592, %add3A_2595, %broadcast_in_dim3A_2597 : vector<16xi1>, vector<16xi32>
      %min3A_2599 = arith.minsi %min3A_2590, %select_n3A_2598 : vector<16xi32>
      %eq3A_2600 = vector.broadcast %reduce_max3A_2486 : f32 to vector<16xf32>
      %eq3A_2601 = arith.cmpf oeq, %select_n3A_2451, %eq3A_2600 : vector<16xf32>
      %add3A_2602 = arith.constant 208 : i32
      %add3A_2603 = vector.broadcast %add3A_2602 : i32 to vector<16xi32>
      %add3A_2604 = arith.addi %iota3A, %add3A_2603 : vector<16xi32>
      %jit3A_2605 = arith.constant 256 : i32
      %broadcast_in_dim3A_2606 = vector.broadcast %jit3A_2605 : i32 to vector<16xi32>
      %select_n3A_2607 = arith.select %eq3A_2601, %add3A_2604, %broadcast_in_dim3A_2606 : vector<16xi1>, vector<16xi32>
      %min3A_2608 = arith.minsi %min3A_2599, %select_n3A_2607 : vector<16xi32>
      %eq3A_2609 = vector.broadcast %reduce_max3A_2486 : f32 to vector<16xf32>
      %eq3A_2610 = arith.cmpf oeq, %select_n3A_2459, %eq3A_2609 : vector<16xf32>
      %add3A_2611 = arith.constant 224 : i32
      %add3A_2612 = vector.broadcast %add3A_2611 : i32 to vector<16xi32>
      %add3A_2613 = arith.addi %iota3A, %add3A_2612 : vector<16xi32>
      %jit3A_2614 = arith.constant 256 : i32
      %broadcast_in_dim3A_2615 = vector.broadcast %jit3A_2614 : i32 to vector<16xi32>
      %select_n3A_2616 = arith.select %eq3A_2610, %add3A_2613, %broadcast_in_dim3A_2615 : vector<16xi1>, vector<16xi32>
      %min3A_2617 = arith.minsi %min3A_2608, %select_n3A_2616 : vector<16xi32>
      %eq3A_2618 = vector.broadcast %reduce_max3A_2486 : f32 to vector<16xf32>
      %eq3A_2619 = arith.cmpf oeq, %select_n3A_2467, %eq3A_2618 : vector<16xf32>
      %add3A_2620 = arith.constant 240 : i32
      %add3A_2621 = vector.broadcast %add3A_2620 : i32 to vector<16xi32>
      %add3A_2622 = arith.addi %iota3A, %add3A_2621 : vector<16xi32>
      %jit3A_2623 = arith.constant 256 : i32
      %broadcast_in_dim3A_2624 = vector.broadcast %jit3A_2623 : i32 to vector<16xi32>
      %select_n3A_2625 = arith.select %eq3A_2619, %add3A_2622, %broadcast_in_dim3A_2624 : vector<16xi1>, vector<16xi32>
      %min3A_2626 = arith.minsi %min3A_2617, %select_n3A_2625 : vector<16xi32>
      %reduce_min3A_2627 = arith.constant true
      %reduce_min3A_2628 = vector.broadcast %reduce_min3A_2627 : i1 to vector<16xi1>
      %reduce_min3A_2629 = arith.constant -2147483648 : i32
      %reduce_min3A_2630 = vector.broadcast %reduce_min3A_2629 : i32 to vector<16xi32>
      %reduce_min3A_2631 = arith.xori %min3A_2626, %reduce_min3A_2630 : vector<16xi32>
      %reduce_min3A_2632 = tpu.scan <min>, %reduce_min3A_2631 masked %reduce_min3A_2628 : vector<16xi32>, vector<16xi1> -> vector<16xi32>
      %reduce_min3A_2633 = arith.xori %reduce_min3A_2632, %reduce_min3A_2630 : vector<16xi32>
      %reduce_min3A_2634 = vector.extract %reduce_min3A_2633[15] : i32 from vector<16xi32>
      %mul3A_2635 = arith.constant 16 : i32
      %mul3A_2636 = arith.muli %scan3A_183, %mul3A_2635 : i32
      %add3A_2637 = arith.constant 5 : i32
      %add3A_2638 = arith.addi %mul3A_2636, %add3A_2637 : i32
      %swap3A_2639 = arith.index_cast %add3A_2638 : i32 to index
      %swap3A_2640 = memref.load %arg13[%swap3A_2639] : memref<112xi32, #tpu.memory_space<smem>>
      memref.store %reduce_min3A_2634, %arg13[%swap3A_2639] : memref<112xi32, #tpu.memory_space<smem>>
      %add3A_2641 = arith.constant 0 : i32
      %add3A_2642 = vector.broadcast %add3A_2641 : i32 to vector<16xi32>
      %add3A_2643 = arith.addi %iota3A, %add3A_2642 : vector<16xi32>
      %eq3A_2644 = vector.broadcast %reduce_min3A_2634 : i32 to vector<16xi32>
      %eq3A_2645 = arith.cmpi eq, %add3A_2643, %eq3A_2644 : vector<16xi32>
      %jit3A_2646 = arith.constant -3.000000e+38 : f32
      %broadcast_in_dim3A_2647 = vector.broadcast %jit3A_2646 : f32 to vector<16xf32>
      %select_n3A_2648 = arith.select %eq3A_2645, %broadcast_in_dim3A_2647, %select_n3A_2347 : vector<16xi1>, vector<16xf32>
      %add3A_2649 = arith.constant 16 : i32
      %add3A_2650 = vector.broadcast %add3A_2649 : i32 to vector<16xi32>
      %add3A_2651 = arith.addi %iota3A, %add3A_2650 : vector<16xi32>
      %eq3A_2652 = vector.broadcast %reduce_min3A_2634 : i32 to vector<16xi32>
      %eq3A_2653 = arith.cmpi eq, %add3A_2651, %eq3A_2652 : vector<16xi32>
      %jit3A_2654 = arith.constant -3.000000e+38 : f32
      %broadcast_in_dim3A_2655 = vector.broadcast %jit3A_2654 : f32 to vector<16xf32>
      %select_n3A_2656 = arith.select %eq3A_2653, %broadcast_in_dim3A_2655, %select_n3A_2355 : vector<16xi1>, vector<16xf32>
      %add3A_2657 = arith.constant 32 : i32
      %add3A_2658 = vector.broadcast %add3A_2657 : i32 to vector<16xi32>
      %add3A_2659 = arith.addi %iota3A, %add3A_2658 : vector<16xi32>
      %eq3A_2660 = vector.broadcast %reduce_min3A_2634 : i32 to vector<16xi32>
      %eq3A_2661 = arith.cmpi eq, %add3A_2659, %eq3A_2660 : vector<16xi32>
      %jit3A_2662 = arith.constant -3.000000e+38 : f32
      %broadcast_in_dim3A_2663 = vector.broadcast %jit3A_2662 : f32 to vector<16xf32>
      %select_n3A_2664 = arith.select %eq3A_2661, %broadcast_in_dim3A_2663, %select_n3A_2363 : vector<16xi1>, vector<16xf32>
      %add3A_2665 = arith.constant 48 : i32
      %add3A_2666 = vector.broadcast %add3A_2665 : i32 to vector<16xi32>
      %add3A_2667 = arith.addi %iota3A, %add3A_2666 : vector<16xi32>
      %eq3A_2668 = vector.broadcast %reduce_min3A_2634 : i32 to vector<16xi32>
      %eq3A_2669 = arith.cmpi eq, %add3A_2667, %eq3A_2668 : vector<16xi32>
      %jit3A_2670 = arith.constant -3.000000e+38 : f32
      %broadcast_in_dim3A_2671 = vector.broadcast %jit3A_2670 : f32 to vector<16xf32>
      %select_n3A_2672 = arith.select %eq3A_2669, %broadcast_in_dim3A_2671, %select_n3A_2371 : vector<16xi1>, vector<16xf32>
      %add3A_2673 = arith.constant 64 : i32
      %add3A_2674 = vector.broadcast %add3A_2673 : i32 to vector<16xi32>
      %add3A_2675 = arith.addi %iota3A, %add3A_2674 : vector<16xi32>
      %eq3A_2676 = vector.broadcast %reduce_min3A_2634 : i32 to vector<16xi32>
      %eq3A_2677 = arith.cmpi eq, %add3A_2675, %eq3A_2676 : vector<16xi32>
      %jit3A_2678 = arith.constant -3.000000e+38 : f32
      %broadcast_in_dim3A_2679 = vector.broadcast %jit3A_2678 : f32 to vector<16xf32>
      %select_n3A_2680 = arith.select %eq3A_2677, %broadcast_in_dim3A_2679, %select_n3A_2379 : vector<16xi1>, vector<16xf32>
      %add3A_2681 = arith.constant 80 : i32
      %add3A_2682 = vector.broadcast %add3A_2681 : i32 to vector<16xi32>
      %add3A_2683 = arith.addi %iota3A, %add3A_2682 : vector<16xi32>
      %eq3A_2684 = vector.broadcast %reduce_min3A_2634 : i32 to vector<16xi32>
      %eq3A_2685 = arith.cmpi eq, %add3A_2683, %eq3A_2684 : vector<16xi32>
      %jit3A_2686 = arith.constant -3.000000e+38 : f32
      %broadcast_in_dim3A_2687 = vector.broadcast %jit3A_2686 : f32 to vector<16xf32>
      %select_n3A_2688 = arith.select %eq3A_2685, %broadcast_in_dim3A_2687, %select_n3A_2387 : vector<16xi1>, vector<16xf32>
      %add3A_2689 = arith.constant 96 : i32
      %add3A_2690 = vector.broadcast %add3A_2689 : i32 to vector<16xi32>
      %add3A_2691 = arith.addi %iota3A, %add3A_2690 : vector<16xi32>
      %eq3A_2692 = vector.broadcast %reduce_min3A_2634 : i32 to vector<16xi32>
      %eq3A_2693 = arith.cmpi eq, %add3A_2691, %eq3A_2692 : vector<16xi32>
      %jit3A_2694 = arith.constant -3.000000e+38 : f32
      %broadcast_in_dim3A_2695 = vector.broadcast %jit3A_2694 : f32 to vector<16xf32>
      %select_n3A_2696 = arith.select %eq3A_2693, %broadcast_in_dim3A_2695, %select_n3A_2395 : vector<16xi1>, vector<16xf32>
      %add3A_2697 = arith.constant 112 : i32
      %add3A_2698 = vector.broadcast %add3A_2697 : i32 to vector<16xi32>
      %add3A_2699 = arith.addi %iota3A, %add3A_2698 : vector<16xi32>
      %eq3A_2700 = vector.broadcast %reduce_min3A_2634 : i32 to vector<16xi32>
      %eq3A_2701 = arith.cmpi eq, %add3A_2699, %eq3A_2700 : vector<16xi32>
      %jit3A_2702 = arith.constant -3.000000e+38 : f32
      %broadcast_in_dim3A_2703 = vector.broadcast %jit3A_2702 : f32 to vector<16xf32>
      %select_n3A_2704 = arith.select %eq3A_2701, %broadcast_in_dim3A_2703, %select_n3A_2403 : vector<16xi1>, vector<16xf32>
      %add3A_2705 = arith.constant 128 : i32
      %add3A_2706 = vector.broadcast %add3A_2705 : i32 to vector<16xi32>
      %add3A_2707 = arith.addi %iota3A, %add3A_2706 : vector<16xi32>
      %eq3A_2708 = vector.broadcast %reduce_min3A_2634 : i32 to vector<16xi32>
      %eq3A_2709 = arith.cmpi eq, %add3A_2707, %eq3A_2708 : vector<16xi32>
      %jit3A_2710 = arith.constant -3.000000e+38 : f32
      %broadcast_in_dim3A_2711 = vector.broadcast %jit3A_2710 : f32 to vector<16xf32>
      %select_n3A_2712 = arith.select %eq3A_2709, %broadcast_in_dim3A_2711, %select_n3A_2411 : vector<16xi1>, vector<16xf32>
      %add3A_2713 = arith.constant 144 : i32
      %add3A_2714 = vector.broadcast %add3A_2713 : i32 to vector<16xi32>
      %add3A_2715 = arith.addi %iota3A, %add3A_2714 : vector<16xi32>
      %eq3A_2716 = vector.broadcast %reduce_min3A_2634 : i32 to vector<16xi32>
      %eq3A_2717 = arith.cmpi eq, %add3A_2715, %eq3A_2716 : vector<16xi32>
      %jit3A_2718 = arith.constant -3.000000e+38 : f32
      %broadcast_in_dim3A_2719 = vector.broadcast %jit3A_2718 : f32 to vector<16xf32>
      %select_n3A_2720 = arith.select %eq3A_2717, %broadcast_in_dim3A_2719, %select_n3A_2419 : vector<16xi1>, vector<16xf32>
      %add3A_2721 = arith.constant 160 : i32
      %add3A_2722 = vector.broadcast %add3A_2721 : i32 to vector<16xi32>
      %add3A_2723 = arith.addi %iota3A, %add3A_2722 : vector<16xi32>
      %eq3A_2724 = vector.broadcast %reduce_min3A_2634 : i32 to vector<16xi32>
      %eq3A_2725 = arith.cmpi eq, %add3A_2723, %eq3A_2724 : vector<16xi32>
      %jit3A_2726 = arith.constant -3.000000e+38 : f32
      %broadcast_in_dim3A_2727 = vector.broadcast %jit3A_2726 : f32 to vector<16xf32>
      %select_n3A_2728 = arith.select %eq3A_2725, %broadcast_in_dim3A_2727, %select_n3A_2427 : vector<16xi1>, vector<16xf32>
      %add3A_2729 = arith.constant 176 : i32
      %add3A_2730 = vector.broadcast %add3A_2729 : i32 to vector<16xi32>
      %add3A_2731 = arith.addi %iota3A, %add3A_2730 : vector<16xi32>
      %eq3A_2732 = vector.broadcast %reduce_min3A_2634 : i32 to vector<16xi32>
      %eq3A_2733 = arith.cmpi eq, %add3A_2731, %eq3A_2732 : vector<16xi32>
      %jit3A_2734 = arith.constant -3.000000e+38 : f32
      %broadcast_in_dim3A_2735 = vector.broadcast %jit3A_2734 : f32 to vector<16xf32>
      %select_n3A_2736 = arith.select %eq3A_2733, %broadcast_in_dim3A_2735, %select_n3A_2435 : vector<16xi1>, vector<16xf32>
      %add3A_2737 = arith.constant 192 : i32
      %add3A_2738 = vector.broadcast %add3A_2737 : i32 to vector<16xi32>
      %add3A_2739 = arith.addi %iota3A, %add3A_2738 : vector<16xi32>
      %eq3A_2740 = vector.broadcast %reduce_min3A_2634 : i32 to vector<16xi32>
      %eq3A_2741 = arith.cmpi eq, %add3A_2739, %eq3A_2740 : vector<16xi32>
      %jit3A_2742 = arith.constant -3.000000e+38 : f32
      %broadcast_in_dim3A_2743 = vector.broadcast %jit3A_2742 : f32 to vector<16xf32>
      %select_n3A_2744 = arith.select %eq3A_2741, %broadcast_in_dim3A_2743, %select_n3A_2443 : vector<16xi1>, vector<16xf32>
      %add3A_2745 = arith.constant 208 : i32
      %add3A_2746 = vector.broadcast %add3A_2745 : i32 to vector<16xi32>
      %add3A_2747 = arith.addi %iota3A, %add3A_2746 : vector<16xi32>
      %eq3A_2748 = vector.broadcast %reduce_min3A_2634 : i32 to vector<16xi32>
      %eq3A_2749 = arith.cmpi eq, %add3A_2747, %eq3A_2748 : vector<16xi32>
      %jit3A_2750 = arith.constant -3.000000e+38 : f32
      %broadcast_in_dim3A_2751 = vector.broadcast %jit3A_2750 : f32 to vector<16xf32>
      %select_n3A_2752 = arith.select %eq3A_2749, %broadcast_in_dim3A_2751, %select_n3A_2451 : vector<16xi1>, vector<16xf32>
      %add3A_2753 = arith.constant 224 : i32
      %add3A_2754 = vector.broadcast %add3A_2753 : i32 to vector<16xi32>
      %add3A_2755 = arith.addi %iota3A, %add3A_2754 : vector<16xi32>
      %eq3A_2756 = vector.broadcast %reduce_min3A_2634 : i32 to vector<16xi32>
      %eq3A_2757 = arith.cmpi eq, %add3A_2755, %eq3A_2756 : vector<16xi32>
      %jit3A_2758 = arith.constant -3.000000e+38 : f32
      %broadcast_in_dim3A_2759 = vector.broadcast %jit3A_2758 : f32 to vector<16xf32>
      %select_n3A_2760 = arith.select %eq3A_2757, %broadcast_in_dim3A_2759, %select_n3A_2459 : vector<16xi1>, vector<16xf32>
      %add3A_2761 = arith.constant 240 : i32
      %add3A_2762 = vector.broadcast %add3A_2761 : i32 to vector<16xi32>
      %add3A_2763 = arith.addi %iota3A, %add3A_2762 : vector<16xi32>
      %eq3A_2764 = vector.broadcast %reduce_min3A_2634 : i32 to vector<16xi32>
      %eq3A_2765 = arith.cmpi eq, %add3A_2763, %eq3A_2764 : vector<16xi32>
      %jit3A_2766 = arith.constant -3.000000e+38 : f32
      %broadcast_in_dim3A_2767 = vector.broadcast %jit3A_2766 : f32 to vector<16xf32>
      %select_n3A_2768 = arith.select %eq3A_2765, %broadcast_in_dim3A_2767, %select_n3A_2467 : vector<16xi1>, vector<16xf32>
      %max3A_2769 = arith.maximumf %select_n3A_2648, %select_n3A_2656 : vector<16xf32>
      %max3A_2770 = arith.maximumf %max3A_2769, %select_n3A_2664 : vector<16xf32>
      %max3A_2771 = arith.maximumf %max3A_2770, %select_n3A_2672 : vector<16xf32>
      %max3A_2772 = arith.maximumf %max3A_2771, %select_n3A_2680 : vector<16xf32>
      %max3A_2773 = arith.maximumf %max3A_2772, %select_n3A_2688 : vector<16xf32>
      %max3A_2774 = arith.maximumf %max3A_2773, %select_n3A_2696 : vector<16xf32>
      %max3A_2775 = arith.maximumf %max3A_2774, %select_n3A_2704 : vector<16xf32>
      %max3A_2776 = arith.maximumf %max3A_2775, %select_n3A_2712 : vector<16xf32>
      %max3A_2777 = arith.maximumf %max3A_2776, %select_n3A_2720 : vector<16xf32>
      %max3A_2778 = arith.maximumf %max3A_2777, %select_n3A_2728 : vector<16xf32>
      %max3A_2779 = arith.maximumf %max3A_2778, %select_n3A_2736 : vector<16xf32>
      %max3A_2780 = arith.maximumf %max3A_2779, %select_n3A_2744 : vector<16xf32>
      %max3A_2781 = arith.maximumf %max3A_2780, %select_n3A_2752 : vector<16xf32>
      %max3A_2782 = arith.maximumf %max3A_2781, %select_n3A_2760 : vector<16xf32>
      %max3A_2783 = arith.maximumf %max3A_2782, %select_n3A_2768 : vector<16xf32>
      %reduce_max3A_2784 = arith.constant true
      %reduce_max3A_2785 = vector.broadcast %reduce_max3A_2784 : i1 to vector<16xi1>
      %reduce_max3A_2786 = tpu.scan <max>, %max3A_2783 masked %reduce_max3A_2785 : vector<16xf32>, vector<16xi1> -> vector<16xf32>
      %reduce_max3A_2787 = vector.extract %reduce_max3A_2786[15] : f32 from vector<16xf32>
      %eq3A_2788 = vector.broadcast %reduce_max3A_2787 : f32 to vector<16xf32>
      %eq3A_2789 = arith.cmpf oeq, %select_n3A_2648, %eq3A_2788 : vector<16xf32>
      %jit3A_2790 = arith.constant 256 : i32
      %broadcast_in_dim3A_2791 = vector.broadcast %jit3A_2790 : i32 to vector<16xi32>
      %select_n3A_2792 = arith.select %eq3A_2789, %iota3A, %broadcast_in_dim3A_2791 : vector<16xi1>, vector<16xi32>
      %eq3A_2793 = vector.broadcast %reduce_max3A_2787 : f32 to vector<16xf32>
      %eq3A_2794 = arith.cmpf oeq, %select_n3A_2656, %eq3A_2793 : vector<16xf32>
      %add3A_2795 = arith.constant 16 : i32
      %add3A_2796 = vector.broadcast %add3A_2795 : i32 to vector<16xi32>
      %add3A_2797 = arith.addi %iota3A, %add3A_2796 : vector<16xi32>
      %jit3A_2798 = arith.constant 256 : i32
      %broadcast_in_dim3A_2799 = vector.broadcast %jit3A_2798 : i32 to vector<16xi32>
      %select_n3A_2800 = arith.select %eq3A_2794, %add3A_2797, %broadcast_in_dim3A_2799 : vector<16xi1>, vector<16xi32>
      %min3A_2801 = arith.minsi %select_n3A_2792, %select_n3A_2800 : vector<16xi32>
      %eq3A_2802 = vector.broadcast %reduce_max3A_2787 : f32 to vector<16xf32>
      %eq3A_2803 = arith.cmpf oeq, %select_n3A_2664, %eq3A_2802 : vector<16xf32>
      %add3A_2804 = arith.constant 32 : i32
      %add3A_2805 = vector.broadcast %add3A_2804 : i32 to vector<16xi32>
      %add3A_2806 = arith.addi %iota3A, %add3A_2805 : vector<16xi32>
      %jit3A_2807 = arith.constant 256 : i32
      %broadcast_in_dim3A_2808 = vector.broadcast %jit3A_2807 : i32 to vector<16xi32>
      %select_n3A_2809 = arith.select %eq3A_2803, %add3A_2806, %broadcast_in_dim3A_2808 : vector<16xi1>, vector<16xi32>
      %min3A_2810 = arith.minsi %min3A_2801, %select_n3A_2809 : vector<16xi32>
      %eq3A_2811 = vector.broadcast %reduce_max3A_2787 : f32 to vector<16xf32>
      %eq3A_2812 = arith.cmpf oeq, %select_n3A_2672, %eq3A_2811 : vector<16xf32>
      %add3A_2813 = arith.constant 48 : i32
      %add3A_2814 = vector.broadcast %add3A_2813 : i32 to vector<16xi32>
      %add3A_2815 = arith.addi %iota3A, %add3A_2814 : vector<16xi32>
      %jit3A_2816 = arith.constant 256 : i32
      %broadcast_in_dim3A_2817 = vector.broadcast %jit3A_2816 : i32 to vector<16xi32>
      %select_n3A_2818 = arith.select %eq3A_2812, %add3A_2815, %broadcast_in_dim3A_2817 : vector<16xi1>, vector<16xi32>
      %min3A_2819 = arith.minsi %min3A_2810, %select_n3A_2818 : vector<16xi32>
      %eq3A_2820 = vector.broadcast %reduce_max3A_2787 : f32 to vector<16xf32>
      %eq3A_2821 = arith.cmpf oeq, %select_n3A_2680, %eq3A_2820 : vector<16xf32>
      %add3A_2822 = arith.constant 64 : i32
      %add3A_2823 = vector.broadcast %add3A_2822 : i32 to vector<16xi32>
      %add3A_2824 = arith.addi %iota3A, %add3A_2823 : vector<16xi32>
      %jit3A_2825 = arith.constant 256 : i32
      %broadcast_in_dim3A_2826 = vector.broadcast %jit3A_2825 : i32 to vector<16xi32>
      %select_n3A_2827 = arith.select %eq3A_2821, %add3A_2824, %broadcast_in_dim3A_2826 : vector<16xi1>, vector<16xi32>
      %min3A_2828 = arith.minsi %min3A_2819, %select_n3A_2827 : vector<16xi32>
      %eq3A_2829 = vector.broadcast %reduce_max3A_2787 : f32 to vector<16xf32>
      %eq3A_2830 = arith.cmpf oeq, %select_n3A_2688, %eq3A_2829 : vector<16xf32>
      %add3A_2831 = arith.constant 80 : i32
      %add3A_2832 = vector.broadcast %add3A_2831 : i32 to vector<16xi32>
      %add3A_2833 = arith.addi %iota3A, %add3A_2832 : vector<16xi32>
      %jit3A_2834 = arith.constant 256 : i32
      %broadcast_in_dim3A_2835 = vector.broadcast %jit3A_2834 : i32 to vector<16xi32>
      %select_n3A_2836 = arith.select %eq3A_2830, %add3A_2833, %broadcast_in_dim3A_2835 : vector<16xi1>, vector<16xi32>
      %min3A_2837 = arith.minsi %min3A_2828, %select_n3A_2836 : vector<16xi32>
      %eq3A_2838 = vector.broadcast %reduce_max3A_2787 : f32 to vector<16xf32>
      %eq3A_2839 = arith.cmpf oeq, %select_n3A_2696, %eq3A_2838 : vector<16xf32>
      %add3A_2840 = arith.constant 96 : i32
      %add3A_2841 = vector.broadcast %add3A_2840 : i32 to vector<16xi32>
      %add3A_2842 = arith.addi %iota3A, %add3A_2841 : vector<16xi32>
      %jit3A_2843 = arith.constant 256 : i32
      %broadcast_in_dim3A_2844 = vector.broadcast %jit3A_2843 : i32 to vector<16xi32>
      %select_n3A_2845 = arith.select %eq3A_2839, %add3A_2842, %broadcast_in_dim3A_2844 : vector<16xi1>, vector<16xi32>
      %min3A_2846 = arith.minsi %min3A_2837, %select_n3A_2845 : vector<16xi32>
      %eq3A_2847 = vector.broadcast %reduce_max3A_2787 : f32 to vector<16xf32>
      %eq3A_2848 = arith.cmpf oeq, %select_n3A_2704, %eq3A_2847 : vector<16xf32>
      %add3A_2849 = arith.constant 112 : i32
      %add3A_2850 = vector.broadcast %add3A_2849 : i32 to vector<16xi32>
      %add3A_2851 = arith.addi %iota3A, %add3A_2850 : vector<16xi32>
      %jit3A_2852 = arith.constant 256 : i32
      %broadcast_in_dim3A_2853 = vector.broadcast %jit3A_2852 : i32 to vector<16xi32>
      %select_n3A_2854 = arith.select %eq3A_2848, %add3A_2851, %broadcast_in_dim3A_2853 : vector<16xi1>, vector<16xi32>
      %min3A_2855 = arith.minsi %min3A_2846, %select_n3A_2854 : vector<16xi32>
      %eq3A_2856 = vector.broadcast %reduce_max3A_2787 : f32 to vector<16xf32>
      %eq3A_2857 = arith.cmpf oeq, %select_n3A_2712, %eq3A_2856 : vector<16xf32>
      %add3A_2858 = arith.constant 128 : i32
      %add3A_2859 = vector.broadcast %add3A_2858 : i32 to vector<16xi32>
      %add3A_2860 = arith.addi %iota3A, %add3A_2859 : vector<16xi32>
      %jit3A_2861 = arith.constant 256 : i32
      %broadcast_in_dim3A_2862 = vector.broadcast %jit3A_2861 : i32 to vector<16xi32>
      %select_n3A_2863 = arith.select %eq3A_2857, %add3A_2860, %broadcast_in_dim3A_2862 : vector<16xi1>, vector<16xi32>
      %min3A_2864 = arith.minsi %min3A_2855, %select_n3A_2863 : vector<16xi32>
      %eq3A_2865 = vector.broadcast %reduce_max3A_2787 : f32 to vector<16xf32>
      %eq3A_2866 = arith.cmpf oeq, %select_n3A_2720, %eq3A_2865 : vector<16xf32>
      %add3A_2867 = arith.constant 144 : i32
      %add3A_2868 = vector.broadcast %add3A_2867 : i32 to vector<16xi32>
      %add3A_2869 = arith.addi %iota3A, %add3A_2868 : vector<16xi32>
      %jit3A_2870 = arith.constant 256 : i32
      %broadcast_in_dim3A_2871 = vector.broadcast %jit3A_2870 : i32 to vector<16xi32>
      %select_n3A_2872 = arith.select %eq3A_2866, %add3A_2869, %broadcast_in_dim3A_2871 : vector<16xi1>, vector<16xi32>
      %min3A_2873 = arith.minsi %min3A_2864, %select_n3A_2872 : vector<16xi32>
      %eq3A_2874 = vector.broadcast %reduce_max3A_2787 : f32 to vector<16xf32>
      %eq3A_2875 = arith.cmpf oeq, %select_n3A_2728, %eq3A_2874 : vector<16xf32>
      %add3A_2876 = arith.constant 160 : i32
      %add3A_2877 = vector.broadcast %add3A_2876 : i32 to vector<16xi32>
      %add3A_2878 = arith.addi %iota3A, %add3A_2877 : vector<16xi32>
      %jit3A_2879 = arith.constant 256 : i32
      %broadcast_in_dim3A_2880 = vector.broadcast %jit3A_2879 : i32 to vector<16xi32>
      %select_n3A_2881 = arith.select %eq3A_2875, %add3A_2878, %broadcast_in_dim3A_2880 : vector<16xi1>, vector<16xi32>
      %min3A_2882 = arith.minsi %min3A_2873, %select_n3A_2881 : vector<16xi32>
      %eq3A_2883 = vector.broadcast %reduce_max3A_2787 : f32 to vector<16xf32>
      %eq3A_2884 = arith.cmpf oeq, %select_n3A_2736, %eq3A_2883 : vector<16xf32>
      %add3A_2885 = arith.constant 176 : i32
      %add3A_2886 = vector.broadcast %add3A_2885 : i32 to vector<16xi32>
      %add3A_2887 = arith.addi %iota3A, %add3A_2886 : vector<16xi32>
      %jit3A_2888 = arith.constant 256 : i32
      %broadcast_in_dim3A_2889 = vector.broadcast %jit3A_2888 : i32 to vector<16xi32>
      %select_n3A_2890 = arith.select %eq3A_2884, %add3A_2887, %broadcast_in_dim3A_2889 : vector<16xi1>, vector<16xi32>
      %min3A_2891 = arith.minsi %min3A_2882, %select_n3A_2890 : vector<16xi32>
      %eq3A_2892 = vector.broadcast %reduce_max3A_2787 : f32 to vector<16xf32>
      %eq3A_2893 = arith.cmpf oeq, %select_n3A_2744, %eq3A_2892 : vector<16xf32>
      %add3A_2894 = arith.constant 192 : i32
      %add3A_2895 = vector.broadcast %add3A_2894 : i32 to vector<16xi32>
      %add3A_2896 = arith.addi %iota3A, %add3A_2895 : vector<16xi32>
      %jit3A_2897 = arith.constant 256 : i32
      %broadcast_in_dim3A_2898 = vector.broadcast %jit3A_2897 : i32 to vector<16xi32>
      %select_n3A_2899 = arith.select %eq3A_2893, %add3A_2896, %broadcast_in_dim3A_2898 : vector<16xi1>, vector<16xi32>
      %min3A_2900 = arith.minsi %min3A_2891, %select_n3A_2899 : vector<16xi32>
      %eq3A_2901 = vector.broadcast %reduce_max3A_2787 : f32 to vector<16xf32>
      %eq3A_2902 = arith.cmpf oeq, %select_n3A_2752, %eq3A_2901 : vector<16xf32>
      %add3A_2903 = arith.constant 208 : i32
      %add3A_2904 = vector.broadcast %add3A_2903 : i32 to vector<16xi32>
      %add3A_2905 = arith.addi %iota3A, %add3A_2904 : vector<16xi32>
      %jit3A_2906 = arith.constant 256 : i32
      %broadcast_in_dim3A_2907 = vector.broadcast %jit3A_2906 : i32 to vector<16xi32>
      %select_n3A_2908 = arith.select %eq3A_2902, %add3A_2905, %broadcast_in_dim3A_2907 : vector<16xi1>, vector<16xi32>
      %min3A_2909 = arith.minsi %min3A_2900, %select_n3A_2908 : vector<16xi32>
      %eq3A_2910 = vector.broadcast %reduce_max3A_2787 : f32 to vector<16xf32>
      %eq3A_2911 = arith.cmpf oeq, %select_n3A_2760, %eq3A_2910 : vector<16xf32>
      %add3A_2912 = arith.constant 224 : i32
      %add3A_2913 = vector.broadcast %add3A_2912 : i32 to vector<16xi32>
      %add3A_2914 = arith.addi %iota3A, %add3A_2913 : vector<16xi32>
      %jit3A_2915 = arith.constant 256 : i32
      %broadcast_in_dim3A_2916 = vector.broadcast %jit3A_2915 : i32 to vector<16xi32>
      %select_n3A_2917 = arith.select %eq3A_2911, %add3A_2914, %broadcast_in_dim3A_2916 : vector<16xi1>, vector<16xi32>
      %min3A_2918 = arith.minsi %min3A_2909, %select_n3A_2917 : vector<16xi32>
      %eq3A_2919 = vector.broadcast %reduce_max3A_2787 : f32 to vector<16xf32>
      %eq3A_2920 = arith.cmpf oeq, %select_n3A_2768, %eq3A_2919 : vector<16xf32>
      %add3A_2921 = arith.constant 240 : i32
      %add3A_2922 = vector.broadcast %add3A_2921 : i32 to vector<16xi32>
      %add3A_2923 = arith.addi %iota3A, %add3A_2922 : vector<16xi32>
      %jit3A_2924 = arith.constant 256 : i32
      %broadcast_in_dim3A_2925 = vector.broadcast %jit3A_2924 : i32 to vector<16xi32>
      %select_n3A_2926 = arith.select %eq3A_2920, %add3A_2923, %broadcast_in_dim3A_2925 : vector<16xi1>, vector<16xi32>
      %min3A_2927 = arith.minsi %min3A_2918, %select_n3A_2926 : vector<16xi32>
      %reduce_min3A_2928 = arith.constant true
      %reduce_min3A_2929 = vector.broadcast %reduce_min3A_2928 : i1 to vector<16xi1>
      %reduce_min3A_2930 = arith.constant -2147483648 : i32
      %reduce_min3A_2931 = vector.broadcast %reduce_min3A_2930 : i32 to vector<16xi32>
      %reduce_min3A_2932 = arith.xori %min3A_2927, %reduce_min3A_2931 : vector<16xi32>
      %reduce_min3A_2933 = tpu.scan <min>, %reduce_min3A_2932 masked %reduce_min3A_2929 : vector<16xi32>, vector<16xi1> -> vector<16xi32>
      %reduce_min3A_2934 = arith.xori %reduce_min3A_2933, %reduce_min3A_2931 : vector<16xi32>
      %reduce_min3A_2935 = vector.extract %reduce_min3A_2934[15] : i32 from vector<16xi32>
      %mul3A_2936 = arith.constant 16 : i32
      %mul3A_2937 = arith.muli %scan3A_183, %mul3A_2936 : i32
      %add3A_2938 = arith.constant 6 : i32
      %add3A_2939 = arith.addi %mul3A_2937, %add3A_2938 : i32
      %swap3A_2940 = arith.index_cast %add3A_2939 : i32 to index
      %swap3A_2941 = memref.load %arg13[%swap3A_2940] : memref<112xi32, #tpu.memory_space<smem>>
      memref.store %reduce_min3A_2935, %arg13[%swap3A_2940] : memref<112xi32, #tpu.memory_space<smem>>
      %add3A_2942 = arith.constant 0 : i32
      %add3A_2943 = vector.broadcast %add3A_2942 : i32 to vector<16xi32>
      %add3A_2944 = arith.addi %iota3A, %add3A_2943 : vector<16xi32>
      %eq3A_2945 = vector.broadcast %reduce_min3A_2935 : i32 to vector<16xi32>
      %eq3A_2946 = arith.cmpi eq, %add3A_2944, %eq3A_2945 : vector<16xi32>
      %jit3A_2947 = arith.constant -3.000000e+38 : f32
      %broadcast_in_dim3A_2948 = vector.broadcast %jit3A_2947 : f32 to vector<16xf32>
      %select_n3A_2949 = arith.select %eq3A_2946, %broadcast_in_dim3A_2948, %select_n3A_2648 : vector<16xi1>, vector<16xf32>
      %add3A_2950 = arith.constant 16 : i32
      %add3A_2951 = vector.broadcast %add3A_2950 : i32 to vector<16xi32>
      %add3A_2952 = arith.addi %iota3A, %add3A_2951 : vector<16xi32>
      %eq3A_2953 = vector.broadcast %reduce_min3A_2935 : i32 to vector<16xi32>
      %eq3A_2954 = arith.cmpi eq, %add3A_2952, %eq3A_2953 : vector<16xi32>
      %jit3A_2955 = arith.constant -3.000000e+38 : f32
      %broadcast_in_dim3A_2956 = vector.broadcast %jit3A_2955 : f32 to vector<16xf32>
      %select_n3A_2957 = arith.select %eq3A_2954, %broadcast_in_dim3A_2956, %select_n3A_2656 : vector<16xi1>, vector<16xf32>
      %add3A_2958 = arith.constant 32 : i32
      %add3A_2959 = vector.broadcast %add3A_2958 : i32 to vector<16xi32>
      %add3A_2960 = arith.addi %iota3A, %add3A_2959 : vector<16xi32>
      %eq3A_2961 = vector.broadcast %reduce_min3A_2935 : i32 to vector<16xi32>
      %eq3A_2962 = arith.cmpi eq, %add3A_2960, %eq3A_2961 : vector<16xi32>
      %jit3A_2963 = arith.constant -3.000000e+38 : f32
      %broadcast_in_dim3A_2964 = vector.broadcast %jit3A_2963 : f32 to vector<16xf32>
      %select_n3A_2965 = arith.select %eq3A_2962, %broadcast_in_dim3A_2964, %select_n3A_2664 : vector<16xi1>, vector<16xf32>
      %add3A_2966 = arith.constant 48 : i32
      %add3A_2967 = vector.broadcast %add3A_2966 : i32 to vector<16xi32>
      %add3A_2968 = arith.addi %iota3A, %add3A_2967 : vector<16xi32>
      %eq3A_2969 = vector.broadcast %reduce_min3A_2935 : i32 to vector<16xi32>
      %eq3A_2970 = arith.cmpi eq, %add3A_2968, %eq3A_2969 : vector<16xi32>
      %jit3A_2971 = arith.constant -3.000000e+38 : f32
      %broadcast_in_dim3A_2972 = vector.broadcast %jit3A_2971 : f32 to vector<16xf32>
      %select_n3A_2973 = arith.select %eq3A_2970, %broadcast_in_dim3A_2972, %select_n3A_2672 : vector<16xi1>, vector<16xf32>
      %add3A_2974 = arith.constant 64 : i32
      %add3A_2975 = vector.broadcast %add3A_2974 : i32 to vector<16xi32>
      %add3A_2976 = arith.addi %iota3A, %add3A_2975 : vector<16xi32>
      %eq3A_2977 = vector.broadcast %reduce_min3A_2935 : i32 to vector<16xi32>
      %eq3A_2978 = arith.cmpi eq, %add3A_2976, %eq3A_2977 : vector<16xi32>
      %jit3A_2979 = arith.constant -3.000000e+38 : f32
      %broadcast_in_dim3A_2980 = vector.broadcast %jit3A_2979 : f32 to vector<16xf32>
      %select_n3A_2981 = arith.select %eq3A_2978, %broadcast_in_dim3A_2980, %select_n3A_2680 : vector<16xi1>, vector<16xf32>
      %add3A_2982 = arith.constant 80 : i32
      %add3A_2983 = vector.broadcast %add3A_2982 : i32 to vector<16xi32>
      %add3A_2984 = arith.addi %iota3A, %add3A_2983 : vector<16xi32>
      %eq3A_2985 = vector.broadcast %reduce_min3A_2935 : i32 to vector<16xi32>
      %eq3A_2986 = arith.cmpi eq, %add3A_2984, %eq3A_2985 : vector<16xi32>
      %jit3A_2987 = arith.constant -3.000000e+38 : f32
      %broadcast_in_dim3A_2988 = vector.broadcast %jit3A_2987 : f32 to vector<16xf32>
      %select_n3A_2989 = arith.select %eq3A_2986, %broadcast_in_dim3A_2988, %select_n3A_2688 : vector<16xi1>, vector<16xf32>
      %add3A_2990 = arith.constant 96 : i32
      %add3A_2991 = vector.broadcast %add3A_2990 : i32 to vector<16xi32>
      %add3A_2992 = arith.addi %iota3A, %add3A_2991 : vector<16xi32>
      %eq3A_2993 = vector.broadcast %reduce_min3A_2935 : i32 to vector<16xi32>
      %eq3A_2994 = arith.cmpi eq, %add3A_2992, %eq3A_2993 : vector<16xi32>
      %jit3A_2995 = arith.constant -3.000000e+38 : f32
      %broadcast_in_dim3A_2996 = vector.broadcast %jit3A_2995 : f32 to vector<16xf32>
      %select_n3A_2997 = arith.select %eq3A_2994, %broadcast_in_dim3A_2996, %select_n3A_2696 : vector<16xi1>, vector<16xf32>
      %add3A_2998 = arith.constant 112 : i32
      %add3A_2999 = vector.broadcast %add3A_2998 : i32 to vector<16xi32>
      %add3A_3000 = arith.addi %iota3A, %add3A_2999 : vector<16xi32>
      %eq3A_3001 = vector.broadcast %reduce_min3A_2935 : i32 to vector<16xi32>
      %eq3A_3002 = arith.cmpi eq, %add3A_3000, %eq3A_3001 : vector<16xi32>
      %jit3A_3003 = arith.constant -3.000000e+38 : f32
      %broadcast_in_dim3A_3004 = vector.broadcast %jit3A_3003 : f32 to vector<16xf32>
      %select_n3A_3005 = arith.select %eq3A_3002, %broadcast_in_dim3A_3004, %select_n3A_2704 : vector<16xi1>, vector<16xf32>
      %add3A_3006 = arith.constant 128 : i32
      %add3A_3007 = vector.broadcast %add3A_3006 : i32 to vector<16xi32>
      %add3A_3008 = arith.addi %iota3A, %add3A_3007 : vector<16xi32>
      %eq3A_3009 = vector.broadcast %reduce_min3A_2935 : i32 to vector<16xi32>
      %eq3A_3010 = arith.cmpi eq, %add3A_3008, %eq3A_3009 : vector<16xi32>
      %jit3A_3011 = arith.constant -3.000000e+38 : f32
      %broadcast_in_dim3A_3012 = vector.broadcast %jit3A_3011 : f32 to vector<16xf32>
      %select_n3A_3013 = arith.select %eq3A_3010, %broadcast_in_dim3A_3012, %select_n3A_2712 : vector<16xi1>, vector<16xf32>
      %add3A_3014 = arith.constant 144 : i32
      %add3A_3015 = vector.broadcast %add3A_3014 : i32 to vector<16xi32>
      %add3A_3016 = arith.addi %iota3A, %add3A_3015 : vector<16xi32>
      %eq3A_3017 = vector.broadcast %reduce_min3A_2935 : i32 to vector<16xi32>
      %eq3A_3018 = arith.cmpi eq, %add3A_3016, %eq3A_3017 : vector<16xi32>
      %jit3A_3019 = arith.constant -3.000000e+38 : f32
      %broadcast_in_dim3A_3020 = vector.broadcast %jit3A_3019 : f32 to vector<16xf32>
      %select_n3A_3021 = arith.select %eq3A_3018, %broadcast_in_dim3A_3020, %select_n3A_2720 : vector<16xi1>, vector<16xf32>
      %add3A_3022 = arith.constant 160 : i32
      %add3A_3023 = vector.broadcast %add3A_3022 : i32 to vector<16xi32>
      %add3A_3024 = arith.addi %iota3A, %add3A_3023 : vector<16xi32>
      %eq3A_3025 = vector.broadcast %reduce_min3A_2935 : i32 to vector<16xi32>
      %eq3A_3026 = arith.cmpi eq, %add3A_3024, %eq3A_3025 : vector<16xi32>
      %jit3A_3027 = arith.constant -3.000000e+38 : f32
      %broadcast_in_dim3A_3028 = vector.broadcast %jit3A_3027 : f32 to vector<16xf32>
      %select_n3A_3029 = arith.select %eq3A_3026, %broadcast_in_dim3A_3028, %select_n3A_2728 : vector<16xi1>, vector<16xf32>
      %add3A_3030 = arith.constant 176 : i32
      %add3A_3031 = vector.broadcast %add3A_3030 : i32 to vector<16xi32>
      %add3A_3032 = arith.addi %iota3A, %add3A_3031 : vector<16xi32>
      %eq3A_3033 = vector.broadcast %reduce_min3A_2935 : i32 to vector<16xi32>
      %eq3A_3034 = arith.cmpi eq, %add3A_3032, %eq3A_3033 : vector<16xi32>
      %jit3A_3035 = arith.constant -3.000000e+38 : f32
      %broadcast_in_dim3A_3036 = vector.broadcast %jit3A_3035 : f32 to vector<16xf32>
      %select_n3A_3037 = arith.select %eq3A_3034, %broadcast_in_dim3A_3036, %select_n3A_2736 : vector<16xi1>, vector<16xf32>
      %add3A_3038 = arith.constant 192 : i32
      %add3A_3039 = vector.broadcast %add3A_3038 : i32 to vector<16xi32>
      %add3A_3040 = arith.addi %iota3A, %add3A_3039 : vector<16xi32>
      %eq3A_3041 = vector.broadcast %reduce_min3A_2935 : i32 to vector<16xi32>
      %eq3A_3042 = arith.cmpi eq, %add3A_3040, %eq3A_3041 : vector<16xi32>
      %jit3A_3043 = arith.constant -3.000000e+38 : f32
      %broadcast_in_dim3A_3044 = vector.broadcast %jit3A_3043 : f32 to vector<16xf32>
      %select_n3A_3045 = arith.select %eq3A_3042, %broadcast_in_dim3A_3044, %select_n3A_2744 : vector<16xi1>, vector<16xf32>
      %add3A_3046 = arith.constant 208 : i32
      %add3A_3047 = vector.broadcast %add3A_3046 : i32 to vector<16xi32>
      %add3A_3048 = arith.addi %iota3A, %add3A_3047 : vector<16xi32>
      %eq3A_3049 = vector.broadcast %reduce_min3A_2935 : i32 to vector<16xi32>
      %eq3A_3050 = arith.cmpi eq, %add3A_3048, %eq3A_3049 : vector<16xi32>
      %jit3A_3051 = arith.constant -3.000000e+38 : f32
      %broadcast_in_dim3A_3052 = vector.broadcast %jit3A_3051 : f32 to vector<16xf32>
      %select_n3A_3053 = arith.select %eq3A_3050, %broadcast_in_dim3A_3052, %select_n3A_2752 : vector<16xi1>, vector<16xf32>
      %add3A_3054 = arith.constant 224 : i32
      %add3A_3055 = vector.broadcast %add3A_3054 : i32 to vector<16xi32>
      %add3A_3056 = arith.addi %iota3A, %add3A_3055 : vector<16xi32>
      %eq3A_3057 = vector.broadcast %reduce_min3A_2935 : i32 to vector<16xi32>
      %eq3A_3058 = arith.cmpi eq, %add3A_3056, %eq3A_3057 : vector<16xi32>
      %jit3A_3059 = arith.constant -3.000000e+38 : f32
      %broadcast_in_dim3A_3060 = vector.broadcast %jit3A_3059 : f32 to vector<16xf32>
      %select_n3A_3061 = arith.select %eq3A_3058, %broadcast_in_dim3A_3060, %select_n3A_2760 : vector<16xi1>, vector<16xf32>
      %add3A_3062 = arith.constant 240 : i32
      %add3A_3063 = vector.broadcast %add3A_3062 : i32 to vector<16xi32>
      %add3A_3064 = arith.addi %iota3A, %add3A_3063 : vector<16xi32>
      %eq3A_3065 = vector.broadcast %reduce_min3A_2935 : i32 to vector<16xi32>
      %eq3A_3066 = arith.cmpi eq, %add3A_3064, %eq3A_3065 : vector<16xi32>
      %jit3A_3067 = arith.constant -3.000000e+38 : f32
      %broadcast_in_dim3A_3068 = vector.broadcast %jit3A_3067 : f32 to vector<16xf32>
      %select_n3A_3069 = arith.select %eq3A_3066, %broadcast_in_dim3A_3068, %select_n3A_2768 : vector<16xi1>, vector<16xf32>
      %max3A_3070 = arith.maximumf %select_n3A_2949, %select_n3A_2957 : vector<16xf32>
      %max3A_3071 = arith.maximumf %max3A_3070, %select_n3A_2965 : vector<16xf32>
      %max3A_3072 = arith.maximumf %max3A_3071, %select_n3A_2973 : vector<16xf32>
      %max3A_3073 = arith.maximumf %max3A_3072, %select_n3A_2981 : vector<16xf32>
      %max3A_3074 = arith.maximumf %max3A_3073, %select_n3A_2989 : vector<16xf32>
      %max3A_3075 = arith.maximumf %max3A_3074, %select_n3A_2997 : vector<16xf32>
      %max3A_3076 = arith.maximumf %max3A_3075, %select_n3A_3005 : vector<16xf32>
      %max3A_3077 = arith.maximumf %max3A_3076, %select_n3A_3013 : vector<16xf32>
      %max3A_3078 = arith.maximumf %max3A_3077, %select_n3A_3021 : vector<16xf32>
      %max3A_3079 = arith.maximumf %max3A_3078, %select_n3A_3029 : vector<16xf32>
      %max3A_3080 = arith.maximumf %max3A_3079, %select_n3A_3037 : vector<16xf32>
      %max3A_3081 = arith.maximumf %max3A_3080, %select_n3A_3045 : vector<16xf32>
      %max3A_3082 = arith.maximumf %max3A_3081, %select_n3A_3053 : vector<16xf32>
      %max3A_3083 = arith.maximumf %max3A_3082, %select_n3A_3061 : vector<16xf32>
      %max3A_3084 = arith.maximumf %max3A_3083, %select_n3A_3069 : vector<16xf32>
      %reduce_max3A_3085 = arith.constant true
      %reduce_max3A_3086 = vector.broadcast %reduce_max3A_3085 : i1 to vector<16xi1>
      %reduce_max3A_3087 = tpu.scan <max>, %max3A_3084 masked %reduce_max3A_3086 : vector<16xf32>, vector<16xi1> -> vector<16xf32>
      %reduce_max3A_3088 = vector.extract %reduce_max3A_3087[15] : f32 from vector<16xf32>
      %eq3A_3089 = vector.broadcast %reduce_max3A_3088 : f32 to vector<16xf32>
      %eq3A_3090 = arith.cmpf oeq, %select_n3A_2949, %eq3A_3089 : vector<16xf32>
      %jit3A_3091 = arith.constant 256 : i32
      %broadcast_in_dim3A_3092 = vector.broadcast %jit3A_3091 : i32 to vector<16xi32>
      %select_n3A_3093 = arith.select %eq3A_3090, %iota3A, %broadcast_in_dim3A_3092 : vector<16xi1>, vector<16xi32>
      %eq3A_3094 = vector.broadcast %reduce_max3A_3088 : f32 to vector<16xf32>
      %eq3A_3095 = arith.cmpf oeq, %select_n3A_2957, %eq3A_3094 : vector<16xf32>
      %add3A_3096 = arith.constant 16 : i32
      %add3A_3097 = vector.broadcast %add3A_3096 : i32 to vector<16xi32>
      %add3A_3098 = arith.addi %iota3A, %add3A_3097 : vector<16xi32>
      %jit3A_3099 = arith.constant 256 : i32
      %broadcast_in_dim3A_3100 = vector.broadcast %jit3A_3099 : i32 to vector<16xi32>
      %select_n3A_3101 = arith.select %eq3A_3095, %add3A_3098, %broadcast_in_dim3A_3100 : vector<16xi1>, vector<16xi32>
      %min3A_3102 = arith.minsi %select_n3A_3093, %select_n3A_3101 : vector<16xi32>
      %eq3A_3103 = vector.broadcast %reduce_max3A_3088 : f32 to vector<16xf32>
      %eq3A_3104 = arith.cmpf oeq, %select_n3A_2965, %eq3A_3103 : vector<16xf32>
      %add3A_3105 = arith.constant 32 : i32
      %add3A_3106 = vector.broadcast %add3A_3105 : i32 to vector<16xi32>
      %add3A_3107 = arith.addi %iota3A, %add3A_3106 : vector<16xi32>
      %jit3A_3108 = arith.constant 256 : i32
      %broadcast_in_dim3A_3109 = vector.broadcast %jit3A_3108 : i32 to vector<16xi32>
      %select_n3A_3110 = arith.select %eq3A_3104, %add3A_3107, %broadcast_in_dim3A_3109 : vector<16xi1>, vector<16xi32>
      %min3A_3111 = arith.minsi %min3A_3102, %select_n3A_3110 : vector<16xi32>
      %eq3A_3112 = vector.broadcast %reduce_max3A_3088 : f32 to vector<16xf32>
      %eq3A_3113 = arith.cmpf oeq, %select_n3A_2973, %eq3A_3112 : vector<16xf32>
      %add3A_3114 = arith.constant 48 : i32
      %add3A_3115 = vector.broadcast %add3A_3114 : i32 to vector<16xi32>
      %add3A_3116 = arith.addi %iota3A, %add3A_3115 : vector<16xi32>
      %jit3A_3117 = arith.constant 256 : i32
      %broadcast_in_dim3A_3118 = vector.broadcast %jit3A_3117 : i32 to vector<16xi32>
      %select_n3A_3119 = arith.select %eq3A_3113, %add3A_3116, %broadcast_in_dim3A_3118 : vector<16xi1>, vector<16xi32>
      %min3A_3120 = arith.minsi %min3A_3111, %select_n3A_3119 : vector<16xi32>
      %eq3A_3121 = vector.broadcast %reduce_max3A_3088 : f32 to vector<16xf32>
      %eq3A_3122 = arith.cmpf oeq, %select_n3A_2981, %eq3A_3121 : vector<16xf32>
      %add3A_3123 = arith.constant 64 : i32
      %add3A_3124 = vector.broadcast %add3A_3123 : i32 to vector<16xi32>
      %add3A_3125 = arith.addi %iota3A, %add3A_3124 : vector<16xi32>
      %jit3A_3126 = arith.constant 256 : i32
      %broadcast_in_dim3A_3127 = vector.broadcast %jit3A_3126 : i32 to vector<16xi32>
      %select_n3A_3128 = arith.select %eq3A_3122, %add3A_3125, %broadcast_in_dim3A_3127 : vector<16xi1>, vector<16xi32>
      %min3A_3129 = arith.minsi %min3A_3120, %select_n3A_3128 : vector<16xi32>
      %eq3A_3130 = vector.broadcast %reduce_max3A_3088 : f32 to vector<16xf32>
      %eq3A_3131 = arith.cmpf oeq, %select_n3A_2989, %eq3A_3130 : vector<16xf32>
      %add3A_3132 = arith.constant 80 : i32
      %add3A_3133 = vector.broadcast %add3A_3132 : i32 to vector<16xi32>
      %add3A_3134 = arith.addi %iota3A, %add3A_3133 : vector<16xi32>
      %jit3A_3135 = arith.constant 256 : i32
      %broadcast_in_dim3A_3136 = vector.broadcast %jit3A_3135 : i32 to vector<16xi32>
      %select_n3A_3137 = arith.select %eq3A_3131, %add3A_3134, %broadcast_in_dim3A_3136 : vector<16xi1>, vector<16xi32>
      %min3A_3138 = arith.minsi %min3A_3129, %select_n3A_3137 : vector<16xi32>
      %eq3A_3139 = vector.broadcast %reduce_max3A_3088 : f32 to vector<16xf32>
      %eq3A_3140 = arith.cmpf oeq, %select_n3A_2997, %eq3A_3139 : vector<16xf32>
      %add3A_3141 = arith.constant 96 : i32
      %add3A_3142 = vector.broadcast %add3A_3141 : i32 to vector<16xi32>
      %add3A_3143 = arith.addi %iota3A, %add3A_3142 : vector<16xi32>
      %jit3A_3144 = arith.constant 256 : i32
      %broadcast_in_dim3A_3145 = vector.broadcast %jit3A_3144 : i32 to vector<16xi32>
      %select_n3A_3146 = arith.select %eq3A_3140, %add3A_3143, %broadcast_in_dim3A_3145 : vector<16xi1>, vector<16xi32>
      %min3A_3147 = arith.minsi %min3A_3138, %select_n3A_3146 : vector<16xi32>
      %eq3A_3148 = vector.broadcast %reduce_max3A_3088 : f32 to vector<16xf32>
      %eq3A_3149 = arith.cmpf oeq, %select_n3A_3005, %eq3A_3148 : vector<16xf32>
      %add3A_3150 = arith.constant 112 : i32
      %add3A_3151 = vector.broadcast %add3A_3150 : i32 to vector<16xi32>
      %add3A_3152 = arith.addi %iota3A, %add3A_3151 : vector<16xi32>
      %jit3A_3153 = arith.constant 256 : i32
      %broadcast_in_dim3A_3154 = vector.broadcast %jit3A_3153 : i32 to vector<16xi32>
      %select_n3A_3155 = arith.select %eq3A_3149, %add3A_3152, %broadcast_in_dim3A_3154 : vector<16xi1>, vector<16xi32>
      %min3A_3156 = arith.minsi %min3A_3147, %select_n3A_3155 : vector<16xi32>
      %eq3A_3157 = vector.broadcast %reduce_max3A_3088 : f32 to vector<16xf32>
      %eq3A_3158 = arith.cmpf oeq, %select_n3A_3013, %eq3A_3157 : vector<16xf32>
      %add3A_3159 = arith.constant 128 : i32
      %add3A_3160 = vector.broadcast %add3A_3159 : i32 to vector<16xi32>
      %add3A_3161 = arith.addi %iota3A, %add3A_3160 : vector<16xi32>
      %jit3A_3162 = arith.constant 256 : i32
      %broadcast_in_dim3A_3163 = vector.broadcast %jit3A_3162 : i32 to vector<16xi32>
      %select_n3A_3164 = arith.select %eq3A_3158, %add3A_3161, %broadcast_in_dim3A_3163 : vector<16xi1>, vector<16xi32>
      %min3A_3165 = arith.minsi %min3A_3156, %select_n3A_3164 : vector<16xi32>
      %eq3A_3166 = vector.broadcast %reduce_max3A_3088 : f32 to vector<16xf32>
      %eq3A_3167 = arith.cmpf oeq, %select_n3A_3021, %eq3A_3166 : vector<16xf32>
      %add3A_3168 = arith.constant 144 : i32
      %add3A_3169 = vector.broadcast %add3A_3168 : i32 to vector<16xi32>
      %add3A_3170 = arith.addi %iota3A, %add3A_3169 : vector<16xi32>
      %jit3A_3171 = arith.constant 256 : i32
      %broadcast_in_dim3A_3172 = vector.broadcast %jit3A_3171 : i32 to vector<16xi32>
      %select_n3A_3173 = arith.select %eq3A_3167, %add3A_3170, %broadcast_in_dim3A_3172 : vector<16xi1>, vector<16xi32>
      %min3A_3174 = arith.minsi %min3A_3165, %select_n3A_3173 : vector<16xi32>
      %eq3A_3175 = vector.broadcast %reduce_max3A_3088 : f32 to vector<16xf32>
      %eq3A_3176 = arith.cmpf oeq, %select_n3A_3029, %eq3A_3175 : vector<16xf32>
      %add3A_3177 = arith.constant 160 : i32
      %add3A_3178 = vector.broadcast %add3A_3177 : i32 to vector<16xi32>
      %add3A_3179 = arith.addi %iota3A, %add3A_3178 : vector<16xi32>
      %jit3A_3180 = arith.constant 256 : i32
      %broadcast_in_dim3A_3181 = vector.broadcast %jit3A_3180 : i32 to vector<16xi32>
      %select_n3A_3182 = arith.select %eq3A_3176, %add3A_3179, %broadcast_in_dim3A_3181 : vector<16xi1>, vector<16xi32>
      %min3A_3183 = arith.minsi %min3A_3174, %select_n3A_3182 : vector<16xi32>
      %eq3A_3184 = vector.broadcast %reduce_max3A_3088 : f32 to vector<16xf32>
      %eq3A_3185 = arith.cmpf oeq, %select_n3A_3037, %eq3A_3184 : vector<16xf32>
      %add3A_3186 = arith.constant 176 : i32
      %add3A_3187 = vector.broadcast %add3A_3186 : i32 to vector<16xi32>
      %add3A_3188 = arith.addi %iota3A, %add3A_3187 : vector<16xi32>
      %jit3A_3189 = arith.constant 256 : i32
      %broadcast_in_dim3A_3190 = vector.broadcast %jit3A_3189 : i32 to vector<16xi32>
      %select_n3A_3191 = arith.select %eq3A_3185, %add3A_3188, %broadcast_in_dim3A_3190 : vector<16xi1>, vector<16xi32>
      %min3A_3192 = arith.minsi %min3A_3183, %select_n3A_3191 : vector<16xi32>
      %eq3A_3193 = vector.broadcast %reduce_max3A_3088 : f32 to vector<16xf32>
      %eq3A_3194 = arith.cmpf oeq, %select_n3A_3045, %eq3A_3193 : vector<16xf32>
      %add3A_3195 = arith.constant 192 : i32
      %add3A_3196 = vector.broadcast %add3A_3195 : i32 to vector<16xi32>
      %add3A_3197 = arith.addi %iota3A, %add3A_3196 : vector<16xi32>
      %jit3A_3198 = arith.constant 256 : i32
      %broadcast_in_dim3A_3199 = vector.broadcast %jit3A_3198 : i32 to vector<16xi32>
      %select_n3A_3200 = arith.select %eq3A_3194, %add3A_3197, %broadcast_in_dim3A_3199 : vector<16xi1>, vector<16xi32>
      %min3A_3201 = arith.minsi %min3A_3192, %select_n3A_3200 : vector<16xi32>
      %eq3A_3202 = vector.broadcast %reduce_max3A_3088 : f32 to vector<16xf32>
      %eq3A_3203 = arith.cmpf oeq, %select_n3A_3053, %eq3A_3202 : vector<16xf32>
      %add3A_3204 = arith.constant 208 : i32
      %add3A_3205 = vector.broadcast %add3A_3204 : i32 to vector<16xi32>
      %add3A_3206 = arith.addi %iota3A, %add3A_3205 : vector<16xi32>
      %jit3A_3207 = arith.constant 256 : i32
      %broadcast_in_dim3A_3208 = vector.broadcast %jit3A_3207 : i32 to vector<16xi32>
      %select_n3A_3209 = arith.select %eq3A_3203, %add3A_3206, %broadcast_in_dim3A_3208 : vector<16xi1>, vector<16xi32>
      %min3A_3210 = arith.minsi %min3A_3201, %select_n3A_3209 : vector<16xi32>
      %eq3A_3211 = vector.broadcast %reduce_max3A_3088 : f32 to vector<16xf32>
      %eq3A_3212 = arith.cmpf oeq, %select_n3A_3061, %eq3A_3211 : vector<16xf32>
      %add3A_3213 = arith.constant 224 : i32
      %add3A_3214 = vector.broadcast %add3A_3213 : i32 to vector<16xi32>
      %add3A_3215 = arith.addi %iota3A, %add3A_3214 : vector<16xi32>
      %jit3A_3216 = arith.constant 256 : i32
      %broadcast_in_dim3A_3217 = vector.broadcast %jit3A_3216 : i32 to vector<16xi32>
      %select_n3A_3218 = arith.select %eq3A_3212, %add3A_3215, %broadcast_in_dim3A_3217 : vector<16xi1>, vector<16xi32>
      %min3A_3219 = arith.minsi %min3A_3210, %select_n3A_3218 : vector<16xi32>
      %eq3A_3220 = vector.broadcast %reduce_max3A_3088 : f32 to vector<16xf32>
      %eq3A_3221 = arith.cmpf oeq, %select_n3A_3069, %eq3A_3220 : vector<16xf32>
      %add3A_3222 = arith.constant 240 : i32
      %add3A_3223 = vector.broadcast %add3A_3222 : i32 to vector<16xi32>
      %add3A_3224 = arith.addi %iota3A, %add3A_3223 : vector<16xi32>
      %jit3A_3225 = arith.constant 256 : i32
      %broadcast_in_dim3A_3226 = vector.broadcast %jit3A_3225 : i32 to vector<16xi32>
      %select_n3A_3227 = arith.select %eq3A_3221, %add3A_3224, %broadcast_in_dim3A_3226 : vector<16xi1>, vector<16xi32>
      %min3A_3228 = arith.minsi %min3A_3219, %select_n3A_3227 : vector<16xi32>
      %reduce_min3A_3229 = arith.constant true
      %reduce_min3A_3230 = vector.broadcast %reduce_min3A_3229 : i1 to vector<16xi1>
      %reduce_min3A_3231 = arith.constant -2147483648 : i32
      %reduce_min3A_3232 = vector.broadcast %reduce_min3A_3231 : i32 to vector<16xi32>
      %reduce_min3A_3233 = arith.xori %min3A_3228, %reduce_min3A_3232 : vector<16xi32>
      %reduce_min3A_3234 = tpu.scan <min>, %reduce_min3A_3233 masked %reduce_min3A_3230 : vector<16xi32>, vector<16xi1> -> vector<16xi32>
      %reduce_min3A_3235 = arith.xori %reduce_min3A_3234, %reduce_min3A_3232 : vector<16xi32>
      %reduce_min3A_3236 = vector.extract %reduce_min3A_3235[15] : i32 from vector<16xi32>
      %mul3A_3237 = arith.constant 16 : i32
      %mul3A_3238 = arith.muli %scan3A_183, %mul3A_3237 : i32
      %add3A_3239 = arith.constant 7 : i32
      %add3A_3240 = arith.addi %mul3A_3238, %add3A_3239 : i32
      %swap3A_3241 = arith.index_cast %add3A_3240 : i32 to index
      %swap3A_3242 = memref.load %arg13[%swap3A_3241] : memref<112xi32, #tpu.memory_space<smem>>
      memref.store %reduce_min3A_3236, %arg13[%swap3A_3241] : memref<112xi32, #tpu.memory_space<smem>>
      %add3A_3243 = arith.constant 0 : i32
      %add3A_3244 = vector.broadcast %add3A_3243 : i32 to vector<16xi32>
      %add3A_3245 = arith.addi %iota3A, %add3A_3244 : vector<16xi32>
      %eq3A_3246 = vector.broadcast %reduce_min3A_3236 : i32 to vector<16xi32>
      %eq3A_3247 = arith.cmpi eq, %add3A_3245, %eq3A_3246 : vector<16xi32>
      %jit3A_3248 = arith.constant -3.000000e+38 : f32
      %broadcast_in_dim3A_3249 = vector.broadcast %jit3A_3248 : f32 to vector<16xf32>
      %select_n3A_3250 = arith.select %eq3A_3247, %broadcast_in_dim3A_3249, %select_n3A_2949 : vector<16xi1>, vector<16xf32>
      %add3A_3251 = arith.constant 16 : i32
      %add3A_3252 = vector.broadcast %add3A_3251 : i32 to vector<16xi32>
      %add3A_3253 = arith.addi %iota3A, %add3A_3252 : vector<16xi32>
      %eq3A_3254 = vector.broadcast %reduce_min3A_3236 : i32 to vector<16xi32>
      %eq3A_3255 = arith.cmpi eq, %add3A_3253, %eq3A_3254 : vector<16xi32>
      %jit3A_3256 = arith.constant -3.000000e+38 : f32
      %broadcast_in_dim3A_3257 = vector.broadcast %jit3A_3256 : f32 to vector<16xf32>
      %select_n3A_3258 = arith.select %eq3A_3255, %broadcast_in_dim3A_3257, %select_n3A_2957 : vector<16xi1>, vector<16xf32>
      %add3A_3259 = arith.constant 32 : i32
      %add3A_3260 = vector.broadcast %add3A_3259 : i32 to vector<16xi32>
      %add3A_3261 = arith.addi %iota3A, %add3A_3260 : vector<16xi32>
      %eq3A_3262 = vector.broadcast %reduce_min3A_3236 : i32 to vector<16xi32>
      %eq3A_3263 = arith.cmpi eq, %add3A_3261, %eq3A_3262 : vector<16xi32>
      %jit3A_3264 = arith.constant -3.000000e+38 : f32
      %broadcast_in_dim3A_3265 = vector.broadcast %jit3A_3264 : f32 to vector<16xf32>
      %select_n3A_3266 = arith.select %eq3A_3263, %broadcast_in_dim3A_3265, %select_n3A_2965 : vector<16xi1>, vector<16xf32>
      %add3A_3267 = arith.constant 48 : i32
      %add3A_3268 = vector.broadcast %add3A_3267 : i32 to vector<16xi32>
      %add3A_3269 = arith.addi %iota3A, %add3A_3268 : vector<16xi32>
      %eq3A_3270 = vector.broadcast %reduce_min3A_3236 : i32 to vector<16xi32>
      %eq3A_3271 = arith.cmpi eq, %add3A_3269, %eq3A_3270 : vector<16xi32>
      %jit3A_3272 = arith.constant -3.000000e+38 : f32
      %broadcast_in_dim3A_3273 = vector.broadcast %jit3A_3272 : f32 to vector<16xf32>
      %select_n3A_3274 = arith.select %eq3A_3271, %broadcast_in_dim3A_3273, %select_n3A_2973 : vector<16xi1>, vector<16xf32>
      %add3A_3275 = arith.constant 64 : i32
      %add3A_3276 = vector.broadcast %add3A_3275 : i32 to vector<16xi32>
      %add3A_3277 = arith.addi %iota3A, %add3A_3276 : vector<16xi32>
      %eq3A_3278 = vector.broadcast %reduce_min3A_3236 : i32 to vector<16xi32>
      %eq3A_3279 = arith.cmpi eq, %add3A_3277, %eq3A_3278 : vector<16xi32>
      %jit3A_3280 = arith.constant -3.000000e+38 : f32
      %broadcast_in_dim3A_3281 = vector.broadcast %jit3A_3280 : f32 to vector<16xf32>
      %select_n3A_3282 = arith.select %eq3A_3279, %broadcast_in_dim3A_3281, %select_n3A_2981 : vector<16xi1>, vector<16xf32>
      %add3A_3283 = arith.constant 80 : i32
      %add3A_3284 = vector.broadcast %add3A_3283 : i32 to vector<16xi32>
      %add3A_3285 = arith.addi %iota3A, %add3A_3284 : vector<16xi32>
      %eq3A_3286 = vector.broadcast %reduce_min3A_3236 : i32 to vector<16xi32>
      %eq3A_3287 = arith.cmpi eq, %add3A_3285, %eq3A_3286 : vector<16xi32>
      %jit3A_3288 = arith.constant -3.000000e+38 : f32
      %broadcast_in_dim3A_3289 = vector.broadcast %jit3A_3288 : f32 to vector<16xf32>
      %select_n3A_3290 = arith.select %eq3A_3287, %broadcast_in_dim3A_3289, %select_n3A_2989 : vector<16xi1>, vector<16xf32>
      %add3A_3291 = arith.constant 96 : i32
      %add3A_3292 = vector.broadcast %add3A_3291 : i32 to vector<16xi32>
      %add3A_3293 = arith.addi %iota3A, %add3A_3292 : vector<16xi32>
      %eq3A_3294 = vector.broadcast %reduce_min3A_3236 : i32 to vector<16xi32>
      %eq3A_3295 = arith.cmpi eq, %add3A_3293, %eq3A_3294 : vector<16xi32>
      %jit3A_3296 = arith.constant -3.000000e+38 : f32
      %broadcast_in_dim3A_3297 = vector.broadcast %jit3A_3296 : f32 to vector<16xf32>
      %select_n3A_3298 = arith.select %eq3A_3295, %broadcast_in_dim3A_3297, %select_n3A_2997 : vector<16xi1>, vector<16xf32>
      %add3A_3299 = arith.constant 112 : i32
      %add3A_3300 = vector.broadcast %add3A_3299 : i32 to vector<16xi32>
      %add3A_3301 = arith.addi %iota3A, %add3A_3300 : vector<16xi32>
      %eq3A_3302 = vector.broadcast %reduce_min3A_3236 : i32 to vector<16xi32>
      %eq3A_3303 = arith.cmpi eq, %add3A_3301, %eq3A_3302 : vector<16xi32>
      %jit3A_3304 = arith.constant -3.000000e+38 : f32
      %broadcast_in_dim3A_3305 = vector.broadcast %jit3A_3304 : f32 to vector<16xf32>
      %select_n3A_3306 = arith.select %eq3A_3303, %broadcast_in_dim3A_3305, %select_n3A_3005 : vector<16xi1>, vector<16xf32>
      %add3A_3307 = arith.constant 128 : i32
      %add3A_3308 = vector.broadcast %add3A_3307 : i32 to vector<16xi32>
      %add3A_3309 = arith.addi %iota3A, %add3A_3308 : vector<16xi32>
      %eq3A_3310 = vector.broadcast %reduce_min3A_3236 : i32 to vector<16xi32>
      %eq3A_3311 = arith.cmpi eq, %add3A_3309, %eq3A_3310 : vector<16xi32>
      %jit3A_3312 = arith.constant -3.000000e+38 : f32
      %broadcast_in_dim3A_3313 = vector.broadcast %jit3A_3312 : f32 to vector<16xf32>
      %select_n3A_3314 = arith.select %eq3A_3311, %broadcast_in_dim3A_3313, %select_n3A_3013 : vector<16xi1>, vector<16xf32>
      %add3A_3315 = arith.constant 144 : i32
      %add3A_3316 = vector.broadcast %add3A_3315 : i32 to vector<16xi32>
      %add3A_3317 = arith.addi %iota3A, %add3A_3316 : vector<16xi32>
      %eq3A_3318 = vector.broadcast %reduce_min3A_3236 : i32 to vector<16xi32>
      %eq3A_3319 = arith.cmpi eq, %add3A_3317, %eq3A_3318 : vector<16xi32>
      %jit3A_3320 = arith.constant -3.000000e+38 : f32
      %broadcast_in_dim3A_3321 = vector.broadcast %jit3A_3320 : f32 to vector<16xf32>
      %select_n3A_3322 = arith.select %eq3A_3319, %broadcast_in_dim3A_3321, %select_n3A_3021 : vector<16xi1>, vector<16xf32>
      %add3A_3323 = arith.constant 160 : i32
      %add3A_3324 = vector.broadcast %add3A_3323 : i32 to vector<16xi32>
      %add3A_3325 = arith.addi %iota3A, %add3A_3324 : vector<16xi32>
      %eq3A_3326 = vector.broadcast %reduce_min3A_3236 : i32 to vector<16xi32>
      %eq3A_3327 = arith.cmpi eq, %add3A_3325, %eq3A_3326 : vector<16xi32>
      %jit3A_3328 = arith.constant -3.000000e+38 : f32
      %broadcast_in_dim3A_3329 = vector.broadcast %jit3A_3328 : f32 to vector<16xf32>
      %select_n3A_3330 = arith.select %eq3A_3327, %broadcast_in_dim3A_3329, %select_n3A_3029 : vector<16xi1>, vector<16xf32>
      %add3A_3331 = arith.constant 176 : i32
      %add3A_3332 = vector.broadcast %add3A_3331 : i32 to vector<16xi32>
      %add3A_3333 = arith.addi %iota3A, %add3A_3332 : vector<16xi32>
      %eq3A_3334 = vector.broadcast %reduce_min3A_3236 : i32 to vector<16xi32>
      %eq3A_3335 = arith.cmpi eq, %add3A_3333, %eq3A_3334 : vector<16xi32>
      %jit3A_3336 = arith.constant -3.000000e+38 : f32
      %broadcast_in_dim3A_3337 = vector.broadcast %jit3A_3336 : f32 to vector<16xf32>
      %select_n3A_3338 = arith.select %eq3A_3335, %broadcast_in_dim3A_3337, %select_n3A_3037 : vector<16xi1>, vector<16xf32>
      %add3A_3339 = arith.constant 192 : i32
      %add3A_3340 = vector.broadcast %add3A_3339 : i32 to vector<16xi32>
      %add3A_3341 = arith.addi %iota3A, %add3A_3340 : vector<16xi32>
      %eq3A_3342 = vector.broadcast %reduce_min3A_3236 : i32 to vector<16xi32>
      %eq3A_3343 = arith.cmpi eq, %add3A_3341, %eq3A_3342 : vector<16xi32>
      %jit3A_3344 = arith.constant -3.000000e+38 : f32
      %broadcast_in_dim3A_3345 = vector.broadcast %jit3A_3344 : f32 to vector<16xf32>
      %select_n3A_3346 = arith.select %eq3A_3343, %broadcast_in_dim3A_3345, %select_n3A_3045 : vector<16xi1>, vector<16xf32>
      %add3A_3347 = arith.constant 208 : i32
      %add3A_3348 = vector.broadcast %add3A_3347 : i32 to vector<16xi32>
      %add3A_3349 = arith.addi %iota3A, %add3A_3348 : vector<16xi32>
      %eq3A_3350 = vector.broadcast %reduce_min3A_3236 : i32 to vector<16xi32>
      %eq3A_3351 = arith.cmpi eq, %add3A_3349, %eq3A_3350 : vector<16xi32>
      %jit3A_3352 = arith.constant -3.000000e+38 : f32
      %broadcast_in_dim3A_3353 = vector.broadcast %jit3A_3352 : f32 to vector<16xf32>
      %select_n3A_3354 = arith.select %eq3A_3351, %broadcast_in_dim3A_3353, %select_n3A_3053 : vector<16xi1>, vector<16xf32>
      %add3A_3355 = arith.constant 224 : i32
      %add3A_3356 = vector.broadcast %add3A_3355 : i32 to vector<16xi32>
      %add3A_3357 = arith.addi %iota3A, %add3A_3356 : vector<16xi32>
      %eq3A_3358 = vector.broadcast %reduce_min3A_3236 : i32 to vector<16xi32>
      %eq3A_3359 = arith.cmpi eq, %add3A_3357, %eq3A_3358 : vector<16xi32>
      %jit3A_3360 = arith.constant -3.000000e+38 : f32
      %broadcast_in_dim3A_3361 = vector.broadcast %jit3A_3360 : f32 to vector<16xf32>
      %select_n3A_3362 = arith.select %eq3A_3359, %broadcast_in_dim3A_3361, %select_n3A_3061 : vector<16xi1>, vector<16xf32>
      %add3A_3363 = arith.constant 240 : i32
      %add3A_3364 = vector.broadcast %add3A_3363 : i32 to vector<16xi32>
      %add3A_3365 = arith.addi %iota3A, %add3A_3364 : vector<16xi32>
      %eq3A_3366 = vector.broadcast %reduce_min3A_3236 : i32 to vector<16xi32>
      %eq3A_3367 = arith.cmpi eq, %add3A_3365, %eq3A_3366 : vector<16xi32>
      %jit3A_3368 = arith.constant -3.000000e+38 : f32
      %broadcast_in_dim3A_3369 = vector.broadcast %jit3A_3368 : f32 to vector<16xf32>
      %select_n3A_3370 = arith.select %eq3A_3367, %broadcast_in_dim3A_3369, %select_n3A_3069 : vector<16xi1>, vector<16xf32>
      %max3A_3371 = arith.maximumf %select_n3A_3250, %select_n3A_3258 : vector<16xf32>
      %max3A_3372 = arith.maximumf %max3A_3371, %select_n3A_3266 : vector<16xf32>
      %max3A_3373 = arith.maximumf %max3A_3372, %select_n3A_3274 : vector<16xf32>
      %max3A_3374 = arith.maximumf %max3A_3373, %select_n3A_3282 : vector<16xf32>
      %max3A_3375 = arith.maximumf %max3A_3374, %select_n3A_3290 : vector<16xf32>
      %max3A_3376 = arith.maximumf %max3A_3375, %select_n3A_3298 : vector<16xf32>
      %max3A_3377 = arith.maximumf %max3A_3376, %select_n3A_3306 : vector<16xf32>
      %max3A_3378 = arith.maximumf %max3A_3377, %select_n3A_3314 : vector<16xf32>
      %max3A_3379 = arith.maximumf %max3A_3378, %select_n3A_3322 : vector<16xf32>
      %max3A_3380 = arith.maximumf %max3A_3379, %select_n3A_3330 : vector<16xf32>
      %max3A_3381 = arith.maximumf %max3A_3380, %select_n3A_3338 : vector<16xf32>
      %max3A_3382 = arith.maximumf %max3A_3381, %select_n3A_3346 : vector<16xf32>
      %max3A_3383 = arith.maximumf %max3A_3382, %select_n3A_3354 : vector<16xf32>
      %max3A_3384 = arith.maximumf %max3A_3383, %select_n3A_3362 : vector<16xf32>
      %max3A_3385 = arith.maximumf %max3A_3384, %select_n3A_3370 : vector<16xf32>
      %reduce_max3A_3386 = arith.constant true
      %reduce_max3A_3387 = vector.broadcast %reduce_max3A_3386 : i1 to vector<16xi1>
      %reduce_max3A_3388 = tpu.scan <max>, %max3A_3385 masked %reduce_max3A_3387 : vector<16xf32>, vector<16xi1> -> vector<16xf32>
      %reduce_max3A_3389 = vector.extract %reduce_max3A_3388[15] : f32 from vector<16xf32>
      %eq3A_3390 = vector.broadcast %reduce_max3A_3389 : f32 to vector<16xf32>
      %eq3A_3391 = arith.cmpf oeq, %select_n3A_3250, %eq3A_3390 : vector<16xf32>
      %jit3A_3392 = arith.constant 256 : i32
      %broadcast_in_dim3A_3393 = vector.broadcast %jit3A_3392 : i32 to vector<16xi32>
      %select_n3A_3394 = arith.select %eq3A_3391, %iota3A, %broadcast_in_dim3A_3393 : vector<16xi1>, vector<16xi32>
      %eq3A_3395 = vector.broadcast %reduce_max3A_3389 : f32 to vector<16xf32>
      %eq3A_3396 = arith.cmpf oeq, %select_n3A_3258, %eq3A_3395 : vector<16xf32>
      %add3A_3397 = arith.constant 16 : i32
      %add3A_3398 = vector.broadcast %add3A_3397 : i32 to vector<16xi32>
      %add3A_3399 = arith.addi %iota3A, %add3A_3398 : vector<16xi32>
      %jit3A_3400 = arith.constant 256 : i32
      %broadcast_in_dim3A_3401 = vector.broadcast %jit3A_3400 : i32 to vector<16xi32>
      %select_n3A_3402 = arith.select %eq3A_3396, %add3A_3399, %broadcast_in_dim3A_3401 : vector<16xi1>, vector<16xi32>
      %min3A_3403 = arith.minsi %select_n3A_3394, %select_n3A_3402 : vector<16xi32>
      %eq3A_3404 = vector.broadcast %reduce_max3A_3389 : f32 to vector<16xf32>
      %eq3A_3405 = arith.cmpf oeq, %select_n3A_3266, %eq3A_3404 : vector<16xf32>
      %add3A_3406 = arith.constant 32 : i32
      %add3A_3407 = vector.broadcast %add3A_3406 : i32 to vector<16xi32>
      %add3A_3408 = arith.addi %iota3A, %add3A_3407 : vector<16xi32>
      %jit3A_3409 = arith.constant 256 : i32
      %broadcast_in_dim3A_3410 = vector.broadcast %jit3A_3409 : i32 to vector<16xi32>
      %select_n3A_3411 = arith.select %eq3A_3405, %add3A_3408, %broadcast_in_dim3A_3410 : vector<16xi1>, vector<16xi32>
      %min3A_3412 = arith.minsi %min3A_3403, %select_n3A_3411 : vector<16xi32>
      %eq3A_3413 = vector.broadcast %reduce_max3A_3389 : f32 to vector<16xf32>
      %eq3A_3414 = arith.cmpf oeq, %select_n3A_3274, %eq3A_3413 : vector<16xf32>
      %add3A_3415 = arith.constant 48 : i32
      %add3A_3416 = vector.broadcast %add3A_3415 : i32 to vector<16xi32>
      %add3A_3417 = arith.addi %iota3A, %add3A_3416 : vector<16xi32>
      %jit3A_3418 = arith.constant 256 : i32
      %broadcast_in_dim3A_3419 = vector.broadcast %jit3A_3418 : i32 to vector<16xi32>
      %select_n3A_3420 = arith.select %eq3A_3414, %add3A_3417, %broadcast_in_dim3A_3419 : vector<16xi1>, vector<16xi32>
      %min3A_3421 = arith.minsi %min3A_3412, %select_n3A_3420 : vector<16xi32>
      %eq3A_3422 = vector.broadcast %reduce_max3A_3389 : f32 to vector<16xf32>
      %eq3A_3423 = arith.cmpf oeq, %select_n3A_3282, %eq3A_3422 : vector<16xf32>
      %add3A_3424 = arith.constant 64 : i32
      %add3A_3425 = vector.broadcast %add3A_3424 : i32 to vector<16xi32>
      %add3A_3426 = arith.addi %iota3A, %add3A_3425 : vector<16xi32>
      %jit3A_3427 = arith.constant 256 : i32
      %broadcast_in_dim3A_3428 = vector.broadcast %jit3A_3427 : i32 to vector<16xi32>
      %select_n3A_3429 = arith.select %eq3A_3423, %add3A_3426, %broadcast_in_dim3A_3428 : vector<16xi1>, vector<16xi32>
      %min3A_3430 = arith.minsi %min3A_3421, %select_n3A_3429 : vector<16xi32>
      %eq3A_3431 = vector.broadcast %reduce_max3A_3389 : f32 to vector<16xf32>
      %eq3A_3432 = arith.cmpf oeq, %select_n3A_3290, %eq3A_3431 : vector<16xf32>
      %add3A_3433 = arith.constant 80 : i32
      %add3A_3434 = vector.broadcast %add3A_3433 : i32 to vector<16xi32>
      %add3A_3435 = arith.addi %iota3A, %add3A_3434 : vector<16xi32>
      %jit3A_3436 = arith.constant 256 : i32
      %broadcast_in_dim3A_3437 = vector.broadcast %jit3A_3436 : i32 to vector<16xi32>
      %select_n3A_3438 = arith.select %eq3A_3432, %add3A_3435, %broadcast_in_dim3A_3437 : vector<16xi1>, vector<16xi32>
      %min3A_3439 = arith.minsi %min3A_3430, %select_n3A_3438 : vector<16xi32>
      %eq3A_3440 = vector.broadcast %reduce_max3A_3389 : f32 to vector<16xf32>
      %eq3A_3441 = arith.cmpf oeq, %select_n3A_3298, %eq3A_3440 : vector<16xf32>
      %add3A_3442 = arith.constant 96 : i32
      %add3A_3443 = vector.broadcast %add3A_3442 : i32 to vector<16xi32>
      %add3A_3444 = arith.addi %iota3A, %add3A_3443 : vector<16xi32>
      %jit3A_3445 = arith.constant 256 : i32
      %broadcast_in_dim3A_3446 = vector.broadcast %jit3A_3445 : i32 to vector<16xi32>
      %select_n3A_3447 = arith.select %eq3A_3441, %add3A_3444, %broadcast_in_dim3A_3446 : vector<16xi1>, vector<16xi32>
      %min3A_3448 = arith.minsi %min3A_3439, %select_n3A_3447 : vector<16xi32>
      %eq3A_3449 = vector.broadcast %reduce_max3A_3389 : f32 to vector<16xf32>
      %eq3A_3450 = arith.cmpf oeq, %select_n3A_3306, %eq3A_3449 : vector<16xf32>
      %add3A_3451 = arith.constant 112 : i32
      %add3A_3452 = vector.broadcast %add3A_3451 : i32 to vector<16xi32>
      %add3A_3453 = arith.addi %iota3A, %add3A_3452 : vector<16xi32>
      %jit3A_3454 = arith.constant 256 : i32
      %broadcast_in_dim3A_3455 = vector.broadcast %jit3A_3454 : i32 to vector<16xi32>
      %select_n3A_3456 = arith.select %eq3A_3450, %add3A_3453, %broadcast_in_dim3A_3455 : vector<16xi1>, vector<16xi32>
      %min3A_3457 = arith.minsi %min3A_3448, %select_n3A_3456 : vector<16xi32>
      %eq3A_3458 = vector.broadcast %reduce_max3A_3389 : f32 to vector<16xf32>
      %eq3A_3459 = arith.cmpf oeq, %select_n3A_3314, %eq3A_3458 : vector<16xf32>
      %add3A_3460 = arith.constant 128 : i32
      %add3A_3461 = vector.broadcast %add3A_3460 : i32 to vector<16xi32>
      %add3A_3462 = arith.addi %iota3A, %add3A_3461 : vector<16xi32>
      %jit3A_3463 = arith.constant 256 : i32
      %broadcast_in_dim3A_3464 = vector.broadcast %jit3A_3463 : i32 to vector<16xi32>
      %select_n3A_3465 = arith.select %eq3A_3459, %add3A_3462, %broadcast_in_dim3A_3464 : vector<16xi1>, vector<16xi32>
      %min3A_3466 = arith.minsi %min3A_3457, %select_n3A_3465 : vector<16xi32>
      %eq3A_3467 = vector.broadcast %reduce_max3A_3389 : f32 to vector<16xf32>
      %eq3A_3468 = arith.cmpf oeq, %select_n3A_3322, %eq3A_3467 : vector<16xf32>
      %add3A_3469 = arith.constant 144 : i32
      %add3A_3470 = vector.broadcast %add3A_3469 : i32 to vector<16xi32>
      %add3A_3471 = arith.addi %iota3A, %add3A_3470 : vector<16xi32>
      %jit3A_3472 = arith.constant 256 : i32
      %broadcast_in_dim3A_3473 = vector.broadcast %jit3A_3472 : i32 to vector<16xi32>
      %select_n3A_3474 = arith.select %eq3A_3468, %add3A_3471, %broadcast_in_dim3A_3473 : vector<16xi1>, vector<16xi32>
      %min3A_3475 = arith.minsi %min3A_3466, %select_n3A_3474 : vector<16xi32>
      %eq3A_3476 = vector.broadcast %reduce_max3A_3389 : f32 to vector<16xf32>
      %eq3A_3477 = arith.cmpf oeq, %select_n3A_3330, %eq3A_3476 : vector<16xf32>
      %add3A_3478 = arith.constant 160 : i32
      %add3A_3479 = vector.broadcast %add3A_3478 : i32 to vector<16xi32>
      %add3A_3480 = arith.addi %iota3A, %add3A_3479 : vector<16xi32>
      %jit3A_3481 = arith.constant 256 : i32
      %broadcast_in_dim3A_3482 = vector.broadcast %jit3A_3481 : i32 to vector<16xi32>
      %select_n3A_3483 = arith.select %eq3A_3477, %add3A_3480, %broadcast_in_dim3A_3482 : vector<16xi1>, vector<16xi32>
      %min3A_3484 = arith.minsi %min3A_3475, %select_n3A_3483 : vector<16xi32>
      %eq3A_3485 = vector.broadcast %reduce_max3A_3389 : f32 to vector<16xf32>
      %eq3A_3486 = arith.cmpf oeq, %select_n3A_3338, %eq3A_3485 : vector<16xf32>
      %add3A_3487 = arith.constant 176 : i32
      %add3A_3488 = vector.broadcast %add3A_3487 : i32 to vector<16xi32>
      %add3A_3489 = arith.addi %iota3A, %add3A_3488 : vector<16xi32>
      %jit3A_3490 = arith.constant 256 : i32
      %broadcast_in_dim3A_3491 = vector.broadcast %jit3A_3490 : i32 to vector<16xi32>
      %select_n3A_3492 = arith.select %eq3A_3486, %add3A_3489, %broadcast_in_dim3A_3491 : vector<16xi1>, vector<16xi32>
      %min3A_3493 = arith.minsi %min3A_3484, %select_n3A_3492 : vector<16xi32>
      %eq3A_3494 = vector.broadcast %reduce_max3A_3389 : f32 to vector<16xf32>
      %eq3A_3495 = arith.cmpf oeq, %select_n3A_3346, %eq3A_3494 : vector<16xf32>
      %add3A_3496 = arith.constant 192 : i32
      %add3A_3497 = vector.broadcast %add3A_3496 : i32 to vector<16xi32>
      %add3A_3498 = arith.addi %iota3A, %add3A_3497 : vector<16xi32>
      %jit3A_3499 = arith.constant 256 : i32
      %broadcast_in_dim3A_3500 = vector.broadcast %jit3A_3499 : i32 to vector<16xi32>
      %select_n3A_3501 = arith.select %eq3A_3495, %add3A_3498, %broadcast_in_dim3A_3500 : vector<16xi1>, vector<16xi32>
      %min3A_3502 = arith.minsi %min3A_3493, %select_n3A_3501 : vector<16xi32>
      %eq3A_3503 = vector.broadcast %reduce_max3A_3389 : f32 to vector<16xf32>
      %eq3A_3504 = arith.cmpf oeq, %select_n3A_3354, %eq3A_3503 : vector<16xf32>
      %add3A_3505 = arith.constant 208 : i32
      %add3A_3506 = vector.broadcast %add3A_3505 : i32 to vector<16xi32>
      %add3A_3507 = arith.addi %iota3A, %add3A_3506 : vector<16xi32>
      %jit3A_3508 = arith.constant 256 : i32
      %broadcast_in_dim3A_3509 = vector.broadcast %jit3A_3508 : i32 to vector<16xi32>
      %select_n3A_3510 = arith.select %eq3A_3504, %add3A_3507, %broadcast_in_dim3A_3509 : vector<16xi1>, vector<16xi32>
      %min3A_3511 = arith.minsi %min3A_3502, %select_n3A_3510 : vector<16xi32>
      %eq3A_3512 = vector.broadcast %reduce_max3A_3389 : f32 to vector<16xf32>
      %eq3A_3513 = arith.cmpf oeq, %select_n3A_3362, %eq3A_3512 : vector<16xf32>
      %add3A_3514 = arith.constant 224 : i32
      %add3A_3515 = vector.broadcast %add3A_3514 : i32 to vector<16xi32>
      %add3A_3516 = arith.addi %iota3A, %add3A_3515 : vector<16xi32>
      %jit3A_3517 = arith.constant 256 : i32
      %broadcast_in_dim3A_3518 = vector.broadcast %jit3A_3517 : i32 to vector<16xi32>
      %select_n3A_3519 = arith.select %eq3A_3513, %add3A_3516, %broadcast_in_dim3A_3518 : vector<16xi1>, vector<16xi32>
      %min3A_3520 = arith.minsi %min3A_3511, %select_n3A_3519 : vector<16xi32>
      %eq3A_3521 = vector.broadcast %reduce_max3A_3389 : f32 to vector<16xf32>
      %eq3A_3522 = arith.cmpf oeq, %select_n3A_3370, %eq3A_3521 : vector<16xf32>
      %add3A_3523 = arith.constant 240 : i32
      %add3A_3524 = vector.broadcast %add3A_3523 : i32 to vector<16xi32>
      %add3A_3525 = arith.addi %iota3A, %add3A_3524 : vector<16xi32>
      %jit3A_3526 = arith.constant 256 : i32
      %broadcast_in_dim3A_3527 = vector.broadcast %jit3A_3526 : i32 to vector<16xi32>
      %select_n3A_3528 = arith.select %eq3A_3522, %add3A_3525, %broadcast_in_dim3A_3527 : vector<16xi1>, vector<16xi32>
      %min3A_3529 = arith.minsi %min3A_3520, %select_n3A_3528 : vector<16xi32>
      %reduce_min3A_3530 = arith.constant true
      %reduce_min3A_3531 = vector.broadcast %reduce_min3A_3530 : i1 to vector<16xi1>
      %reduce_min3A_3532 = arith.constant -2147483648 : i32
      %reduce_min3A_3533 = vector.broadcast %reduce_min3A_3532 : i32 to vector<16xi32>
      %reduce_min3A_3534 = arith.xori %min3A_3529, %reduce_min3A_3533 : vector<16xi32>
      %reduce_min3A_3535 = tpu.scan <min>, %reduce_min3A_3534 masked %reduce_min3A_3531 : vector<16xi32>, vector<16xi1> -> vector<16xi32>
      %reduce_min3A_3536 = arith.xori %reduce_min3A_3535, %reduce_min3A_3533 : vector<16xi32>
      %reduce_min3A_3537 = vector.extract %reduce_min3A_3536[15] : i32 from vector<16xi32>
      %mul3A_3538 = arith.constant 16 : i32
      %mul3A_3539 = arith.muli %scan3A_183, %mul3A_3538 : i32
      %add3A_3540 = arith.constant 8 : i32
      %add3A_3541 = arith.addi %mul3A_3539, %add3A_3540 : i32
      %swap3A_3542 = arith.index_cast %add3A_3541 : i32 to index
      %swap3A_3543 = memref.load %arg13[%swap3A_3542] : memref<112xi32, #tpu.memory_space<smem>>
      memref.store %reduce_min3A_3537, %arg13[%swap3A_3542] : memref<112xi32, #tpu.memory_space<smem>>
      %add3A_3544 = arith.constant 0 : i32
      %add3A_3545 = vector.broadcast %add3A_3544 : i32 to vector<16xi32>
      %add3A_3546 = arith.addi %iota3A, %add3A_3545 : vector<16xi32>
      %eq3A_3547 = vector.broadcast %reduce_min3A_3537 : i32 to vector<16xi32>
      %eq3A_3548 = arith.cmpi eq, %add3A_3546, %eq3A_3547 : vector<16xi32>
      %jit3A_3549 = arith.constant -3.000000e+38 : f32
      %broadcast_in_dim3A_3550 = vector.broadcast %jit3A_3549 : f32 to vector<16xf32>
      %select_n3A_3551 = arith.select %eq3A_3548, %broadcast_in_dim3A_3550, %select_n3A_3250 : vector<16xi1>, vector<16xf32>
      %add3A_3552 = arith.constant 16 : i32
      %add3A_3553 = vector.broadcast %add3A_3552 : i32 to vector<16xi32>
      %add3A_3554 = arith.addi %iota3A, %add3A_3553 : vector<16xi32>
      %eq3A_3555 = vector.broadcast %reduce_min3A_3537 : i32 to vector<16xi32>
      %eq3A_3556 = arith.cmpi eq, %add3A_3554, %eq3A_3555 : vector<16xi32>
      %jit3A_3557 = arith.constant -3.000000e+38 : f32
      %broadcast_in_dim3A_3558 = vector.broadcast %jit3A_3557 : f32 to vector<16xf32>
      %select_n3A_3559 = arith.select %eq3A_3556, %broadcast_in_dim3A_3558, %select_n3A_3258 : vector<16xi1>, vector<16xf32>
      %add3A_3560 = arith.constant 32 : i32
      %add3A_3561 = vector.broadcast %add3A_3560 : i32 to vector<16xi32>
      %add3A_3562 = arith.addi %iota3A, %add3A_3561 : vector<16xi32>
      %eq3A_3563 = vector.broadcast %reduce_min3A_3537 : i32 to vector<16xi32>
      %eq3A_3564 = arith.cmpi eq, %add3A_3562, %eq3A_3563 : vector<16xi32>
      %jit3A_3565 = arith.constant -3.000000e+38 : f32
      %broadcast_in_dim3A_3566 = vector.broadcast %jit3A_3565 : f32 to vector<16xf32>
      %select_n3A_3567 = arith.select %eq3A_3564, %broadcast_in_dim3A_3566, %select_n3A_3266 : vector<16xi1>, vector<16xf32>
      %add3A_3568 = arith.constant 48 : i32
      %add3A_3569 = vector.broadcast %add3A_3568 : i32 to vector<16xi32>
      %add3A_3570 = arith.addi %iota3A, %add3A_3569 : vector<16xi32>
      %eq3A_3571 = vector.broadcast %reduce_min3A_3537 : i32 to vector<16xi32>
      %eq3A_3572 = arith.cmpi eq, %add3A_3570, %eq3A_3571 : vector<16xi32>
      %jit3A_3573 = arith.constant -3.000000e+38 : f32
      %broadcast_in_dim3A_3574 = vector.broadcast %jit3A_3573 : f32 to vector<16xf32>
      %select_n3A_3575 = arith.select %eq3A_3572, %broadcast_in_dim3A_3574, %select_n3A_3274 : vector<16xi1>, vector<16xf32>
      %add3A_3576 = arith.constant 64 : i32
      %add3A_3577 = vector.broadcast %add3A_3576 : i32 to vector<16xi32>
      %add3A_3578 = arith.addi %iota3A, %add3A_3577 : vector<16xi32>
      %eq3A_3579 = vector.broadcast %reduce_min3A_3537 : i32 to vector<16xi32>
      %eq3A_3580 = arith.cmpi eq, %add3A_3578, %eq3A_3579 : vector<16xi32>
      %jit3A_3581 = arith.constant -3.000000e+38 : f32
      %broadcast_in_dim3A_3582 = vector.broadcast %jit3A_3581 : f32 to vector<16xf32>
      %select_n3A_3583 = arith.select %eq3A_3580, %broadcast_in_dim3A_3582, %select_n3A_3282 : vector<16xi1>, vector<16xf32>
      %add3A_3584 = arith.constant 80 : i32
      %add3A_3585 = vector.broadcast %add3A_3584 : i32 to vector<16xi32>
      %add3A_3586 = arith.addi %iota3A, %add3A_3585 : vector<16xi32>
      %eq3A_3587 = vector.broadcast %reduce_min3A_3537 : i32 to vector<16xi32>
      %eq3A_3588 = arith.cmpi eq, %add3A_3586, %eq3A_3587 : vector<16xi32>
      %jit3A_3589 = arith.constant -3.000000e+38 : f32
      %broadcast_in_dim3A_3590 = vector.broadcast %jit3A_3589 : f32 to vector<16xf32>
      %select_n3A_3591 = arith.select %eq3A_3588, %broadcast_in_dim3A_3590, %select_n3A_3290 : vector<16xi1>, vector<16xf32>
      %add3A_3592 = arith.constant 96 : i32
      %add3A_3593 = vector.broadcast %add3A_3592 : i32 to vector<16xi32>
      %add3A_3594 = arith.addi %iota3A, %add3A_3593 : vector<16xi32>
      %eq3A_3595 = vector.broadcast %reduce_min3A_3537 : i32 to vector<16xi32>
      %eq3A_3596 = arith.cmpi eq, %add3A_3594, %eq3A_3595 : vector<16xi32>
      %jit3A_3597 = arith.constant -3.000000e+38 : f32
      %broadcast_in_dim3A_3598 = vector.broadcast %jit3A_3597 : f32 to vector<16xf32>
      %select_n3A_3599 = arith.select %eq3A_3596, %broadcast_in_dim3A_3598, %select_n3A_3298 : vector<16xi1>, vector<16xf32>
      %add3A_3600 = arith.constant 112 : i32
      %add3A_3601 = vector.broadcast %add3A_3600 : i32 to vector<16xi32>
      %add3A_3602 = arith.addi %iota3A, %add3A_3601 : vector<16xi32>
      %eq3A_3603 = vector.broadcast %reduce_min3A_3537 : i32 to vector<16xi32>
      %eq3A_3604 = arith.cmpi eq, %add3A_3602, %eq3A_3603 : vector<16xi32>
      %jit3A_3605 = arith.constant -3.000000e+38 : f32
      %broadcast_in_dim3A_3606 = vector.broadcast %jit3A_3605 : f32 to vector<16xf32>
      %select_n3A_3607 = arith.select %eq3A_3604, %broadcast_in_dim3A_3606, %select_n3A_3306 : vector<16xi1>, vector<16xf32>
      %add3A_3608 = arith.constant 128 : i32
      %add3A_3609 = vector.broadcast %add3A_3608 : i32 to vector<16xi32>
      %add3A_3610 = arith.addi %iota3A, %add3A_3609 : vector<16xi32>
      %eq3A_3611 = vector.broadcast %reduce_min3A_3537 : i32 to vector<16xi32>
      %eq3A_3612 = arith.cmpi eq, %add3A_3610, %eq3A_3611 : vector<16xi32>
      %jit3A_3613 = arith.constant -3.000000e+38 : f32
      %broadcast_in_dim3A_3614 = vector.broadcast %jit3A_3613 : f32 to vector<16xf32>
      %select_n3A_3615 = arith.select %eq3A_3612, %broadcast_in_dim3A_3614, %select_n3A_3314 : vector<16xi1>, vector<16xf32>
      %add3A_3616 = arith.constant 144 : i32
      %add3A_3617 = vector.broadcast %add3A_3616 : i32 to vector<16xi32>
      %add3A_3618 = arith.addi %iota3A, %add3A_3617 : vector<16xi32>
      %eq3A_3619 = vector.broadcast %reduce_min3A_3537 : i32 to vector<16xi32>
      %eq3A_3620 = arith.cmpi eq, %add3A_3618, %eq3A_3619 : vector<16xi32>
      %jit3A_3621 = arith.constant -3.000000e+38 : f32
      %broadcast_in_dim3A_3622 = vector.broadcast %jit3A_3621 : f32 to vector<16xf32>
      %select_n3A_3623 = arith.select %eq3A_3620, %broadcast_in_dim3A_3622, %select_n3A_3322 : vector<16xi1>, vector<16xf32>
      %add3A_3624 = arith.constant 160 : i32
      %add3A_3625 = vector.broadcast %add3A_3624 : i32 to vector<16xi32>
      %add3A_3626 = arith.addi %iota3A, %add3A_3625 : vector<16xi32>
      %eq3A_3627 = vector.broadcast %reduce_min3A_3537 : i32 to vector<16xi32>
      %eq3A_3628 = arith.cmpi eq, %add3A_3626, %eq3A_3627 : vector<16xi32>
      %jit3A_3629 = arith.constant -3.000000e+38 : f32
      %broadcast_in_dim3A_3630 = vector.broadcast %jit3A_3629 : f32 to vector<16xf32>
      %select_n3A_3631 = arith.select %eq3A_3628, %broadcast_in_dim3A_3630, %select_n3A_3330 : vector<16xi1>, vector<16xf32>
      %add3A_3632 = arith.constant 176 : i32
      %add3A_3633 = vector.broadcast %add3A_3632 : i32 to vector<16xi32>
      %add3A_3634 = arith.addi %iota3A, %add3A_3633 : vector<16xi32>
      %eq3A_3635 = vector.broadcast %reduce_min3A_3537 : i32 to vector<16xi32>
      %eq3A_3636 = arith.cmpi eq, %add3A_3634, %eq3A_3635 : vector<16xi32>
      %jit3A_3637 = arith.constant -3.000000e+38 : f32
      %broadcast_in_dim3A_3638 = vector.broadcast %jit3A_3637 : f32 to vector<16xf32>
      %select_n3A_3639 = arith.select %eq3A_3636, %broadcast_in_dim3A_3638, %select_n3A_3338 : vector<16xi1>, vector<16xf32>
      %add3A_3640 = arith.constant 192 : i32
      %add3A_3641 = vector.broadcast %add3A_3640 : i32 to vector<16xi32>
      %add3A_3642 = arith.addi %iota3A, %add3A_3641 : vector<16xi32>
      %eq3A_3643 = vector.broadcast %reduce_min3A_3537 : i32 to vector<16xi32>
      %eq3A_3644 = arith.cmpi eq, %add3A_3642, %eq3A_3643 : vector<16xi32>
      %jit3A_3645 = arith.constant -3.000000e+38 : f32
      %broadcast_in_dim3A_3646 = vector.broadcast %jit3A_3645 : f32 to vector<16xf32>
      %select_n3A_3647 = arith.select %eq3A_3644, %broadcast_in_dim3A_3646, %select_n3A_3346 : vector<16xi1>, vector<16xf32>
      %add3A_3648 = arith.constant 208 : i32
      %add3A_3649 = vector.broadcast %add3A_3648 : i32 to vector<16xi32>
      %add3A_3650 = arith.addi %iota3A, %add3A_3649 : vector<16xi32>
      %eq3A_3651 = vector.broadcast %reduce_min3A_3537 : i32 to vector<16xi32>
      %eq3A_3652 = arith.cmpi eq, %add3A_3650, %eq3A_3651 : vector<16xi32>
      %jit3A_3653 = arith.constant -3.000000e+38 : f32
      %broadcast_in_dim3A_3654 = vector.broadcast %jit3A_3653 : f32 to vector<16xf32>
      %select_n3A_3655 = arith.select %eq3A_3652, %broadcast_in_dim3A_3654, %select_n3A_3354 : vector<16xi1>, vector<16xf32>
      %add3A_3656 = arith.constant 224 : i32
      %add3A_3657 = vector.broadcast %add3A_3656 : i32 to vector<16xi32>
      %add3A_3658 = arith.addi %iota3A, %add3A_3657 : vector<16xi32>
      %eq3A_3659 = vector.broadcast %reduce_min3A_3537 : i32 to vector<16xi32>
      %eq3A_3660 = arith.cmpi eq, %add3A_3658, %eq3A_3659 : vector<16xi32>
      %jit3A_3661 = arith.constant -3.000000e+38 : f32
      %broadcast_in_dim3A_3662 = vector.broadcast %jit3A_3661 : f32 to vector<16xf32>
      %select_n3A_3663 = arith.select %eq3A_3660, %broadcast_in_dim3A_3662, %select_n3A_3362 : vector<16xi1>, vector<16xf32>
      %add3A_3664 = arith.constant 240 : i32
      %add3A_3665 = vector.broadcast %add3A_3664 : i32 to vector<16xi32>
      %add3A_3666 = arith.addi %iota3A, %add3A_3665 : vector<16xi32>
      %eq3A_3667 = vector.broadcast %reduce_min3A_3537 : i32 to vector<16xi32>
      %eq3A_3668 = arith.cmpi eq, %add3A_3666, %eq3A_3667 : vector<16xi32>
      %jit3A_3669 = arith.constant -3.000000e+38 : f32
      %broadcast_in_dim3A_3670 = vector.broadcast %jit3A_3669 : f32 to vector<16xf32>
      %select_n3A_3671 = arith.select %eq3A_3668, %broadcast_in_dim3A_3670, %select_n3A_3370 : vector<16xi1>, vector<16xf32>
      %max3A_3672 = arith.maximumf %select_n3A_3551, %select_n3A_3559 : vector<16xf32>
      %max3A_3673 = arith.maximumf %max3A_3672, %select_n3A_3567 : vector<16xf32>
      %max3A_3674 = arith.maximumf %max3A_3673, %select_n3A_3575 : vector<16xf32>
      %max3A_3675 = arith.maximumf %max3A_3674, %select_n3A_3583 : vector<16xf32>
      %max3A_3676 = arith.maximumf %max3A_3675, %select_n3A_3591 : vector<16xf32>
      %max3A_3677 = arith.maximumf %max3A_3676, %select_n3A_3599 : vector<16xf32>
      %max3A_3678 = arith.maximumf %max3A_3677, %select_n3A_3607 : vector<16xf32>
      %max3A_3679 = arith.maximumf %max3A_3678, %select_n3A_3615 : vector<16xf32>
      %max3A_3680 = arith.maximumf %max3A_3679, %select_n3A_3623 : vector<16xf32>
      %max3A_3681 = arith.maximumf %max3A_3680, %select_n3A_3631 : vector<16xf32>
      %max3A_3682 = arith.maximumf %max3A_3681, %select_n3A_3639 : vector<16xf32>
      %max3A_3683 = arith.maximumf %max3A_3682, %select_n3A_3647 : vector<16xf32>
      %max3A_3684 = arith.maximumf %max3A_3683, %select_n3A_3655 : vector<16xf32>
      %max3A_3685 = arith.maximumf %max3A_3684, %select_n3A_3663 : vector<16xf32>
      %max3A_3686 = arith.maximumf %max3A_3685, %select_n3A_3671 : vector<16xf32>
      %reduce_max3A_3687 = arith.constant true
      %reduce_max3A_3688 = vector.broadcast %reduce_max3A_3687 : i1 to vector<16xi1>
      %reduce_max3A_3689 = tpu.scan <max>, %max3A_3686 masked %reduce_max3A_3688 : vector<16xf32>, vector<16xi1> -> vector<16xf32>
      %reduce_max3A_3690 = vector.extract %reduce_max3A_3689[15] : f32 from vector<16xf32>
      %eq3A_3691 = vector.broadcast %reduce_max3A_3690 : f32 to vector<16xf32>
      %eq3A_3692 = arith.cmpf oeq, %select_n3A_3551, %eq3A_3691 : vector<16xf32>
      %jit3A_3693 = arith.constant 256 : i32
      %broadcast_in_dim3A_3694 = vector.broadcast %jit3A_3693 : i32 to vector<16xi32>
      %select_n3A_3695 = arith.select %eq3A_3692, %iota3A, %broadcast_in_dim3A_3694 : vector<16xi1>, vector<16xi32>
      %eq3A_3696 = vector.broadcast %reduce_max3A_3690 : f32 to vector<16xf32>
      %eq3A_3697 = arith.cmpf oeq, %select_n3A_3559, %eq3A_3696 : vector<16xf32>
      %add3A_3698 = arith.constant 16 : i32
      %add3A_3699 = vector.broadcast %add3A_3698 : i32 to vector<16xi32>
      %add3A_3700 = arith.addi %iota3A, %add3A_3699 : vector<16xi32>
      %jit3A_3701 = arith.constant 256 : i32
      %broadcast_in_dim3A_3702 = vector.broadcast %jit3A_3701 : i32 to vector<16xi32>
      %select_n3A_3703 = arith.select %eq3A_3697, %add3A_3700, %broadcast_in_dim3A_3702 : vector<16xi1>, vector<16xi32>
      %min3A_3704 = arith.minsi %select_n3A_3695, %select_n3A_3703 : vector<16xi32>
      %eq3A_3705 = vector.broadcast %reduce_max3A_3690 : f32 to vector<16xf32>
      %eq3A_3706 = arith.cmpf oeq, %select_n3A_3567, %eq3A_3705 : vector<16xf32>
      %add3A_3707 = arith.constant 32 : i32
      %add3A_3708 = vector.broadcast %add3A_3707 : i32 to vector<16xi32>
      %add3A_3709 = arith.addi %iota3A, %add3A_3708 : vector<16xi32>
      %jit3A_3710 = arith.constant 256 : i32
      %broadcast_in_dim3A_3711 = vector.broadcast %jit3A_3710 : i32 to vector<16xi32>
      %select_n3A_3712 = arith.select %eq3A_3706, %add3A_3709, %broadcast_in_dim3A_3711 : vector<16xi1>, vector<16xi32>
      %min3A_3713 = arith.minsi %min3A_3704, %select_n3A_3712 : vector<16xi32>
      %eq3A_3714 = vector.broadcast %reduce_max3A_3690 : f32 to vector<16xf32>
      %eq3A_3715 = arith.cmpf oeq, %select_n3A_3575, %eq3A_3714 : vector<16xf32>
      %add3A_3716 = arith.constant 48 : i32
      %add3A_3717 = vector.broadcast %add3A_3716 : i32 to vector<16xi32>
      %add3A_3718 = arith.addi %iota3A, %add3A_3717 : vector<16xi32>
      %jit3A_3719 = arith.constant 256 : i32
      %broadcast_in_dim3A_3720 = vector.broadcast %jit3A_3719 : i32 to vector<16xi32>
      %select_n3A_3721 = arith.select %eq3A_3715, %add3A_3718, %broadcast_in_dim3A_3720 : vector<16xi1>, vector<16xi32>
      %min3A_3722 = arith.minsi %min3A_3713, %select_n3A_3721 : vector<16xi32>
      %eq3A_3723 = vector.broadcast %reduce_max3A_3690 : f32 to vector<16xf32>
      %eq3A_3724 = arith.cmpf oeq, %select_n3A_3583, %eq3A_3723 : vector<16xf32>
      %add3A_3725 = arith.constant 64 : i32
      %add3A_3726 = vector.broadcast %add3A_3725 : i32 to vector<16xi32>
      %add3A_3727 = arith.addi %iota3A, %add3A_3726 : vector<16xi32>
      %jit3A_3728 = arith.constant 256 : i32
      %broadcast_in_dim3A_3729 = vector.broadcast %jit3A_3728 : i32 to vector<16xi32>
      %select_n3A_3730 = arith.select %eq3A_3724, %add3A_3727, %broadcast_in_dim3A_3729 : vector<16xi1>, vector<16xi32>
      %min3A_3731 = arith.minsi %min3A_3722, %select_n3A_3730 : vector<16xi32>
      %eq3A_3732 = vector.broadcast %reduce_max3A_3690 : f32 to vector<16xf32>
      %eq3A_3733 = arith.cmpf oeq, %select_n3A_3591, %eq3A_3732 : vector<16xf32>
      %add3A_3734 = arith.constant 80 : i32
      %add3A_3735 = vector.broadcast %add3A_3734 : i32 to vector<16xi32>
      %add3A_3736 = arith.addi %iota3A, %add3A_3735 : vector<16xi32>
      %jit3A_3737 = arith.constant 256 : i32
      %broadcast_in_dim3A_3738 = vector.broadcast %jit3A_3737 : i32 to vector<16xi32>
      %select_n3A_3739 = arith.select %eq3A_3733, %add3A_3736, %broadcast_in_dim3A_3738 : vector<16xi1>, vector<16xi32>
      %min3A_3740 = arith.minsi %min3A_3731, %select_n3A_3739 : vector<16xi32>
      %eq3A_3741 = vector.broadcast %reduce_max3A_3690 : f32 to vector<16xf32>
      %eq3A_3742 = arith.cmpf oeq, %select_n3A_3599, %eq3A_3741 : vector<16xf32>
      %add3A_3743 = arith.constant 96 : i32
      %add3A_3744 = vector.broadcast %add3A_3743 : i32 to vector<16xi32>
      %add3A_3745 = arith.addi %iota3A, %add3A_3744 : vector<16xi32>
      %jit3A_3746 = arith.constant 256 : i32
      %broadcast_in_dim3A_3747 = vector.broadcast %jit3A_3746 : i32 to vector<16xi32>
      %select_n3A_3748 = arith.select %eq3A_3742, %add3A_3745, %broadcast_in_dim3A_3747 : vector<16xi1>, vector<16xi32>
      %min3A_3749 = arith.minsi %min3A_3740, %select_n3A_3748 : vector<16xi32>
      %eq3A_3750 = vector.broadcast %reduce_max3A_3690 : f32 to vector<16xf32>
      %eq3A_3751 = arith.cmpf oeq, %select_n3A_3607, %eq3A_3750 : vector<16xf32>
      %add3A_3752 = arith.constant 112 : i32
      %add3A_3753 = vector.broadcast %add3A_3752 : i32 to vector<16xi32>
      %add3A_3754 = arith.addi %iota3A, %add3A_3753 : vector<16xi32>
      %jit3A_3755 = arith.constant 256 : i32
      %broadcast_in_dim3A_3756 = vector.broadcast %jit3A_3755 : i32 to vector<16xi32>
      %select_n3A_3757 = arith.select %eq3A_3751, %add3A_3754, %broadcast_in_dim3A_3756 : vector<16xi1>, vector<16xi32>
      %min3A_3758 = arith.minsi %min3A_3749, %select_n3A_3757 : vector<16xi32>
      %eq3A_3759 = vector.broadcast %reduce_max3A_3690 : f32 to vector<16xf32>
      %eq3A_3760 = arith.cmpf oeq, %select_n3A_3615, %eq3A_3759 : vector<16xf32>
      %add3A_3761 = arith.constant 128 : i32
      %add3A_3762 = vector.broadcast %add3A_3761 : i32 to vector<16xi32>
      %add3A_3763 = arith.addi %iota3A, %add3A_3762 : vector<16xi32>
      %jit3A_3764 = arith.constant 256 : i32
      %broadcast_in_dim3A_3765 = vector.broadcast %jit3A_3764 : i32 to vector<16xi32>
      %select_n3A_3766 = arith.select %eq3A_3760, %add3A_3763, %broadcast_in_dim3A_3765 : vector<16xi1>, vector<16xi32>
      %min3A_3767 = arith.minsi %min3A_3758, %select_n3A_3766 : vector<16xi32>
      %eq3A_3768 = vector.broadcast %reduce_max3A_3690 : f32 to vector<16xf32>
      %eq3A_3769 = arith.cmpf oeq, %select_n3A_3623, %eq3A_3768 : vector<16xf32>
      %add3A_3770 = arith.constant 144 : i32
      %add3A_3771 = vector.broadcast %add3A_3770 : i32 to vector<16xi32>
      %add3A_3772 = arith.addi %iota3A, %add3A_3771 : vector<16xi32>
      %jit3A_3773 = arith.constant 256 : i32
      %broadcast_in_dim3A_3774 = vector.broadcast %jit3A_3773 : i32 to vector<16xi32>
      %select_n3A_3775 = arith.select %eq3A_3769, %add3A_3772, %broadcast_in_dim3A_3774 : vector<16xi1>, vector<16xi32>
      %min3A_3776 = arith.minsi %min3A_3767, %select_n3A_3775 : vector<16xi32>
      %eq3A_3777 = vector.broadcast %reduce_max3A_3690 : f32 to vector<16xf32>
      %eq3A_3778 = arith.cmpf oeq, %select_n3A_3631, %eq3A_3777 : vector<16xf32>
      %add3A_3779 = arith.constant 160 : i32
      %add3A_3780 = vector.broadcast %add3A_3779 : i32 to vector<16xi32>
      %add3A_3781 = arith.addi %iota3A, %add3A_3780 : vector<16xi32>
      %jit3A_3782 = arith.constant 256 : i32
      %broadcast_in_dim3A_3783 = vector.broadcast %jit3A_3782 : i32 to vector<16xi32>
      %select_n3A_3784 = arith.select %eq3A_3778, %add3A_3781, %broadcast_in_dim3A_3783 : vector<16xi1>, vector<16xi32>
      %min3A_3785 = arith.minsi %min3A_3776, %select_n3A_3784 : vector<16xi32>
      %eq3A_3786 = vector.broadcast %reduce_max3A_3690 : f32 to vector<16xf32>
      %eq3A_3787 = arith.cmpf oeq, %select_n3A_3639, %eq3A_3786 : vector<16xf32>
      %add3A_3788 = arith.constant 176 : i32
      %add3A_3789 = vector.broadcast %add3A_3788 : i32 to vector<16xi32>
      %add3A_3790 = arith.addi %iota3A, %add3A_3789 : vector<16xi32>
      %jit3A_3791 = arith.constant 256 : i32
      %broadcast_in_dim3A_3792 = vector.broadcast %jit3A_3791 : i32 to vector<16xi32>
      %select_n3A_3793 = arith.select %eq3A_3787, %add3A_3790, %broadcast_in_dim3A_3792 : vector<16xi1>, vector<16xi32>
      %min3A_3794 = arith.minsi %min3A_3785, %select_n3A_3793 : vector<16xi32>
      %eq3A_3795 = vector.broadcast %reduce_max3A_3690 : f32 to vector<16xf32>
      %eq3A_3796 = arith.cmpf oeq, %select_n3A_3647, %eq3A_3795 : vector<16xf32>
      %add3A_3797 = arith.constant 192 : i32
      %add3A_3798 = vector.broadcast %add3A_3797 : i32 to vector<16xi32>
      %add3A_3799 = arith.addi %iota3A, %add3A_3798 : vector<16xi32>
      %jit3A_3800 = arith.constant 256 : i32
      %broadcast_in_dim3A_3801 = vector.broadcast %jit3A_3800 : i32 to vector<16xi32>
      %select_n3A_3802 = arith.select %eq3A_3796, %add3A_3799, %broadcast_in_dim3A_3801 : vector<16xi1>, vector<16xi32>
      %min3A_3803 = arith.minsi %min3A_3794, %select_n3A_3802 : vector<16xi32>
      %eq3A_3804 = vector.broadcast %reduce_max3A_3690 : f32 to vector<16xf32>
      %eq3A_3805 = arith.cmpf oeq, %select_n3A_3655, %eq3A_3804 : vector<16xf32>
      %add3A_3806 = arith.constant 208 : i32
      %add3A_3807 = vector.broadcast %add3A_3806 : i32 to vector<16xi32>
      %add3A_3808 = arith.addi %iota3A, %add3A_3807 : vector<16xi32>
      %jit3A_3809 = arith.constant 256 : i32
      %broadcast_in_dim3A_3810 = vector.broadcast %jit3A_3809 : i32 to vector<16xi32>
      %select_n3A_3811 = arith.select %eq3A_3805, %add3A_3808, %broadcast_in_dim3A_3810 : vector<16xi1>, vector<16xi32>
      %min3A_3812 = arith.minsi %min3A_3803, %select_n3A_3811 : vector<16xi32>
      %eq3A_3813 = vector.broadcast %reduce_max3A_3690 : f32 to vector<16xf32>
      %eq3A_3814 = arith.cmpf oeq, %select_n3A_3663, %eq3A_3813 : vector<16xf32>
      %add3A_3815 = arith.constant 224 : i32
      %add3A_3816 = vector.broadcast %add3A_3815 : i32 to vector<16xi32>
      %add3A_3817 = arith.addi %iota3A, %add3A_3816 : vector<16xi32>
      %jit3A_3818 = arith.constant 256 : i32
      %broadcast_in_dim3A_3819 = vector.broadcast %jit3A_3818 : i32 to vector<16xi32>
      %select_n3A_3820 = arith.select %eq3A_3814, %add3A_3817, %broadcast_in_dim3A_3819 : vector<16xi1>, vector<16xi32>
      %min3A_3821 = arith.minsi %min3A_3812, %select_n3A_3820 : vector<16xi32>
      %eq3A_3822 = vector.broadcast %reduce_max3A_3690 : f32 to vector<16xf32>
      %eq3A_3823 = arith.cmpf oeq, %select_n3A_3671, %eq3A_3822 : vector<16xf32>
      %add3A_3824 = arith.constant 240 : i32
      %add3A_3825 = vector.broadcast %add3A_3824 : i32 to vector<16xi32>
      %add3A_3826 = arith.addi %iota3A, %add3A_3825 : vector<16xi32>
      %jit3A_3827 = arith.constant 256 : i32
      %broadcast_in_dim3A_3828 = vector.broadcast %jit3A_3827 : i32 to vector<16xi32>
      %select_n3A_3829 = arith.select %eq3A_3823, %add3A_3826, %broadcast_in_dim3A_3828 : vector<16xi1>, vector<16xi32>
      %min3A_3830 = arith.minsi %min3A_3821, %select_n3A_3829 : vector<16xi32>
      %reduce_min3A_3831 = arith.constant true
      %reduce_min3A_3832 = vector.broadcast %reduce_min3A_3831 : i1 to vector<16xi1>
      %reduce_min3A_3833 = arith.constant -2147483648 : i32
      %reduce_min3A_3834 = vector.broadcast %reduce_min3A_3833 : i32 to vector<16xi32>
      %reduce_min3A_3835 = arith.xori %min3A_3830, %reduce_min3A_3834 : vector<16xi32>
      %reduce_min3A_3836 = tpu.scan <min>, %reduce_min3A_3835 masked %reduce_min3A_3832 : vector<16xi32>, vector<16xi1> -> vector<16xi32>
      %reduce_min3A_3837 = arith.xori %reduce_min3A_3836, %reduce_min3A_3834 : vector<16xi32>
      %reduce_min3A_3838 = vector.extract %reduce_min3A_3837[15] : i32 from vector<16xi32>
      %mul3A_3839 = arith.constant 16 : i32
      %mul3A_3840 = arith.muli %scan3A_183, %mul3A_3839 : i32
      %add3A_3841 = arith.constant 9 : i32
      %add3A_3842 = arith.addi %mul3A_3840, %add3A_3841 : i32
      %swap3A_3843 = arith.index_cast %add3A_3842 : i32 to index
      %swap3A_3844 = memref.load %arg13[%swap3A_3843] : memref<112xi32, #tpu.memory_space<smem>>
      memref.store %reduce_min3A_3838, %arg13[%swap3A_3843] : memref<112xi32, #tpu.memory_space<smem>>
      %add3A_3845 = arith.constant 0 : i32
      %add3A_3846 = vector.broadcast %add3A_3845 : i32 to vector<16xi32>
      %add3A_3847 = arith.addi %iota3A, %add3A_3846 : vector<16xi32>
      %eq3A_3848 = vector.broadcast %reduce_min3A_3838 : i32 to vector<16xi32>
      %eq3A_3849 = arith.cmpi eq, %add3A_3847, %eq3A_3848 : vector<16xi32>
      %jit3A_3850 = arith.constant -3.000000e+38 : f32
      %broadcast_in_dim3A_3851 = vector.broadcast %jit3A_3850 : f32 to vector<16xf32>
      %select_n3A_3852 = arith.select %eq3A_3849, %broadcast_in_dim3A_3851, %select_n3A_3551 : vector<16xi1>, vector<16xf32>
      %add3A_3853 = arith.constant 16 : i32
      %add3A_3854 = vector.broadcast %add3A_3853 : i32 to vector<16xi32>
      %add3A_3855 = arith.addi %iota3A, %add3A_3854 : vector<16xi32>
      %eq3A_3856 = vector.broadcast %reduce_min3A_3838 : i32 to vector<16xi32>
      %eq3A_3857 = arith.cmpi eq, %add3A_3855, %eq3A_3856 : vector<16xi32>
      %jit3A_3858 = arith.constant -3.000000e+38 : f32
      %broadcast_in_dim3A_3859 = vector.broadcast %jit3A_3858 : f32 to vector<16xf32>
      %select_n3A_3860 = arith.select %eq3A_3857, %broadcast_in_dim3A_3859, %select_n3A_3559 : vector<16xi1>, vector<16xf32>
      %add3A_3861 = arith.constant 32 : i32
      %add3A_3862 = vector.broadcast %add3A_3861 : i32 to vector<16xi32>
      %add3A_3863 = arith.addi %iota3A, %add3A_3862 : vector<16xi32>
      %eq3A_3864 = vector.broadcast %reduce_min3A_3838 : i32 to vector<16xi32>
      %eq3A_3865 = arith.cmpi eq, %add3A_3863, %eq3A_3864 : vector<16xi32>
      %jit3A_3866 = arith.constant -3.000000e+38 : f32
      %broadcast_in_dim3A_3867 = vector.broadcast %jit3A_3866 : f32 to vector<16xf32>
      %select_n3A_3868 = arith.select %eq3A_3865, %broadcast_in_dim3A_3867, %select_n3A_3567 : vector<16xi1>, vector<16xf32>
      %add3A_3869 = arith.constant 48 : i32
      %add3A_3870 = vector.broadcast %add3A_3869 : i32 to vector<16xi32>
      %add3A_3871 = arith.addi %iota3A, %add3A_3870 : vector<16xi32>
      %eq3A_3872 = vector.broadcast %reduce_min3A_3838 : i32 to vector<16xi32>
      %eq3A_3873 = arith.cmpi eq, %add3A_3871, %eq3A_3872 : vector<16xi32>
      %jit3A_3874 = arith.constant -3.000000e+38 : f32
      %broadcast_in_dim3A_3875 = vector.broadcast %jit3A_3874 : f32 to vector<16xf32>
      %select_n3A_3876 = arith.select %eq3A_3873, %broadcast_in_dim3A_3875, %select_n3A_3575 : vector<16xi1>, vector<16xf32>
      %add3A_3877 = arith.constant 64 : i32
      %add3A_3878 = vector.broadcast %add3A_3877 : i32 to vector<16xi32>
      %add3A_3879 = arith.addi %iota3A, %add3A_3878 : vector<16xi32>
      %eq3A_3880 = vector.broadcast %reduce_min3A_3838 : i32 to vector<16xi32>
      %eq3A_3881 = arith.cmpi eq, %add3A_3879, %eq3A_3880 : vector<16xi32>
      %jit3A_3882 = arith.constant -3.000000e+38 : f32
      %broadcast_in_dim3A_3883 = vector.broadcast %jit3A_3882 : f32 to vector<16xf32>
      %select_n3A_3884 = arith.select %eq3A_3881, %broadcast_in_dim3A_3883, %select_n3A_3583 : vector<16xi1>, vector<16xf32>
      %add3A_3885 = arith.constant 80 : i32
      %add3A_3886 = vector.broadcast %add3A_3885 : i32 to vector<16xi32>
      %add3A_3887 = arith.addi %iota3A, %add3A_3886 : vector<16xi32>
      %eq3A_3888 = vector.broadcast %reduce_min3A_3838 : i32 to vector<16xi32>
      %eq3A_3889 = arith.cmpi eq, %add3A_3887, %eq3A_3888 : vector<16xi32>
      %jit3A_3890 = arith.constant -3.000000e+38 : f32
      %broadcast_in_dim3A_3891 = vector.broadcast %jit3A_3890 : f32 to vector<16xf32>
      %select_n3A_3892 = arith.select %eq3A_3889, %broadcast_in_dim3A_3891, %select_n3A_3591 : vector<16xi1>, vector<16xf32>
      %add3A_3893 = arith.constant 96 : i32
      %add3A_3894 = vector.broadcast %add3A_3893 : i32 to vector<16xi32>
      %add3A_3895 = arith.addi %iota3A, %add3A_3894 : vector<16xi32>
      %eq3A_3896 = vector.broadcast %reduce_min3A_3838 : i32 to vector<16xi32>
      %eq3A_3897 = arith.cmpi eq, %add3A_3895, %eq3A_3896 : vector<16xi32>
      %jit3A_3898 = arith.constant -3.000000e+38 : f32
      %broadcast_in_dim3A_3899 = vector.broadcast %jit3A_3898 : f32 to vector<16xf32>
      %select_n3A_3900 = arith.select %eq3A_3897, %broadcast_in_dim3A_3899, %select_n3A_3599 : vector<16xi1>, vector<16xf32>
      %add3A_3901 = arith.constant 112 : i32
      %add3A_3902 = vector.broadcast %add3A_3901 : i32 to vector<16xi32>
      %add3A_3903 = arith.addi %iota3A, %add3A_3902 : vector<16xi32>
      %eq3A_3904 = vector.broadcast %reduce_min3A_3838 : i32 to vector<16xi32>
      %eq3A_3905 = arith.cmpi eq, %add3A_3903, %eq3A_3904 : vector<16xi32>
      %jit3A_3906 = arith.constant -3.000000e+38 : f32
      %broadcast_in_dim3A_3907 = vector.broadcast %jit3A_3906 : f32 to vector<16xf32>
      %select_n3A_3908 = arith.select %eq3A_3905, %broadcast_in_dim3A_3907, %select_n3A_3607 : vector<16xi1>, vector<16xf32>
      %add3A_3909 = arith.constant 128 : i32
      %add3A_3910 = vector.broadcast %add3A_3909 : i32 to vector<16xi32>
      %add3A_3911 = arith.addi %iota3A, %add3A_3910 : vector<16xi32>
      %eq3A_3912 = vector.broadcast %reduce_min3A_3838 : i32 to vector<16xi32>
      %eq3A_3913 = arith.cmpi eq, %add3A_3911, %eq3A_3912 : vector<16xi32>
      %jit3A_3914 = arith.constant -3.000000e+38 : f32
      %broadcast_in_dim3A_3915 = vector.broadcast %jit3A_3914 : f32 to vector<16xf32>
      %select_n3A_3916 = arith.select %eq3A_3913, %broadcast_in_dim3A_3915, %select_n3A_3615 : vector<16xi1>, vector<16xf32>
      %add3A_3917 = arith.constant 144 : i32
      %add3A_3918 = vector.broadcast %add3A_3917 : i32 to vector<16xi32>
      %add3A_3919 = arith.addi %iota3A, %add3A_3918 : vector<16xi32>
      %eq3A_3920 = vector.broadcast %reduce_min3A_3838 : i32 to vector<16xi32>
      %eq3A_3921 = arith.cmpi eq, %add3A_3919, %eq3A_3920 : vector<16xi32>
      %jit3A_3922 = arith.constant -3.000000e+38 : f32
      %broadcast_in_dim3A_3923 = vector.broadcast %jit3A_3922 : f32 to vector<16xf32>
      %select_n3A_3924 = arith.select %eq3A_3921, %broadcast_in_dim3A_3923, %select_n3A_3623 : vector<16xi1>, vector<16xf32>
      %add3A_3925 = arith.constant 160 : i32
      %add3A_3926 = vector.broadcast %add3A_3925 : i32 to vector<16xi32>
      %add3A_3927 = arith.addi %iota3A, %add3A_3926 : vector<16xi32>
      %eq3A_3928 = vector.broadcast %reduce_min3A_3838 : i32 to vector<16xi32>
      %eq3A_3929 = arith.cmpi eq, %add3A_3927, %eq3A_3928 : vector<16xi32>
      %jit3A_3930 = arith.constant -3.000000e+38 : f32
      %broadcast_in_dim3A_3931 = vector.broadcast %jit3A_3930 : f32 to vector<16xf32>
      %select_n3A_3932 = arith.select %eq3A_3929, %broadcast_in_dim3A_3931, %select_n3A_3631 : vector<16xi1>, vector<16xf32>
      %add3A_3933 = arith.constant 176 : i32
      %add3A_3934 = vector.broadcast %add3A_3933 : i32 to vector<16xi32>
      %add3A_3935 = arith.addi %iota3A, %add3A_3934 : vector<16xi32>
      %eq3A_3936 = vector.broadcast %reduce_min3A_3838 : i32 to vector<16xi32>
      %eq3A_3937 = arith.cmpi eq, %add3A_3935, %eq3A_3936 : vector<16xi32>
      %jit3A_3938 = arith.constant -3.000000e+38 : f32
      %broadcast_in_dim3A_3939 = vector.broadcast %jit3A_3938 : f32 to vector<16xf32>
      %select_n3A_3940 = arith.select %eq3A_3937, %broadcast_in_dim3A_3939, %select_n3A_3639 : vector<16xi1>, vector<16xf32>
      %add3A_3941 = arith.constant 192 : i32
      %add3A_3942 = vector.broadcast %add3A_3941 : i32 to vector<16xi32>
      %add3A_3943 = arith.addi %iota3A, %add3A_3942 : vector<16xi32>
      %eq3A_3944 = vector.broadcast %reduce_min3A_3838 : i32 to vector<16xi32>
      %eq3A_3945 = arith.cmpi eq, %add3A_3943, %eq3A_3944 : vector<16xi32>
      %jit3A_3946 = arith.constant -3.000000e+38 : f32
      %broadcast_in_dim3A_3947 = vector.broadcast %jit3A_3946 : f32 to vector<16xf32>
      %select_n3A_3948 = arith.select %eq3A_3945, %broadcast_in_dim3A_3947, %select_n3A_3647 : vector<16xi1>, vector<16xf32>
      %add3A_3949 = arith.constant 208 : i32
      %add3A_3950 = vector.broadcast %add3A_3949 : i32 to vector<16xi32>
      %add3A_3951 = arith.addi %iota3A, %add3A_3950 : vector<16xi32>
      %eq3A_3952 = vector.broadcast %reduce_min3A_3838 : i32 to vector<16xi32>
      %eq3A_3953 = arith.cmpi eq, %add3A_3951, %eq3A_3952 : vector<16xi32>
      %jit3A_3954 = arith.constant -3.000000e+38 : f32
      %broadcast_in_dim3A_3955 = vector.broadcast %jit3A_3954 : f32 to vector<16xf32>
      %select_n3A_3956 = arith.select %eq3A_3953, %broadcast_in_dim3A_3955, %select_n3A_3655 : vector<16xi1>, vector<16xf32>
      %add3A_3957 = arith.constant 224 : i32
      %add3A_3958 = vector.broadcast %add3A_3957 : i32 to vector<16xi32>
      %add3A_3959 = arith.addi %iota3A, %add3A_3958 : vector<16xi32>
      %eq3A_3960 = vector.broadcast %reduce_min3A_3838 : i32 to vector<16xi32>
      %eq3A_3961 = arith.cmpi eq, %add3A_3959, %eq3A_3960 : vector<16xi32>
      %jit3A_3962 = arith.constant -3.000000e+38 : f32
      %broadcast_in_dim3A_3963 = vector.broadcast %jit3A_3962 : f32 to vector<16xf32>
      %select_n3A_3964 = arith.select %eq3A_3961, %broadcast_in_dim3A_3963, %select_n3A_3663 : vector<16xi1>, vector<16xf32>
      %add3A_3965 = arith.constant 240 : i32
      %add3A_3966 = vector.broadcast %add3A_3965 : i32 to vector<16xi32>
      %add3A_3967 = arith.addi %iota3A, %add3A_3966 : vector<16xi32>
      %eq3A_3968 = vector.broadcast %reduce_min3A_3838 : i32 to vector<16xi32>
      %eq3A_3969 = arith.cmpi eq, %add3A_3967, %eq3A_3968 : vector<16xi32>
      %jit3A_3970 = arith.constant -3.000000e+38 : f32
      %broadcast_in_dim3A_3971 = vector.broadcast %jit3A_3970 : f32 to vector<16xf32>
      %select_n3A_3972 = arith.select %eq3A_3969, %broadcast_in_dim3A_3971, %select_n3A_3671 : vector<16xi1>, vector<16xf32>
      %scan3A_3973 = arith.constant 0 : i32
      scf.yield %scan3A_3973 : i32
    }
    %scan3A_172 = arith.constant 7 : i32
    tpu.wait_dma2 semaphore(%arg15 : memref<!tpu.dma_semaphore, #tpu.memory_space<semaphore_mem>>) src(%arg2 : memref<256x128xf32, #tpu.memory_space<hbm>>) dst(%arg7 : memref<256x128xf32, #tpu.memory_space<vmem>>)
    %broadcast_in_dim3A = arith.constant 0.000000e+00 : f32
    %broadcast_in_dim3A_173 = vector.broadcast %broadcast_in_dim3A : f32 to vector<16xf32>
    %scan3A_174 = arith.constant 0 : i32
    %scan3A_175 = arith.constant 7 : i32
    %scan3A_176 = arith.addi %scan3A_174, %scan3A_175 : i32
    %scan3A_177 = arith.constant 1 : i32
    %scan3A_178:2 = scf.for %scan3A_183 = %scan3A_174 to %scan3A_176 step %scan3A_177 iter_args(%scan3A_184 = %broadcast_in_dim3A_173, %scan3A_185 = %broadcast_in_dim3A_173) -> (vector<16xf32>, vector<16xf32>)  : i32 {
      %mul3A_186 = arith.constant 16 : i32
      %mul3A_187 = arith.muli %scan3A_183, %mul3A_186 : i32
      %add3A_188 = arith.constant 0 : i32
      %add3A_189 = arith.addi %mul3A_187, %add3A_188 : i32
      %get3A = arith.index_cast %add3A_189 : i32 to index
      %get3A_190 = memref.load %arg13[%get3A] : memref<112xi32, #tpu.memory_space<smem>>
      %mul3A_191 = arith.constant 16 : i32
      %mul3A_192 = arith.muli %scan3A_183, %mul3A_191 : i32
      %add3A_193 = arith.constant 1 : i32
      %add3A_194 = arith.addi %mul3A_192, %add3A_193 : i32
      %get3A_195 = arith.index_cast %add3A_194 : i32 to index
      %get3A_196 = memref.load %arg13[%get3A_195] : memref<112xi32, #tpu.memory_space<smem>>
      %mul3A_197 = arith.constant 16 : i32
      %mul3A_198 = arith.muli %scan3A_183, %mul3A_197 : i32
      %add3A_199 = arith.constant 2 : i32
      %add3A_200 = arith.addi %mul3A_198, %add3A_199 : i32
      %get3A_201 = arith.index_cast %add3A_200 : i32 to index
      %get3A_202 = memref.load %arg13[%get3A_201] : memref<112xi32, #tpu.memory_space<smem>>
      %mul3A_203 = arith.constant 16 : i32
      %mul3A_204 = arith.muli %scan3A_183, %mul3A_203 : i32
      %add3A_205 = arith.constant 3 : i32
      %add3A_206 = arith.addi %mul3A_204, %add3A_205 : i32
      %get3A_207 = arith.index_cast %add3A_206 : i32 to index
      %get3A_208 = memref.load %arg13[%get3A_207] : memref<112xi32, #tpu.memory_space<smem>>
      %mul3A_209 = arith.constant 16 : i32
      %mul3A_210 = arith.muli %scan3A_183, %mul3A_209 : i32
      %add3A_211 = arith.constant 4 : i32
      %add3A_212 = arith.addi %mul3A_210, %add3A_211 : i32
      %get3A_213 = arith.index_cast %add3A_212 : i32 to index
      %get3A_214 = memref.load %arg13[%get3A_213] : memref<112xi32, #tpu.memory_space<smem>>
      %mul3A_215 = arith.constant 16 : i32
      %mul3A_216 = arith.muli %scan3A_183, %mul3A_215 : i32
      %add3A_217 = arith.constant 5 : i32
      %add3A_218 = arith.addi %mul3A_216, %add3A_217 : i32
      %get3A_219 = arith.index_cast %add3A_218 : i32 to index
      %get3A_220 = memref.load %arg13[%get3A_219] : memref<112xi32, #tpu.memory_space<smem>>
      %mul3A_221 = arith.constant 16 : i32
      %mul3A_222 = arith.muli %scan3A_183, %mul3A_221 : i32
      %add3A_223 = arith.constant 6 : i32
      %add3A_224 = arith.addi %mul3A_222, %add3A_223 : i32
      %get3A_225 = arith.index_cast %add3A_224 : i32 to index
      %get3A_226 = memref.load %arg13[%get3A_225] : memref<112xi32, #tpu.memory_space<smem>>
      %mul3A_227 = arith.constant 16 : i32
      %mul3A_228 = arith.muli %scan3A_183, %mul3A_227 : i32
      %add3A_229 = arith.constant 7 : i32
      %add3A_230 = arith.addi %mul3A_228, %add3A_229 : i32
      %get3A_231 = arith.index_cast %add3A_230 : i32 to index
      %get3A_232 = memref.load %arg13[%get3A_231] : memref<112xi32, #tpu.memory_space<smem>>
      %mul3A_233 = arith.constant 16 : i32
      %mul3A_234 = arith.muli %scan3A_183, %mul3A_233 : i32
      %add3A_235 = arith.constant 8 : i32
      %add3A_236 = arith.addi %mul3A_234, %add3A_235 : i32
      %get3A_237 = arith.index_cast %add3A_236 : i32 to index
      %get3A_238 = memref.load %arg13[%get3A_237] : memref<112xi32, #tpu.memory_space<smem>>
      %mul3A_239 = arith.constant 16 : i32
      %mul3A_240 = arith.muli %scan3A_183, %mul3A_239 : i32
      %add3A_241 = arith.constant 9 : i32
      %add3A_242 = arith.addi %mul3A_240, %add3A_241 : i32
      %get3A_243 = arith.index_cast %add3A_242 : i32 to index
      %get3A_244 = memref.load %arg13[%get3A_243] : memref<112xi32, #tpu.memory_space<smem>>
      %scan3A_245 = arith.constant 0 : i32
      %scan3A_246 = arith.constant 0 : i32
      %scan3A_247 = arith.constant 8 : i32
      %scan3A_248 = arith.addi %scan3A_246, %scan3A_247 : i32
      %scan3A_249 = arith.constant 1 : i32
      %scan3A_250 = scf.for %scan3A_265 = %scan3A_246 to %scan3A_248 step %scan3A_249 iter_args(%scan3A_266 = %scan3A_245) -> (i32)  : i32 {
        %mul3A_267 = arith.constant 16 : i32
        %mul3A_268 = arith.muli %scan3A_265, %mul3A_267 : i32
        %get3A_269 = arith.index_cast %get3A_190 : i32 to index
        %get3A_270 = arith.index_cast %mul3A_268 : i32 to index
        %get3A_271 = tpu.vector_load %arg7[%get3A_269, %get3A_270] {strides = array<i32>} : memref<256x128xf32, #tpu.memory_space<vmem>>, vector<16xf32>,
        %swap3A_272 = arith.constant 0 : i32
        %swap3A_273 = arith.index_cast %swap3A_272 : i32 to index
        %swap3A_274 = arith.index_cast %mul3A_268 : i32 to index
        %swap3A_275 = tpu.vector_load %arg10[%swap3A_273, %swap3A_274] {strides = array<i32>} : memref<10x128xf32, #tpu.memory_space<vmem>>, vector<16xf32>,
        tpu.vector_store %arg10[%swap3A_273, %swap3A_274], %get3A_271 {strides = array<i32>} : memref<10x128xf32, #tpu.memory_space<vmem>>, vector<16xf32>,
        %broadcast_in_dim3A_276 = arith.constant 3.000000e+38 : f32
        %broadcast_in_dim3A_277 = vector.broadcast %broadcast_in_dim3A_276 : f32 to vector<16xf32>
        %swap3A_278 = arith.index_cast %get3A_190 : i32 to index
        %swap3A_279 = arith.index_cast %mul3A_268 : i32 to index
        %swap3A_280 = tpu.vector_load %arg7[%swap3A_278, %swap3A_279] {strides = array<i32>} : memref<256x128xf32, #tpu.memory_space<vmem>>, vector<16xf32>,
        tpu.vector_store %arg7[%swap3A_278, %swap3A_279], %broadcast_in_dim3A_277 {strides = array<i32>} : memref<256x128xf32, #tpu.memory_space<vmem>>, vector<16xf32>,
        %get3A_281 = arith.index_cast %get3A_196 : i32 to index
        %get3A_282 = arith.index_cast %mul3A_268 : i32 to index
        %get3A_283 = tpu.vector_load %arg7[%get3A_281, %get3A_282] {strides = array<i32>} : memref<256x128xf32, #tpu.memory_space<vmem>>, vector<16xf32>,
        %swap3A_284 = arith.constant 1 : i32
        %swap3A_285 = arith.index_cast %swap3A_284 : i32 to index
        %swap3A_286 = arith.index_cast %mul3A_268 : i32 to index
        %swap3A_287 = tpu.vector_load %arg10[%swap3A_285, %swap3A_286] {strides = array<i32>} : memref<10x128xf32, #tpu.memory_space<vmem>>, vector<16xf32>,
        tpu.vector_store %arg10[%swap3A_285, %swap3A_286], %get3A_283 {strides = array<i32>} : memref<10x128xf32, #tpu.memory_space<vmem>>, vector<16xf32>,
        %broadcast_in_dim3A_288 = arith.constant 3.000000e+38 : f32
        %broadcast_in_dim3A_289 = vector.broadcast %broadcast_in_dim3A_288 : f32 to vector<16xf32>
        %swap3A_290 = arith.index_cast %get3A_196 : i32 to index
        %swap3A_291 = arith.index_cast %mul3A_268 : i32 to index
        %swap3A_292 = tpu.vector_load %arg7[%swap3A_290, %swap3A_291] {strides = array<i32>} : memref<256x128xf32, #tpu.memory_space<vmem>>, vector<16xf32>,
        tpu.vector_store %arg7[%swap3A_290, %swap3A_291], %broadcast_in_dim3A_289 {strides = array<i32>} : memref<256x128xf32, #tpu.memory_space<vmem>>, vector<16xf32>,
        %get3A_293 = arith.index_cast %get3A_202 : i32 to index
        %get3A_294 = arith.index_cast %mul3A_268 : i32 to index
        %get3A_295 = tpu.vector_load %arg7[%get3A_293, %get3A_294] {strides = array<i32>} : memref<256x128xf32, #tpu.memory_space<vmem>>, vector<16xf32>,
        %swap3A_296 = arith.constant 2 : i32
        %swap3A_297 = arith.index_cast %swap3A_296 : i32 to index
        %swap3A_298 = arith.index_cast %mul3A_268 : i32 to index
        %swap3A_299 = tpu.vector_load %arg10[%swap3A_297, %swap3A_298] {strides = array<i32>} : memref<10x128xf32, #tpu.memory_space<vmem>>, vector<16xf32>,
        tpu.vector_store %arg10[%swap3A_297, %swap3A_298], %get3A_295 {strides = array<i32>} : memref<10x128xf32, #tpu.memory_space<vmem>>, vector<16xf32>,
        %broadcast_in_dim3A_300 = arith.constant 3.000000e+38 : f32
        %broadcast_in_dim3A_301 = vector.broadcast %broadcast_in_dim3A_300 : f32 to vector<16xf32>
        %swap3A_302 = arith.index_cast %get3A_202 : i32 to index
        %swap3A_303 = arith.index_cast %mul3A_268 : i32 to index
        %swap3A_304 = tpu.vector_load %arg7[%swap3A_302, %swap3A_303] {strides = array<i32>} : memref<256x128xf32, #tpu.memory_space<vmem>>, vector<16xf32>,
        tpu.vector_store %arg7[%swap3A_302, %swap3A_303], %broadcast_in_dim3A_301 {strides = array<i32>} : memref<256x128xf32, #tpu.memory_space<vmem>>, vector<16xf32>,
        %get3A_305 = arith.index_cast %get3A_208 : i32 to index
        %get3A_306 = arith.index_cast %mul3A_268 : i32 to index
        %get3A_307 = tpu.vector_load %arg7[%get3A_305, %get3A_306] {strides = array<i32>} : memref<256x128xf32, #tpu.memory_space<vmem>>, vector<16xf32>,
        %swap3A_308 = arith.constant 3 : i32
        %swap3A_309 = arith.index_cast %swap3A_308 : i32 to index
        %swap3A_310 = arith.index_cast %mul3A_268 : i32 to index
        %swap3A_311 = tpu.vector_load %arg10[%swap3A_309, %swap3A_310] {strides = array<i32>} : memref<10x128xf32, #tpu.memory_space<vmem>>, vector<16xf32>,
        tpu.vector_store %arg10[%swap3A_309, %swap3A_310], %get3A_307 {strides = array<i32>} : memref<10x128xf32, #tpu.memory_space<vmem>>, vector<16xf32>,
        %broadcast_in_dim3A_312 = arith.constant 3.000000e+38 : f32
        %broadcast_in_dim3A_313 = vector.broadcast %broadcast_in_dim3A_312 : f32 to vector<16xf32>
        %swap3A_314 = arith.index_cast %get3A_208 : i32 to index
        %swap3A_315 = arith.index_cast %mul3A_268 : i32 to index
        %swap3A_316 = tpu.vector_load %arg7[%swap3A_314, %swap3A_315] {strides = array<i32>} : memref<256x128xf32, #tpu.memory_space<vmem>>, vector<16xf32>,
        tpu.vector_store %arg7[%swap3A_314, %swap3A_315], %broadcast_in_dim3A_313 {strides = array<i32>} : memref<256x128xf32, #tpu.memory_space<vmem>>, vector<16xf32>,
        %get3A_317 = arith.index_cast %get3A_214 : i32 to index
        %get3A_318 = arith.index_cast %mul3A_268 : i32 to index
        %get3A_319 = tpu.vector_load %arg7[%get3A_317, %get3A_318] {strides = array<i32>} : memref<256x128xf32, #tpu.memory_space<vmem>>, vector<16xf32>,
        %swap3A_320 = arith.constant 4 : i32
        %swap3A_321 = arith.index_cast %swap3A_320 : i32 to index
        %swap3A_322 = arith.index_cast %mul3A_268 : i32 to index
        %swap3A_323 = tpu.vector_load %arg10[%swap3A_321, %swap3A_322] {strides = array<i32>} : memref<10x128xf32, #tpu.memory_space<vmem>>, vector<16xf32>,
        tpu.vector_store %arg10[%swap3A_321, %swap3A_322], %get3A_319 {strides = array<i32>} : memref<10x128xf32, #tpu.memory_space<vmem>>, vector<16xf32>,
        %broadcast_in_dim3A_324 = arith.constant 3.000000e+38 : f32
        %broadcast_in_dim3A_325 = vector.broadcast %broadcast_in_dim3A_324 : f32 to vector<16xf32>
        %swap3A_326 = arith.index_cast %get3A_214 : i32 to index
        %swap3A_327 = arith.index_cast %mul3A_268 : i32 to index
        %swap3A_328 = tpu.vector_load %arg7[%swap3A_326, %swap3A_327] {strides = array<i32>} : memref<256x128xf32, #tpu.memory_space<vmem>>, vector<16xf32>,
        tpu.vector_store %arg7[%swap3A_326, %swap3A_327], %broadcast_in_dim3A_325 {strides = array<i32>} : memref<256x128xf32, #tpu.memory_space<vmem>>, vector<16xf32>,
        %get3A_329 = arith.index_cast %get3A_220 : i32 to index
        %get3A_330 = arith.index_cast %mul3A_268 : i32 to index
        %get3A_331 = tpu.vector_load %arg7[%get3A_329, %get3A_330] {strides = array<i32>} : memref<256x128xf32, #tpu.memory_space<vmem>>, vector<16xf32>,
        %swap3A_332 = arith.constant 5 : i32
        %swap3A_333 = arith.index_cast %swap3A_332 : i32 to index
        %swap3A_334 = arith.index_cast %mul3A_268 : i32 to index
        %swap3A_335 = tpu.vector_load %arg10[%swap3A_333, %swap3A_334] {strides = array<i32>} : memref<10x128xf32, #tpu.memory_space<vmem>>, vector<16xf32>,
        tpu.vector_store %arg10[%swap3A_333, %swap3A_334], %get3A_331 {strides = array<i32>} : memref<10x128xf32, #tpu.memory_space<vmem>>, vector<16xf32>,
        %broadcast_in_dim3A_336 = arith.constant 3.000000e+38 : f32
        %broadcast_in_dim3A_337 = vector.broadcast %broadcast_in_dim3A_336 : f32 to vector<16xf32>
        %swap3A_338 = arith.index_cast %get3A_220 : i32 to index
        %swap3A_339 = arith.index_cast %mul3A_268 : i32 to index
        %swap3A_340 = tpu.vector_load %arg7[%swap3A_338, %swap3A_339] {strides = array<i32>} : memref<256x128xf32, #tpu.memory_space<vmem>>, vector<16xf32>,
        tpu.vector_store %arg7[%swap3A_338, %swap3A_339], %broadcast_in_dim3A_337 {strides = array<i32>} : memref<256x128xf32, #tpu.memory_space<vmem>>, vector<16xf32>,
        %get3A_341 = arith.index_cast %get3A_226 : i32 to index
        %get3A_342 = arith.index_cast %mul3A_268 : i32 to index
        %get3A_343 = tpu.vector_load %arg7[%get3A_341, %get3A_342] {strides = array<i32>} : memref<256x128xf32, #tpu.memory_space<vmem>>, vector<16xf32>,
        %swap3A_344 = arith.constant 6 : i32
        %swap3A_345 = arith.index_cast %swap3A_344 : i32 to index
        %swap3A_346 = arith.index_cast %mul3A_268 : i32 to index
        %swap3A_347 = tpu.vector_load %arg10[%swap3A_345, %swap3A_346] {strides = array<i32>} : memref<10x128xf32, #tpu.memory_space<vmem>>, vector<16xf32>,
        tpu.vector_store %arg10[%swap3A_345, %swap3A_346], %get3A_343 {strides = array<i32>} : memref<10x128xf32, #tpu.memory_space<vmem>>, vector<16xf32>,
        %broadcast_in_dim3A_348 = arith.constant 3.000000e+38 : f32
        %broadcast_in_dim3A_349 = vector.broadcast %broadcast_in_dim3A_348 : f32 to vector<16xf32>
        %swap3A_350 = arith.index_cast %get3A_226 : i32 to index
        %swap3A_351 = arith.index_cast %mul3A_268 : i32 to index
        %swap3A_352 = tpu.vector_load %arg7[%swap3A_350, %swap3A_351] {strides = array<i32>} : memref<256x128xf32, #tpu.memory_space<vmem>>, vector<16xf32>,
        tpu.vector_store %arg7[%swap3A_350, %swap3A_351], %broadcast_in_dim3A_349 {strides = array<i32>} : memref<256x128xf32, #tpu.memory_space<vmem>>, vector<16xf32>,
        %get3A_353 = arith.index_cast %get3A_232 : i32 to index
        %get3A_354 = arith.index_cast %mul3A_268 : i32 to index
        %get3A_355 = tpu.vector_load %arg7[%get3A_353, %get3A_354] {strides = array<i32>} : memref<256x128xf32, #tpu.memory_space<vmem>>, vector<16xf32>,
        %swap3A_356 = arith.constant 7 : i32
        %swap3A_357 = arith.index_cast %swap3A_356 : i32 to index
        %swap3A_358 = arith.index_cast %mul3A_268 : i32 to index
        %swap3A_359 = tpu.vector_load %arg10[%swap3A_357, %swap3A_358] {strides = array<i32>} : memref<10x128xf32, #tpu.memory_space<vmem>>, vector<16xf32>,
        tpu.vector_store %arg10[%swap3A_357, %swap3A_358], %get3A_355 {strides = array<i32>} : memref<10x128xf32, #tpu.memory_space<vmem>>, vector<16xf32>,
        %broadcast_in_dim3A_360 = arith.constant 3.000000e+38 : f32
        %broadcast_in_dim3A_361 = vector.broadcast %broadcast_in_dim3A_360 : f32 to vector<16xf32>
        %swap3A_362 = arith.index_cast %get3A_232 : i32 to index
        %swap3A_363 = arith.index_cast %mul3A_268 : i32 to index
        %swap3A_364 = tpu.vector_load %arg7[%swap3A_362, %swap3A_363] {strides = array<i32>} : memref<256x128xf32, #tpu.memory_space<vmem>>, vector<16xf32>,
        tpu.vector_store %arg7[%swap3A_362, %swap3A_363], %broadcast_in_dim3A_361 {strides = array<i32>} : memref<256x128xf32, #tpu.memory_space<vmem>>, vector<16xf32>,
        %get3A_365 = arith.index_cast %get3A_238 : i32 to index
        %get3A_366 = arith.index_cast %mul3A_268 : i32 to index
        %get3A_367 = tpu.vector_load %arg7[%get3A_365, %get3A_366] {strides = array<i32>} : memref<256x128xf32, #tpu.memory_space<vmem>>, vector<16xf32>,
        %swap3A_368 = arith.constant 8 : i32
        %swap3A_369 = arith.index_cast %swap3A_368 : i32 to index
        %swap3A_370 = arith.index_cast %mul3A_268 : i32 to index
        %swap3A_371 = tpu.vector_load %arg10[%swap3A_369, %swap3A_370] {strides = array<i32>} : memref<10x128xf32, #tpu.memory_space<vmem>>, vector<16xf32>,
        tpu.vector_store %arg10[%swap3A_369, %swap3A_370], %get3A_367 {strides = array<i32>} : memref<10x128xf32, #tpu.memory_space<vmem>>, vector<16xf32>,
        %broadcast_in_dim3A_372 = arith.constant 3.000000e+38 : f32
        %broadcast_in_dim3A_373 = vector.broadcast %broadcast_in_dim3A_372 : f32 to vector<16xf32>
        %swap3A_374 = arith.index_cast %get3A_238 : i32 to index
        %swap3A_375 = arith.index_cast %mul3A_268 : i32 to index
        %swap3A_376 = tpu.vector_load %arg7[%swap3A_374, %swap3A_375] {strides = array<i32>} : memref<256x128xf32, #tpu.memory_space<vmem>>, vector<16xf32>,
        tpu.vector_store %arg7[%swap3A_374, %swap3A_375], %broadcast_in_dim3A_373 {strides = array<i32>} : memref<256x128xf32, #tpu.memory_space<vmem>>, vector<16xf32>,
        %get3A_377 = arith.index_cast %get3A_244 : i32 to index
        %get3A_378 = arith.index_cast %mul3A_268 : i32 to index
        %get3A_379 = tpu.vector_load %arg7[%get3A_377, %get3A_378] {strides = array<i32>} : memref<256x128xf32, #tpu.memory_space<vmem>>, vector<16xf32>,
        %swap3A_380 = arith.constant 9 : i32
        %swap3A_381 = arith.index_cast %swap3A_380 : i32 to index
        %swap3A_382 = arith.index_cast %mul3A_268 : i32 to index
        %swap3A_383 = tpu.vector_load %arg10[%swap3A_381, %swap3A_382] {strides = array<i32>} : memref<10x128xf32, #tpu.memory_space<vmem>>, vector<16xf32>,
        tpu.vector_store %arg10[%swap3A_381, %swap3A_382], %get3A_379 {strides = array<i32>} : memref<10x128xf32, #tpu.memory_space<vmem>>, vector<16xf32>,
        %broadcast_in_dim3A_384 = arith.constant 3.000000e+38 : f32
        %broadcast_in_dim3A_385 = vector.broadcast %broadcast_in_dim3A_384 : f32 to vector<16xf32>
        %swap3A_386 = arith.index_cast %get3A_244 : i32 to index
        %swap3A_387 = arith.index_cast %mul3A_268 : i32 to index
        %swap3A_388 = tpu.vector_load %arg7[%swap3A_386, %swap3A_387] {strides = array<i32>} : memref<256x128xf32, #tpu.memory_space<vmem>>, vector<16xf32>,
        tpu.vector_store %arg7[%swap3A_386, %swap3A_387], %broadcast_in_dim3A_385 {strides = array<i32>} : memref<256x128xf32, #tpu.memory_space<vmem>>, vector<16xf32>,
        %scan3A_389 = arith.constant 0 : i32
        scf.yield %scan3A_389 : i32
      }
      %scan3A_251 = arith.constant 8 : i32
      %scan3A_252 = arith.constant 0 : i32
      %scan3A_253 = arith.constant 8 : i32
      %scan3A_254 = arith.addi %scan3A_252, %scan3A_253 : i32
      %scan3A_255 = arith.constant 1 : i32
      %scan3A_256:2 = scf.for %scan3A_265 = %scan3A_252 to %scan3A_254 step %scan3A_255 iter_args(%scan3A_266 = %scan3A_184, %scan3A_267 = %scan3A_185) -> (vector<16xf32>, vector<16xf32>)  : i32 {
        %mul3A_268 = arith.constant 16 : i32
        %mul3A_269 = arith.muli %scan3A_265, %mul3A_268 : i32
        %broadcast_in_dim3A_270 = arith.constant 3.000000e+38 : f32
        %broadcast_in_dim3A_271 = vector.broadcast %broadcast_in_dim3A_270 : f32 to vector<16xf32>
        %scan3A_272 = arith.constant 0 : i32
        %scan3A_273 = arith.constant 16 : i32
        %scan3A_274 = arith.addi %scan3A_272, %scan3A_273 : i32
        %scan3A_275 = arith.constant 1 : i32
        %scan3A_276:8 = scf.for %scan3A_355 = %scan3A_272 to %scan3A_274 step %scan3A_275 iter_args(%scan3A_356 = %broadcast_in_dim3A_271, %scan3A_357 = %broadcast_in_dim3A_271, %scan3A_358 = %broadcast_in_dim3A_271, %scan3A_359 = %broadcast_in_dim3A_271, %scan3A_360 = %broadcast_in_dim3A_271, %scan3A_361 = %broadcast_in_dim3A_271, %scan3A_362 = %broadcast_in_dim3A_271, %scan3A_363 = %broadcast_in_dim3A_271) -> (vector<16xf32>, vector<16xf32>, vector<16xf32>, vector<16xf32>, vector<16xf32>, vector<16xf32>, vector<16xf32>, vector<16xf32>)  : i32 {
          %mul3A_364 = arith.constant 16 : i32
          %mul3A_365 = arith.muli %scan3A_355, %mul3A_364 : i32
          %add3A_366 = arith.constant 0 : i32
          %add3A_367 = arith.addi %mul3A_365, %add3A_366 : i32
          %get3A_368 = arith.index_cast %add3A_367 : i32 to index
          %get3A_369 = arith.index_cast %mul3A_269 : i32 to index
          %get3A_370 = tpu.vector_load %arg7[%get3A_368, %get3A_369] {strides = array<i32>} : memref<256x128xf32, #tpu.memory_space<vmem>>, vector<16xf32>,
          %min3A_371 = arith.minimumf %scan3A_356, %get3A_370 : vector<16xf32>
          %add3A_372 = arith.constant 1 : i32
          %add3A_373 = arith.addi %mul3A_365, %add3A_372 : i32
          %get3A_374 = arith.index_cast %add3A_373 : i32 to index
          %get3A_375 = arith.index_cast %mul3A_269 : i32 to index
          %get3A_376 = tpu.vector_load %arg7[%get3A_374, %get3A_375] {strides = array<i32>} : memref<256x128xf32, #tpu.memory_space<vmem>>, vector<16xf32>,
          %min3A_377 = arith.minimumf %scan3A_357, %get3A_376 : vector<16xf32>
          %add3A_378 = arith.constant 2 : i32
          %add3A_379 = arith.addi %mul3A_365, %add3A_378 : i32
          %get3A_380 = arith.index_cast %add3A_379 : i32 to index
          %get3A_381 = arith.index_cast %mul3A_269 : i32 to index
          %get3A_382 = tpu.vector_load %arg7[%get3A_380, %get3A_381] {strides = array<i32>} : memref<256x128xf32, #tpu.memory_space<vmem>>, vector<16xf32>,
          %min3A_383 = arith.minimumf %scan3A_358, %get3A_382 : vector<16xf32>
          %add3A_384 = arith.constant 3 : i32
          %add3A_385 = arith.addi %mul3A_365, %add3A_384 : i32
          %get3A_386 = arith.index_cast %add3A_385 : i32 to index
          %get3A_387 = arith.index_cast %mul3A_269 : i32 to index
          %get3A_388 = tpu.vector_load %arg7[%get3A_386, %get3A_387] {strides = array<i32>} : memref<256x128xf32, #tpu.memory_space<vmem>>, vector<16xf32>,
          %min3A_389 = arith.minimumf %scan3A_359, %get3A_388 : vector<16xf32>
          %add3A_390 = arith.constant 4 : i32
          %add3A_391 = arith.addi %mul3A_365, %add3A_390 : i32
          %get3A_392 = arith.index_cast %add3A_391 : i32 to index
          %get3A_393 = arith.index_cast %mul3A_269 : i32 to index
          %get3A_394 = tpu.vector_load %arg7[%get3A_392, %get3A_393] {strides = array<i32>} : memref<256x128xf32, #tpu.memory_space<vmem>>, vector<16xf32>,
          %min3A_395 = arith.minimumf %scan3A_360, %get3A_394 : vector<16xf32>
          %add3A_396 = arith.constant 5 : i32
          %add3A_397 = arith.addi %mul3A_365, %add3A_396 : i32
          %get3A_398 = arith.index_cast %add3A_397 : i32 to index
          %get3A_399 = arith.index_cast %mul3A_269 : i32 to index
          %get3A_400 = tpu.vector_load %arg7[%get3A_398, %get3A_399] {strides = array<i32>} : memref<256x128xf32, #tpu.memory_space<vmem>>, vector<16xf32>,
          %min3A_401 = arith.minimumf %scan3A_361, %get3A_400 : vector<16xf32>
          %add3A_402 = arith.constant 6 : i32
          %add3A_403 = arith.addi %mul3A_365, %add3A_402 : i32
          %get3A_404 = arith.index_cast %add3A_403 : i32 to index
          %get3A_405 = arith.index_cast %mul3A_269 : i32 to index
          %get3A_406 = tpu.vector_load %arg7[%get3A_404, %get3A_405] {strides = array<i32>} : memref<256x128xf32, #tpu.memory_space<vmem>>, vector<16xf32>,
          %min3A_407 = arith.minimumf %scan3A_362, %get3A_406 : vector<16xf32>
          %add3A_408 = arith.constant 7 : i32
          %add3A_409 = arith.addi %mul3A_365, %add3A_408 : i32
          %get3A_410 = arith.index_cast %add3A_409 : i32 to index
          %get3A_411 = arith.index_cast %mul3A_269 : i32 to index
          %get3A_412 = tpu.vector_load %arg7[%get3A_410, %get3A_411] {strides = array<i32>} : memref<256x128xf32, #tpu.memory_space<vmem>>, vector<16xf32>,
          %min3A_413 = arith.minimumf %scan3A_363, %get3A_412 : vector<16xf32>
          %add3A_414 = arith.constant 8 : i32
          %add3A_415 = arith.addi %mul3A_365, %add3A_414 : i32
          %get3A_416 = arith.index_cast %add3A_415 : i32 to index
          %get3A_417 = arith.index_cast %mul3A_269 : i32 to index
          %get3A_418 = tpu.vector_load %arg7[%get3A_416, %get3A_417] {strides = array<i32>} : memref<256x128xf32, #tpu.memory_space<vmem>>, vector<16xf32>,
          %min3A_419 = arith.minimumf %min3A_371, %get3A_418 : vector<16xf32>
          %add3A_420 = arith.constant 9 : i32
          %add3A_421 = arith.addi %mul3A_365, %add3A_420 : i32
          %get3A_422 = arith.index_cast %add3A_421 : i32 to index
          %get3A_423 = arith.index_cast %mul3A_269 : i32 to index
          %get3A_424 = tpu.vector_load %arg7[%get3A_422, %get3A_423] {strides = array<i32>} : memref<256x128xf32, #tpu.memory_space<vmem>>, vector<16xf32>,
          %min3A_425 = arith.minimumf %min3A_377, %get3A_424 : vector<16xf32>
          %add3A_426 = arith.constant 10 : i32
          %add3A_427 = arith.addi %mul3A_365, %add3A_426 : i32
          %get3A_428 = arith.index_cast %add3A_427 : i32 to index
          %get3A_429 = arith.index_cast %mul3A_269 : i32 to index
          %get3A_430 = tpu.vector_load %arg7[%get3A_428, %get3A_429] {strides = array<i32>} : memref<256x128xf32, #tpu.memory_space<vmem>>, vector<16xf32>,
          %min3A_431 = arith.minimumf %min3A_383, %get3A_430 : vector<16xf32>
          %add3A_432 = arith.constant 11 : i32
          %add3A_433 = arith.addi %mul3A_365, %add3A_432 : i32
          %get3A_434 = arith.index_cast %add3A_433 : i32 to index
          %get3A_435 = arith.index_cast %mul3A_269 : i32 to index
          %get3A_436 = tpu.vector_load %arg7[%get3A_434, %get3A_435] {strides = array<i32>} : memref<256x128xf32, #tpu.memory_space<vmem>>, vector<16xf32>,
          %min3A_437 = arith.minimumf %min3A_389, %get3A_436 : vector<16xf32>
          %add3A_438 = arith.constant 12 : i32
          %add3A_439 = arith.addi %mul3A_365, %add3A_438 : i32
          %get3A_440 = arith.index_cast %add3A_439 : i32 to index
          %get3A_441 = arith.index_cast %mul3A_269 : i32 to index
          %get3A_442 = tpu.vector_load %arg7[%get3A_440, %get3A_441] {strides = array<i32>} : memref<256x128xf32, #tpu.memory_space<vmem>>, vector<16xf32>,
          %min3A_443 = arith.minimumf %min3A_395, %get3A_442 : vector<16xf32>
          %add3A_444 = arith.constant 13 : i32
          %add3A_445 = arith.addi %mul3A_365, %add3A_444 : i32
          %get3A_446 = arith.index_cast %add3A_445 : i32 to index
          %get3A_447 = arith.index_cast %mul3A_269 : i32 to index
          %get3A_448 = tpu.vector_load %arg7[%get3A_446, %get3A_447] {strides = array<i32>} : memref<256x128xf32, #tpu.memory_space<vmem>>, vector<16xf32>,
          %min3A_449 = arith.minimumf %min3A_401, %get3A_448 : vector<16xf32>
          %add3A_450 = arith.constant 14 : i32
          %add3A_451 = arith.addi %mul3A_365, %add3A_450 : i32
          %get3A_452 = arith.index_cast %add3A_451 : i32 to index
          %get3A_453 = arith.index_cast %mul3A_269 : i32 to index
          %get3A_454 = tpu.vector_load %arg7[%get3A_452, %get3A_453] {strides = array<i32>} : memref<256x128xf32, #tpu.memory_space<vmem>>, vector<16xf32>,
          %min3A_455 = arith.minimumf %min3A_407, %get3A_454 : vector<16xf32>
          %add3A_456 = arith.constant 15 : i32
          %add3A_457 = arith.addi %mul3A_365, %add3A_456 : i32
          %get3A_458 = arith.index_cast %add3A_457 : i32 to index
          %get3A_459 = arith.index_cast %mul3A_269 : i32 to index
          %get3A_460 = tpu.vector_load %arg7[%get3A_458, %get3A_459] {strides = array<i32>} : memref<256x128xf32, #tpu.memory_space<vmem>>, vector<16xf32>,
          %min3A_461 = arith.minimumf %min3A_413, %get3A_460 : vector<16xf32>
          scf.yield %min3A_419, %min3A_425, %min3A_431, %min3A_437, %min3A_443, %min3A_449, %min3A_455, %min3A_461 : vector<16xf32>, vector<16xf32>, vector<16xf32>, vector<16xf32>, vector<16xf32>, vector<16xf32>, vector<16xf32>, vector<16xf32>
        }
        %scan3A_277 = arith.constant 16 : i32
        %min3A = arith.minimumf %scan3A_276#0, %scan3A_276#4 : vector<16xf32>
        %min3A_278 = arith.minimumf %scan3A_276#1, %scan3A_276#5 : vector<16xf32>
        %min3A_279 = arith.minimumf %scan3A_276#2, %scan3A_276#6 : vector<16xf32>
        %min3A_280 = arith.minimumf %scan3A_276#3, %scan3A_276#7 : vector<16xf32>
        %min3A_281 = arith.minimumf %min3A, %min3A_279 : vector<16xf32>
        %min3A_282 = arith.minimumf %min3A_278, %min3A_280 : vector<16xf32>
        %min3A_283 = arith.minimumf %min3A_281, %min3A_282 : vector<16xf32>
        %sub3A = arith.constant 1.280000e+02 : f32
        %sub3A_284 = vector.broadcast %sub3A : f32 to vector<16xf32>
        %sub3A_285 = arith.subf %sub3A_284, %min3A_283 : vector<16xf32>
        %max3A = arith.constant 0.000000e+00 : f32
        %max3A_286 = vector.broadcast %max3A : f32 to vector<16xf32>
        %max3A_287 = arith.maximumf %sub3A_285, %max3A_286 : vector<16xf32>
        %get3A_288 = arith.constant 0 : i32
        %get3A_289 = arith.index_cast %get3A_288 : i32 to index
        %get3A_290 = arith.index_cast %mul3A_269 : i32 to index
        %get3A_291 = tpu.vector_load %arg10[%get3A_289, %get3A_290] {strides = array<i32>} : memref<10x128xf32, #tpu.memory_space<vmem>>, vector<16xf32>,
        %get3A_292 = arith.constant 1 : i32
        %get3A_293 = arith.index_cast %get3A_292 : i32 to index
        %get3A_294 = arith.index_cast %mul3A_269 : i32 to index
        %get3A_295 = tpu.vector_load %arg10[%get3A_293, %get3A_294] {strides = array<i32>} : memref<10x128xf32, #tpu.memory_space<vmem>>, vector<16xf32>,
        %min3A_296 = arith.minimumf %get3A_291, %get3A_295 : vector<16xf32>
        %get3A_297 = arith.constant 2 : i32
        %get3A_298 = arith.index_cast %get3A_297 : i32 to index
        %get3A_299 = arith.index_cast %mul3A_269 : i32 to index
        %get3A_300 = tpu.vector_load %arg10[%get3A_298, %get3A_299] {strides = array<i32>} : memref<10x128xf32, #tpu.memory_space<vmem>>, vector<16xf32>,
        %min3A_301 = arith.minimumf %min3A_296, %get3A_300 : vector<16xf32>
        %get3A_302 = arith.constant 3 : i32
        %get3A_303 = arith.index_cast %get3A_302 : i32 to index
        %get3A_304 = arith.index_cast %mul3A_269 : i32 to index
        %get3A_305 = tpu.vector_load %arg10[%get3A_303, %get3A_304] {strides = array<i32>} : memref<10x128xf32, #tpu.memory_space<vmem>>, vector<16xf32>,
        %min3A_306 = arith.minimumf %min3A_301, %get3A_305 : vector<16xf32>
        %get3A_307 = arith.constant 4 : i32
        %get3A_308 = arith.index_cast %get3A_307 : i32 to index
        %get3A_309 = arith.index_cast %mul3A_269 : i32 to index
        %get3A_310 = tpu.vector_load %arg10[%get3A_308, %get3A_309] {strides = array<i32>} : memref<10x128xf32, #tpu.memory_space<vmem>>, vector<16xf32>,
        %min3A_311 = arith.minimumf %min3A_306, %get3A_310 : vector<16xf32>
        %get3A_312 = arith.constant 5 : i32
        %get3A_313 = arith.index_cast %get3A_312 : i32 to index
        %get3A_314 = arith.index_cast %mul3A_269 : i32 to index
        %get3A_315 = tpu.vector_load %arg10[%get3A_313, %get3A_314] {strides = array<i32>} : memref<10x128xf32, #tpu.memory_space<vmem>>, vector<16xf32>,
        %min3A_316 = arith.minimumf %min3A_311, %get3A_315 : vector<16xf32>
        %get3A_317 = arith.constant 6 : i32
        %get3A_318 = arith.index_cast %get3A_317 : i32 to index
        %get3A_319 = arith.index_cast %mul3A_269 : i32 to index
        %get3A_320 = tpu.vector_load %arg10[%get3A_318, %get3A_319] {strides = array<i32>} : memref<10x128xf32, #tpu.memory_space<vmem>>, vector<16xf32>,
        %min3A_321 = arith.minimumf %min3A_316, %get3A_320 : vector<16xf32>
        %get3A_322 = arith.constant 7 : i32
        %get3A_323 = arith.index_cast %get3A_322 : i32 to index
        %get3A_324 = arith.index_cast %mul3A_269 : i32 to index
        %get3A_325 = tpu.vector_load %arg10[%get3A_323, %get3A_324] {strides = array<i32>} : memref<10x128xf32, #tpu.memory_space<vmem>>, vector<16xf32>,
        %min3A_326 = arith.minimumf %min3A_321, %get3A_325 : vector<16xf32>
        %get3A_327 = arith.constant 8 : i32
        %get3A_328 = arith.index_cast %get3A_327 : i32 to index
        %get3A_329 = arith.index_cast %mul3A_269 : i32 to index
        %get3A_330 = tpu.vector_load %arg10[%get3A_328, %get3A_329] {strides = array<i32>} : memref<10x128xf32, #tpu.memory_space<vmem>>, vector<16xf32>,
        %min3A_331 = arith.minimumf %min3A_326, %get3A_330 : vector<16xf32>
        %get3A_332 = arith.constant 9 : i32
        %get3A_333 = arith.index_cast %get3A_332 : i32 to index
        %get3A_334 = arith.index_cast %mul3A_269 : i32 to index
        %get3A_335 = tpu.vector_load %arg10[%get3A_333, %get3A_334] {strides = array<i32>} : memref<10x128xf32, #tpu.memory_space<vmem>>, vector<16xf32>,
        %min3A_336 = arith.minimumf %min3A_331, %get3A_335 : vector<16xf32>
        %sub3A_337 = arith.constant 1.280000e+02 : f32
        %sub3A_338 = vector.broadcast %sub3A_337 : f32 to vector<16xf32>
        %sub3A_339 = arith.subf %sub3A_338, %min3A_336 : vector<16xf32>
        %max3A_340 = arith.constant 0.000000e+00 : f32
        %max3A_341 = vector.broadcast %max3A_340 : f32 to vector<16xf32>
        %max3A_342 = arith.maximumf %sub3A_339, %max3A_341 : vector<16xf32>
        %mul3A_343 = arith.constant 128 : i32
        %mul3A_344 = arith.muli %scan3A_183, %mul3A_343 : i32
        %add3A_345 = arith.addi %mul3A_344, %mul3A_269 : i32
        %get3A_346 = arith.index_cast %add3A_345 : i32 to index
        %get3A_347 = tpu.vector_load %arg9[%get3A_346] {strides = array<i32>} : memref<896xf32, #tpu.memory_space<vmem>>, vector<16xf32>,
        %mul3A_348 = arith.mulf %get3A_347, %max3A_342 : vector<16xf32>
        %add3A_349 = arith.addf %scan3A_266, %mul3A_348 : vector<16xf32>
        %sub3A_350 = arith.constant 1.000000e+00 : f32
        %sub3A_351 = vector.broadcast %sub3A_350 : f32 to vector<16xf32>
        %sub3A_352 = arith.subf %sub3A_351, %get3A_347 : vector<16xf32>
        %mul3A_353 = arith.mulf %sub3A_352, %max3A_287 : vector<16xf32>
        %add3A_354 = arith.addf %scan3A_267, %mul3A_353 : vector<16xf32>
        scf.yield %add3A_349, %add3A_354 : vector<16xf32>, vector<16xf32>
      }
      %scan3A_257 = arith.constant 8 : i32
      %scan3A_258 = arith.constant 0 : i32
      %scan3A_259 = arith.constant 0 : i32
      %scan3A_260 = arith.constant 8 : i32
      %scan3A_261 = arith.addi %scan3A_259, %scan3A_260 : i32
      %scan3A_262 = arith.constant 1 : i32
      %scan3A_263 = scf.for %scan3A_265 = %scan3A_259 to %scan3A_261 step %scan3A_262 iter_args(%scan3A_266 = %scan3A_258) -> (i32)  : i32 {
        %mul3A_267 = arith.constant 16 : i32
        %mul3A_268 = arith.muli %scan3A_265, %mul3A_267 : i32
        %get3A_269 = arith.constant 0 : i32
        %get3A_270 = arith.index_cast %get3A_269 : i32 to index
        %get3A_271 = arith.index_cast %mul3A_268 : i32 to index
        %get3A_272 = tpu.vector_load %arg10[%get3A_270, %get3A_271] {strides = array<i32>} : memref<10x128xf32, #tpu.memory_space<vmem>>, vector<16xf32>,
        %swap3A_273 = arith.index_cast %get3A_190 : i32 to index
        %swap3A_274 = arith.index_cast %mul3A_268 : i32 to index
        %swap3A_275 = tpu.vector_load %arg7[%swap3A_273, %swap3A_274] {strides = array<i32>} : memref<256x128xf32, #tpu.memory_space<vmem>>, vector<16xf32>,
        tpu.vector_store %arg7[%swap3A_273, %swap3A_274], %get3A_272 {strides = array<i32>} : memref<256x128xf32, #tpu.memory_space<vmem>>, vector<16xf32>,
        %get3A_276 = arith.constant 1 : i32
        %get3A_277 = arith.index_cast %get3A_276 : i32 to index
        %get3A_278 = arith.index_cast %mul3A_268 : i32 to index
        %get3A_279 = tpu.vector_load %arg10[%get3A_277, %get3A_278] {strides = array<i32>} : memref<10x128xf32, #tpu.memory_space<vmem>>, vector<16xf32>,
        %swap3A_280 = arith.index_cast %get3A_196 : i32 to index
        %swap3A_281 = arith.index_cast %mul3A_268 : i32 to index
        %swap3A_282 = tpu.vector_load %arg7[%swap3A_280, %swap3A_281] {strides = array<i32>} : memref<256x128xf32, #tpu.memory_space<vmem>>, vector<16xf32>,
        tpu.vector_store %arg7[%swap3A_280, %swap3A_281], %get3A_279 {strides = array<i32>} : memref<256x128xf32, #tpu.memory_space<vmem>>, vector<16xf32>,
        %get3A_283 = arith.constant 2 : i32
        %get3A_284 = arith.index_cast %get3A_283 : i32 to index
        %get3A_285 = arith.index_cast %mul3A_268 : i32 to index
        %get3A_286 = tpu.vector_load %arg10[%get3A_284, %get3A_285] {strides = array<i32>} : memref<10x128xf32, #tpu.memory_space<vmem>>, vector<16xf32>,
        %swap3A_287 = arith.index_cast %get3A_202 : i32 to index
        %swap3A_288 = arith.index_cast %mul3A_268 : i32 to index
        %swap3A_289 = tpu.vector_load %arg7[%swap3A_287, %swap3A_288] {strides = array<i32>} : memref<256x128xf32, #tpu.memory_space<vmem>>, vector<16xf32>,
        tpu.vector_store %arg7[%swap3A_287, %swap3A_288], %get3A_286 {strides = array<i32>} : memref<256x128xf32, #tpu.memory_space<vmem>>, vector<16xf32>,
        %get3A_290 = arith.constant 3 : i32
        %get3A_291 = arith.index_cast %get3A_290 : i32 to index
        %get3A_292 = arith.index_cast %mul3A_268 : i32 to index
        %get3A_293 = tpu.vector_load %arg10[%get3A_291, %get3A_292] {strides = array<i32>} : memref<10x128xf32, #tpu.memory_space<vmem>>, vector<16xf32>,
        %swap3A_294 = arith.index_cast %get3A_208 : i32 to index
        %swap3A_295 = arith.index_cast %mul3A_268 : i32 to index
        %swap3A_296 = tpu.vector_load %arg7[%swap3A_294, %swap3A_295] {strides = array<i32>} : memref<256x128xf32, #tpu.memory_space<vmem>>, vector<16xf32>,
        tpu.vector_store %arg7[%swap3A_294, %swap3A_295], %get3A_293 {strides = array<i32>} : memref<256x128xf32, #tpu.memory_space<vmem>>, vector<16xf32>,
        %get3A_297 = arith.constant 4 : i32
        %get3A_298 = arith.index_cast %get3A_297 : i32 to index
        %get3A_299 = arith.index_cast %mul3A_268 : i32 to index
        %get3A_300 = tpu.vector_load %arg10[%get3A_298, %get3A_299] {strides = array<i32>} : memref<10x128xf32, #tpu.memory_space<vmem>>, vector<16xf32>,
        %swap3A_301 = arith.index_cast %get3A_214 : i32 to index
        %swap3A_302 = arith.index_cast %mul3A_268 : i32 to index
        %swap3A_303 = tpu.vector_load %arg7[%swap3A_301, %swap3A_302] {strides = array<i32>} : memref<256x128xf32, #tpu.memory_space<vmem>>, vector<16xf32>,
        tpu.vector_store %arg7[%swap3A_301, %swap3A_302], %get3A_300 {strides = array<i32>} : memref<256x128xf32, #tpu.memory_space<vmem>>, vector<16xf32>,
        %get3A_304 = arith.constant 5 : i32
        %get3A_305 = arith.index_cast %get3A_304 : i32 to index
        %get3A_306 = arith.index_cast %mul3A_268 : i32 to index
        %get3A_307 = tpu.vector_load %arg10[%get3A_305, %get3A_306] {strides = array<i32>} : memref<10x128xf32, #tpu.memory_space<vmem>>, vector<16xf32>,
        %swap3A_308 = arith.index_cast %get3A_220 : i32 to index
        %swap3A_309 = arith.index_cast %mul3A_268 : i32 to index
        %swap3A_310 = tpu.vector_load %arg7[%swap3A_308, %swap3A_309] {strides = array<i32>} : memref<256x128xf32, #tpu.memory_space<vmem>>, vector<16xf32>,
        tpu.vector_store %arg7[%swap3A_308, %swap3A_309], %get3A_307 {strides = array<i32>} : memref<256x128xf32, #tpu.memory_space<vmem>>, vector<16xf32>,
        %get3A_311 = arith.constant 6 : i32
        %get3A_312 = arith.index_cast %get3A_311 : i32 to index
        %get3A_313 = arith.index_cast %mul3A_268 : i32 to index
        %get3A_314 = tpu.vector_load %arg10[%get3A_312, %get3A_313] {strides = array<i32>} : memref<10x128xf32, #tpu.memory_space<vmem>>, vector<16xf32>,
        %swap3A_315 = arith.index_cast %get3A_226 : i32 to index
        %swap3A_316 = arith.index_cast %mul3A_268 : i32 to index
        %swap3A_317 = tpu.vector_load %arg7[%swap3A_315, %swap3A_316] {strides = array<i32>} : memref<256x128xf32, #tpu.memory_space<vmem>>, vector<16xf32>,
        tpu.vector_store %arg7[%swap3A_315, %swap3A_316], %get3A_314 {strides = array<i32>} : memref<256x128xf32, #tpu.memory_space<vmem>>, vector<16xf32>,
        %get3A_318 = arith.constant 7 : i32
        %get3A_319 = arith.index_cast %get3A_318 : i32 to index
        %get3A_320 = arith.index_cast %mul3A_268 : i32 to index
        %get3A_321 = tpu.vector_load %arg10[%get3A_319, %get3A_320] {strides = array<i32>} : memref<10x128xf32, #tpu.memory_space<vmem>>, vector<16xf32>,
        %swap3A_322 = arith.index_cast %get3A_232 : i32 to index
        %swap3A_323 = arith.index_cast %mul3A_268 : i32 to index
        %swap3A_324 = tpu.vector_load %arg7[%swap3A_322, %swap3A_323] {strides = array<i32>} : memref<256x128xf32, #tpu.memory_space<vmem>>, vector<16xf32>,
        tpu.vector_store %arg7[%swap3A_322, %swap3A_323], %get3A_321 {strides = array<i32>} : memref<256x128xf32, #tpu.memory_space<vmem>>, vector<16xf32>,
        %get3A_325 = arith.constant 8 : i32
        %get3A_326 = arith.index_cast %get3A_325 : i32 to index
        %get3A_327 = arith.index_cast %mul3A_268 : i32 to index
        %get3A_328 = tpu.vector_load %arg10[%get3A_326, %get3A_327] {strides = array<i32>} : memref<10x128xf32, #tpu.memory_space<vmem>>, vector<16xf32>,
        %swap3A_329 = arith.index_cast %get3A_238 : i32 to index
        %swap3A_330 = arith.index_cast %mul3A_268 : i32 to index
        %swap3A_331 = tpu.vector_load %arg7[%swap3A_329, %swap3A_330] {strides = array<i32>} : memref<256x128xf32, #tpu.memory_space<vmem>>, vector<16xf32>,
        tpu.vector_store %arg7[%swap3A_329, %swap3A_330], %get3A_328 {strides = array<i32>} : memref<256x128xf32, #tpu.memory_space<vmem>>, vector<16xf32>,
        %get3A_332 = arith.constant 9 : i32
        %get3A_333 = arith.index_cast %get3A_332 : i32 to index
        %get3A_334 = arith.index_cast %mul3A_268 : i32 to index
        %get3A_335 = tpu.vector_load %arg10[%get3A_333, %get3A_334] {strides = array<i32>} : memref<10x128xf32, #tpu.memory_space<vmem>>, vector<16xf32>,
        %swap3A_336 = arith.index_cast %get3A_244 : i32 to index
        %swap3A_337 = arith.index_cast %mul3A_268 : i32 to index
        %swap3A_338 = tpu.vector_load %arg7[%swap3A_336, %swap3A_337] {strides = array<i32>} : memref<256x128xf32, #tpu.memory_space<vmem>>, vector<16xf32>,
        tpu.vector_store %arg7[%swap3A_336, %swap3A_337], %get3A_335 {strides = array<i32>} : memref<256x128xf32, #tpu.memory_space<vmem>>, vector<16xf32>,
        %scan3A_339 = arith.constant 0 : i32
        scf.yield %scan3A_339 : i32
      }
      %scan3A_264 = arith.constant 8 : i32
      scf.yield %scan3A_256#0, %scan3A_256#1 : vector<16xf32>, vector<16xf32>
    }
    %scan3A_179 = arith.constant 7 : i32
    %swap3A = arith.constant 0 : index
    %swap3A_180 = tpu.vector_load %arg11[%swap3A] {strides = array<i32>} : memref<16xf32, #tpu.memory_space<vmem>>, vector<16xf32>,
    tpu.vector_store %arg11[%swap3A], %scan3A_178#0 {strides = array<i32>} : memref<16xf32, #tpu.memory_space<vmem>>, vector<16xf32>,
    %swap3A_181 = arith.constant 0 : index
    %swap3A_182 = tpu.vector_load %arg12[%swap3A_181] {strides = array<i32>} : memref<16xf32, #tpu.memory_space<vmem>>, vector<16xf32>,
    tpu.vector_store %arg12[%swap3A_181], %scan3A_178#1 {strides = array<i32>} : memref<16xf32, #tpu.memory_space<vmem>>, vector<16xf32>,
    "tpu.region"() ({
      %run_scoped3A = tpu.sem_alloc : memref<!tpu.dma_semaphore, #tpu.memory_space<semaphore_mem>>
      %dma_start3A_183 = arith.constant 0 : i32
      %dma_start3A_184 = tpu.memref_slice %arg5[%add3A, %dma_start3A_183] : memref<32x16xf32, #tpu.memory_space<hbm>> -> memref<1x16xf32, #tpu.memory_space<hbm>>
      %dma_start3A_185 = tpu.memref_squeeze %dma_start3A_184 : memref<1x16xf32, #tpu.memory_space<hbm>> -> memref<16xf32, #tpu.memory_space<hbm>>
      %dma_start3A_186 = arith.constant 0 : i32
      %dma_start3A_187 = tpu.memref_slice %arg5[%add3A, %dma_start3A_186] : memref<32x16xf32, #tpu.memory_space<hbm>> -> memref<1x16xf32, #tpu.memory_space<hbm>>
      %dma_start3A_188 = tpu.memref_squeeze %dma_start3A_187 : memref<1x16xf32, #tpu.memory_space<hbm>> -> memref<16xf32, #tpu.memory_space<hbm>>
      tpu.enqueue_dma source(%arg11 : memref<16xf32, #tpu.memory_space<vmem>>) target(%dma_start3A_188 : memref<16xf32, #tpu.memory_space<hbm>>) target_semaphore(%run_scoped3A : memref<!tpu.dma_semaphore, #tpu.memory_space<semaphore_mem>>)
      %dma_wait3A_189 = arith.constant 0 : i32
      %dma_wait3A_190 = tpu.memref_slice %arg5[%add3A, %dma_wait3A_189] : memref<32x16xf32, #tpu.memory_space<hbm>> -> memref<1x16xf32, #tpu.memory_space<hbm>>
      %dma_wait3A_191 = tpu.memref_squeeze %dma_wait3A_190 : memref<1x16xf32, #tpu.memory_space<hbm>> -> memref<16xf32, #tpu.memory_space<hbm>>
      %dma_wait3A_192 = arith.constant 0 : i32
      %dma_wait3A_193 = tpu.memref_slice %arg5[%add3A, %dma_wait3A_192] : memref<32x16xf32, #tpu.memory_space<hbm>> -> memref<1x16xf32, #tpu.memory_space<hbm>>
      %dma_wait3A_194 = tpu.memref_squeeze %dma_wait3A_193 : memref<1x16xf32, #tpu.memory_space<hbm>> -> memref<16xf32, #tpu.memory_space<hbm>>
      tpu.wait_dma2 semaphore(%run_scoped3A : memref<!tpu.dma_semaphore, #tpu.memory_space<semaphore_mem>>) src(%arg11 : memref<16xf32, #tpu.memory_space<vmem>>) dst(%dma_wait3A_194 : memref<16xf32, #tpu.memory_space<hbm>>)
      tpu.yield
    }) : () -> ()
    "tpu.region"() ({
      %run_scoped3A = tpu.sem_alloc : memref<!tpu.dma_semaphore, #tpu.memory_space<semaphore_mem>>
      %dma_start3A_183 = arith.constant 0 : i32
      %dma_start3A_184 = tpu.memref_slice %arg6[%add3A, %dma_start3A_183] : memref<32x16xf32, #tpu.memory_space<hbm>> -> memref<1x16xf32, #tpu.memory_space<hbm>>
      %dma_start3A_185 = tpu.memref_squeeze %dma_start3A_184 : memref<1x16xf32, #tpu.memory_space<hbm>> -> memref<16xf32, #tpu.memory_space<hbm>>
      %dma_start3A_186 = arith.constant 0 : i32
      %dma_start3A_187 = tpu.memref_slice %arg6[%add3A, %dma_start3A_186] : memref<32x16xf32, #tpu.memory_space<hbm>> -> memref<1x16xf32, #tpu.memory_space<hbm>>
      %dma_start3A_188 = tpu.memref_squeeze %dma_start3A_187 : memref<1x16xf32, #tpu.memory_space<hbm>> -> memref<16xf32, #tpu.memory_space<hbm>>
      tpu.enqueue_dma source(%arg12 : memref<16xf32, #tpu.memory_space<vmem>>) target(%dma_start3A_188 : memref<16xf32, #tpu.memory_space<hbm>>) target_semaphore(%run_scoped3A : memref<!tpu.dma_semaphore, #tpu.memory_space<semaphore_mem>>)
      %dma_wait3A_189 = arith.constant 0 : i32
      %dma_wait3A_190 = tpu.memref_slice %arg6[%add3A, %dma_wait3A_189] : memref<32x16xf32, #tpu.memory_space<hbm>> -> memref<1x16xf32, #tpu.memory_space<hbm>>
      %dma_wait3A_191 = tpu.memref_squeeze %dma_wait3A_190 : memref<1x16xf32, #tpu.memory_space<hbm>> -> memref<16xf32, #tpu.memory_space<hbm>>
      %dma_wait3A_192 = arith.constant 0 : i32
      %dma_wait3A_193 = tpu.memref_slice %arg6[%add3A, %dma_wait3A_192] : memref<32x16xf32, #tpu.memory_space<hbm>> -> memref<1x16xf32, #tpu.memory_space<hbm>>
      %dma_wait3A_194 = tpu.memref_squeeze %dma_wait3A_193 : memref<1x16xf32, #tpu.memory_space<hbm>> -> memref<16xf32, #tpu.memory_space<hbm>>
      tpu.wait_dma2 semaphore(%run_scoped3A : memref<!tpu.dma_semaphore, #tpu.memory_space<semaphore_mem>>) src(%arg12 : memref<16xf32, #tpu.memory_space<vmem>>) dst(%dma_wait3A_194 : memref<16xf32, #tpu.memory_space<hbm>>)
      tpu.yield
    }) : () -> ()
    return
  }
}

module attributes {stable_mosaic.version = 14 : i64} {
  func.func @_dense_body(%arg0: memref<128x112xf32, #tpu.memory_space<vmem>>, %arg1: memref<128x112xf32, #tpu.memory_space<vmem>>, %arg2: memref<10x224x256xf32, #tpu.memory_space<vmem>>, %arg3: memref<128x200xf32, #tpu.memory_space<vmem>>, %arg4: memref<128x1xi32, #tpu.memory_space<vmem>>, %arg5: memref<200x112xf32, #tpu.memory_space<vmem>>, %arg6: memref<200x112xf32, #tpu.memory_space<vmem>>, %arg7: memref<1x16xf32, #tpu.memory_space<vmem>>, %arg8: memref<1x112xf32, #tpu.memory_space<vmem>>, %arg9: memref<10x224x1xf32, #tpu.memory_space<vmem>>) attributes {dimension_semantics = [], scalar_prefetch = 0 : i64, scratch_operands = 1 : i64, tpu.core_type = #tpu.core_type<tc>} {
    %get3A = arith.constant 0 : index
    %get3A_0 = arith.constant 0 : index
    %get3A_1 = vector.load %arg0[%get3A, %get3A_0] : memref<128x112xf32, #tpu.memory_space<vmem>>, vector<128x112xf32>
    %get3A_2 = arith.constant 0 : index
    %get3A_3 = arith.constant 0 : index
    %get3A_4 = vector.load %arg1[%get3A_2, %get3A_3] : memref<128x112xf32, #tpu.memory_space<vmem>>, vector<128x112xf32>
    %max3A = arith.constant 0.000000e+00 : f32
    %max3A_5 = vector.broadcast %max3A : f32 to vector<128x112xf32>
    %max3A_6 = arith.maximumf %get3A_1, %max3A_5 : vector<128x112xf32>
    %mul3A = arith.mulf %get3A_1, %get3A_4 : vector<128x112xf32>
    %sub3A = arith.subf %max3A_6, %mul3A : vector<128x112xf32>
    %abs3A = math.absf %get3A_1 : vector<128x112xf32>
    %neg3A = arith.constant 0.000000e+00 : f32
    %neg3A_7 = vector.broadcast %neg3A : f32 to vector<128x112xf32>
    %neg3A_8 = arith.subf %neg3A_7, %abs3A : vector<128x112xf32>
    %exp3A = math.exp %neg3A_8 : vector<128x112xf32>
    %add3A = arith.constant 1.000000e+00 : f32
    %add3A_9 = vector.broadcast %add3A : f32 to vector<128x112xf32>
    %add3A_10 = arith.addf %add3A_9, %exp3A : vector<128x112xf32>
    %log3A = math.log %add3A_10 : vector<128x112xf32>
    %add3A_11 = arith.addf %sub3A, %log3A : vector<128x112xf32>
    %reduce_sum3A = arith.constant dense<0.000000e+00> : vector<112xf32>
    %reduce_sum3A_12 = vector.multi_reduction <add>, %add3A_11, %reduce_sum3A [0] : vector<128x112xf32> to vector<112xf32>
    %broadcast_in_dim3A = vector.shape_cast %reduce_sum3A_12 : vector<112xf32> to vector<1x112xf32>
    %div3A = arith.constant 1.280000e+02 : f32
    %div3A_13 = vector.broadcast %div3A : f32 to vector<1x112xf32>
    %div3A_14 = arith.divf %broadcast_in_dim3A, %div3A_13 : vector<1x112xf32>
    %swap3A = arith.constant 0 : index
    %swap3A_15 = arith.constant 0 : index
    %swap3A_16 = vector.load %arg8[%swap3A, %swap3A_15] : memref<1x112xf32, #tpu.memory_space<vmem>>, vector<1x112xf32>
    tpu.vector_store %arg8[%swap3A, %swap3A_15], %div3A_14 {strides = array<i32>} : memref<1x112xf32, #tpu.memory_space<vmem>>, vector<1x112xf32>,
    %reduce_sum3A_17 = vector.shape_cast %add3A_11 : vector<128x112xf32> to vector<1x128x112xf32>
    %reduce_sum3A_18 = arith.constant dense<0.000000e+00> : vector<1xf32>
    %reduce_sum3A_19 = vector.multi_reduction <add>, %reduce_sum3A_17, %reduce_sum3A_18 [1, 2] : vector<1x128x112xf32> to vector<1xf32>
    %reduce_sum3A_20 = vector.shape_cast %reduce_sum3A_19 : vector<1xf32> to vector<1x1x1xf32>
    %reduce_sum3A_21 = vector.extract %reduce_sum3A_20[0, 0, 0] : f32 from vector<1x1x1xf32>
    %div3A_22 = arith.constant 1.433600e+04 : f32
    %div3A_23 = arith.divf %reduce_sum3A_21, %div3A_22 : f32
    %scan3A = arith.constant 0 : i32
    %scan3A_24 = arith.constant 10 : i32
    %scan3A_25 = arith.addi %scan3A, %scan3A_24 : i32
    %scan3A_26 = arith.constant 1 : i32
    scf.for %scan3A_128 = %scan3A to %scan3A_25 step %scan3A_26  : i32 {
      %get3A_129 = arith.index_cast %scan3A_128 : i32 to index
      %get3A_130 = arith.constant 0 : index
      %get3A_131 = arith.constant 0 : index
      %get3A_132 = vector.load %arg2[%get3A_129, %get3A_130, %get3A_131] : memref<10x224x256xf32, #tpu.memory_space<vmem>>, vector<1x224x256xf32>
      %get3A_133 = vector.shape_cast %get3A_132 : vector<1x224x256xf32> to vector<224x256xf32>
      %mul3A_134 = arith.mulf %get3A_133, %get3A_133 : vector<224x256xf32>
      %reduce_sum3A_135 = arith.constant dense<0.000000e+00> : vector<224xf32>
      %reduce_sum3A_136 = vector.multi_reduction <add>, %mul3A_134, %reduce_sum3A_135 [1] : vector<224x256xf32> to vector<224xf32>
      %broadcast_in_dim3A_137 = vector.shape_cast %reduce_sum3A_136 : vector<224xf32> to vector<224x1xf32>
      %sqrt3A = math.sqrt %broadcast_in_dim3A_137 : vector<224x1xf32>
      %max3A_138 = arith.constant 9.99999993E-9 : f32
      %max3A_139 = vector.broadcast %max3A_138 : f32 to vector<224x1xf32>
      %max3A_140 = arith.maximumf %sqrt3A, %max3A_139 : vector<224x1xf32>
      %div3A_141 = arith.constant 1.000000e+00 : f32
      %div3A_142 = vector.broadcast %div3A_141 : f32 to vector<224x1xf32>
      %div3A_143 = arith.divf %div3A_142, %max3A_140 : vector<224x1xf32>
      %swap3A_144 = arith.index_cast %scan3A_128 : i32 to index
      %swap3A_145 = arith.constant 0 : index
      %swap3A_146 = arith.constant 0 : index
      %swap3A_147 = vector.load %arg9[%swap3A_144, %swap3A_145, %swap3A_146] : memref<10x224x1xf32, #tpu.memory_space<vmem>>, vector<1x224x1xf32>
      %swap3A_148 = vector.shape_cast %swap3A_147 : vector<1x224x1xf32> to vector<224x1xf32>
      %swap3A_149 = vector.shape_cast %div3A_143 : vector<224x1xf32> to vector<1x224x1xf32>
      tpu.vector_store %arg9[%swap3A_144, %swap3A_145, %swap3A_146], %swap3A_149 {strides = array<i32>} : memref<10x224x1xf32, #tpu.memory_space<vmem>>, vector<1x224x1xf32>,
    }
    %scan3A_27 = arith.constant 10 : i32
    %broadcast_in_dim3A_28 = arith.constant 0.000000e+00 : f32
    %broadcast_in_dim3A_29 = vector.broadcast %broadcast_in_dim3A_28 : f32 to vector<224x256xf32>
    %scan3A_30 = arith.constant 0 : i32
    %scan3A_31 = arith.constant 10 : i32
    %scan3A_32 = arith.addi %scan3A_30, %scan3A_31 : i32
    %scan3A_33 = arith.constant 1 : i32
    %scan3A_34 = scf.for %scan3A_128 = %scan3A_30 to %scan3A_32 step %scan3A_33 iter_args(%scan3A_129 = %broadcast_in_dim3A_29) -> (vector<224x256xf32>)  : i32 {
      %get3A_130 = arith.index_cast %scan3A_128 : i32 to index
      %get3A_131 = arith.constant 0 : index
      %get3A_132 = arith.constant 0 : index
      %get3A_133 = vector.load %arg2[%get3A_130, %get3A_131, %get3A_132] : memref<10x224x256xf32, #tpu.memory_space<vmem>>, vector<1x224x256xf32>
      %get3A_134 = vector.shape_cast %get3A_133 : vector<1x224x256xf32> to vector<224x256xf32>
      %get3A_135 = arith.index_cast %scan3A_128 : i32 to index
      %get3A_136 = arith.constant 0 : index
      %get3A_137 = arith.constant 0 : index
      %get3A_138 = vector.load %arg9[%get3A_135, %get3A_136, %get3A_137] : memref<10x224x1xf32, #tpu.memory_space<vmem>>, vector<1x224x1xf32>
      %get3A_139 = vector.shape_cast %get3A_138 : vector<1x224x1xf32> to vector<224x1xf32>
      %mul3A_140 = vector.broadcast %get3A_139 : vector<224x1xf32> to vector<224x256xf32>
      %mul3A_141 = arith.mulf %get3A_134, %mul3A_140 : vector<224x256xf32>
      %add3A_142 = arith.addf %scan3A_129, %mul3A_141 : vector<224x256xf32>
      scf.yield %add3A_142 : vector<224x256xf32>
    }
    %scan3A_35 = arith.constant 10 : i32
    %mul3A_36 = arith.mulf %scan3A_34, %scan3A_34 : vector<224x256xf32>
    %reduce_sum3A_37 = vector.shape_cast %mul3A_36 : vector<224x256xf32> to vector<1x224x256xf32>
    %reduce_sum3A_38 = arith.constant dense<0.000000e+00> : vector<1xf32>
    %reduce_sum3A_39 = vector.multi_reduction <add>, %reduce_sum3A_37, %reduce_sum3A_38 [1, 2] : vector<1x224x256xf32> to vector<1xf32>
    %reduce_sum3A_40 = vector.shape_cast %reduce_sum3A_39 : vector<1xf32> to vector<1x1x1xf32>
    %reduce_sum3A_41 = vector.extract %reduce_sum3A_40[0, 0, 0] : f32 from vector<1x1x1xf32>
    %slice3A = vector.extract_strided_slice %scan3A_34 {offsets = [112, 0], sizes = [112, 256], strides = [1, 1]} : vector<224x256xf32> to vector<112x256xf32>
    %slice3A_42 = vector.extract_strided_slice %scan3A_34 {offsets = [0, 0], sizes = [112, 256], strides = [1, 1]} : vector<224x256xf32> to vector<112x256xf32>
    %mul3A_43 = arith.mulf %slice3A, %slice3A_42 : vector<112x256xf32>
    %reduce_sum3A_44 = vector.shape_cast %mul3A_43 : vector<112x256xf32> to vector<1x112x256xf32>
    %reduce_sum3A_45 = arith.constant dense<0.000000e+00> : vector<1xf32>
    %reduce_sum3A_46 = vector.multi_reduction <add>, %reduce_sum3A_44, %reduce_sum3A_45 [1, 2] : vector<1x112x256xf32> to vector<1xf32>
    %reduce_sum3A_47 = vector.shape_cast %reduce_sum3A_46 : vector<1xf32> to vector<1x1x1xf32>
    %reduce_sum3A_48 = vector.extract %reduce_sum3A_47[0, 0, 0] : f32 from vector<1x1x1xf32>
    %div3A_49 = arith.constant 2.240000e+03 : f32
    %div3A_50 = arith.divf %reduce_sum3A_41, %div3A_49 : f32
    %sub3A_51 = arith.constant 1.000000e+00 : f32
    %sub3A_52 = arith.subf %div3A_50, %sub3A_51 : f32
    %div3A_53 = arith.constant 1.120000e+03 : f32
    %div3A_54 = arith.divf %reduce_sum3A_48, %div3A_53 : f32
    %get3A_55 = arith.constant 0 : index
    %get3A_56 = arith.constant 0 : index
    %get3A_57 = vector.load %arg3[%get3A_55, %get3A_56] : memref<128x200xf32, #tpu.memory_space<vmem>>, vector<128x200xf32>
    %reduce_max3A = arith.constant dense<0xFF800000> : vector<128xf32>
    %reduce_max3A_58 = vector.multi_reduction <maximumf>, %get3A_57, %reduce_max3A [1] : vector<128x200xf32> to vector<128xf32>
    %broadcast_in_dim3A_59 = vector.shape_cast %reduce_max3A_58 : vector<128xf32> to vector<128x1xf32>
    %sub3A_60 = vector.broadcast %broadcast_in_dim3A_59 : vector<128x1xf32> to vector<128x200xf32>
    %sub3A_61 = arith.subf %get3A_57, %sub3A_60 : vector<128x200xf32>
    %exp3A_62 = math.exp %sub3A_61 : vector<128x200xf32>
    %reduce_sum3A_63 = arith.constant dense<0.000000e+00> : vector<128xf32>
    %reduce_sum3A_64 = vector.multi_reduction <add>, %exp3A_62, %reduce_sum3A_63 [1] : vector<128x200xf32> to vector<128xf32>
    %broadcast_in_dim3A_65 = vector.shape_cast %reduce_sum3A_64 : vector<128xf32> to vector<128x1xf32>
    %log3A_66 = math.log %broadcast_in_dim3A_65 : vector<128x1xf32>
    %add3A_67 = arith.addf %broadcast_in_dim3A_59, %log3A_66 : vector<128x1xf32>
    %get3A_68 = arith.constant 0 : index
    %get3A_69 = arith.constant 0 : index
    %get3A_70 = vector.load %arg4[%get3A_68, %get3A_69] : memref<128x1xi32, #tpu.memory_space<vmem>>, vector<128x1xi32>
    %iota3A = tpu.iota {dimensions = array<i32: 1>} : vector<128x200xi32>
    %eq3A = vector.broadcast %get3A_70 : vector<128x1xi32> to vector<128x200xi32>
    %eq3A_71 = arith.cmpi eq, %iota3A, %eq3A : vector<128x200xi32>
    %jit3A = arith.constant 0.000000e+00 : f32
    %broadcast_in_dim3A_72 = vector.broadcast %jit3A : f32 to vector<128x200xf32>
    %select_n3A = arith.select %eq3A_71, %get3A_57, %broadcast_in_dim3A_72 : vector<128x200xi1>, vector<128x200xf32>
    %reduce_sum3A_73 = arith.constant dense<0.000000e+00> : vector<128xf32>
    %reduce_sum3A_74 = vector.multi_reduction <add>, %select_n3A, %reduce_sum3A_73 [1] : vector<128x200xf32> to vector<128xf32>
    %broadcast_in_dim3A_75 = vector.shape_cast %reduce_sum3A_74 : vector<128xf32> to vector<128x1xf32>
    %sub3A_76 = arith.subf %add3A_67, %broadcast_in_dim3A_75 : vector<128x1xf32>
    %reduce_sum3A_77 = vector.shape_cast %sub3A_76 : vector<128x1xf32> to vector<1x128x1xf32>
    %reduce_sum3A_78 = arith.constant dense<0.000000e+00> : vector<1xf32>
    %reduce_sum3A_79 = vector.multi_reduction <add>, %reduce_sum3A_77, %reduce_sum3A_78 [1, 2] : vector<1x128x1xf32> to vector<1xf32>
    %reduce_sum3A_80 = vector.shape_cast %reduce_sum3A_79 : vector<1xf32> to vector<1x1x1xf32>
    %reduce_sum3A_81 = vector.extract %reduce_sum3A_80[0, 0, 0] : f32 from vector<1x1x1xf32>
    %div3A_82 = arith.constant 1.280000e+02 : f32
    %div3A_83 = arith.divf %reduce_sum3A_81, %div3A_82 : f32
    %get3A_84 = arith.constant 0 : index
    %get3A_85 = arith.constant 0 : index
    %get3A_86 = vector.load %arg5[%get3A_84, %get3A_85] : memref<200x112xf32, #tpu.memory_space<vmem>>, vector<200x112xf32>
    %get3A_87 = arith.constant 0 : index
    %get3A_88 = arith.constant 0 : index
    %get3A_89 = vector.load %arg6[%get3A_87, %get3A_88] : memref<200x112xf32, #tpu.memory_space<vmem>>, vector<200x112xf32>
    %mul3A_90 = arith.mulf %get3A_86, %get3A_89 : vector<200x112xf32>
    %abs3A_91 = math.absf %mul3A_90 : vector<200x112xf32>
    %reduce_sum3A_92 = vector.shape_cast %abs3A_91 : vector<200x112xf32> to vector<1x200x112xf32>
    %reduce_sum3A_93 = arith.constant dense<0.000000e+00> : vector<1xf32>
    %reduce_sum3A_94 = vector.multi_reduction <add>, %reduce_sum3A_92, %reduce_sum3A_93 [1, 2] : vector<1x200x112xf32> to vector<1xf32>
    %reduce_sum3A_95 = vector.shape_cast %reduce_sum3A_94 : vector<1xf32> to vector<1x1x1xf32>
    %reduce_sum3A_96 = vector.extract %reduce_sum3A_95[0, 0, 0] : f32 from vector<1x1x1xf32>
    %iota3A_97 = tpu.iota {dimensions = array<i32: 1>} : vector<1x16xi32>
    %broadcast_in_dim3A_98 = arith.constant 0.000000e+00 : f32
    %broadcast_in_dim3A_99 = vector.broadcast %broadcast_in_dim3A_98 : f32 to vector<1x16xf32>
    %eq3A_100 = arith.constant 0 : i32
    %eq3A_101 = vector.broadcast %eq3A_100 : i32 to vector<1x16xi32>
    %eq3A_102 = arith.cmpi eq, %iota3A_97, %eq3A_101 : vector<1x16xi32>
    %broadcast_in_dim3A_103 = vector.broadcast %div3A_83 : f32 to vector<1x16xf32>
    %select_n3A_104 = arith.select %eq3A_102, %broadcast_in_dim3A_103, %broadcast_in_dim3A_99 : vector<1x16xi1>, vector<1x16xf32>
    %eq3A_105 = arith.constant 1 : i32
    %eq3A_106 = vector.broadcast %eq3A_105 : i32 to vector<1x16xi32>
    %eq3A_107 = arith.cmpi eq, %iota3A_97, %eq3A_106 : vector<1x16xi32>
    %broadcast_in_dim3A_108 = vector.broadcast %div3A_23 : f32 to vector<1x16xf32>
    %select_n3A_109 = arith.select %eq3A_107, %broadcast_in_dim3A_108, %select_n3A_104 : vector<1x16xi1>, vector<1x16xf32>
    %eq3A_110 = arith.constant 2 : i32
    %eq3A_111 = vector.broadcast %eq3A_110 : i32 to vector<1x16xi32>
    %eq3A_112 = arith.cmpi eq, %iota3A_97, %eq3A_111 : vector<1x16xi32>
    %broadcast_in_dim3A_113 = vector.broadcast %reduce_sum3A_96 : f32 to vector<1x16xf32>
    %select_n3A_114 = arith.select %eq3A_112, %broadcast_in_dim3A_113, %select_n3A_109 : vector<1x16xi1>, vector<1x16xf32>
    %eq3A_115 = arith.constant 3 : i32
    %eq3A_116 = vector.broadcast %eq3A_115 : i32 to vector<1x16xi32>
    %eq3A_117 = arith.cmpi eq, %iota3A_97, %eq3A_116 : vector<1x16xi32>
    %broadcast_in_dim3A_118 = vector.broadcast %sub3A_52 : f32 to vector<1x16xf32>
    %select_n3A_119 = arith.select %eq3A_117, %broadcast_in_dim3A_118, %select_n3A_114 : vector<1x16xi1>, vector<1x16xf32>
    %eq3A_120 = arith.constant 4 : i32
    %eq3A_121 = vector.broadcast %eq3A_120 : i32 to vector<1x16xi32>
    %eq3A_122 = arith.cmpi eq, %iota3A_97, %eq3A_121 : vector<1x16xi32>
    %broadcast_in_dim3A_123 = vector.broadcast %div3A_54 : f32 to vector<1x16xf32>
    %select_n3A_124 = arith.select %eq3A_122, %broadcast_in_dim3A_123, %select_n3A_119 : vector<1x16xi1>, vector<1x16xf32>
    %swap3A_125 = arith.constant 0 : index
    %swap3A_126 = arith.constant 0 : index
    %swap3A_127 = vector.load %arg7[%swap3A_125, %swap3A_126] : memref<1x16xf32, #tpu.memory_space<vmem>>, vector<1x16xf32>
    tpu.vector_store %arg7[%swap3A_125, %swap3A_126], %select_n3A_124 {strides = array<i32>} : memref<1x16xf32, #tpu.memory_space<vmem>>, vector<1x16xf32>,
    return
  }
}

module attributes {stable_mosaic.version = 14 : i64} {
  func.func @_combine_body(%arg0: memref<1x16xf32, #tpu.memory_space<vmem>>, %arg1: memref<32x16xf32, #tpu.memory_space<vmem>>, %arg2: memref<32x16xf32, #tpu.memory_space<vmem>>, %arg3: memref<1x16xf32, #tpu.memory_space<vmem>>) attributes {dimension_semantics = [], scalar_prefetch = 0 : i64, scratch_operands = 0 : i64, tpu.core_type = #tpu.core_type<tc>} {
    %get3A = arith.constant 0 : index
    %get3A_0 = arith.constant 0 : index
    %get3A_1 = vector.load %arg0[%get3A, %get3A_0] : memref<1x16xf32, #tpu.memory_space<vmem>>, vector<1x1xf32>
    %get3A_2 = vector.extract %get3A_1[0, 0] : f32 from vector<1x1xf32>
    %get3A_3 = arith.constant 0 : index
    %get3A_4 = arith.constant 1 : index
    %get3A_5 = vector.load %arg0[%get3A_3, %get3A_4] : memref<1x16xf32, #tpu.memory_space<vmem>>, vector<1x1xf32>
    %get3A_6 = vector.extract %get3A_5[0, 0] : f32 from vector<1x1xf32>
    %get3A_7 = arith.constant 0 : index
    %get3A_8 = arith.constant 2 : index
    %get3A_9 = vector.load %arg0[%get3A_7, %get3A_8] : memref<1x16xf32, #tpu.memory_space<vmem>>, vector<1x1xf32>
    %get3A_10 = vector.extract %get3A_9[0, 0] : f32 from vector<1x1xf32>
    %get3A_11 = arith.constant 0 : index
    %get3A_12 = arith.constant 3 : index
    %get3A_13 = vector.load %arg0[%get3A_11, %get3A_12] : memref<1x16xf32, #tpu.memory_space<vmem>>, vector<1x1xf32>
    %get3A_14 = vector.extract %get3A_13[0, 0] : f32 from vector<1x1xf32>
    %get3A_15 = arith.constant 0 : index
    %get3A_16 = arith.constant 4 : index
    %get3A_17 = vector.load %arg0[%get3A_15, %get3A_16] : memref<1x16xf32, #tpu.memory_space<vmem>>, vector<1x1xf32>
    %get3A_18 = vector.extract %get3A_17[0, 0] : f32 from vector<1x1xf32>
    %get3A_19 = arith.constant 0 : index
    %get3A_20 = arith.constant 0 : index
    %get3A_21 = vector.load %arg1[%get3A_19, %get3A_20] : memref<32x16xf32, #tpu.memory_space<vmem>>, vector<32x16xf32>
    %reduce_sum3A = vector.shape_cast %get3A_21 : vector<32x16xf32> to vector<1x32x16xf32>
    %reduce_sum3A_22 = arith.constant dense<0.000000e+00> : vector<1xf32>
    %reduce_sum3A_23 = vector.multi_reduction <add>, %reduce_sum3A, %reduce_sum3A_22 [1, 2] : vector<1x32x16xf32> to vector<1xf32>
    %reduce_sum3A_24 = vector.shape_cast %reduce_sum3A_23 : vector<1xf32> to vector<1x1x1xf32>
    %reduce_sum3A_25 = vector.extract %reduce_sum3A_24[0, 0, 0] : f32 from vector<1x1x1xf32>
    %div3A = arith.constant 1.433600e+04 : f32
    %div3A_26 = arith.divf %reduce_sum3A_25, %div3A : f32
    %sub3A = arith.constant 1.280000e+02 : f32
    %sub3A_27 = arith.subf %sub3A, %div3A_26 : f32
    %get3A_28 = arith.constant 0 : index
    %get3A_29 = arith.constant 0 : index
    %get3A_30 = vector.load %arg2[%get3A_28, %get3A_29] : memref<32x16xf32, #tpu.memory_space<vmem>>, vector<32x16xf32>
    %reduce_sum3A_31 = vector.shape_cast %get3A_30 : vector<32x16xf32> to vector<1x32x16xf32>
    %reduce_sum3A_32 = arith.constant dense<0.000000e+00> : vector<1xf32>
    %reduce_sum3A_33 = vector.multi_reduction <add>, %reduce_sum3A_31, %reduce_sum3A_32 [1, 2] : vector<1x32x16xf32> to vector<1xf32>
    %reduce_sum3A_34 = vector.shape_cast %reduce_sum3A_33 : vector<1xf32> to vector<1x1x1xf32>
    %reduce_sum3A_35 = vector.extract %reduce_sum3A_34[0, 0, 0] : f32 from vector<1x1x1xf32>
    %div3A_36 = arith.constant 1.433600e+04 : f32
    %div3A_37 = arith.divf %reduce_sum3A_35, %div3A_36 : f32
    %sub3A_38 = arith.constant 1.280000e+02 : f32
    %sub3A_39 = arith.subf %sub3A_38, %div3A_37 : f32
    %mul3A = arith.constant 1.000000e+00 : f32
    %mul3A_40 = arith.mulf %mul3A, %get3A_6 : f32
    %mul3A_41 = arith.constant 8.000000e-01 : f32
    %mul3A_42 = arith.mulf %mul3A_41, %sub3A_27 : f32
    %add3A = arith.addf %mul3A_40, %mul3A_42 : f32
    %mul3A_43 = arith.constant -8.000000e-02 : f32
    %mul3A_44 = arith.mulf %mul3A_43, %sub3A_39 : f32
    %add3A_45 = arith.addf %add3A, %mul3A_44 : f32
    %mul3A_46 = arith.constant 9.99999974E-5 : f32
    %mul3A_47 = arith.mulf %mul3A_46, %get3A_10 : f32
    %add3A_48 = arith.addf %add3A_45, %mul3A_47 : f32
    %mul3A_49 = arith.constant 1.000000e+00 : f32
    %mul3A_50 = arith.mulf %mul3A_49, %get3A_14 : f32
    %add3A_51 = arith.addf %add3A_48, %mul3A_50 : f32
    %mul3A_52 = arith.constant 1.000000e+00 : f32
    %mul3A_53 = arith.mulf %mul3A_52, %get3A_18 : f32
    %add3A_54 = arith.addf %add3A_51, %mul3A_53 : f32
    %mul3A_55 = arith.constant 1.000000e+00 : f32
    %mul3A_56 = arith.mulf %mul3A_55, %add3A_54 : f32
    %add3A_57 = arith.addf %get3A_2, %mul3A_56 : f32
    %iota3A = tpu.iota {dimensions = array<i32: 1>} : vector<1x16xi32>
    %broadcast_in_dim3A = arith.constant 0.000000e+00 : f32
    %broadcast_in_dim3A_58 = vector.broadcast %broadcast_in_dim3A : f32 to vector<1x16xf32>
    %eq3A = arith.constant 0 : i32
    %eq3A_59 = vector.broadcast %eq3A : i32 to vector<1x16xi32>
    %eq3A_60 = arith.cmpi eq, %iota3A, %eq3A_59 : vector<1x16xi32>
    %broadcast_in_dim3A_61 = vector.broadcast %get3A_2 : f32 to vector<1x16xf32>
    %select_n3A = arith.select %eq3A_60, %broadcast_in_dim3A_61, %broadcast_in_dim3A_58 : vector<1x16xi1>, vector<1x16xf32>
    %eq3A_62 = arith.constant 1 : i32
    %eq3A_63 = vector.broadcast %eq3A_62 : i32 to vector<1x16xi32>
    %eq3A_64 = arith.cmpi eq, %iota3A, %eq3A_63 : vector<1x16xi32>
    %broadcast_in_dim3A_65 = vector.broadcast %add3A_54 : f32 to vector<1x16xf32>
    %select_n3A_66 = arith.select %eq3A_64, %broadcast_in_dim3A_65, %select_n3A : vector<1x16xi1>, vector<1x16xf32>
    %eq3A_67 = arith.constant 2 : i32
    %eq3A_68 = vector.broadcast %eq3A_67 : i32 to vector<1x16xi32>
    %eq3A_69 = arith.cmpi eq, %iota3A, %eq3A_68 : vector<1x16xi32>
    %broadcast_in_dim3A_70 = vector.broadcast %add3A_57 : f32 to vector<1x16xf32>
    %select_n3A_71 = arith.select %eq3A_69, %broadcast_in_dim3A_70, %select_n3A_66 : vector<1x16xi1>, vector<1x16xf32>
    %eq3A_72 = arith.constant 3 : i32
    %eq3A_73 = vector.broadcast %eq3A_72 : i32 to vector<1x16xi32>
    %eq3A_74 = arith.cmpi eq, %iota3A, %eq3A_73 : vector<1x16xi32>
    %broadcast_in_dim3A_75 = vector.broadcast %get3A_6 : f32 to vector<1x16xf32>
    %select_n3A_76 = arith.select %eq3A_74, %broadcast_in_dim3A_75, %select_n3A_71 : vector<1x16xi1>, vector<1x16xf32>
    %eq3A_77 = arith.constant 4 : i32
    %eq3A_78 = vector.broadcast %eq3A_77 : i32 to vector<1x16xi32>
    %eq3A_79 = arith.cmpi eq, %iota3A, %eq3A_78 : vector<1x16xi32>
    %broadcast_in_dim3A_80 = vector.broadcast %sub3A_27 : f32 to vector<1x16xf32>
    %select_n3A_81 = arith.select %eq3A_79, %broadcast_in_dim3A_80, %select_n3A_76 : vector<1x16xi1>, vector<1x16xf32>
    %eq3A_82 = arith.constant 5 : i32
    %eq3A_83 = vector.broadcast %eq3A_82 : i32 to vector<1x16xi32>
    %eq3A_84 = arith.cmpi eq, %iota3A, %eq3A_83 : vector<1x16xi32>
    %broadcast_in_dim3A_85 = vector.broadcast %sub3A_39 : f32 to vector<1x16xf32>
    %select_n3A_86 = arith.select %eq3A_84, %broadcast_in_dim3A_85, %select_n3A_81 : vector<1x16xi1>, vector<1x16xf32>
    %eq3A_87 = arith.constant 6 : i32
    %eq3A_88 = vector.broadcast %eq3A_87 : i32 to vector<1x16xi32>
    %eq3A_89 = arith.cmpi eq, %iota3A, %eq3A_88 : vector<1x16xi32>
    %broadcast_in_dim3A_90 = vector.broadcast %get3A_10 : f32 to vector<1x16xf32>
    %select_n3A_91 = arith.select %eq3A_89, %broadcast_in_dim3A_90, %select_n3A_86 : vector<1x16xi1>, vector<1x16xf32>
    %eq3A_92 = arith.constant 7 : i32
    %eq3A_93 = vector.broadcast %eq3A_92 : i32 to vector<1x16xi32>
    %eq3A_94 = arith.cmpi eq, %iota3A, %eq3A_93 : vector<1x16xi32>
    %broadcast_in_dim3A_95 = vector.broadcast %get3A_14 : f32 to vector<1x16xf32>
    %select_n3A_96 = arith.select %eq3A_94, %broadcast_in_dim3A_95, %select_n3A_91 : vector<1x16xi1>, vector<1x16xf32>
    %eq3A_97 = arith.constant 8 : i32
    %eq3A_98 = vector.broadcast %eq3A_97 : i32 to vector<1x16xi32>
    %eq3A_99 = arith.cmpi eq, %iota3A, %eq3A_98 : vector<1x16xi32>
    %broadcast_in_dim3A_100 = vector.broadcast %get3A_18 : f32 to vector<1x16xf32>
    %select_n3A_101 = arith.select %eq3A_99, %broadcast_in_dim3A_100, %select_n3A_96 : vector<1x16xi1>, vector<1x16xf32>
    %swap3A = arith.constant 0 : index
    %swap3A_102 = arith.constant 0 : index
    %swap3A_103 = vector.load %arg3[%swap3A, %swap3A_102] : memref<1x16xf32, #tpu.memory_space<vmem>>, vector<1x16xf32>
    tpu.vector_store %arg3[%swap3A, %swap3A_102], %select_n3A_101 {strides = array<i32>} : memref<1x16xf32, #tpu.memory_space<vmem>>, vector<1x16xf32>,
    return
  }
}

</mosaic_0001>

<sc_bundles>
// kernel: kernel.5.cloned.1.call-start
scs
__scs_entry_jumppad:
0x0: {  	(pc) =	sbr.rel $0x88, $3  }
0x1: {  	(tag) =	ssettag $0x0;
	lr =	simm.s32 $0x1  }
0x2: {  	[smem:$0x3F98] =	sst lr;
	_ =	strace $0xD0000000  }
0x3: {  	_ = 	snop  }
0x4: {  	_ = 	snop  }
0x5: {  	_ = 	snop  }
0x6: {  	_ = 	snop  }
0x7: {  	_ = 	snop  }
__scs_overlays_trampoline_lowered:
0x8: {  	[smem:$0x3FA7] =	sst s0  }
0x9: {  	[smem:$0x3FA8] =	sst s1  }
0xa: {  	[smem:$0x3FA9] =	sst s2  }
0xb: {  	[smem:$0x3FAA] =	sst s3  }
0xc: {  	[smem:$0x3FAB] =	sst s4  }
0xd: {  	[smem:$0x3FAC] =	sst s5  }
0xe: {  	[smem:$0x3FAD] =	sst s6  }
0xf: {  	[smem:$0x3FAE] =	sst s7  }
0x10: {  	[smem:$0x3FAF] =	sst s8  }
0x11: {  	[smem:$0x3FB0] =	sst s9;
	s0 =	simm.s32 @!p0 $0x0  }
0x12: {  	s1 =	sld [smem:$0x3F96];
	s0 =	simm.s32 @p0 $0x1  }
0x13: {  	[smem:$0x3FB1] =	sst s0;
	s0 =	simm.s32 @!p1 $0x0  }
0x14: {  	s2 =	sld [smem:$0x3F95];
	s0 =	simm.s32 @p1 $0x1  }
0x15: {  	[smem:$0x3FB2] =	sst s0;
	s0 =	simm.s32 @!p2 $0x0  }
0x16: {  	s3 =	sld [smem:$0x3FDB];
	s0 =	simm.s32 @p2 $0x1  }
0x17: {  	s4 =	simm.s32 $0x1BF5;
	[smem:$0x3FB4] =	sst s0  }
0x18: {  	s0 =	sld [smem:$0x3F97];
	_ =	swait.ge [sflag:s4], $0x0  }
0x19: {  	s7 =	sld [smem:$0x3F98]  }
0x1a: {  	s8 =	sadd.s32 $0xFFFFE003, lr  }
0x1b: {  	s9 =	sadd.s32 $0xFFFFFEF7, lr;
	s5 =	simm.s32 $0xFFFFFFFF;
	p2 =	slt.u32 s8, $0xFFFFF086  }
0x1c: {  	p1 =	slt.u32 s9, $0xF7A;
	s5 =	simm.s32 @!p2 $0x0  }
0x1d: {  	s5 =	simm.s32 @p1 $0x1;
	p0 =	seq.s32 s7, s2  }
0x1e: {  	s7 =	smul.u32 @!p0 $0xF7A, s2;
	p2 =	seq.s32 @!p0 s5, $0x0  }
0x1f: {  	s9 =	smul.u32 $0xF7A, s1;
	s8 =	simm.s32 @!p0 $0x1BF5;
	p2 =	por !p2, p0  }
0x20: {  	[sflag:s8] =	ssyncset.s32 @!p0 $0xFFFFF086;
	s6 =	sadd.s32 @!p0 s3, s7;
	s7 =	simm.s32 @!p0 $0x108  }
0x21: {  	s3 =	sadd.s32 s3, s9;
	s6 =	sadd.s32 @!p0 $0x88, s6;
	s7 =	simm.s32 @p2 $0x1082  }
0x22: {  	[simem:s7], [sflag:s8] =	dma.local @!p0 [hbm:s6], $0xF7A  }
0x23: {  	s9 =	sor.u32 $0xD0000000, s2;
	s6 =	simm.s32 $0x108;
	_ =	swait.ge @!p0 [sflag:s8], $0x0  }
0x24: {  	s3 =	sadd.s32 $0x88, s3;
	s6 =	simm.s32 @!p1 $0x1082;
	[sflag:s4] =	ssyncset.s32 $0xFFFFF086  }
0x25: {  	[simem:s6], [sflag:s4] =	dma.local [hbm:s3], $0xF7A  }
0x26: {  	[smem:$0x3F98] =	sst s1;
	(tag) =	ssettag s2;
	_ =	strace s9  }
0x27: {  	s1 =	sld [smem:$0x3FA8]  }
0x28: {  	s2 =	sld [smem:$0x3FA9]  }
0x29: {  	s4 =	sld [smem:$0x3FAB]  }
0x2a: {  	p0 =	seq.s32 s5, $0x0;
	s5 =	sld [smem:$0x3FAC]  }
0x2b: {  	s6 =	sld [smem:$0x3FAD]  }
0x2c: {  	s7 =	sld [smem:$0x3FAE]  }
0x2d: {  	s3 =	simm.s32 $0x108;
	s8 =	sld [smem:$0x3FAF]  }
0x2e: {  	s3 =	simm.s32 @!p0 $0x1082;
	s9 =	sld [smem:$0x3FB0]  }
0x2f: {  	lr =	sadd.s32 s0, s3;
	s0 =	sld [smem:$0x3FA7]  }
0x30: {  	s3 =	sld [smem:$0x3FAA]  }
0x31: {  	[smem:$0x3FB3] =	sst s10  }
0x32: {  	s10 =	sld [smem:$0x3FB1];
	_ =	sdelay $0x3  }
0x33: {  	p0 =	seq.s32 s10, $0x1;
	s10 =	sld [smem:$0x3FB3];
	_ =	sdelay $0x3  }
0x34: {  	[smem:$0x3FB3] =	sst s10  }
0x35: {  	s10 =	sld [smem:$0x3FB2];
	_ =	sdelay $0x3  }
0x36: {  	p1 =	seq.s32 s10, $0x1;
	s10 =	sld [smem:$0x3FB3];
	_ =	sdelay $0x3  }
0x37: {  	[smem:$0x3FB3] =	sst s10  }
0x38: {  	s10 =	sld [smem:$0x3FB4]  }
0x39: {  	_ = 	snop;
	(pc) =	sbr.ind lr, $3  }
0x3a: {  	_ = 	snop  }
0x3b: {  	_ = 	snop  }
0x3c: {  	p2 =	seq.s32 s10, $0x1;
	s10 =	sld [smem:$0x3FB3]  }
0x3d: {  	_ =	shalt  }
0x3e: {  	_ =	shalt  }
0x3f: {  	_ =	shalt  }
0x40: {  	_ =	shalt  }
0x41: {  	_ =	shalt  }
0x42: {  	_ =	shalt  }
0x43: {  	_ =	shalt  }
0x44: {  	_ =	shalt  }
0x45: {  	_ =	shalt  }
0x46: {  	_ =	shalt  }
0x47: {  	_ =	shalt  }
0x48: {  	_ =	shalt  }
0x49: {  	_ =	shalt  }
0x4a: {  	_ =	shalt  }
0x4b: {  	_ =	shalt  }
0x4c: {  	_ =	shalt  }
0x4d: {  	_ =	shalt  }
0x4e: {  	_ =	shalt  }
0x4f: {  	_ =	shalt  }
0x50: {  	_ =	shalt  }
0x51: {  	_ =	shalt  }
0x52: {  	_ =	shalt  }
0x53: {  	_ =	shalt  }
0x54: {  	_ =	shalt  }
0x55: {  	_ =	shalt  }
0x56: {  	_ =	shalt  }
0x57: {  	_ =	shalt  }
0x58: {  	_ =	shalt  }
0x59: {  	_ =	shalt  }
0x5a: {  	_ =	shalt  }
0x5b: {  	_ =	shalt  }
0x5c: {  	_ =	shalt  }
0x5d: {  	_ =	shalt  }
0x5e: {  	_ =	shalt  }
0x5f: {  	_ =	shalt  }
0x60: {  	_ =	shalt  }
0x61: {  	_ =	shalt  }
0x62: {  	_ =	shalt  }
0x63: {  	_ =	shalt  }
0x64: {  	_ =	shalt  }
0x65: {  	_ =	shalt  }
0x66: {  	_ =	shalt  }
0x67: {  	_ =	shalt  }
0x68: {  	_ =	shalt  }
0x69: {  	_ =	shalt  }
0x6a: {  	_ =	shalt  }
0x6b: {  	_ =	shalt  }
0x6c: {  	_ =	shalt  }
0x6d: {  	_ =	shalt  }
0x6e: {  	_ =	shalt  }
0x6f: {  	_ =	shalt  }
0x70: {  	_ =	shalt  }
0x71: {  	_ =	shalt  }
0x72: {  	_ =	shalt  }
0x73: {  	_ =	shalt  }
0x74: {  	_ =	shalt  }
0x75: {  	_ =	shalt  }
0x76: {  	_ =	shalt  }
0x77: {  	_ =	shalt  }
0x78: {  	_ =	shalt  }
0x79: {  	_ =	shalt  }
0x7a: {  	_ =	shalt  }
0x7b: {  	_ =	shalt  }
0x7c: {  	_ =	shalt  }
0x7d: {  	_ =	shalt  }
0x7e: {  	_ =	shalt  }
0x7f: {  	_ =	shalt  }
0x80: {  	_ =	shalt  }
0x81: {  	_ =	shalt  }
0x82: {  	_ =	shalt  }
0x83: {  	_ =	shalt  }
0x84: {  	_ =	shalt  }
0x85: {  	_ =	shalt  }
0x86: {  	_ =	shalt  }
0x87: {  	_ =	shalt  }
.Lfunc_end0:
.L_simem_size_0:
called_computation_lowered:
.L_overlay_start_0:
0x88: {  	s2 =	sld [smem:$0x3FD9]  }
0x89: {  	s3 =	sld [smem:$0x3FFE];
	_ =	sdelay $0x1  }
0x8a: {  	s1 =	srdreg.scid  }
0x8b: {  	s0 =	sand.u32 $0x1, s1  }
0x8c: {  	s16 =	sshll.u32 s0, $0xA;
	s2 =	sadd.s32 s3, s2  }
0x8d: {  	s2 =	sadd.s32 s2, s16  }
0x8e: {  	[smem:$0x3FBF] =	sst s2  }
0x8f: {  	_ = 	snop  }
0x90: {  	(tm) =	ssettm $0x1  }
0x91: {  	s17 =	sld [smem:$0x3FFB];
	_ =	sdelay $0x3  }
0x92: {  	_ =	strace s17  }
0x93: {  	s2 =	sld [smem:$0x3FFC];
	_ =	sdelay $0x3  }
0x94: {  	_ =	strace s2  }
0x95: {  	s2 =	sld [smem:$0x3FFD];
	_ =	sdelay $0x3  }
0x96: {  	_ =	strace s2  }
0x97: {  	_ =	strace $0x8FFFFFFF  }
0x98: {  	s18 =	sld [smem:$0x3FDB];
	_ =	sdelay $0x1  }
0x99: {  	s19 =	simm.s32 $_scs_section_size  }
0x9a: {  	s4 =	simm.s32 $_size__tile_overlayer_lowered;
	s5 =	simm.s32 $_tile_overlayer_lowered  }
0x9b: {  	s22 =	simm.s32 $0x1BFF;
	s21 =	sshll.u32 s5, $0x1;
	s2 =	sadd.s32 s19, s18  }
0x9c: {  	s6 =	simm.s32 $0x0;
	s20 =	sshll.u32 s4, $0x1;
	s4 =	sadd.s32 s21, s2  }
0x9d: {  	[timem:s6], [sflag:s22] =	dma.local [hbm:s4], s20  }
0x9e: {  	_ =	swait.ge [sflag:s22], s20  }
0x9f: {  	s3 =	ssub.s32 $0x0, s20;
	[sflag:s22] =	ssyncset.done $0x0  }
0xa0: {  	[sflag:s22] =	ssyncadd.s32 s3;
	_ =	sdelay $0x1  }
0xa1: {  	s23 =	simm.s32 $0x1B8B  }
0xa2: {  	_ =	swait.ge [sflag:s23], $0x1  }
0xa3: {  	[sflag:s23] =	ssyncset.done $0x0  }
0xa4: {  	s25 =	simm.s32 $0x1B8E;
	s24 =	sld [smem:$0x3FFE];
	[sflag:s23] =	ssyncadd.s32 $0xFFFFFFFF  }
0xa5: {  	s26 =	simm.s32 $execute0_lowered;
	[smem:$0x3FD2] =	sst s25  }
0xa6: {  	s4 =	sshll.u32 s26, $0x1;
	_ =	strace $0x80000046;
	[dreg:$0x1] =	wrdreg $0xFFFFFFFF  }
0xa7: {  	s28 =	simm.s32 $_size_execute0_lowered;
	s2 =	sadd.s32 s2, s4;
	[dreg:$0x0] =	wrdreg $0x0  }
0xa8: {  	s4 =	sshll.u32 s28, $0x1;
	[dreg:$0x2] =	wrdreg s2  }
0xa9: {  	[dreg:$0x3] =	wrdreg s4  }
0xaa: {  	[dreg:$0x4] =	wrdreg $0xC0  }
0xab: {  	_ =	task [dreg:s6], $0x5FFFF  }
0xac: {  	[dreg:$0x1] =	wrdreg $0xFFFFFFFF  }
0xad: {  	[dreg:$0x0] =	wrdreg $0x60  }
0xae: {  	[dreg:$0x2] =	wrdreg s24  }
0xaf: {  	[dreg:$0x3] =	wrdreg $0x9  }
0xb0: {  	_ =	task.clear_ibuf [dreg:s6], $0x4FFFF;
	_ =	strace $0x90000046  }
0xb1: {  	s29 =	simm.s32 $0x9;
	_ =	strace $0x80000048  }
0xb2: {  	_ =	swait.ge [sflag:s29], $0x1  }
0xb3: {  	[sflag:s29] =	ssyncadd.s32 $0xFFFFFFFF  }
0xb4: {  	_ =	strace $0x90000048  }
0xb5: {  	_ =	sfence  }
0xb6: {  	s30 =	sld [smem:$0x0];
	_ =	sdelay $0x2  }
0xb7: {  	s31 =	sshll.u32 s1, $0xD;
	s1 =	sshrl.u32 s1, $0x2  }
0xb8: {  	s3 =	sand.u32 $0x4000, s31;
	s1 =	sadd.s32 s1, s30  }
0xb9: {  	s0 =	sor.u32 s3, s0;
	s1 =	sshll.u32 s1, $0x11  }
0xba: {  	s0 =	sor.u32 s1, s0  }
0xbb: {  	s0 =	sadd.s32 $0x8F2B, s0  }
0xbc: {  	[sflag:s0] =	ssyncadd.remote.s32 $0x1  }
0xbd: {  	_ =	sfence.sel $0xFFFF  }
0xbe: {  	[dreg:$0x0] =	wrdreg $0xFFFFFFFF;
	(pc) =	sbr.abs _section_cstart, $3  }
0xbf: {  	[dreg:$0x1] =	wrdreg $0xFFFFFFFF  }
0xc0: {  	_ =	task.clear_ibuf [dreg:s6], $0x2FFFF;
	_ =	strace $0x9FFFFFFF  }
0xc1: {  	(tm) =	ssettm $0x7FFFFFFF  }
tec
execute0_lowered:
.L_overlay_start_1:
0x0: {  	(tag) =	ssettag $0x1  }
0x1: {  	s2 =	simm.s32 $0x0;
	v0 =	vlaneseq.u32  }
0x2: {  	[smem:$0x7FF] =	sst s2;
	v19 =	vor.u32 $0x800000F0, v0;
	v20 =	vor.u32 $0x800000E0, v0  }
0x3: {  	v21 =	vor.u32 $0x800000D0, v0;
	v22 =	vor.u32 $0x800000C0, v0;
	v23 =	vor.u32 $0x800000B0, v0  }
0x4: {  	v24 =	vor.u32 $0x800000A0, v0;
	v25 =	vor.u32 $0x80000090, v0;
	v1 =	vor.u32 $0x70, v0  }
0x5: {  	s3 =	rddreg [dreg:$0x0];
	v26 =	vor.u32 $0x80000080, v0;
	v52 =	vor.u32 $0x80, v0;
	_ =	strace $0x80000047;
	[tilespmem:$0x1FE60] =	vst v1  }
0x6: {  	v27 =	vor.u32 $0x80000070, v0;
	v28 =	vor.u32 $0x80000060, v0;
	v53 =	vor.u32 $0x90, v0;
	[tilespmem:$0x1FE70] =	vst v52  }
0x7: {  	v29 =	vor.u32 $0x80000050, v0;
	v30 =	vor.u32 $0x80000040, v0;
	v54 =	vor.u32 $0xA0, v0;
	[tilespmem:$0x1FE80] =	vst v53  }
0x8: {  	v31 =	vor.u32 $0x80000030, v0;
	v59 =	vor.u32 $0x80000020, v0;
	v55 =	vor.u32 $0xB0, v0;
	[tilespmem:$0x1FE90] =	vst v54  }
0x9: {  	v60 =	vor.u32 $0x80000010, v0;
	v61 =	vor.u32 $0x80000000, v0;
	v56 =	vor.u32 $0xC0, v0;
	[tilespmem:$0x1FEA0] =	vst v55  }
0xa: {  	v62 =	vor.u32 $0x10, v0;
	v63 =	vor.u32 $0x20, v0;
	v57 =	vor.u32 $0xD0, v0;
	[tilespmem:$0x1FEB0] =	vst v56  }
0xb: {  	v15 =	vor.u32 $0x30, v0;
	v16 =	vor.u32 $0x40, v0;
	v58 =	vor.u32 $0xE0, v0;
	[tilespmem:$0x1FEC0] =	vst v57  }
0xc: {  	v17 =	vor.u32 $0x50, v0;
	v18 =	vor.u32 $0x60, v0;
	v0 =	vor.u32 $0xF0, v0;
	[tilespmem:$0x1FED0] =	vst v58  }
0xd: {  	[tilespmem:$0x1FEE0] =	vst v0  }
0xe: {  	[tilespmem:$0x1FEF0] =	vst v19  }
0xf: {  	[tilespmem:$0x1FF00] =	vst v20  }
0x10: {  	[tilespmem:$0x1FF10] =	vst v21  }
0x11: {  	[tilespmem:$0x1FF20] =	vst v22  }
0x12: {  	s0 =	srdreg.scid;
	s1 =	stileid.u32;
	s29 =	simm.s32 $0x1;
	[tilespmem:$0x1FF30] =	vst v23  }
0x13: {  	s30 =	simm.s32 $0x2;
	s0 =	sand.u32 $0x1, s0;
	s1 =	sshll.u32 s1, $0x1;
	[tilespmem:$0x1FF40] =	vst v24  }
0x14: {  	s18 =	simm.s32 $0x0;
	s6 =	sadd.s32 $0x2A00, s3;
	s1 =	sor.u32 s0, s1;
	[tilespmem:$0x1FF50] =	vst v25  }
0x15: {  	[dreg:$0x2] =	wrdreg s6;
	s0 =	ssub.s32 $0x2, s0;
	[tilespmem:$0x1FF60] =	vst v26;
	s4 =	smul.u32 $0x700, s1  }
0x16: {  	[tilespmem:$0x1FF70] =	vst v27;
	s5 =	smul.u32 $0x70, s1;
	s1 =	sshll.u32 s1, $0x4;
	s31 =	sshrl.u32 s0, $0x1  }
0x17: {  	[tilespmem:$0x1FF80] =	vst v28;
	s1 =	sadd.s32 s1, s3;
	s0 =	ssub.s32 s0, s31;
	s4 =	sshrl.u32 s4, $0x3  }
0x18: {  	[tilespmem:$0x1FF90] =	vst v29;
	s5 =	sadd.s32 s5, s3;
	s15 =	sadd.s32 $0x15200, s1;
	s16 =	sadd.s32 $0x15400, s1  }
0x19: {  	[tilespmem:$0x1FFA0] =	vst v30;
	s17 =	smax.u32 s0, $0x1;
	s1 =	simm.s32 $0x3;
	s4 =	sadd.s32 s4, s3  }
0x1a: {  	[tilespmem:$0x1FFB0] =	vst v31;
	s14 =	sadd.s32 $0x1C00, s5;
	s24 =	sadd.s32 $0x3A00, s4;
	s25 =	sadd.s32 $0x5600, s4  }
0x1b: {  	[tilespmem:$0x1FFC0] =	vst v18;
	s26 =	sadd.s32 $0x7200, s4;
	s28 =	sadd.s32 $0x8E00, s4;
	[dreg:$0x3] =	wrdreg s24  }
0x1c: {  	[tilespmem:$0x1FFD0] =	vst v15;
	s8 =	sadd.s32 $0xAA00, s4;
	s9 =	sadd.s32 $0xC600, s4;
	[dreg:$0x4] =	wrdreg s25  }
0x1d: {  	[tilespmem:$0x1FFE0] =	vst v16;
	s10 =	sadd.s32 $0xE200, s4;
	s11 =	sadd.s32 $0xFE00, s4;
	[dreg:$0x5] =	wrdreg s26  }
0x1e: {  	v32 =	vimm.f32 $3.000000010e+38;
	[tilespmem:$0x1FFF0] =	vst v17;
	s12 =	sadd.s32 $0x11A00, s4;
	s13 =	sadd.s32 $0x13600, s4;
	[dreg:$0x6] =	wrdreg s28  }
.LBB2_1:
0x1f: {  	s0 =	rddreg [dreg:$0x3];
	s3 =	simm.s32 $0x8000  }
0x20: {  	[tilespmem:s3], [sflag:$0x1] =	stream.linear.gather [hbm4b:s0+s2], $0x700, $0x38;
	[tilespmem:$0xD280] =	vst v63  }
0x21: {  	s5 =	rddreg [dreg:$0x4];
	s6 =	simm.s32 $0x8700  }
0x22: {  	[tilespmem:s6], [sflag:$0x1] =	stream.linear.gather [hbm4b:s5+s2], $0x700, $0x38;
	[tilespmem:$0xD280] =	vst v63  }
0x23: {  	s7 =	rddreg [dreg:$0x5];
	s19 =	simm.s32 $0x8E00  }
0x24: {  	[tilespmem:s19], [sflag:$0x1] =	stream.linear.gather [hbm4b:s7+s2], $0x700, $0x38;
	[tilespmem:$0xD280] =	vst v63  }
0x25: {  	s20 =	rddreg [dreg:$0x6];
	s21 =	simm.s32 $0x9500  }
0x26: {  	[tilespmem:s21], [sflag:$0x1] =	stream.linear.gather [hbm4b:s20+s2], $0x700, $0x38;
	[tilespmem:$0xD280] =	vst v63  }
0x27: {  	s22 =	simm.s32 $0x9C00  }
0x28: {  	[tilespmem:s22], [sflag:$0x1] =	stream.linear.gather [hbm4b:s8+s2], $0x700, $0x38;
	[tilespmem:$0xD280] =	vst v63  }
0x29: {  	s19 =	simm.s32 $0xA300  }
0x2a: {  	[tilespmem:s19], [sflag:$0x1] =	stream.linear.gather [hbm4b:s9+s2], $0x700, $0x38;
	[tilespmem:$0xD280] =	vst v63  }
0x2b: {  	s23 =	simm.s32 $0xAA00  }
0x2c: {  	[tilespmem:s23], [sflag:$0x1] =	stream.linear.gather [hbm4b:s10+s2], $0x700, $0x38;
	[tilespmem:$0xD280] =	vst v63  }
0x2d: {  	s24 =	simm.s32 $0xB100  }
0x2e: {  	[tilespmem:s24], [sflag:$0x1] =	stream.linear.gather [hbm4b:s11+s2], $0x700, $0x38;
	[tilespmem:$0xD280] =	vst v63  }
0x2f: {  	s25 =	simm.s32 $0xB800  }
0x30: {  	[tilespmem:s25], [sflag:$0x1] =	stream.linear.gather [hbm4b:s12+s2], $0x700, $0x38;
	[tilespmem:$0xD280] =	vst v63  }
0x31: {  	s26 =	simm.s32 $0xBF00  }
0x32: {  	[tilespmem:s26], [sflag:$0x1] =	stream.linear.gather [hbm4b:s13+s2], $0x700, $0x38;
	[tilespmem:$0xD280] =	vst v63  }
0x33: {  	s28 =	simm.s32 $0xC600  }
0x34: {  	[tilespmem:s28], [sflag:$0x1] =	stream.linear.gather [hbm4b:s14+s2], $0x380, $0x38;
	[tilespmem:$0xD280] =	vst v63  }
0x35: {  	s31 =	rddreg [dreg:$0x2]  }
0x36: {  	[tilespmem:s2], [sflag:$0x2] =	stream.linear.gather [hbm4b:s31+s2], $0x8000, $0x38;
	[tilespmem:$0xD280] =	vst v63  }
0x37: {  	_ =	swait.ge [sflag:s29], $0x700  }
0x38: {  	[sflag:s29] =	ssyncset.done $0x0  }
0x39: {  	[sflag:s29] =	ssyncadd.s32 $0xFFFFF900  }
0x3a: {  	_ =	swait.ge [sflag:s29], $0x700  }
0x3b: {  	[sflag:s29] =	ssyncset.done $0x0  }
0x3c: {  	[sflag:s29] =	ssyncadd.s32 $0xFFFFF900  }
0x3d: {  	_ =	swait.ge [sflag:s29], $0x700  }
0x3e: {  	[sflag:s29] =	ssyncset.done $0x0  }
0x3f: {  	[sflag:s29] =	ssyncadd.s32 $0xFFFFF900  }
0x40: {  	_ =	swait.ge [sflag:s29], $0x700  }
0x41: {  	[sflag:s29] =	ssyncset.done $0x0  }
0x42: {  	[sflag:s29] =	ssyncadd.s32 $0xFFFFF900  }
0x43: {  	_ =	swait.ge [sflag:s29], $0x700  }
0x44: {  	[sflag:s29] =	ssyncset.done $0x0  }
0x45: {  	[sflag:s29] =	ssyncadd.s32 $0xFFFFF900  }
0x46: {  	_ =	swait.ge [sflag:s29], $0x700  }
0x47: {  	[sflag:s29] =	ssyncset.done $0x0  }
0x48: {  	[sflag:s29] =	ssyncadd.s32 $0xFFFFF900  }
0x49: {  	_ =	swait.ge [sflag:s29], $0x700  }
0x4a: {  	[sflag:s29] =	ssyncset.done $0x0  }
0x4b: {  	[sflag:s29] =	ssyncadd.s32 $0xFFFFF900  }
0x4c: {  	_ =	swait.ge [sflag:s29], $0x700  }
0x4d: {  	[sflag:s29] =	ssyncset.done $0x0  }
0x4e: {  	[sflag:s29] =	ssyncadd.s32 $0xFFFFF900  }
0x4f: {  	_ =	swait.ge [sflag:s29], $0x700  }
0x50: {  	[sflag:s29] =	ssyncset.done $0x0  }
0x51: {  	[sflag:s29] =	ssyncadd.s32 $0xFFFFF900  }
0x52: {  	_ =	swait.ge [sflag:s29], $0x700  }
0x53: {  	[sflag:s29] =	ssyncset.done $0x0  }
0x54: {  	[sflag:s29] =	ssyncadd.s32 $0xFFFFF900  }
0x55: {  	_ =	swait.ge [sflag:s29], $0x380  }
0x56: {  	[sflag:s29] =	ssyncset.done $0x0  }
0x57: {  	s20 =	simm.s32 $0x0;
	[sflag:s29] =	ssyncadd.s32 $0xFFFFFC80  }
.LBB2_2:
0x58: {  	v33 =	vld [tilespmem:s19+$0xFFFFDD00]  }
0x59: {  	v34 =	vld [tilespmem:s19+$0xFFFFE400]  }
0x5a: {  	v35 =	vld [tilespmem:s19+$0xFFFFEB00]  }
0x5b: {  	v36 =	vld [tilespmem:s19+$0xFFFFF200]  }
0x5c: {  	v46 =	vld [tilespmem:s19+$0xFFFFF900]  }
0x5d: {  	v50 =	vld [tilespmem:s19+$0x0]  }
0x5e: {  	v53 =	vld [tilespmem:s19+$0x700]  }
0x5f: {  	v0 =	vld [tilespmem:s19+$0xE00]  }
0x60: {  	v21 =	vld [tilespmem:s19+$0x1500]  }
0x61: {  	v22 =	vld [tilespmem:s19+$0x1C00]  }
0x62: {  	v49 =	vld [tilespmem:s19+$0xFFFFDD10]  }
0x63: {  	v55 =	vld [tilespmem:s19+$0xFFFFE410]  }
0x64: {  	v56 =	vld [tilespmem:s19+$0xFFFFEB10]  }
0x65: {  	v57 =	vld [tilespmem:s19+$0xFFFFF210]  }
0x66: {  	v58 =	vld [tilespmem:s19+$0xFFFFF910]  }
0x67: {  	v15 =	vld [tilespmem:s19+$0x10]  }
0x68: {  	v40 =	vld [tilespmem:s19+$0x710]  }
0x69: {  	v52 =	vld [tilespmem:s19+$0xE10]  }
0x6a: {  	v23 =	vld [tilespmem:s19+$0x1510]  }
0x6b: {  	v24 =	vld [tilespmem:s19+$0x1C10]  }
0x6c: {  	v17 =	vld [tilespmem:s19+$0xFFFFE420]  }
0x6d: {  	v18 =	vld [tilespmem:s19+$0xFFFFEB20]  }
0x6e: {  	v19 =	vld [tilespmem:s19+$0xFFFFF220]  }
0x6f: {  	v20 =	vld [tilespmem:s19+$0xFFFFF920]  }
0x70: {  	v38 =	vld [tilespmem:s19+$0xE20]  }
0x71: {  	v45 =	vld [tilespmem:s19+$0x1520]  }
0x72: {  	v1 =	vld [tilespmem:s19+$0x1C20]  }
0x73: {  	v26 =	vld [tilespmem:s19+$0xFFFFDD30]  }
0x74: {  	v27 =	vld [tilespmem:s19+$0xFFFFE430]  }
0x75: {  	v28 =	vld [tilespmem:s19+$0xFFFFEB30]  }
0x76: {  	v29 =	vld [tilespmem:s19+$0xFFFFF230]  }
0x77: {  	v30 =	vld [tilespmem:s19+$0xFFFFF930]  }
0x78: {  	v31 =	vld [tilespmem:s19+$0x30]  }
0x79: {  	v7 =	vld [tilespmem:s19+$0x730]  }
0x7a: {  	v10 =	vld [tilespmem:s19+$0xE30]  }
0x7b: {  	v43 =	vld [tilespmem:s19+$0x1C30]  }
0x7c: {  	v37 =	vld [tilespmem:s19+$0xFFFFDD40]  }
0x7d: {  	v42 =	vld [tilespmem:s19+$0xFFFFEB40]  }
0x7e: {  	v54 =	vld [tilespmem:s19+$0xFFFFF240]  }
0x7f: {  	v25 =	vld [tilespmem:s19+$0xFFFFF940]  }
0x80: {  	v39 =	vld [tilespmem:s19+$0x40]  }
0x81: {  	v41 =	vld [tilespmem:s19+$0x740]  }
0x82: {  	v44 =	vld [tilespmem:s19+$0xE40]  }
0x83: {  	v47 =	vld [tilespmem:s19+$0x1540]  }
0x84: {  	v48 =	vld [tilespmem:s19+$0x1C40]  }
0x85: {  	v12 =	vld [tilespmem:s19+$0xFFFFDD50]  }
0x86: {  	v13 =	vld [tilespmem:s19+$0xFFFFE450]  }
0x87: {  	v14 =	vld [tilespmem:s19+$0xFFFFEB50]  }
0x88: {  	v51 =	vld [tilespmem:s19+$0x50]  }
0x89: {  	v4 =	vld [tilespmem:s19+$0x750]  }
0x8a: {  	v5 =	vld [tilespmem:s19+$0xE50]  }
0x8b: {  	v6 =	vld [tilespmem:s19+$0x1550]  }
0x8c: {  	v8 =	vld [tilespmem:s19+$0x1C50]  }
0x8d: {  	v11 =	vld [tilespmem:s19+$0xFFFFF260]  }
0x8e: {  	v9 =	vld [tilespmem:s19+$0x760]  }
0x8f: {  	v16 =	vld [tilespmem:s19+$0xE60]  }
0x90: {  	v2 =	vld [tilespmem:s19+$0xFFFFDD70]  }
0x91: {  	v3 =	vld [tilespmem:s19+$0xFFFFEB70]  }
0x92: {  	[tilespmem:$0x1FC40] =	vst v0;
	v0 =	vld [tilespmem:s19+$0xFFFFDD20]  }
0x93: {  	[tilespmem:$0x1FC50] =	vst v21;
	v21 =	vld [tilespmem:s19+$0x20]  }
0x94: {  	[tilespmem:$0x1FC70] =	vst v22;
	v22 =	vld [tilespmem:s19+$0x720]  }
0x95: {  	[tilespmem:$0x1FC80] =	vst v24;
	v24 =	vld [tilespmem:s19+$0x1530]  }
0x96: {  	[tilespmem:$0x1FC60] =	vst v23;
	v23 =	vld [tilespmem:s19+$0xFFFFE440]  }
0x97: {  	[tilespmem:$0x1FCB0] =	vst v39;
	v39 =	vld [tilespmem:s19+$0xFFFFF250]  }
0x98: {  	[tilespmem:$0x1FD60] =	vst v48;
	v48 =	vld [tilespmem:s19+$0xFFFFF950]  }
0x99: {  	[tilespmem:$0x1FD10] =	vst v5;
	v5 =	vld [tilespmem:s19+$0xFFFFDD60]  }
0x9a: {  	[tilespmem:$0x1FCE0] =	vst v4;
	v4 =	vld [tilespmem:s19+$0xFFFFE460]  }
0x9b: {  	[tilespmem:$0x1FD80] =	vst v8;
	v8 =	vld [tilespmem:s19+$0xFFFFEB60]  }
0x9c: {  	[tilespmem:$0x1FCA0] =	vst v25;
	v25 =	vld [tilespmem:s19+$0xFFFFF960]  }
0x9d: {  	[tilespmem:$0x1FCF0] =	vst v44;
	v44 =	vld [tilespmem:s19+$0x60]  }
0x9e: {  	[tilespmem:$0x1FCD0] =	vst v41;
	v41 =	vld [tilespmem:s19+$0x1560]  }
0x9f: {  	[tilespmem:$0x1FD20] =	vst v47;
	v47 =	vld [tilespmem:s19+$0x1C60]  }
0xa0: {  	[tilespmem:$0x1FC90] =	vst v1;
	v1 =	vld [tilespmem:s19+$0xFFFFE470]  }
0xa1: {  	[tilespmem:$0x1FD40] =	vst v6;
	v6 =	vld [tilespmem:s19+$0xFFFFF270]  }
0xa2: {  	[tilespmem:$0x1FD00] =	vst v9;
	v9 =	vld [tilespmem:s19+$0xFFFFF970]  }
0xa3: {  	[tilespmem:$0x1FD30] =	vst v16;
	v16 =	vld [tilespmem:s19+$0x70]  }
0xa4: {  	[tilespmem:$0x1FCC0] =	vst v51;
	v51 =	vld [tilespmem:s19+$0x1570]  }
0xa5: {  	v49 =	vadd.f32 v55, v49;
	v55 =	vld [tilespmem:s19+$0xFFFFEB90];
	v26 =	vadd.f32 v27, v26  }
0xa6: {  	v33 =	vadd.f32 v34, v33;
	v27 =	vld [tilespmem:s19+$0xFFFFF990]  }
0xa7: {  	v26 =	vadd.f32 v28, v26;
	v28 =	vld [tilespmem:s19+$0x790]  }
0xa8: {  	v33 =	vadd.f32 v35, v33;
	v34 =	vadd.f32 v56, v49;
	v49 =	vld [tilespmem:s19+$0x1590]  }
0xa9: {  	v35 =	vld [tilespmem:$0x1FC40]  }
0xaa: {  	v33 =	vadd.f32 v36, v33;
	v36 =	vld [tilespmem:$0x1FC50]  }
0xab: {  	v34 =	vadd.f32 v57, v34;
	v57 =	vadd.f32 v13, v12;
	v12 =	vld [tilespmem:s19+$0xFFFFDDB0]  }
0xac: {  	v13 =	vld [tilespmem:s19+$0xEB0]  }
0xad: {  	[tilespmem:$0x1FD70] =	vst v41;
	v41 =	vld [tilespmem:s19+$0x770]  }
0xae: {  	[tilespmem:$0x1FDA0] =	vst v47;
	v47 =	vld [tilespmem:s19+$0xE70]  }
0xaf: {  	[tilespmem:$0x1FD90] =	vst v51;
	v51 =	vld [tilespmem:s19+$0x1C70]  }
0xb0: {  	v0 =	vadd.f32 v17, v0;
	v17 =	vld [tilespmem:s19+$0xFFFFF290]  }
0xb1: {  	v4 =	vadd.f32 v4, v5;
	v5 =	vld [tilespmem:s19+$0xFFFFE4B0]  }
0xb2: {  	v1 =	vadd.f32 v1, v2;
	v2 =	vld [tilespmem:s19+$0xFFFFEBB0]  }
0xb3: {  	v56 =	vadd.f32 v23, v37;
	v23 =	vld [tilespmem:$0x1FCB0]  }
0xb4: {  	v26 =	vadd.f32 v29, v26;
	v37 =	vld [tilespmem:$0x1FCE0]  }
0xb5: {  	v33 =	vadd.f32 v46, v33;
	v46 =	vld [tilespmem:s19+$0x1C90]  }
0xb6: {  	v26 =	vadd.f32 v30, v26;
	v30 =	vld [tilespmem:s19+$0xFFFFDDA0]  }
0xb7: {  	v34 =	vadd.f32 v58, v34;
	v58 =	vld [tilespmem:$0x1FCA0]  }
0xb8: {  	v0 =	vadd.f32 v18, v0;
	v18 =	vld [tilespmem:s19+$0x90]  }
0xb9: {  	v4 =	vadd.f32 v8, v4;
	v8 =	vld [tilespmem:s19+$0xFFFFF2B0]  }
0xba: {  	v1 =	vadd.f32 v3, v1;
	v3 =	vld [tilespmem:s19+$0xFFFFF9B0]  }
0xbb: {  	v26 =	vadd.f32 v31, v26;
	v31 =	vld [tilespmem:s19+$0xFFFFEBA0]  }
0xbc: {  	v33 =	vadd.f32 v50, v33;
	v50 =	vld [tilespmem:s19+$0xA0]  }
0xbd: {  	v34 =	vadd.f32 v15, v34;
	v15 =	vld [tilespmem:s19+$0xFFFFDDC0]  }
0xbe: {  	v0 =	vadd.f32 v19, v0;
	v19 =	vld [tilespmem:s19+$0xE90]  }
0xbf: {  	v4 =	vadd.f32 v11, v4;
	v11 =	vld [tilespmem:s19+$0xB0]  }
0xc0: {  	v1 =	vadd.f32 v6, v1;
	v6 =	vld [tilespmem:s19+$0x7B0]  }
0xc1: {  	[tilespmem:$0x1FDD0] =	vst v51;
	v51 =	vld [tilespmem:s19+$0xFFFFDD80]  }
0xc2: {  	[tilespmem:$0x1FD50] =	vst v47;
	v47 =	vld [tilespmem:s19+$0xFFFFE490]  }
0xc3: {  	v7 =	vadd.f32 v7, v26;
	v26 =	vld [tilespmem:s19+$0xFFFFF9A0]  }
0xc4: {  	v29 =	vadd.f32 v53, v33;
	v53 =	vld [tilespmem:s19+$0x15A0]  }
0xc5: {  	v5 =	vadd.f32 v5, v12;
	v12 =	vld [tilespmem:s19+$0xFFFFDDD0]  }
0xc6: {  	v0 =	vadd.f32 v20, v0;
	v20 =	vadd.f32 v40, v34;
	v40 =	vld [tilespmem:$0x1FC70]  }
0xc7: {  	v1 =	vadd.f32 v9, v1;
	v9 =	vld [tilespmem:s19+$0x15B0]  }
0xc8: {  	[tilespmem:$0x1FDB0] =	vst v51;
	v51 =	vld [tilespmem:s19+$0xFFFFE480]  }
0xc9: {  	v4 =	vadd.f32 v25, v4;
	v25 =	vld [tilespmem:$0x1FCD0]  }
0xca: {  	v7 =	vadd.f32 v10, v7;
	v10 =	vld [tilespmem:s19+$0x7A0]  }
0xcb: {  	v2 =	vadd.f32 v2, v5;
	v5 =	vld [tilespmem:s19+$0xFFFFEBD0]  }
0xcc: {  	v0 =	vadd.f32 v21, v0;
	v21 =	vld [tilespmem:s19+$0xFFFFE4A0]  }
0xcd: {  	[tilespmem:$0x1FDC0] =	vst v51;
	v51 =	vld [tilespmem:s19+$0xFFFFEB80]  }
0xce: {  	v20 =	vadd.f32 v52, v20;
	v52 =	vld [tilespmem:$0x1FC90]  }
0xcf: {  	v4 =	vadd.f32 v44, v4;
	v44 =	vld [tilespmem:$0x1FD40]  }
0xd0: {  	v7 =	vadd.f32 v24, v7;
	v24 =	vld [tilespmem:$0x1FCC0]  }
0xd1: {  	v29 =	vadd.f32 v35, v29;
	v2 =	vadd.f32 v8, v2;
	v8 =	vld [tilespmem:s19+$0xFFFFF9D0]  }
0xd2: {  	v1 =	vadd.f32 v16, v1;
	[tilespmem:$0x1FDE0] =	vst v51;
	v51 =	vld [tilespmem:s19+$0xFFFFF280]  }
0xd3: {  	v29 =	vadd.f32 v36, v29;
	v0 =	vadd.f32 v22, v0;
	v22 =	vld [tilespmem:s19+$0xFFFFF2A0]  }
0xd4: {  	v1 =	vadd.f32 v41, v1;
	v41 =	vld [tilespmem:$0x1FDD0]  }
0xd5: {  	v33 =	vadd.f32 v40, v29;
	v29 =	vld [tilespmem:s19+$0xEA0]  }
0xd6: {  	v36 =	vadd.f32 v43, v7;
	v7 =	vadd.f32 v14, v57;
	v14 =	vld [tilespmem:s19+$0x1CB0]  }
0xd7: {  	[tilespmem:$0x1FDF0] =	vst v51;
	v51 =	vld [tilespmem:s19+$0xFFFFF980]  }
0xd8: {  	v40 =	vld [tilespmem:$0x1FD10]  }
0xd9: {  	v43 =	vld [tilespmem:$0x1FD30]  }
0xda: {  	v57 =	vld [tilespmem:$0x1FDA0]  }
0xdb: {  	v2 =	vadd.f32 v3, v2;
	v3 =	vld [tilespmem:s19+$0x7D0]  }
0xdc: {  	[tilespmem:$0x1FE00] =	vst v51;
	v51 =	vld [tilespmem:s19+$0x80]  }
0xdd: {  	v0 =	vadd.f32 v38, v0;
	v38 =	vld [tilespmem:$0x1FC60]  }
0xde: {  	v7 =	vadd.f32 v39, v7;
	v39 =	vld [tilespmem:$0x1FD00]  }
0xdf: {  	v21 =	vadd.f32 v21, v30;
	v30 =	vld [tilespmem:s19+$0x1CC0]  }
0xe0: {  	v2 =	vadd.f32 v11, v2;
	v11 =	vld [tilespmem:s19+$0x15D0]  }
0xe1: {  	[tilespmem:$0x1FE10] =	vst v51;
	v51 =	vld [tilespmem:s19+$0x780]  }
0xe2: {  	v0 =	vadd.f32 v45, v0;
	v45 =	vld [tilespmem:$0x1FC80]  }
0xe3: {  	v7 =	vadd.f32 v48, v7;
	v48 =	vld [tilespmem:$0x1FD60]  }
0xe4: {  	v21 =	vadd.f32 v31, v21;
	v31 =	vld [tilespmem:s19+$0xFFFFE4D0]  }
0xe5: {  	v2 =	vadd.f32 v6, v2;
	v6 =	vld [tilespmem:s19+$0xFFFFDDE0]  }
0xe6: {  	[tilespmem:$0x1FE20] =	vst v51;
	v51 =	vld [tilespmem:s19+$0xE80]  }
0xe7: {  	v35 =	vadd.f32 v52, v0;
	v0 =	vadd.f32 v42, v56;
	v42 =	vld [tilespmem:$0x1FD20]  }
0xe8: {  	v52 =	vld [tilespmem:$0x1FD70]  }
0xe9: {  	v56 =	vld [tilespmem:$0x1FD90]  }
0xea: {  	v20 =	vadd.f32 v38, v20;
	v38 =	vld [tilespmem:$0x1FCF0]  }
0xeb: {  	[tilespmem:$0x1FE30] =	vst v51;
	v51 =	vld [tilespmem:s19+$0x1580]  }
0xec: {  	v7 =	vadd.f32 v24, v7;
	v24 =	vld [tilespmem:s19+$0xFFFFEBC0]  }
0xed: {  	v2 =	vadd.f32 v13, v2;
	v13 =	vld [tilespmem:s19+$0xFFFFDDF0];
	v0 =	vadd.f32 v54, v0  }
0xee: {  	v54 =	vld [tilespmem:$0x1FD80]  }
0xef: {  	v34 =	vadd.f32 v45, v20;
	v20 =	vld [tilespmem:s19+$0x1CA0];
	v0 =	vadd.f32 v58, v0  }
0xf0: {  	[tilespmem:$0x1FE40] =	vst v51;
	v51 =	vld [tilespmem:s19+$0x1C80]  }
0xf1: {  	v7 =	vadd.f32 v37, v7;
	v45 =	vld [tilespmem:$0x1FD50];
	v0 =	vadd.f32 v23, v0  }
0xf2: {  	v4 =	vadd.f32 v39, v4;
	v58 =	vld [tilespmem:$0x1FDB0]  }
0xf3: {  	v7 =	vadd.f32 v40, v7;
	v40 =	vld [tilespmem:$0x1FDC0];
	v0 =	vadd.f32 v25, v0  }
0xf4: {  	v4 =	vadd.f32 v43, v4;
	v43 =	vld [tilespmem:$0x1FDE0]  }
0xf5: {  	v0 =	vadd.f32 v38, v0;
	[tilespmem:$0x1FE50] =	vst v51;
	v51 =	vld [tilespmem:s19+$0xFFFFDD90]  }
0xf6: {  	v23 =	vld [tilespmem:s19+$0xFFFFE4C0];
	v7 =	vadd.f32 v44, v7  }
0xf7: {  	v25 =	vld [tilespmem:s19+$0xFFFFF2C0];
	v0 =	vadd.f32 v42, v0  }
0xf8: {  	v1 =	vadd.f32 v45, v1;
	v45 =	vld [tilespmem:s19+$0xFFFFF9C0];
	v38 =	vadd.f32 v54, v7  }
0xf9: {  	v7 =	vld [tilespmem:s19+$0x7C0];
	v37 =	vadd.f32 v48, v0;
	v0 =	vadd.f32 v52, v4  }
0xfa: {  	v1 =	vadd.f32 v56, v1;
	v44 =	vld [tilespmem:$0x1FDF0];
	v42 =	vadd.f32 v47, v51  }
0xfb: {  	v4 =	vld [tilespmem:s19+$0xC0];
	v39 =	vadd.f32 v57, v0;
	v0 =	vadd.f32 v40, v58  }
0xfc: {  	v48 =	vld [tilespmem:s19+$0xEC0];
	v40 =	vadd.f32 v41, v1;
	v1 =	vadd.f32 v55, v42  }
0xfd: {  	v58 =	vld [tilespmem:s19+$0xFFFFE4E0]  }
0xfe: {  	v51 =	vld [tilespmem:$0x1FE00];
	v1 =	vadd.f32 v17, v1  }
0xff: {  	v52 =	vadd.f32 v22, v21;
	v21 =	vld [tilespmem:s19+$0xFFFFF2D0];
	v0 =	vadd.f32 v43, v0  }
0x100: {  	v54 =	vld [tilespmem:$0x1FE10];
	v1 =	vadd.f32 v27, v1  }
0x101: {  	v22 =	vld [tilespmem:s19+$0xD0];
	v0 =	vadd.f32 v44, v0  }
0x102: {  	v55 =	vld [tilespmem:$0x1FE20];
	v17 =	vadd.f32 v26, v52;
	v1 =	vadd.f32 v18, v1  }
0x103: {  	v6 =	vadd.f32 v58, v6;
	v58 =	vld [tilespmem:s19+$0xFFFFF2F0];
	v0 =	vadd.f32 v51, v0  }
0x104: {  	v56 =	vld [tilespmem:$0x1FE30];
	v17 =	vadd.f32 v50, v17;
	v1 =	vadd.f32 v28, v1  }
0x105: {  	v57 =	vld [tilespmem:$0x1FE40];
	v0 =	vadd.f32 v54, v0  }
0x106: {  	v51 =	vld [tilespmem:s19+$0xFFFFE4F0];
	v10 =	vadd.f32 v10, v17;
	v1 =	vadd.f32 v19, v1  }
0x107: {  	v47 =	vld [tilespmem:s19+$0x15C0];
	v52 =	vadd.f32 v9, v2;
	v0 =	vadd.f32 v55, v0  }
0x108: {  	v10 =	vadd.f32 v29, v10;
	v1 =	vadd.f32 v49, v1;
	v49 =	vld [tilespmem:$0x1FE50]  }
0x109: {  	v44 =	vadd.f32 v14, v52;
	v52 =	vld [tilespmem:s19+$0x7E0];
	v0 =	vadd.f32 v56, v0  }
0x10a: {  	v54 =	vadd.f32 v23, v15;
	v50 =	vadd.f32 v53, v10;
	v53 =	vld [tilespmem:s19+$0xFFFFEBE0]  }
0x10b: {  	v55 =	vld [tilespmem:s19+$0xFFFFEBF0];
	v16 =	vadd.f32 v51, v13;
	v0 =	vadd.f32 v57, v0  }
0x10c: {  	v56 =	vadd.f32 v31, v12;
	v57 =	vld [tilespmem:s19+$0xFFFFF2E0];
	v43 =	vadd.f32 v20, v50  }
0x10d: {  	v14 =	vld [tilespmem:s19+$0x15E0];
	v41 =	vadd.f32 v49, v0;
	v0 =	vadd.f32 v24, v54  }
0x10e: {  	v42 =	vadd.f32 v46, v1;
	v1 =	vadd.f32 v5, v56;
	v46 =	vld [tilespmem:s19+$0xFFFFF9E0]  }
0x10f: {  	v2 =	vadd.f32 v53, v6;
	v49 =	vld [tilespmem:s19+$0xFFFFF9F0];
	v0 =	vadd.f32 v25, v0  }
0x110: {  	v50 =	vld [tilespmem:s19+$0xE0];
	v5 =	vadd.f32 v55, v16;
	v1 =	vadd.f32 v21, v1  }
0x111: {  	v51 =	vld [tilespmem:s19+$0xF0];
	v2 =	vadd.f32 v57, v2;
	v0 =	vadd.f32 v45, v0  }
0x112: {  	v18 =	vld [tilespmem:s19+$0xED0];
	v53 =	vmax.f32 v33, v34;
	v5 =	vadd.f32 v58, v5;
	v1 =	vadd.f32 v8, v1  }
0x113: {  	v55 =	vmax.f32 v53, v35;
	v54 =	vld [tilespmem:s19+$0x7F0];
	v2 =	vadd.f32 v46, v2;
	v0 =	vadd.f32 v4, v0  }
0x114: {  	v56 =	vld [tilespmem:s19+$0xEE0];
	v10 =	vmax.f32 v55, v36;
	v1 =	vadd.f32 v22, v1;
	v5 =	vadd.f32 v49, v5  }
0x115: {  	v57 =	vld [tilespmem:s19+$0xEF0];
	v58 =	vmax.f32 v10, v37;
	v2 =	vadd.f32 v50, v2;
	v0 =	vadd.f32 v7, v0  }
0x116: {  	v15 =	vld [tilespmem:s19+$0x15F0];
	v9 =	vmax.f32 v58, v38;
	v1 =	vadd.f32 v3, v1;
	v13 =	vadd.f32 v51, v5  }
0x117: {  	v17 =	vld [tilespmem:s19+$0x1CD0];
	v9 =	vmax.f32 v9, v39;
	v2 =	vadd.f32 v52, v2;
	v0 =	vadd.f32 v48, v0  }
0x118: {  	v45 =	vld [tilespmem:s19+$0x1CE0];
	v9 =	vmax.f32 v9, v40;
	v1 =	vadd.f32 v18, v1;
	v3 =	vadd.f32 v54, v13  }
0x119: {  	v46 =	vld [tilespmem:s19+$0x1CF0];
	v9 =	vmax.f32 v9, v41;
	v2 =	vadd.f32 v56, v2;
	v0 =	vadd.f32 v47, v0  }
0x11a: {  	v1 =	vadd.f32 v11, v1;
	v3 =	vadd.f32 v57, v3;
	v47 =	vmax.f32 v9, v42  }
0x11b: {  	v2 =	vadd.f32 v14, v2;
	v48 =	vmax.f32 v47, v43;
	v0 =	vadd.f32 v30, v0  }
0x11c: {  	v1 =	vadd.f32 v17, v1;
	v3 =	vadd.f32 v15, v3;
	v5 =	vmax.f32 v48, v44  }
0x11d: {  	v2 =	vadd.f32 v45, v2;
	v49 =	vmax.f32 v5, v0  }
0x11e: {  	v3 =	vadd.f32 v46, v3;
	v4 =	vmax.f32 v49, v1  }
0x11f: {  	v4 =	vmax.f32 v4, v2  }
0x120: {  	v4 =	vmax.f32 v4, v3  }
0x121: {  	(xrf0) =	vmax.scan.msk.f32 $0xffff, v4;
	_ =	sdelay $0x4  }
0x122: {  	v19 =	vld [tilespmem:$0x1FEF0]  }
0x123: {  	v20 =	vld [tilespmem:$0x1FF00];
	v4, _, _ =	vpop (xrf0)  }
0x124: {  	v21 =	vld [tilespmem:$0x1FF10];
	v4 =	vbroadcast v4, $0xF  }
0x125: {  	v22 =	vld [tilespmem:$0x1FF20]  }
0x126: {  	v23 =	vld [tilespmem:$0x1FF30];
	vm0 =	veq.f32 v3, v4  }
0x127: {  	v24 =	vld [tilespmem:$0x1FF40];
	vm1 =	veq.f32 v2, v4;
	v50 =	vnsel vm0, $0x80000100, v19  }
0x128: {  	v25 =	vld [tilespmem:$0x1FF50];
	vm10 =	veq.f32 v1, v4;
	v5 =	vsel vm1, v20, v50  }
0x129: {  	v26 =	vld [tilespmem:$0x1FF60];
	vm11 =	veq.f32 v0, v4;
	v5 =	vsel vm10, v21, v5  }
0x12a: {  	v27 =	vld [tilespmem:$0x1FF70];
	vm12 =	veq.f32 v44, v4;
	v5 =	vsel vm11, v22, v5  }
0x12b: {  	v28 =	vld [tilespmem:$0x1FF80];
	vm13 =	veq.f32 v43, v4;
	v5 =	vsel vm12, v23, v5  }
0x12c: {  	v29 =	vld [tilespmem:$0x1FF90];
	vm14 =	veq.f32 v42, v4;
	v5 =	vsel vm13, v24, v5  }
0x12d: {  	v30 =	vld [tilespmem:$0x1FFA0];
	vm15 =	veq.f32 v41, v4;
	v5 =	vsel vm14, v25, v5  }
0x12e: {  	v31 =	vld [tilespmem:$0x1FFB0];
	vm4 =	veq.f32 v40, v4;
	v5 =	vsel vm15, v26, v5  }
0x12f: {  	vm5 =	veq.f32 v39, v4;
	v5 =	vsel vm4, v27, v5  }
0x130: {  	vm6 =	veq.f32 v38, v4;
	v5 =	vsel vm5, v28, v5  }
0x131: {  	vm7 =	veq.f32 v37, v4;
	v5 =	vsel vm6, v29, v5  }
0x132: {  	vm8 =	veq.f32 v36, v4;
	v5 =	vsel vm7, v30, v5  }
0x133: {  	vm9 =	veq.f32 v35, v4;
	v5 =	vsel vm8, v31, v5  }
0x134: {  	vm10 =	veq.f32 v34, v4;
	v5 =	vsel vm9, v59, v5  }
0x135: {  	vm11 =	veq.f32 v33, v4;
	v51 =	vsel vm10, v60, v5  }
0x136: {  	v4 =	vsel vm11, v61, v51  }
0x137: {  	(xrf0) =	vmin.scan.msk.u32 $0xffff, v4;
	_ =	sdelay $0x5  }
0x138: {  	v4, _, _ =	vpop (xrf0)  }
0x139: {  	(v2sf) =	vpush v4, $0xF;
	_ =	sdelay $0xe  }
0x13a: {  	s0 =	spop (v2sf)  }
0x13b: {  	s21 =	sxor.u32 $0x80000000, s0  }
0x13c: {  	v52 =	vmov s21  }
0x13d: {  	vm13 =	veq.s32 v52, v62  }
0x13e: {  	v6 =	vsel vm13, $0xFF61B1E6, v34;
	v34 =	vld [tilespmem:$0x1FFD0];
	_ =	sdelay $0x3  }
0x13f: {  	vm14 =	veq.s32 v52, v63  }
0x140: {  	v53 =	vsel vm14, $0xFF61B1E6, v35;
	v35 =	vld [tilespmem:$0x1FFE0];
	vm15 =	veq.s32 v52, v34  }
0x141: {  	v9 =	vsel vm15, $0xFF61B1E6, v36;
	v36 =	vld [tilespmem:$0x1FFF0];
	_ =	sdelay $0x3  }
0x142: {  	v18 =	vlaneseq.u32;
	v54 =	vld [tilespmem:$0x1FFC0];
	vm4 =	veq.s32 v52, v35  }
0x143: {  	vm12 =	veq.s32 v52, v18;
	v10 =	vsel vm4, $0xFF61B1E6, v37;
	v37 =	vld [tilespmem:$0x1FE60];
	vm5 =	veq.s32 v52, v36  }
0x144: {  	v5 =	vsel vm12, $0xFF61B1E6, v33;
	v33 =	vsel vm5, $0xFF61B1E6, v38;
	v38 =	vld [tilespmem:$0x1FE70];
	_ =	sdelay $0x2  }
0x145: {  	vm6 =	veq.s32 v52, v54  }
0x146: {  	v12 =	vsel vm6, $0xFF61B1E6, v39;
	v39 =	vld [tilespmem:$0x1FE80];
	vm7 =	veq.s32 v52, v37  }
0x147: {  	v55 =	vsel vm7, $0xFF61B1E6, v40;
	v40 =	vld [tilespmem:$0x1FE90];
	vm8 =	veq.s32 v52, v38  }
0x148: {  	v17 =	vmax.f32 v5, v6;
	v56 =	vsel vm8, $0xFF61B1E6, v41;
	v41 =	vld [tilespmem:$0x1FEA0]  }
0x149: {  	v8 =	vmax.f32 v17, v53  }
0x14a: {  	v8 =	vmax.f32 v8, v9  }
0x14b: {  	vm9 =	veq.s32 v52, v39;
	v8 =	vmax.f32 v8, v10  }
0x14c: {  	v57 =	vsel vm9, $0xFF61B1E6, v42;
	v42 =	vld [tilespmem:$0x1FEB0];
	v8 =	vmax.f32 v8, v33;
	vm10 =	veq.s32 v52, v40  }
0x14d: {  	v8 =	vmax.f32 v8, v12;
	v58 =	vsel vm10, $0xFF61B1E6, v43;
	v43 =	vld [tilespmem:$0x1FEC0];
	vm11 =	veq.s32 v52, v41  }
0x14e: {  	v8 =	vmax.f32 v8, v55;
	v48 =	vsel vm11, $0xFF61B1E6, v44;
	v44 =	vld [tilespmem:$0x1FED0]  }
0x14f: {  	v45 =	vld [tilespmem:$0x1FEE0];
	v8 =	vmax.f32 v8, v56  }
0x150: {  	v8 =	vmax.f32 v8, v57  }
0x151: {  	vm12 =	veq.s32 v52, v42;
	v8 =	vmax.f32 v8, v58  }
0x152: {  	v0 =	vsel vm12, $0xFF61B1E6, v0;
	vm13 =	veq.s32 v52, v43;
	v8 =	vmax.f32 v8, v48  }
0x153: {  	v1 =	vsel vm13, $0xFF61B1E6, v1;
	v8 =	vmax.f32 v8, v0;
	vm14 =	veq.s32 v52, v44  }
0x154: {  	vm15 =	veq.s32 v52, v45;
	v49 =	vmax.f32 v8, v1;
	v2 =	vsel vm14, $0xFF61B1E6, v2  }
0x155: {  	v3 =	vsel vm15, $0xFF61B1E6, v3;
	v4 =	vmax.f32 v49, v2  }
0x156: {  	v4 =	vmax.f32 v4, v3  }
0x157: {  	(xrf0) =	vmax.scan.msk.f32 $0xffff, v4;
	_ =	sdelay $0x5  }
0x158: {  	v4, _, _ =	vpop (xrf0)  }
0x159: {  	v4 =	vbroadcast v4, $0xF;
	_ =	sdelay $0x1  }
0x15a: {  	vm0 =	veq.f32 v3, v4  }
0x15b: {  	vm4 =	veq.f32 v2, v4;
	v50 =	vnsel vm0, $0x80000100, v19  }
0x15c: {  	vm5 =	veq.f32 v1, v4;
	v8 =	vsel vm4, v20, v50  }
0x15d: {  	vm6 =	veq.f32 v0, v4;
	v8 =	vsel vm5, v21, v8  }
0x15e: {  	vm7 =	veq.f32 v48, v4;
	v8 =	vsel vm6, v22, v8  }
0x15f: {  	vm8 =	veq.f32 v58, v4;
	v8 =	vsel vm7, v23, v8  }
0x160: {  	vm9 =	veq.f32 v57, v4;
	v8 =	vsel vm8, v24, v8  }
0x161: {  	vm10 =	veq.f32 v56, v4;
	v8 =	vsel vm9, v25, v8  }
0x162: {  	vm11 =	veq.f32 v55, v4;
	v8 =	vsel vm10, v26, v8  }
0x163: {  	vm12 =	veq.f32 v12, v4;
	v8 =	vsel vm11, v27, v8  }
0x164: {  	vm13 =	veq.f32 v33, v4;
	v8 =	vsel vm12, v28, v8  }
0x165: {  	vm14 =	veq.f32 v10, v4;
	v8 =	vsel vm13, v29, v8  }
0x166: {  	vm15 =	veq.f32 v9, v4;
	v8 =	vsel vm14, v30, v8  }
0x167: {  	vm4 =	veq.f32 v53, v4;
	v8 =	vsel vm15, v31, v8  }
0x168: {  	vm5 =	veq.f32 v6, v4;
	v8 =	vsel vm4, v59, v8  }
0x169: {  	vm6 =	veq.f32 v5, v4;
	v51 =	vsel vm5, v60, v8  }
0x16a: {  	v4 =	vsel vm6, v61, v51  }
0x16b: {  	(xrf0) =	vmin.scan.msk.u32 $0xffff, v4;
	_ =	sdelay $0x5  }
0x16c: {  	v4, _, _ =	vpop (xrf0)  }
0x16d: {  	(v2sf) =	vpush v4, $0xF;
	_ =	sdelay $0xe  }
0x16e: {  	s28 =	spop (v2sf)  }
0x16f: {  	s22 =	sxor.u32 $0x80000000, s28  }
0x170: {  	v52 =	vmov s22  }
0x171: {  	v54 =	vld [tilespmem:$0x1FFC0];
	vm7 =	veq.s32 v52, v18;
	vm8 =	veq.s32 v52, v62  }
0x172: {  	vm9 =	veq.s32 v52, v63;
	v5 =	vsel vm7, $0xFF61B1E6, v5;
	v6 =	vsel vm8, $0xFF61B1E6, v6  }
0x173: {  	vm10 =	veq.s32 v52, v34;
	v7 =	vsel vm9, $0xFF61B1E6, v53;
	v53 =	vmax.f32 v5, v6  }
0x174: {  	vm11 =	veq.s32 v52, v35;
	v9 =	vsel vm10, $0xFF61B1E6, v9;
	v8 =	vmax.f32 v53, v7  }
0x175: {  	vm12 =	veq.s32 v52, v36;
	v10 =	vsel vm11, $0xFF61B1E6, v10;
	v8 =	vmax.f32 v8, v9  }
0x176: {  	vm13 =	veq.s32 v52, v54;
	v11 =	vsel vm12, $0xFF61B1E6, v33;
	v8 =	vmax.f32 v8, v10  }
0x177: {  	vm14 =	veq.s32 v52, v37;
	v12 =	vsel vm13, $0xFF61B1E6, v12;
	v8 =	vmax.f32 v8, v11  }
0x178: {  	vm15 =	veq.s32 v52, v38;
	v13 =	vsel vm14, $0xFF61B1E6, v55;
	v8 =	vmax.f32 v8, v12  }
0x179: {  	vm4 =	veq.s32 v52, v39;
	v14 =	vsel vm15, $0xFF61B1E6, v56;
	v8 =	vmax.f32 v8, v13  }
0x17a: {  	vm5 =	veq.s32 v52, v40;
	v15 =	vsel vm4, $0xFF61B1E6, v57;
	v8 =	vmax.f32 v8, v14  }
0x17b: {  	vm6 =	veq.s32 v52, v41;
	v16 =	vsel vm5, $0xFF61B1E6, v58;
	v8 =	vmax.f32 v8, v15  }
0x17c: {  	v17 =	vsel vm6, $0xFF61B1E6, v48;
	vm7 =	veq.s32 v52, v42;
	v8 =	vmax.f32 v8, v16  }
0x17d: {  	vm8 =	veq.s32 v52, v43;
	v0 =	vsel vm7, $0xFF61B1E6, v0;
	v8 =	vmax.f32 v8, v17  }
0x17e: {  	vm9 =	veq.s32 v52, v44;
	v1 =	vsel vm8, $0xFF61B1E6, v1;
	v8 =	vmax.f32 v8, v0  }
0x17f: {  	vm10 =	veq.s32 v52, v45;
	v2 =	vsel vm9, $0xFF61B1E6, v2;
	v55 =	vmax.f32 v8, v1  }
0x180: {  	v3 =	vsel vm10, $0xFF61B1E6, v3;
	v4 =	vmax.f32 v55, v2  }
0x181: {  	v4 =	vmax.f32 v4, v3  }
0x182: {  	(xrf0) =	vmax.scan.msk.f32 $0xffff, v4;
	_ =	sdelay $0x5  }
0x183: {  	v4, _, _ =	vpop (xrf0)  }
0x184: {  	v4 =	vbroadcast v4, $0xF;
	_ =	sdelay $0x1  }
0x185: {  	vm0 =	veq.f32 v3, v4  }
0x186: {  	vm11 =	veq.f32 v2, v4;
	v56 =	vnsel vm0, $0x80000100, v19  }
0x187: {  	vm12 =	veq.f32 v1, v4;
	v8 =	vsel vm11, v20, v56  }
0x188: {  	vm13 =	veq.f32 v0, v4;
	v8 =	vsel vm12, v21, v8  }
0x189: {  	vm14 =	veq.f32 v17, v4;
	v8 =	vsel vm13, v22, v8  }
0x18a: {  	vm15 =	veq.f32 v16, v4;
	v8 =	vsel vm14, v23, v8  }
0x18b: {  	vm4 =	veq.f32 v15, v4;
	v8 =	vsel vm15, v24, v8  }
0x18c: {  	vm5 =	veq.f32 v14, v4;
	v8 =	vsel vm4, v25, v8  }
0x18d: {  	vm6 =	veq.f32 v13, v4;
	v8 =	vsel vm5, v26, v8  }
0x18e: {  	vm7 =	veq.f32 v12, v4;
	v8 =	vsel vm6, v27, v8  }
0x18f: {  	vm8 =	veq.f32 v11, v4;
	v8 =	vsel vm7, v28, v8  }
0x190: {  	vm9 =	veq.f32 v10, v4;
	v8 =	vsel vm8, v29, v8  }
0x191: {  	vm10 =	veq.f32 v9, v4;
	v8 =	vsel vm9, v30, v8  }
0x192: {  	vm11 =	veq.f32 v7, v4;
	v8 =	vsel vm10, v31, v8  }
0x193: {  	vm12 =	veq.f32 v6, v4;
	v8 =	vsel vm11, v59, v8  }
0x194: {  	vm13 =	veq.f32 v5, v4;
	v57 =	vsel vm12, v60, v8  }
0x195: {  	v4 =	vsel vm13, v61, v57  }
0x196: {  	(xrf0) =	vmin.scan.msk.u32 $0xffff, v4;
	_ =	sdelay $0x5  }
0x197: {  	v4, _, _ =	vpop (xrf0)  }
0x198: {  	(v2sf) =	vpush v4, $0xF;
	_ =	sdelay $0xe  }
0x199: {  	s31 =	spop (v2sf)  }
0x19a: {  	s23 =	sxor.u32 $0x80000000, s31  }
0x19b: {  	v58 =	vmov s23  }
0x19c: {  	v46 =	vld [tilespmem:$0x1FFC0];
	vm14 =	veq.s32 v58, v18;
	vm15 =	veq.s32 v58, v62  }
0x19d: {  	vm4 =	veq.s32 v58, v63;
	v5 =	vsel vm14, $0xFF61B1E6, v5;
	v6 =	vsel vm15, $0xFF61B1E6, v6  }
0x19e: {  	vm5 =	veq.s32 v58, v34;
	v7 =	vsel vm4, $0xFF61B1E6, v7;
	v33 =	vmax.f32 v5, v6  }
0x19f: {  	vm6 =	veq.s32 v58, v35;
	v9 =	vsel vm5, $0xFF61B1E6, v9;
	v8 =	vmax.f32 v33, v7  }
0x1a0: {  	vm7 =	veq.s32 v58, v36;
	v10 =	vsel vm6, $0xFF61B1E6, v10;
	v8 =	vmax.f32 v8, v9  }
0x1a1: {  	vm8 =	veq.s32 v58, v46;
	v11 =	vsel vm7, $0xFF61B1E6, v11;
	v8 =	vmax.f32 v8, v10  }
0x1a2: {  	vm9 =	veq.s32 v58, v37;
	v12 =	vsel vm8, $0xFF61B1E6, v12;
	v8 =	vmax.f32 v8, v11  }
0x1a3: {  	vm10 =	veq.s32 v58, v38;
	v13 =	vsel vm9, $0xFF61B1E6, v13;
	v8 =	vmax.f32 v8, v12  }
0x1a4: {  	vm11 =	veq.s32 v58, v39;
	v14 =	vsel vm10, $0xFF61B1E6, v14;
	v8 =	vmax.f32 v8, v13  }
0x1a5: {  	vm12 =	veq.s32 v58, v40;
	v15 =	vsel vm11, $0xFF61B1E6, v15;
	v8 =	vmax.f32 v8, v14  }
0x1a6: {  	vm13 =	veq.s32 v58, v41;
	v16 =	vsel vm12, $0xFF61B1E6, v16;
	v8 =	vmax.f32 v8, v15  }
0x1a7: {  	v17 =	vsel vm13, $0xFF61B1E6, v17;
	vm14 =	veq.s32 v58, v42;
	v8 =	vmax.f32 v8, v16  }
0x1a8: {  	vm15 =	veq.s32 v58, v43;
	v0 =	vsel vm14, $0xFF61B1E6, v0;
	v8 =	vmax.f32 v8, v17  }
0x1a9: {  	vm4 =	veq.s32 v58, v44;
	v1 =	vsel vm15, $0xFF61B1E6, v1;
	v8 =	vmax.f32 v8, v0  }
0x1aa: {  	vm5 =	veq.s32 v58, v45;
	v2 =	vsel vm4, $0xFF61B1E6, v2;
	v47 =	vmax.f32 v8, v1  }
0x1ab: {  	v3 =	vsel vm5, $0xFF61B1E6, v3;
	v4 =	vmax.f32 v47, v2  }
0x1ac: {  	v4 =	vmax.f32 v4, v3  }
0x1ad: {  	(xrf0) =	vmax.scan.msk.f32 $0xffff, v4;
	_ =	sdelay $0x5  }
0x1ae: {  	v4, _, _ =	vpop (xrf0)  }
0x1af: {  	v4 =	vbroadcast v4, $0xF;
	_ =	sdelay $0x1  }
0x1b0: {  	vm0 =	veq.f32 v3, v4  }
0x1b1: {  	vm6 =	veq.f32 v2, v4;
	v48 =	vnsel vm0, $0x80000100, v19  }
0x1b2: {  	vm7 =	veq.f32 v1, v4;
	v8 =	vsel vm6, v20, v48  }
0x1b3: {  	vm8 =	veq.f32 v0, v4;
	v8 =	vsel vm7, v21, v8  }
0x1b4: {  	vm9 =	veq.f32 v17, v4;
	v8 =	vsel vm8, v22, v8  }
0x1b5: {  	vm10 =	veq.f32 v16, v4;
	v8 =	vsel vm9, v23, v8  }
0x1b6: {  	vm11 =	veq.f32 v15, v4;
	v8 =	vsel vm10, v24, v8  }
0x1b7: {  	vm12 =	veq.f32 v14, v4;
	v8 =	vsel vm11, v25, v8  }
0x1b8: {  	vm13 =	veq.f32 v13, v4;
	v8 =	vsel vm12, v26, v8  }
0x1b9: {  	vm14 =	veq.f32 v12, v4;
	v8 =	vsel vm13, v27, v8  }
0x1ba: {  	vm15 =	veq.f32 v11, v4;
	v8 =	vsel vm14, v28, v8  }
0x1bb: {  	vm4 =	veq.f32 v10, v4;
	v8 =	vsel vm15, v29, v8  }
0x1bc: {  	vm5 =	veq.f32 v9, v4;
	v8 =	vsel vm4, v30, v8  }
0x1bd: {  	vm6 =	veq.f32 v7, v4;
	v8 =	vsel vm5, v31, v8  }
0x1be: {  	vm7 =	veq.f32 v6, v4;
	v8 =	vsel vm6, v59, v8  }
0x1bf: {  	vm8 =	veq.f32 v5, v4;
	v49 =	vsel vm7, v60, v8  }
0x1c0: {  	v4 =	vsel vm8, v61, v49  }
0x1c1: {  	(xrf0) =	vmin.scan.msk.u32 $0xffff, v4;
	_ =	sdelay $0x5  }
0x1c2: {  	v4, _, _ =	vpop (xrf0)  }
0x1c3: {  	(v2sf) =	vpush v4, $0xF;
	_ =	sdelay $0xe  }
0x1c4: {  	s3 =	spop (v2sf)  }
0x1c5: {  	s24 =	sxor.u32 $0x80000000, s3  }
0x1c6: {  	v50 =	vmov s24  }
0x1c7: {  	v52 =	vld [tilespmem:$0x1FFC0];
	vm9 =	veq.s32 v50, v18;
	vm10 =	veq.s32 v50, v62  }
0x1c8: {  	vm11 =	veq.s32 v50, v63;
	v5 =	vsel vm9, $0xFF61B1E6, v5;
	v6 =	vsel vm10, $0xFF61B1E6, v6  }
0x1c9: {  	vm12 =	veq.s32 v50, v34;
	v7 =	vsel vm11, $0xFF61B1E6, v7;
	v51 =	vmax.f32 v5, v6  }
0x1ca: {  	vm13 =	veq.s32 v50, v35;
	v9 =	vsel vm12, $0xFF61B1E6, v9;
	v8 =	vmax.f32 v51, v7  }
0x1cb: {  	vm14 =	veq.s32 v50, v36;
	v10 =	vsel vm13, $0xFF61B1E6, v10;
	v8 =	vmax.f32 v8, v9  }
0x1cc: {  	vm15 =	veq.s32 v50, v52;
	v11 =	vsel vm14, $0xFF61B1E6, v11;
	v8 =	vmax.f32 v8, v10  }
0x1cd: {  	vm4 =	veq.s32 v50, v37;
	v12 =	vsel vm15, $0xFF61B1E6, v12;
	v8 =	vmax.f32 v8, v11  }
0x1ce: {  	vm5 =	veq.s32 v50, v38;
	v13 =	vsel vm4, $0xFF61B1E6, v13;
	v8 =	vmax.f32 v8, v12  }
0x1cf: {  	vm6 =	veq.s32 v50, v39;
	v14 =	vsel vm5, $0xFF61B1E6, v14;
	v8 =	vmax.f32 v8, v13  }
0x1d0: {  	vm7 =	veq.s32 v50, v40;
	v15 =	vsel vm6, $0xFF61B1E6, v15;
	v8 =	vmax.f32 v8, v14  }
0x1d1: {  	vm8 =	veq.s32 v50, v41;
	v16 =	vsel vm7, $0xFF61B1E6, v16;
	v8 =	vmax.f32 v8, v15  }
0x1d2: {  	v17 =	vsel vm8, $0xFF61B1E6, v17;
	vm9 =	veq.s32 v50, v42;
	v8 =	vmax.f32 v8, v16  }
0x1d3: {  	vm10 =	veq.s32 v50, v43;
	v0 =	vsel vm9, $0xFF61B1E6, v0;
	v8 =	vmax.f32 v8, v17  }
0x1d4: {  	vm11 =	veq.s32 v50, v44;
	v1 =	vsel vm10, $0xFF61B1E6, v1;
	v8 =	vmax.f32 v8, v0  }
0x1d5: {  	vm12 =	veq.s32 v50, v45;
	v2 =	vsel vm11, $0xFF61B1E6, v2;
	v53 =	vmax.f32 v8, v1  }
0x1d6: {  	v3 =	vsel vm12, $0xFF61B1E6, v3;
	v4 =	vmax.f32 v53, v2  }
0x1d7: {  	v4 =	vmax.f32 v4, v3  }
0x1d8: {  	(xrf0) =	vmax.scan.msk.f32 $0xffff, v4;
	_ =	sdelay $0x5  }
0x1d9: {  	v4, _, _ =	vpop (xrf0)  }
0x1da: {  	v4 =	vbroadcast v4, $0xF;
	_ =	sdelay $0x1  }
0x1db: {  	vm0 =	veq.f32 v3, v4  }
0x1dc: {  	vm13 =	veq.f32 v2, v4;
	v54 =	vnsel vm0, $0x80000100, v19  }
0x1dd: {  	vm14 =	veq.f32 v1, v4;
	v8 =	vsel vm13, v20, v54  }
0x1de: {  	vm15 =	veq.f32 v0, v4;
	v8 =	vsel vm14, v21, v8  }
0x1df: {  	vm4 =	veq.f32 v17, v4;
	v8 =	vsel vm15, v22, v8  }
0x1e0: {  	vm5 =	veq.f32 v16, v4;
	v8 =	vsel vm4, v23, v8  }
0x1e1: {  	vm6 =	veq.f32 v15, v4;
	v8 =	vsel vm5, v24, v8  }
0x1e2: {  	vm7 =	veq.f32 v14, v4;
	v8 =	vsel vm6, v25, v8  }
0x1e3: {  	vm8 =	veq.f32 v13, v4;
	v8 =	vsel vm7, v26, v8  }
0x1e4: {  	vm9 =	veq.f32 v12, v4;
	v8 =	vsel vm8, v27, v8  }
0x1e5: {  	vm10 =	veq.f32 v11, v4;
	v8 =	vsel vm9, v28, v8  }
0x1e6: {  	vm11 =	veq.f32 v10, v4;
	v8 =	vsel vm10, v29, v8  }
0x1e7: {  	vm12 =	veq.f32 v9, v4;
	v8 =	vsel vm11, v30, v8  }
0x1e8: {  	vm13 =	veq.f32 v7, v4;
	v8 =	vsel vm12, v31, v8  }
0x1e9: {  	vm14 =	veq.f32 v6, v4;
	v8 =	vsel vm13, v59, v8  }
0x1ea: {  	vm15 =	veq.f32 v5, v4;
	v55 =	vsel vm14, v60, v8  }
0x1eb: {  	v4 =	vsel vm15, v61, v55  }
0x1ec: {  	(xrf0) =	vmin.scan.msk.u32 $0xffff, v4;
	_ =	sdelay $0x5  }
0x1ed: {  	v4, _, _ =	vpop (xrf0)  }
0x1ee: {  	(v2sf) =	vpush v4, $0xF;
	_ =	sdelay $0xe  }
0x1ef: {  	s4 =	spop (v2sf)  }
0x1f0: {  	s0 =	sxor.u32 $0x80000000, s4  }
0x1f1: {  	v56 =	vmov s0  }
0x1f2: {  	v58 =	vld [tilespmem:$0x1FFC0];
	vm4 =	veq.s32 v56, v18;
	vm5 =	veq.s32 v56, v62  }
0x1f3: {  	vm6 =	veq.s32 v56, v63;
	v5 =	vsel vm4, $0xFF61B1E6, v5;
	v6 =	vsel vm5, $0xFF61B1E6, v6  }
0x1f4: {  	vm7 =	veq.s32 v56, v34;
	v7 =	vsel vm6, $0xFF61B1E6, v7;
	v57 =	vmax.f32 v5, v6  }
0x1f5: {  	vm8 =	veq.s32 v56, v35;
	v9 =	vsel vm7, $0xFF61B1E6, v9;
	v8 =	vmax.f32 v57, v7  }
0x1f6: {  	vm9 =	veq.s32 v56, v36;
	v10 =	vsel vm8, $0xFF61B1E6, v10;
	v8 =	vmax.f32 v8, v9  }
0x1f7: {  	vm10 =	veq.s32 v56, v58;
	v11 =	vsel vm9, $0xFF61B1E6, v11;
	v8 =	vmax.f32 v8, v10  }
0x1f8: {  	vm11 =	veq.s32 v56, v37;
	v12 =	vsel vm10, $0xFF61B1E6, v12;
	v8 =	vmax.f32 v8, v11  }
0x1f9: {  	vm12 =	veq.s32 v56, v38;
	v13 =	vsel vm11, $0xFF61B1E6, v13;
	v8 =	vmax.f32 v8, v12  }
0x1fa: {  	vm13 =	veq.s32 v56, v39;
	v14 =	vsel vm12, $0xFF61B1E6, v14;
	v8 =	vmax.f32 v8, v13  }
0x1fb: {  	vm14 =	veq.s32 v56, v40;
	v15 =	vsel vm13, $0xFF61B1E6, v15;
	v8 =	vmax.f32 v8, v14  }
0x1fc: {  	vm15 =	veq.s32 v56, v41;
	v16 =	vsel vm14, $0xFF61B1E6, v16;
	v8 =	vmax.f32 v8, v15  }
0x1fd: {  	v17 =	vsel vm15, $0xFF61B1E6, v17;
	vm4 =	veq.s32 v56, v42;
	v8 =	vmax.f32 v8, v16  }
0x1fe: {  	vm5 =	veq.s32 v56, v43;
	v0 =	vsel vm4, $0xFF61B1E6, v0;
	v8 =	vmax.f32 v8, v17  }
0x1ff: {  	vm6 =	veq.s32 v56, v44;
	v1 =	vsel vm5, $0xFF61B1E6, v1;
	v8 =	vmax.f32 v8, v0  }
0x200: {  	vm7 =	veq.s32 v56, v45;
	v2 =	vsel vm6, $0xFF61B1E6, v2;
	v33 =	vmax.f32 v8, v1  }
0x201: {  	v3 =	vsel vm7, $0xFF61B1E6, v3;
	v4 =	vmax.f32 v33, v2  }
0x202: {  	v4 =	vmax.f32 v4, v3  }
0x203: {  	(xrf0) =	vmax.scan.msk.f32 $0xffff, v4;
	_ =	sdelay $0x5  }
0x204: {  	v4, _, _ =	vpop (xrf0)  }
0x205: {  	v4 =	vbroadcast v4, $0xF;
	_ =	sdelay $0x1  }
0x206: {  	vm0 =	veq.f32 v3, v4  }
0x207: {  	vm8 =	veq.f32 v2, v4;
	v46 =	vnsel vm0, $0x80000100, v19  }
0x208: {  	vm9 =	veq.f32 v1, v4;
	v8 =	vsel vm8, v20, v46  }
0x209: {  	vm10 =	veq.f32 v0, v4;
	v8 =	vsel vm9, v21, v8  }
0x20a: {  	vm11 =	veq.f32 v17, v4;
	v8 =	vsel vm10, v22, v8  }
0x20b: {  	vm12 =	veq.f32 v16, v4;
	v8 =	vsel vm11, v23, v8  }
0x20c: {  	vm13 =	veq.f32 v15, v4;
	v8 =	vsel vm12, v24, v8  }
0x20d: {  	vm14 =	veq.f32 v14, v4;
	v8 =	vsel vm13, v25, v8  }
0x20e: {  	vm15 =	veq.f32 v13, v4;
	v8 =	vsel vm14, v26, v8  }
0x20f: {  	vm4 =	veq.f32 v12, v4;
	v8 =	vsel vm15, v27, v8  }
0x210: {  	vm5 =	veq.f32 v11, v4;
	v8 =	vsel vm4, v28, v8  }
0x211: {  	vm6 =	veq.f32 v10, v4;
	v8 =	vsel vm5, v29, v8  }
0x212: {  	vm7 =	veq.f32 v9, v4;
	v8 =	vsel vm6, v30, v8  }
0x213: {  	vm8 =	veq.f32 v7, v4;
	v8 =	vsel vm7, v31, v8  }
0x214: {  	vm9 =	veq.f32 v6, v4;
	v8 =	vsel vm8, v59, v8  }
0x215: {  	vm10 =	veq.f32 v5, v4;
	v47 =	vsel vm9, v60, v8  }
0x216: {  	v4 =	vsel vm10, v61, v47  }
0x217: {  	(xrf0) =	vmin.scan.msk.u32 $0xffff, v4;
	_ =	sdelay $0x5  }
0x218: {  	v4, _, _ =	vpop (xrf0)  }
0x219: {  	(v2sf) =	vpush v4, $0xF;
	_ =	sdelay $0xe  }
0x21a: {  	s3 =	spop (v2sf)  }
0x21b: {  	s25 =	sxor.u32 $0x80000000, s3  }
0x21c: {  	v48 =	vmov s25  }
0x21d: {  	v50 =	vld [tilespmem:$0x1FFC0];
	vm11 =	veq.s32 v48, v18;
	vm12 =	veq.s32 v48, v62  }
0x21e: {  	vm13 =	veq.s32 v48, v63;
	v5 =	vsel vm11, $0xFF61B1E6, v5;
	v6 =	vsel vm12, $0xFF61B1E6, v6  }
0x21f: {  	vm14 =	veq.s32 v48, v34;
	v7 =	vsel vm13, $0xFF61B1E6, v7;
	v49 =	vmax.f32 v5, v6  }
0x220: {  	vm15 =	veq.s32 v48, v35;
	v9 =	vsel vm14, $0xFF61B1E6, v9;
	v8 =	vmax.f32 v49, v7  }
0x221: {  	vm4 =	veq.s32 v48, v36;
	v10 =	vsel vm15, $0xFF61B1E6, v10;
	v8 =	vmax.f32 v8, v9  }
0x222: {  	vm5 =	veq.s32 v48, v50;
	v11 =	vsel vm4, $0xFF61B1E6, v11;
	v8 =	vmax.f32 v8, v10  }
0x223: {  	vm6 =	veq.s32 v48, v37;
	v12 =	vsel vm5, $0xFF61B1E6, v12;
	v8 =	vmax.f32 v8, v11  }
0x224: {  	vm7 =	veq.s32 v48, v38;
	v13 =	vsel vm6, $0xFF61B1E6, v13;
	v8 =	vmax.f32 v8, v12  }
0x225: {  	vm8 =	veq.s32 v48, v39;
	v14 =	vsel vm7, $0xFF61B1E6, v14;
	v8 =	vmax.f32 v8, v13  }
0x226: {  	vm9 =	veq.s32 v48, v40;
	v15 =	vsel vm8, $0xFF61B1E6, v15;
	v8 =	vmax.f32 v8, v14  }
0x227: {  	vm10 =	veq.s32 v48, v41;
	v16 =	vsel vm9, $0xFF61B1E6, v16;
	v8 =	vmax.f32 v8, v15  }
0x228: {  	v17 =	vsel vm10, $0xFF61B1E6, v17;
	vm11 =	veq.s32 v48, v42;
	v8 =	vmax.f32 v8, v16  }
0x229: {  	vm12 =	veq.s32 v48, v43;
	v0 =	vsel vm11, $0xFF61B1E6, v0;
	v8 =	vmax.f32 v8, v17  }
0x22a: {  	vm13 =	veq.s32 v48, v44;
	v1 =	vsel vm12, $0xFF61B1E6, v1;
	v8 =	vmax.f32 v8, v0  }
0x22b: {  	vm14 =	veq.s32 v48, v45;
	v2 =	vsel vm13, $0xFF61B1E6, v2;
	v51 =	vmax.f32 v8, v1  }
0x22c: {  	v3 =	vsel vm14, $0xFF61B1E6, v3;
	v4 =	vmax.f32 v51, v2  }
0x22d: {  	v4 =	vmax.f32 v4, v3  }
0x22e: {  	(xrf0) =	vmax.scan.msk.f32 $0xffff, v4;
	_ =	sdelay $0x5  }
0x22f: {  	v4, _, _ =	vpop (xrf0)  }
0x230: {  	v4 =	vbroadcast v4, $0xF;
	_ =	sdelay $0x1  }
0x231: {  	vm0 =	veq.f32 v3, v4  }
0x232: {  	vm15 =	veq.f32 v2, v4;
	v52 =	vnsel vm0, $0x80000100, v19  }
0x233: {  	vm4 =	veq.f32 v1, v4;
	v8 =	vsel vm15, v20, v52  }
0x234: {  	vm5 =	veq.f32 v0, v4;
	v8 =	vsel vm4, v21, v8  }
0x235: {  	vm6 =	veq.f32 v17, v4;
	v8 =	vsel vm5, v22, v8  }
0x236: {  	vm7 =	veq.f32 v16, v4;
	v8 =	vsel vm6, v23, v8  }
0x237: {  	vm8 =	veq.f32 v15, v4;
	v8 =	vsel vm7, v24, v8  }
0x238: {  	vm9 =	veq.f32 v14, v4;
	v8 =	vsel vm8, v25, v8  }
0x239: {  	vm10 =	veq.f32 v13, v4;
	v8 =	vsel vm9, v26, v8  }
0x23a: {  	vm11 =	veq.f32 v12, v4;
	v8 =	vsel vm10, v27, v8  }
0x23b: {  	vm12 =	veq.f32 v11, v4;
	v8 =	vsel vm11, v28, v8  }
0x23c: {  	vm13 =	veq.f32 v10, v4;
	v8 =	vsel vm12, v29, v8  }
0x23d: {  	vm14 =	veq.f32 v9, v4;
	v8 =	vsel vm13, v30, v8  }
0x23e: {  	vm15 =	veq.f32 v7, v4;
	v8 =	vsel vm14, v31, v8  }
0x23f: {  	vm4 =	veq.f32 v6, v4;
	v8 =	vsel vm15, v59, v8  }
0x240: {  	vm5 =	veq.f32 v5, v4;
	v53 =	vsel vm4, v60, v8  }
0x241: {  	v4 =	vsel vm5, v61, v53  }
0x242: {  	(xrf0) =	vmin.scan.msk.u32 $0xffff, v4;
	_ =	sdelay $0x5  }
0x243: {  	v4, _, _ =	vpop (xrf0)  }
0x244: {  	(v2sf) =	vpush v4, $0xF;
	_ =	sdelay $0xe  }
0x245: {  	s5 =	spop (v2sf)  }
0x246: {  	s26 =	sxor.u32 $0x80000000, s5  }
0x247: {  	v54 =	vmov s26  }
0x248: {  	v56 =	vld [tilespmem:$0x1FFC0];
	vm6 =	veq.s32 v54, v18;
	vm7 =	veq.s32 v54, v62  }
0x249: {  	vm8 =	veq.s32 v54, v63;
	v5 =	vsel vm6, $0xFF61B1E6, v5;
	v6 =	vsel vm7, $0xFF61B1E6, v6  }
0x24a: {  	vm9 =	veq.s32 v54, v34;
	v7 =	vsel vm8, $0xFF61B1E6, v7;
	v55 =	vmax.f32 v5, v6  }
0x24b: {  	vm10 =	veq.s32 v54, v35;
	v9 =	vsel vm9, $0xFF61B1E6, v9;
	v8 =	vmax.f32 v55, v7  }
0x24c: {  	vm11 =	veq.s32 v54, v36;
	v10 =	vsel vm10, $0xFF61B1E6, v10;
	v8 =	vmax.f32 v8, v9  }
0x24d: {  	vm12 =	veq.s32 v54, v56;
	v11 =	vsel vm11, $0xFF61B1E6, v11;
	v8 =	vmax.f32 v8, v10  }
0x24e: {  	vm13 =	veq.s32 v54, v37;
	v12 =	vsel vm12, $0xFF61B1E6, v12;
	v8 =	vmax.f32 v8, v11  }
0x24f: {  	vm14 =	veq.s32 v54, v38;
	v13 =	vsel vm13, $0xFF61B1E6, v13;
	v8 =	vmax.f32 v8, v12  }
0x250: {  	vm15 =	veq.s32 v54, v39;
	v14 =	vsel vm14, $0xFF61B1E6, v14;
	v8 =	vmax.f32 v8, v13  }
0x251: {  	vm4 =	veq.s32 v54, v40;
	v15 =	vsel vm15, $0xFF61B1E6, v15;
	v8 =	vmax.f32 v8, v14  }
0x252: {  	vm5 =	veq.s32 v54, v41;
	v16 =	vsel vm4, $0xFF61B1E6, v16;
	v8 =	vmax.f32 v8, v15  }
0x253: {  	v17 =	vsel vm5, $0xFF61B1E6, v17;
	vm6 =	veq.s32 v54, v42;
	v8 =	vmax.f32 v8, v16  }
0x254: {  	vm7 =	veq.s32 v54, v43;
	v0 =	vsel vm6, $0xFF61B1E6, v0;
	v8 =	vmax.f32 v8, v17  }
0x255: {  	vm8 =	veq.s32 v54, v44;
	v1 =	vsel vm7, $0xFF61B1E6, v1;
	v8 =	vmax.f32 v8, v0  }
0x256: {  	vm9 =	veq.s32 v54, v45;
	v2 =	vsel vm8, $0xFF61B1E6, v2;
	v57 =	vmax.f32 v8, v1  }
0x257: {  	v3 =	vsel vm9, $0xFF61B1E6, v3;
	v4 =	vmax.f32 v57, v2  }
0x258: {  	v4 =	vmax.f32 v4, v3  }
0x259: {  	(xrf0) =	vmax.scan.msk.f32 $0xffff, v4;
	_ =	sdelay $0x5  }
0x25a: {  	v4, _, _ =	vpop (xrf0)  }
0x25b: {  	v4 =	vbroadcast v4, $0xF;
	_ =	sdelay $0x1  }
0x25c: {  	vm0 =	veq.f32 v3, v4  }
0x25d: {  	vm10 =	veq.f32 v2, v4;
	v58 =	vnsel vm0, $0x80000100, v19  }
0x25e: {  	vm11 =	veq.f32 v1, v4;
	v8 =	vsel vm10, v20, v58  }
0x25f: {  	vm12 =	veq.f32 v0, v4;
	v8 =	vsel vm11, v21, v8  }
0x260: {  	vm13 =	veq.f32 v17, v4;
	v8 =	vsel vm12, v22, v8  }
0x261: {  	vm14 =	veq.f32 v16, v4;
	v8 =	vsel vm13, v23, v8  }
0x262: {  	vm15 =	veq.f32 v15, v4;
	v8 =	vsel vm14, v24, v8  }
0x263: {  	vm4 =	veq.f32 v14, v4;
	v8 =	vsel vm15, v25, v8  }
0x264: {  	vm5 =	veq.f32 v13, v4;
	v8 =	vsel vm4, v26, v8  }
0x265: {  	vm6 =	veq.f32 v12, v4;
	v8 =	vsel vm5, v27, v8  }
0x266: {  	vm7 =	veq.f32 v11, v4;
	v8 =	vsel vm6, v28, v8  }
0x267: {  	vm8 =	veq.f32 v10, v4;
	v8 =	vsel vm7, v29, v8  }
0x268: {  	vm9 =	veq.f32 v9, v4;
	v8 =	vsel vm8, v30, v8  }
0x269: {  	vm10 =	veq.f32 v7, v4;
	v8 =	vsel vm9, v31, v8  }
0x26a: {  	vm11 =	veq.f32 v6, v4;
	v8 =	vsel vm10, v59, v8  }
0x26b: {  	vm12 =	veq.f32 v5, v4;
	v33 =	vsel vm11, v60, v8  }
0x26c: {  	v4 =	vsel vm12, v61, v33  }
0x26d: {  	(xrf0) =	vmin.scan.msk.u32 $0xffff, v4;
	_ =	sdelay $0x5  }
0x26e: {  	v4, _, _ =	vpop (xrf0)  }
0x26f: {  	(v2sf) =	vpush v4, $0xF;
	_ =	sdelay $0xe  }
0x270: {  	s6 =	spop (v2sf)  }
0x271: {  	s28 =	sxor.u32 $0x80000000, s6  }
0x272: {  	v46 =	vmov s28  }
0x273: {  	v48 =	vld [tilespmem:$0x1FFC0];
	vm13 =	veq.s32 v46, v18;
	vm14 =	veq.s32 v46, v62  }
0x274: {  	vm15 =	veq.s32 v46, v63;
	v5 =	vsel vm13, $0xFF61B1E6, v5;
	v6 =	vsel vm14, $0xFF61B1E6, v6  }
0x275: {  	vm4 =	veq.s32 v46, v34;
	v7 =	vsel vm15, $0xFF61B1E6, v7;
	v47 =	vmax.f32 v5, v6  }
0x276: {  	vm5 =	veq.s32 v46, v35;
	v9 =	vsel vm4, $0xFF61B1E6, v9;
	v8 =	vmax.f32 v47, v7  }
0x277: {  	vm6 =	veq.s32 v46, v36;
	v10 =	vsel vm5, $0xFF61B1E6, v10;
	v8 =	vmax.f32 v8, v9  }
0x278: {  	vm7 =	veq.s32 v46, v48;
	v11 =	vsel vm6, $0xFF61B1E6, v11;
	v8 =	vmax.f32 v8, v10  }
0x279: {  	vm8 =	veq.s32 v46, v37;
	v12 =	vsel vm7, $0xFF61B1E6, v12;
	v8 =	vmax.f32 v8, v11  }
0x27a: {  	vm9 =	veq.s32 v46, v38;
	v13 =	vsel vm8, $0xFF61B1E6, v13;
	v8 =	vmax.f32 v8, v12  }
0x27b: {  	vm10 =	veq.s32 v46, v39;
	v14 =	vsel vm9, $0xFF61B1E6, v14;
	v8 =	vmax.f32 v8, v13  }
0x27c: {  	vm11 =	veq.s32 v46, v40;
	v15 =	vsel vm10, $0xFF61B1E6, v15;
	v8 =	vmax.f32 v8, v14  }
0x27d: {  	vm12 =	veq.s32 v46, v41;
	v16 =	vsel vm11, $0xFF61B1E6, v16;
	v8 =	vmax.f32 v8, v15  }
0x27e: {  	v17 =	vsel vm12, $0xFF61B1E6, v17;
	vm13 =	veq.s32 v46, v42;
	v8 =	vmax.f32 v8, v16  }
0x27f: {  	vm14 =	veq.s32 v46, v43;
	v0 =	vsel vm13, $0xFF61B1E6, v0;
	v8 =	vmax.f32 v8, v17  }
0x280: {  	vm15 =	veq.s32 v46, v44;
	v1 =	vsel vm14, $0xFF61B1E6, v1;
	v8 =	vmax.f32 v8, v0  }
0x281: {  	vm4 =	veq.s32 v46, v45;
	v2 =	vsel vm15, $0xFF61B1E6, v2;
	v49 =	vmax.f32 v8, v1  }
0x282: {  	v3 =	vsel vm4, $0xFF61B1E6, v3;
	v4 =	vmax.f32 v49, v2  }
0x283: {  	v4 =	vmax.f32 v4, v3  }
0x284: {  	(xrf0) =	vmax.scan.msk.f32 $0xffff, v4;
	_ =	sdelay $0x5  }
0x285: {  	v4, _, _ =	vpop (xrf0)  }
0x286: {  	v4 =	vbroadcast v4, $0xF;
	_ =	sdelay $0x1  }
0x287: {  	vm0 =	veq.f32 v3, v4  }
0x288: {  	vm5 =	veq.f32 v2, v4;
	v50 =	vnsel vm0, $0x80000100, v19  }
0x289: {  	vm6 =	veq.f32 v1, v4;
	v8 =	vsel vm5, v20, v50  }
0x28a: {  	vm7 =	veq.f32 v0, v4;
	v8 =	vsel vm6, v21, v8  }
0x28b: {  	vm8 =	veq.f32 v17, v4;
	v8 =	vsel vm7, v22, v8  }
0x28c: {  	vm9 =	veq.f32 v16, v4;
	v8 =	vsel vm8, v23, v8  }
0x28d: {  	vm10 =	veq.f32 v15, v4;
	v8 =	vsel vm9, v24, v8  }
0x28e: {  	vm11 =	veq.f32 v14, v4;
	v8 =	vsel vm10, v25, v8  }
0x28f: {  	vm12 =	veq.f32 v13, v4;
	v8 =	vsel vm11, v26, v8  }
0x290: {  	vm13 =	veq.f32 v12, v4;
	v8 =	vsel vm12, v27, v8  }
0x291: {  	vm14 =	veq.f32 v11, v4;
	v8 =	vsel vm13, v28, v8  }
0x292: {  	vm15 =	veq.f32 v10, v4;
	v8 =	vsel vm14, v29, v8  }
0x293: {  	vm4 =	veq.f32 v9, v4;
	v8 =	vsel vm15, v30, v8  }
0x294: {  	vm5 =	veq.f32 v7, v4;
	v8 =	vsel vm4, v31, v8  }
0x295: {  	vm6 =	veq.f32 v6, v4;
	v8 =	vsel vm5, v59, v8  }
0x296: {  	vm7 =	veq.f32 v5, v4;
	v51 =	vsel vm6, v60, v8  }
0x297: {  	v4 =	vsel vm7, v61, v51  }
0x298: {  	(xrf0) =	vmin.scan.msk.u32 $0xffff, v4;
	_ =	sdelay $0x5  }
0x299: {  	v4, _, _ =	vpop (xrf0)  }
0x29a: {  	(v2sf) =	vpush v4, $0xF;
	_ =	sdelay $0xe  }
0x29b: {  	s7 =	spop (v2sf)  }
0x29c: {  	s3 =	sxor.u32 $0x80000000, s7  }
0x29d: {  	v52 =	vmov s3  }
0x29e: {  	v53 =	vld [tilespmem:$0x1FFC0];
	vm8 =	veq.s32 v52, v18;
	vm9 =	veq.s32 v52, v62  }
0x29f: {  	vm10 =	veq.s32 v52, v63;
	v5 =	vsel vm8, $0xFF61B1E6, v5;
	v6 =	vsel vm9, $0xFF61B1E6, v6  }
0x2a0: {  	vm11 =	veq.s32 v52, v34;
	v7 =	vsel vm10, $0xFF61B1E6, v7;
	v54 =	vmax.f32 v5, v6  }
0x2a1: {  	vm12 =	veq.s32 v52, v35;
	v9 =	vsel vm11, $0xFF61B1E6, v9;
	v8 =	vmax.f32 v54, v7  }
0x2a2: {  	vm13 =	veq.s32 v52, v36;
	v10 =	vsel vm12, $0xFF61B1E6, v10;
	v8 =	vmax.f32 v8, v9  }
0x2a3: {  	vm14 =	veq.s32 v52, v53;
	v11 =	vsel vm13, $0xFF61B1E6, v11;
	v8 =	vmax.f32 v8, v10  }
0x2a4: {  	vm15 =	veq.s32 v52, v37;
	v12 =	vsel vm14, $0xFF61B1E6, v12;
	v8 =	vmax.f32 v8, v11  }
0x2a5: {  	vm4 =	veq.s32 v52, v38;
	v13 =	vsel vm15, $0xFF61B1E6, v13;
	v8 =	vmax.f32 v8, v12  }
0x2a6: {  	vm5 =	veq.s32 v52, v39;
	v14 =	vsel vm4, $0xFF61B1E6, v14;
	v8 =	vmax.f32 v8, v13  }
0x2a7: {  	vm6 =	veq.s32 v52, v40;
	v15 =	vsel vm5, $0xFF61B1E6, v15;
	v8 =	vmax.f32 v8, v14  }
0x2a8: {  	vm7 =	veq.s32 v52, v41;
	v16 =	vsel vm6, $0xFF61B1E6, v16;
	v8 =	vmax.f32 v8, v15  }
0x2a9: {  	v17 =	vsel vm7, $0xFF61B1E6, v17;
	vm8 =	veq.s32 v52, v42;
	v8 =	vmax.f32 v8, v16  }
0x2aa: {  	vm9 =	veq.s32 v52, v43;
	v0 =	vsel vm8, $0xFF61B1E6, v0;
	v8 =	vmax.f32 v8, v17  }
0x2ab: {  	vm10 =	veq.s32 v52, v44;
	v1 =	vsel vm9, $0xFF61B1E6, v1;
	v8 =	vmax.f32 v8, v0  }
0x2ac: {  	vm11 =	veq.s32 v52, v45;
	v2 =	vsel vm10, $0xFF61B1E6, v2;
	v55 =	vmax.f32 v8, v1  }
0x2ad: {  	v3 =	vsel vm11, $0xFF61B1E6, v3;
	v4 =	vmax.f32 v55, v2  }
0x2ae: {  	v4 =	vmax.f32 v4, v3  }
0x2af: {  	(xrf0) =	vmax.scan.msk.f32 $0xffff, v4;
	_ =	sdelay $0x5  }
0x2b0: {  	v4, _, _ =	vpop (xrf0)  }
0x2b1: {  	v4 =	vbroadcast v4, $0xF;
	_ =	sdelay $0x1  }
0x2b2: {  	vm12 =	veq.f32 v3, v4  }
0x2b3: {  	vm13 =	veq.f32 v2, v4;
	v56 =	vnsel vm12, $0x80000100, v19  }
0x2b4: {  	vm14 =	veq.f32 v1, v4;
	v57 =	vsel vm13, v20, v56  }
0x2b5: {  	vm15 =	veq.f32 v0, v4;
	v58 =	vsel vm14, v21, v57  }
0x2b6: {  	vm4 =	veq.f32 v17, v4;
	v0 =	vsel vm15, v22, v58  }
0x2b7: {  	vm5 =	veq.f32 v16, v4;
	v0 =	vsel vm4, v23, v0  }
0x2b8: {  	vm6 =	veq.f32 v15, v4;
	v0 =	vsel vm5, v24, v0  }
0x2b9: {  	vm7 =	veq.f32 v14, v4;
	v0 =	vsel vm6, v25, v0  }
0x2ba: {  	vm8 =	veq.f32 v13, v4;
	v0 =	vsel vm7, v26, v0  }
0x2bb: {  	vm9 =	veq.f32 v12, v4;
	v0 =	vsel vm8, v27, v0  }
0x2bc: {  	vm10 =	veq.f32 v11, v4;
	v0 =	vsel vm9, v28, v0  }
0x2bd: {  	vm11 =	veq.f32 v10, v4;
	v0 =	vsel vm10, v29, v0  }
0x2be: {  	vm12 =	veq.f32 v9, v4;
	v0 =	vsel vm11, v30, v0  }
0x2bf: {  	vm13 =	veq.f32 v7, v4;
	v0 =	vsel vm12, v31, v0  }
0x2c0: {  	vm14 =	veq.f32 v6, v4;
	v0 =	vsel vm13, v59, v0  }
0x2c1: {  	vm15 =	veq.f32 v5, v4;
	v0 =	vsel vm14, v60, v0  }
0x2c2: {  	v0 =	vsel vm15, v61, v0  }
0x2c3: {  	(xrf0) =	vmin.scan.msk.u32 $0xffff, v0;
	_ =	sdelay $0x5  }
0x2c4: {  	v0, _, _ =	vpop (xrf0)  }
0x2c5: {  	(v2sf) =	vpush v0, $0xF;
	_ =	sdelay $0x6  }
0x2c6: {  	s4 =	sshra.s32 s20, $0x2  }
0x2c7: {  	[smem:s4] =	sst s21  }
0x2c8: {  	[smem:s4+$0x1] =	sst s22  }
0x2c9: {  	[smem:s4+$0x2] =	sst s23  }
0x2ca: {  	[smem:s4+$0x3] =	sst s24  }
0x2cb: {  	p0 =	sne.s32 s20, $0x180;
	[smem:s4+$0x4] =	sst s0  }
.Ltmp0:
0x2cc: {  	[smem:s4+$0x5] =	sst s25;
	(pc) =	sbr.rel @p0 .LBB2_2-.Ltmp0, $4  }
0x2cd: {  	[smem:s4+$0x6] =	sst s26  }
0x2ce: {  	[smem:s4+$0x7] =	sst s28;
	s31 =	spop (v2sf)  }
0x2cf: {  	[smem:s4+$0x8] =	sst s3;
	s0 =	sxor.u32 $0x80000000, s31  }
0x2d0: {  	s19 =	sadd.s32 $0x100, s19;
	s20 =	sadd.s32 $0x40, s20;
	[smem:s4+$0x9] =	sst s0  }
0x2d1: {  	_ =	swait.ge [sflag:s30], $0x8000  }
0x2d2: {  	[sflag:s30] =	ssyncset.done $0x0  }
0x2d3: {  	s19 =	simm.s32 $0x0;
	v33 =	vimm.f32 $0.0e+00;
	v34 =	vimm.f32 $0.0e+00;
	[sflag:s30] =	ssyncadd.s32 $0xFFFF8000  }
.LBB2_4:
0x2d4: {  	s0 =	sshll.u32 s19, $0x4  }
0x2d5: {  	s0 =	sand.u32 $0x3FFFFFF0, s0  }
0x2d6: {  	s3 =	sld [smem:s0+$0x0];
	_ =	sdelay $0x2  }
0x2d7: {  	s3 =	sshll.u32 s3, $0x9  }
0x2d8: {  	s20 =	sshra.s32 s3, $0x2  }
0x2d9: {  	v0 =	vld [tilespmem:s20+$0x0]  }
0x2da: {  	s22 =	sor.u32 $0x1, s0  }
0x2db: {  	s3 =	sld [smem:s22+$0x0];
	_ =	sdelay $0x2  }
0x2dc: {  	s3 =	sshll.u32 s3, $0x9;
	[tilespmem:$0xC980] =	vst v0  }
0x2dd: {  	s21 =	sshra.s32 s3, $0x2;
	[tilespmem:s20+$0x0] =	vst v32  }
0x2de: {  	v0 =	vld [tilespmem:s21+$0x0]  }
0x2df: {  	s23 =	sor.u32 $0x2, s0  }
0x2e0: {  	s3 =	sld [smem:s23+$0x0];
	_ =	sdelay $0x2  }
0x2e1: {  	s3 =	sshll.u32 s3, $0x9;
	[tilespmem:$0xCA00] =	vst v0  }
0x2e2: {  	s22 =	sshra.s32 s3, $0x2;
	[tilespmem:s21+$0x0] =	vst v32  }
0x2e3: {  	v0 =	vld [tilespmem:s22+$0x0]  }
0x2e4: {  	s24 =	sor.u32 $0x3, s0  }
0x2e5: {  	s3 =	sld [smem:s24+$0x0];
	_ =	sdelay $0x2  }
0x2e6: {  	s3 =	sshll.u32 s3, $0x9;
	[tilespmem:$0xCA80] =	vst v0  }
0x2e7: {  	s23 =	sshra.s32 s3, $0x2;
	[tilespmem:s22+$0x0] =	vst v32  }
0x2e8: {  	v0 =	vld [tilespmem:s23+$0x0]  }
0x2e9: {  	s25 =	sor.u32 $0x4, s0  }
0x2ea: {  	s3 =	sld [smem:s25+$0x0];
	_ =	sdelay $0x2  }
0x2eb: {  	s3 =	sshll.u32 s3, $0x9;
	[tilespmem:$0xCB00] =	vst v0  }
0x2ec: {  	s24 =	sshra.s32 s3, $0x2;
	[tilespmem:s23+$0x0] =	vst v32  }
0x2ed: {  	v0 =	vld [tilespmem:s24+$0x0]  }
0x2ee: {  	s26 =	sor.u32 $0x5, s0  }
0x2ef: {  	s3 =	sld [smem:s26+$0x0];
	_ =	sdelay $0x2  }
0x2f0: {  	s3 =	sshll.u32 s3, $0x9;
	[tilespmem:$0xCB80] =	vst v0  }
0x2f1: {  	s25 =	sshra.s32 s3, $0x2;
	[tilespmem:s24+$0x0] =	vst v32  }
0x2f2: {  	v0 =	vld [tilespmem:s25+$0x0]  }
0x2f3: {  	s4 =	sor.u32 $0x6, s0  }
0x2f4: {  	s3 =	sld [smem:s4+$0x0];
	_ =	sdelay $0x2  }
0x2f5: {  	s3 =	sshll.u32 s3, $0x9;
	[tilespmem:$0xCC00] =	vst v0  }
0x2f6: {  	s26 =	sshra.s32 s3, $0x2;
	[tilespmem:s25+$0x0] =	vst v32  }
0x2f7: {  	v0 =	vld [tilespmem:s26+$0x0]  }
0x2f8: {  	s5 =	sor.u32 $0x7, s0  }
0x2f9: {  	s3 =	sld [smem:s5+$0x0];
	_ =	sdelay $0x2  }
0x2fa: {  	s3 =	sshll.u32 s3, $0x9;
	[tilespmem:$0xCC80] =	vst v0  }
0x2fb: {  	s28 =	sshra.s32 s3, $0x2;
	[tilespmem:s26+$0x0] =	vst v32  }
0x2fc: {  	v0 =	vld [tilespmem:s28+$0x0]  }
0x2fd: {  	s6 =	sor.u32 $0x8, s0  }
0x2fe: {  	s3 =	sld [smem:s6+$0x0];
	_ =	sdelay $0x2  }
0x2ff: {  	s3 =	sshll.u32 s3, $0x9;
	[tilespmem:$0xCD00] =	vst v0  }
0x300: {  	s31 =	sshra.s32 s3, $0x2;
	[tilespmem:s28+$0x0] =	vst v32  }
0x301: {  	v0 =	vld [tilespmem:s31+$0x0]  }
0x302: {  	s0 =	sor.u32 $0x9, s0  }
0x303: {  	s0 =	sld [smem:s0+$0x0];
	_ =	sdelay $0x2  }
0x304: {  	s0 =	sshll.u32 s0, $0x9;
	[tilespmem:$0xCD80] =	vst v0  }
0x305: {  	s0 =	sshra.s32 s0, $0x2;
	[tilespmem:s31+$0x0] =	vst v32  }
0x306: {  	v0 =	vld [tilespmem:s0+$0x0];
	_ =	sdelay $0x4  }
0x307: {  	[tilespmem:$0xCE00] =	vst v0  }
0x308: {  	[tilespmem:s0+$0x0] =	vst v32  }
0x309: {  	v0 =	vld [tilespmem:s20+$0x10];
	_ =	sdelay $0x4  }
0x30a: {  	[tilespmem:$0xC990] =	vst v0  }
0x30b: {  	[tilespmem:s20+$0x10] =	vst v32  }
0x30c: {  	v0 =	vld [tilespmem:s21+$0x10];
	_ =	sdelay $0x4  }
0x30d: {  	[tilespmem:$0xCA10] =	vst v0  }
0x30e: {  	[tilespmem:s21+$0x10] =	vst v32  }
0x30f: {  	v0 =	vld [tilespmem:s22+$0x10];
	_ =	sdelay $0x4  }
0x310: {  	[tilespmem:$0xCA90] =	vst v0  }
0x311: {  	[tilespmem:s22+$0x10] =	vst v32  }
0x312: {  	v0 =	vld [tilespmem:s23+$0x10];
	_ =	sdelay $0x4  }
0x313: {  	[tilespmem:$0xCB10] =	vst v0  }
0x314: {  	[tilespmem:s23+$0x10] =	vst v32  }
0x315: {  	v0 =	vld [tilespmem:s24+$0x10];
	_ =	sdelay $0x4  }
0x316: {  	[tilespmem:$0xCB90] =	vst v0  }
0x317: {  	[tilespmem:s24+$0x10] =	vst v32  }
0x318: {  	v0 =	vld [tilespmem:s25+$0x10];
	_ =	sdelay $0x4  }
0x319: {  	[tilespmem:$0xCC10] =	vst v0  }
0x31a: {  	[tilespmem:s25+$0x10] =	vst v32  }
0x31b: {  	v0 =	vld [tilespmem:s26+$0x10];
	_ =	sdelay $0x4  }
0x31c: {  	[tilespmem:$0xCC90] =	vst v0  }
0x31d: {  	[tilespmem:s26+$0x10] =	vst v32  }
0x31e: {  	v0 =	vld [tilespmem:s28+$0x10];
	_ =	sdelay $0x4  }
0x31f: {  	[tilespmem:$0xCD10] =	vst v0  }
0x320: {  	[tilespmem:s28+$0x10] =	vst v32  }
0x321: {  	v0 =	vld [tilespmem:s31+$0x10];
	_ =	sdelay $0x4  }
0x322: {  	[tilespmem:$0xCD90] =	vst v0  }
0x323: {  	[tilespmem:s31+$0x10] =	vst v32  }
0x324: {  	v0 =	vld [tilespmem:s0+$0x10];
	_ =	sdelay $0x4  }
0x325: {  	[tilespmem:$0xCE10] =	vst v0  }
0x326: {  	[tilespmem:s0+$0x10] =	vst v32  }
0x327: {  	v0 =	vld [tilespmem:s20+$0x20];
	_ =	sdelay $0x4  }
0x328: {  	[tilespmem:$0xC9A0] =	vst v0  }
0x329: {  	[tilespmem:s20+$0x20] =	vst v32  }
0x32a: {  	v0 =	vld [tilespmem:s21+$0x20];
	_ =	sdelay $0x4  }
0x32b: {  	[tilespmem:$0xCA20] =	vst v0  }
0x32c: {  	[tilespmem:s21+$0x20] =	vst v32  }
0x32d: {  	v0 =	vld [tilespmem:s22+$0x20];
	_ =	sdelay $0x4  }
0x32e: {  	[tilespmem:$0xCAA0] =	vst v0  }
0x32f: {  	[tilespmem:s22+$0x20] =	vst v32  }
0x330: {  	v0 =	vld [tilespmem:s23+$0x20];
	_ =	sdelay $0x4  }
0x331: {  	[tilespmem:$0xCB20] =	vst v0  }
0x332: {  	[tilespmem:s23+$0x20] =	vst v32  }
0x333: {  	v0 =	vld [tilespmem:s24+$0x20];
	_ =	sdelay $0x4  }
0x334: {  	[tilespmem:$0xCBA0] =	vst v0  }
0x335: {  	[tilespmem:s24+$0x20] =	vst v32  }
0x336: {  	v0 =	vld [tilespmem:s25+$0x20];
	_ =	sdelay $0x4  }
0x337: {  	[tilespmem:$0xCC20] =	vst v0  }
0x338: {  	[tilespmem:s25+$0x20] =	vst v32  }
0x339: {  	v0 =	vld [tilespmem:s26+$0x20];
	_ =	sdelay $0x4  }
0x33a: {  	[tilespmem:$0xCCA0] =	vst v0  }
0x33b: {  	[tilespmem:s26+$0x20] =	vst v32  }
0x33c: {  	v0 =	vld [tilespmem:s28+$0x20];
	_ =	sdelay $0x4  }
0x33d: {  	[tilespmem:$0xCD20] =	vst v0  }
0x33e: {  	[tilespmem:s28+$0x20] =	vst v32  }
0x33f: {  	v0 =	vld [tilespmem:s31+$0x20];
	_ =	sdelay $0x4  }
0x340: {  	[tilespmem:$0xCDA0] =	vst v0  }
0x341: {  	[tilespmem:s31+$0x20] =	vst v32  }
0x342: {  	v0 =	vld [tilespmem:s0+$0x20];
	_ =	sdelay $0x4  }
0x343: {  	[tilespmem:$0xCE20] =	vst v0  }
0x344: {  	[tilespmem:s0+$0x20] =	vst v32  }
0x345: {  	v0 =	vld [tilespmem:s20+$0x30];
	_ =	sdelay $0x4  }
0x346: {  	[tilespmem:$0xC9B0] =	vst v0  }
0x347: {  	[tilespmem:s20+$0x30] =	vst v32  }
0x348: {  	v0 =	vld [tilespmem:s21+$0x30];
	_ =	sdelay $0x4  }
0x349: {  	[tilespmem:$0xCA30] =	vst v0  }
0x34a: {  	[tilespmem:s21+$0x30] =	vst v32  }
0x34b: {  	v0 =	vld [tilespmem:s22+$0x30];
	_ =	sdelay $0x4  }
0x34c: {  	[tilespmem:$0xCAB0] =	vst v0  }
0x34d: {  	[tilespmem:s22+$0x30] =	vst v32  }
0x34e: {  	v0 =	vld [tilespmem:s23+$0x30];
	_ =	sdelay $0x4  }
0x34f: {  	[tilespmem:$0xCB30] =	vst v0  }
0x350: {  	[tilespmem:s23+$0x30] =	vst v32  }
0x351: {  	v0 =	vld [tilespmem:s24+$0x30];
	_ =	sdelay $0x4  }
0x352: {  	[tilespmem:$0xCBB0] =	vst v0  }
0x353: {  	[tilespmem:s24+$0x30] =	vst v32  }
0x354: {  	v0 =	vld [tilespmem:s25+$0x30];
	_ =	sdelay $0x4  }
0x355: {  	[tilespmem:$0xCC30] =	vst v0  }
0x356: {  	[tilespmem:s25+$0x30] =	vst v32  }
0x357: {  	v0 =	vld [tilespmem:s26+$0x30];
	_ =	sdelay $0x4  }
0x358: {  	[tilespmem:$0xCCB0] =	vst v0  }
0x359: {  	[tilespmem:s26+$0x30] =	vst v32  }
0x35a: {  	v0 =	vld [tilespmem:s28+$0x30];
	_ =	sdelay $0x4  }
0x35b: {  	[tilespmem:$0xCD30] =	vst v0  }
0x35c: {  	[tilespmem:s28+$0x30] =	vst v32  }
0x35d: {  	v0 =	vld [tilespmem:s31+$0x30];
	_ =	sdelay $0x4  }
0x35e: {  	[tilespmem:$0xCDB0] =	vst v0  }
0x35f: {  	[tilespmem:s31+$0x30] =	vst v32  }
0x360: {  	v0 =	vld [tilespmem:s0+$0x30];
	_ =	sdelay $0x4  }
0x361: {  	[tilespmem:$0xCE30] =	vst v0  }
0x362: {  	[tilespmem:s0+$0x30] =	vst v32  }
0x363: {  	v0 =	vld [tilespmem:s20+$0x40];
	_ =	sdelay $0x4  }
0x364: {  	[tilespmem:$0xC9C0] =	vst v0  }
0x365: {  	[tilespmem:s20+$0x40] =	vst v32  }
0x366: {  	v0 =	vld [tilespmem:s21+$0x40];
	_ =	sdelay $0x4  }
0x367: {  	[tilespmem:$0xCA40] =	vst v0  }
0x368: {  	[tilespmem:s21+$0x40] =	vst v32  }
0x369: {  	v0 =	vld [tilespmem:s22+$0x40];
	_ =	sdelay $0x4  }
0x36a: {  	[tilespmem:$0xCAC0] =	vst v0  }
0x36b: {  	[tilespmem:s22+$0x40] =	vst v32  }
0x36c: {  	v0 =	vld [tilespmem:s23+$0x40];
	_ =	sdelay $0x4  }
0x36d: {  	[tilespmem:$0xCB40] =	vst v0  }
0x36e: {  	[tilespmem:s23+$0x40] =	vst v32  }
0x36f: {  	v0 =	vld [tilespmem:s24+$0x40];
	_ =	sdelay $0x4  }
0x370: {  	[tilespmem:$0xCBC0] =	vst v0  }
0x371: {  	[tilespmem:s24+$0x40] =	vst v32  }
0x372: {  	v0 =	vld [tilespmem:s25+$0x40];
	_ =	sdelay $0x4  }
0x373: {  	[tilespmem:$0xCC40] =	vst v0  }
0x374: {  	[tilespmem:s25+$0x40] =	vst v32  }
0x375: {  	v0 =	vld [tilespmem:s26+$0x40];
	_ =	sdelay $0x4  }
0x376: {  	[tilespmem:$0xCCC0] =	vst v0  }
0x377: {  	[tilespmem:s26+$0x40] =	vst v32  }
0x378: {  	v0 =	vld [tilespmem:s28+$0x40];
	_ =	sdelay $0x4  }
0x379: {  	[tilespmem:$0xCD40] =	vst v0  }
0x37a: {  	[tilespmem:s28+$0x40] =	vst v32  }
0x37b: {  	v0 =	vld [tilespmem:s31+$0x40];
	_ =	sdelay $0x4  }
0x37c: {  	[tilespmem:$0xCDC0] =	vst v0  }
0x37d: {  	[tilespmem:s31+$0x40] =	vst v32  }
0x37e: {  	v0 =	vld [tilespmem:s0+$0x40];
	_ =	sdelay $0x4  }
0x37f: {  	[tilespmem:$0xCE40] =	vst v0  }
0x380: {  	[tilespmem:s0+$0x40] =	vst v32  }
0x381: {  	v0 =	vld [tilespmem:s20+$0x50];
	_ =	sdelay $0x4  }
0x382: {  	[tilespmem:$0xC9D0] =	vst v0  }
0x383: {  	[tilespmem:s20+$0x50] =	vst v32  }
0x384: {  	v0 =	vld [tilespmem:s21+$0x50];
	_ =	sdelay $0x4  }
0x385: {  	[tilespmem:$0xCA50] =	vst v0  }
0x386: {  	[tilespmem:s21+$0x50] =	vst v32  }
0x387: {  	v0 =	vld [tilespmem:s22+$0x50];
	_ =	sdelay $0x4  }
0x388: {  	[tilespmem:$0xCAD0] =	vst v0  }
0x389: {  	[tilespmem:s22+$0x50] =	vst v32  }
0x38a: {  	v0 =	vld [tilespmem:s23+$0x50];
	_ =	sdelay $0x4  }
0x38b: {  	[tilespmem:$0xCB50] =	vst v0  }
0x38c: {  	[tilespmem:s23+$0x50] =	vst v32  }
0x38d: {  	v0 =	vld [tilespmem:s24+$0x50];
	_ =	sdelay $0x4  }
0x38e: {  	[tilespmem:$0xCBD0] =	vst v0  }
0x38f: {  	[tilespmem:s24+$0x50] =	vst v32  }
0x390: {  	v0 =	vld [tilespmem:s25+$0x50];
	_ =	sdelay $0x4  }
0x391: {  	[tilespmem:$0xCC50] =	vst v0  }
0x392: {  	[tilespmem:s25+$0x50] =	vst v32  }
0x393: {  	v0 =	vld [tilespmem:s26+$0x50];
	_ =	sdelay $0x4  }
0x394: {  	[tilespmem:$0xCCD0] =	vst v0  }
0x395: {  	[tilespmem:s26+$0x50] =	vst v32  }
0x396: {  	v0 =	vld [tilespmem:s28+$0x50];
	_ =	sdelay $0x4  }
0x397: {  	[tilespmem:$0xCD50] =	vst v0  }
0x398: {  	[tilespmem:s28+$0x50] =	vst v32  }
0x399: {  	v0 =	vld [tilespmem:s31+$0x50];
	_ =	sdelay $0x4  }
0x39a: {  	[tilespmem:$0xCDD0] =	vst v0  }
0x39b: {  	[tilespmem:s31+$0x50] =	vst v32  }
0x39c: {  	v0 =	vld [tilespmem:s0+$0x50];
	_ =	sdelay $0x4  }
0x39d: {  	[tilespmem:$0xCE50] =	vst v0  }
0x39e: {  	[tilespmem:s0+$0x50] =	vst v32  }
0x39f: {  	v0 =	vld [tilespmem:s20+$0x60];
	_ =	sdelay $0x4  }
0x3a0: {  	[tilespmem:$0xC9E0] =	vst v0  }
0x3a1: {  	[tilespmem:s20+$0x60] =	vst v32  }
0x3a2: {  	v0 =	vld [tilespmem:s21+$0x60];
	_ =	sdelay $0x4  }
0x3a3: {  	[tilespmem:$0xCA60] =	vst v0  }
0x3a4: {  	[tilespmem:s21+$0x60] =	vst v32  }
0x3a5: {  	v0 =	vld [tilespmem:s22+$0x60];
	_ =	sdelay $0x4  }
0x3a6: {  	[tilespmem:$0xCAE0] =	vst v0  }
0x3a7: {  	[tilespmem:s22+$0x60] =	vst v32  }
0x3a8: {  	v0 =	vld [tilespmem:s23+$0x60];
	_ =	sdelay $0x4  }
0x3a9: {  	[tilespmem:$0xCB60] =	vst v0  }
0x3aa: {  	[tilespmem:s23+$0x60] =	vst v32  }
0x3ab: {  	v0 =	vld [tilespmem:s24+$0x60];
	_ =	sdelay $0x4  }
0x3ac: {  	[tilespmem:$0xCBE0] =	vst v0  }
0x3ad: {  	[tilespmem:s24+$0x60] =	vst v32  }
0x3ae: {  	v0 =	vld [tilespmem:s25+$0x60];
	_ =	sdelay $0x4  }
0x3af: {  	[tilespmem:$0xCC60] =	vst v0  }
0x3b0: {  	[tilespmem:s25+$0x60] =	vst v32  }
0x3b1: {  	v0 =	vld [tilespmem:s26+$0x60];
	_ =	sdelay $0x4  }
0x3b2: {  	[tilespmem:$0xCCE0] =	vst v0  }
0x3b3: {  	[tilespmem:s26+$0x60] =	vst v32  }
0x3b4: {  	v0 =	vld [tilespmem:s28+$0x60];
	_ =	sdelay $0x4  }
0x3b5: {  	[tilespmem:$0xCD60] =	vst v0  }
0x3b6: {  	[tilespmem:s28+$0x60] =	vst v32  }
0x3b7: {  	v0 =	vld [tilespmem:s31+$0x60];
	_ =	sdelay $0x4  }
0x3b8: {  	[tilespmem:$0xCDE0] =	vst v0  }
0x3b9: {  	[tilespmem:s31+$0x60] =	vst v32  }
0x3ba: {  	v0 =	vld [tilespmem:s0+$0x60];
	_ =	sdelay $0x4  }
0x3bb: {  	[tilespmem:$0xCE60] =	vst v0  }
0x3bc: {  	[tilespmem:s0+$0x60] =	vst v32  }
0x3bd: {  	v0 =	vld [tilespmem:s20+$0x70];
	_ =	sdelay $0x4  }
0x3be: {  	[tilespmem:$0xC9F0] =	vst v0  }
0x3bf: {  	[tilespmem:s20+$0x70] =	vst v32  }
0x3c0: {  	v0 =	vld [tilespmem:s21+$0x70];
	_ =	sdelay $0x4  }
0x3c1: {  	[tilespmem:$0xCA70] =	vst v0  }
0x3c2: {  	[tilespmem:s21+$0x70] =	vst v32  }
0x3c3: {  	v0 =	vld [tilespmem:s22+$0x70];
	_ =	sdelay $0x4  }
0x3c4: {  	[tilespmem:$0xCAF0] =	vst v0  }
0x3c5: {  	[tilespmem:s22+$0x70] =	vst v32  }
0x3c6: {  	v0 =	vld [tilespmem:s23+$0x70];
	_ =	sdelay $0x4  }
0x3c7: {  	[tilespmem:$0xCB70] =	vst v0  }
0x3c8: {  	[tilespmem:s23+$0x70] =	vst v32  }
0x3c9: {  	v0 =	vld [tilespmem:s24+$0x70];
	_ =	sdelay $0x4  }
0x3ca: {  	[tilespmem:$0xCBF0] =	vst v0  }
0x3cb: {  	[tilespmem:s24+$0x70] =	vst v32  }
0x3cc: {  	v0 =	vld [tilespmem:s25+$0x70];
	_ =	sdelay $0x4  }
0x3cd: {  	[tilespmem:$0xCC70] =	vst v0  }
0x3ce: {  	[tilespmem:s25+$0x70] =	vst v32  }
0x3cf: {  	v0 =	vld [tilespmem:s26+$0x70];
	_ =	sdelay $0x4  }
0x3d0: {  	[tilespmem:$0xCCF0] =	vst v0  }
0x3d1: {  	[tilespmem:s26+$0x70] =	vst v32  }
0x3d2: {  	v0 =	vld [tilespmem:s28+$0x70];
	_ =	sdelay $0x4  }
0x3d3: {  	[tilespmem:$0xCD70] =	vst v0  }
0x3d4: {  	[tilespmem:s28+$0x70] =	vst v32  }
0x3d5: {  	v0 =	vld [tilespmem:s31+$0x70];
	_ =	sdelay $0x4  }
0x3d6: {  	[tilespmem:$0xCDF0] =	vst v0  }
0x3d7: {  	[tilespmem:s31+$0x70] =	vst v32  }
0x3d8: {  	v0 =	vld [tilespmem:s0+$0x70];
	_ =	sdelay $0x2  }
0x3d9: {  	s7 =	sshll.u32 s19, $0x7  }
0x3da: {  	s3 =	sand.u32 $0x3FFFFF80, s7  }
0x3db: {  	s4 =	sadd.s32 $0xC600, s3;
	[tilespmem:$0xCE70] =	vst v0  }
0x3dc: {  	s3 =	simm.s32 $0x400;
	v35 =	vmov s4;
	s4 =	simm.s32 $0x0;
	[tilespmem:s0+$0x70] =	vst v32  }
.LBB2_5:
0x3dd: {  	v41 =	vmov s3;
	_ =	sdelay $0x3  }
0x3de: {  	s6 =	simm.s32 $0x0  }
0x3df: {  	v52 =	vld.idx.msk [tilespmem:v41+s6+$0x0 ss:$0x1], $0xffff  }
0x3e0: {  	v40 =	vld.idx.msk [tilespmem:v41+s6+$0x80 ss:$0x1], $0xffff  }
0x3e1: {  	v45 =	vld.idx.msk [tilespmem:v41+s6+$0x100 ss:$0x1], $0xffff  }
0x3e2: {  	v38 =	vld.idx.msk [tilespmem:v41+s6+$0x180 ss:$0x1], $0xffff  }
0x3e3: {  	v39 =	vld.idx.msk [tilespmem:v41+s6+$0x200 ss:$0x1], $0xffff  }
0x3e4: {  	v36 =	vld.idx.msk [tilespmem:v41+s6+$0x280 ss:$0x1], $0xffff  }
0x3e5: {  	v37 =	vld.idx.msk [tilespmem:v41+s6+$0x300 ss:$0x1], $0xffff  }
0x3e6: {  	v57 =	vld.idx.msk [tilespmem:v41+s6+$0xFFFFFC00 ss:$0x1], $0xffff  }
0x3e7: {  	v58 =	vld.idx.msk [tilespmem:v41+s6+$0xFFFFFC80 ss:$0x1], $0xffff  }
0x3e8: {  	v54 =	vld.idx.msk [tilespmem:v41+s6+$0xFFFFFD00 ss:$0x1], $0xffff  }
0x3e9: {  	v55 =	vld.idx.msk [tilespmem:v41+s6+$0xFFFFFD80 ss:$0x1], $0xffff  }
0x3ea: {  	v49 =	vimm.f32 $3.000000010e+38;
	v50 =	vimm.f32 $3.000000010e+38;
	v56 =	vld.idx.msk [tilespmem:v41+s6+$0xFFFFFE00 ss:$0x1], $0xffff  }
0x3eb: {  	v46 =	vimm.f32 $3.000000010e+38;
	v47 =	vimm.f32 $3.000000010e+38;
	v48 =	vimm.f32 $3.000000010e+38;
	v51 =	vld.idx.msk [tilespmem:v41+s6+$0xFFFFFE80 ss:$0x1], $0xffff  }
0x3ec: {  	s5 =	sshll.u32 s4, $0x4;
	s7 =	simm.s32 $0x2000;
	v43 =	vimm.f32 $3.000000010e+38;
	v44 =	vimm.f32 $3.000000010e+38;
	v42 =	vimm.f32 $3.000000010e+38;
	v53 =	vld.idx.msk [tilespmem:v41+s6+$0xFFFFFF00 ss:$0x1], $0xffff  }
.LBB2_6:
0x3ed: {  	p0 =	sne.s32 s7, $0x1E000;
	v0 =	vld.idx.msk [tilespmem:v41+s6+$0xFFFFFF80 ss:$0x1], $0xffff  }
0x3ee: {  	v1 =	vld.idx.msk [tilespmem:v41+s6+$0x380 ss:$0x1], $0xffff;
	s6 =	sshra.s32 s7, $0x2  }
0x3ef: {  	v3 =	vmin.f32 v49, v57;
	v4 =	vmin.f32 v50, v58;
	v2 =	vld.idx.msk [tilespmem:v41+s6+$0x0 ss:$0x1], $0xffff  }
0x3f0: {  	v49 =	vmin.f32 v3, v52;
	v50 =	vmin.f32 v4, v40;
	v40 =	vld.idx.msk [tilespmem:v41+s6+$0x80 ss:$0x1], $0xffff  }
0x3f1: {  	v4 =	vmin.f32 v46, v54;
	v5 =	vmin.f32 v47, v55;
	v6 =	vmin.f32 v48, v56;
	v3 =	vld.idx.msk [tilespmem:v41+s6+$0x100 ss:$0x1], $0xffff  }
0x3f2: {  	v46 =	vmin.f32 v4, v45;
	v47 =	vmin.f32 v5, v38;
	v48 =	vmin.f32 v6, v39;
	v38 =	vld.idx.msk [tilespmem:v41+s6+$0x180 ss:$0x1], $0xffff  }
0x3f3: {  	v4 =	vmin.f32 v43, v51;
	v5 =	vmin.f32 v44, v53;
	v0 =	vmin.f32 v42, v0;
	v39 =	vld.idx.msk [tilespmem:v41+s6+$0x200 ss:$0x1], $0xffff  }
0x3f4: {  	v43 =	vmin.f32 v4, v36;
	v44 =	vmin.f32 v5, v37;
	v42 =	vmin.f32 v0, v1;
	v36 =	vld.idx.msk [tilespmem:v41+s6+$0x280 ss:$0x1], $0xffff  }
0x3f5: {  	v52 =	vmov v2;
	v37 =	vld.idx.msk [tilespmem:v41+s6+$0x300 ss:$0x1], $0xffff  }
0x3f6: {  	v57 =	vld.idx.msk [tilespmem:v41+s6+$0xFFFFFC00 ss:$0x1], $0xffff  }
0x3f7: {  	v45 =	vmov v3;
	v58 =	vld.idx.msk [tilespmem:v41+s6+$0xFFFFFC80 ss:$0x1], $0xffff  }
.Ltmp1:
0x3f8: {  	v54 =	vld.idx.msk [tilespmem:v41+s6+$0xFFFFFD00 ss:$0x1], $0xffff;
	(pc) =	sbr.rel @p0 .LBB2_6-.Ltmp1, $4  }
0x3f9: {  	v55 =	vld.idx.msk [tilespmem:v41+s6+$0xFFFFFD80 ss:$0x1], $0xffff  }
0x3fa: {  	v56 =	vld.idx.msk [tilespmem:v41+s6+$0xFFFFFE00 ss:$0x1], $0xffff  }
0x3fb: {  	v51 =	vld.idx.msk [tilespmem:v41+s6+$0xFFFFFE80 ss:$0x1], $0xffff  }
0x3fc: {  	s7 =	sadd.s32 $0x2000, s7;
	v53 =	vld.idx.msk [tilespmem:v41+s6+$0xFFFFFF00 ss:$0x1], $0xffff  }
0x3fd: {  	_ =	sdelay $0x3  }
0x3fe: {  	v0 =	vld.idx.msk [tilespmem:v41+s6+$0xFFFFFF80 ss:$0x1], $0xffff  }
0x3ff: {  	v1 =	vld.idx.msk [tilespmem:v41+s6+$0x380 ss:$0x1], $0xffff  }
0x400: {  	v2 =	vld [tilespmem:s5+$0xC980]  }
0x401: {  	v3 =	vld [tilespmem:s5+$0xCA00]  }
0x402: {  	v4 =	vld [tilespmem:s5+$0xCA80]  }
0x403: {  	v6 =	vld [tilespmem:s5+$0xCB00]  }
0x404: {  	v5 =	vmin.f32 v49, v57;
	v7 =	vmin.f32 v50, v58;
	v8 =	vld [tilespmem:s5+$0xCB80];
	v9 =	vmin.f32 v46, v54  }
0x405: {  	v11 =	vld [tilespmem:s5+$0xCC00];
	v5 =	vmin.f32 v5, v52;
	v7 =	vmin.f32 v7, v40;
	v10 =	vmin.f32 v47, v55  }
0x406: {  	v49 =	vld [tilespmem:s5+$0xCC80];
	v9 =	vmin.f32 v9, v45;
	v12 =	vmin.f32 v48, v56;
	v2 =	vmin.f32 v2, v3  }
0x407: {  	v50 =	vld [tilespmem:s5+$0xCD00];
	v10 =	vmin.f32 v10, v38;
	v12 =	vmin.f32 v12, v39;
	v2 =	vmin.f32 v2, v4  }
0x408: {  	v13 =	vmin.f32 v43, v51;
	v51 =	vld [tilespmem:s5+$0xCD80];
	v14 =	vmin.f32 v44, v53;
	v2 =	vmin.f32 v2, v6  }
0x409: {  	v52 =	vld [tilespmem:s5+$0xCE00];
	v13 =	vmin.f32 v13, v36;
	v54 =	vmin.f32 v5, v12;
	v2 =	vmin.f32 v2, v8  }
0x40a: {  	v0 =	vmin.f32 v42, v0;
	v14 =	vmin.f32 v14, v37;
	v53 =	vmin.f32 v2, v11  }
0x40b: {  	v56 =	vld.idx.msk [tilespmem:v35+s5+$0x0 ss:$0x1], $0xffff;
	v55 =	vmin.f32 v7, v13;
	v0 =	vmin.f32 v0, v1;
	v1 =	vmin.f32 v53, v49  }
0x40c: {  	v57 =	vmin.f32 v9, v14;
	v0 =	vmin.f32 v10, v0;
	v1 =	vmin.f32 v1, v50  }
0x40d: {  	v0 =	vmin.f32 v55, v0;
	v2 =	vmin.f32 v54, v57;
	v1 =	vmin.f32 v1, v51  }
0x40e: {  	s4 =	sadd.s32 $0x1, s4;
	v0 =	vmin.f32 v2, v0;
	v1 =	vmin.f32 v1, v52  }
0x40f: {  	p0 =	seq.s32 s4, $0x8;
	v0 =	vsub.f32 $1.280000000e+02, v0;
	v1 =	vsub.f32 $1.280000000e+02, v1  }
.Ltmp2:
0x410: {  	v58 =	vsub.f32 $1.000000000e+00, v56;
	(pc) =	sbr.rel @!p0 .LBB2_5-.Ltmp2, $3  }
0x411: {  	v0 =	vmax.f32 v0, $0.0e+00;
	v1 =	vmax.f32 v1, $0.0e+00  }
0x412: {  	v0 =	vmul.f32 v58, v0;
	v1 =	vmul.f32 v1, v56;
	_ =	sdelay $0x1  }
0x413: {  	s3 =	sadd.s32 $0x10, s3;
	v33 =	vadd.f32 v0, v33;
	v34 =	vadd.f32 v1, v34  }
0x414: {  	v0 =	vld [tilespmem:$0xC980];
	_ =	sdelay $0x4  }
0x415: {  	[tilespmem:s20+$0x0] =	vst v0  }
0x416: {  	v0 =	vld [tilespmem:$0xCA00];
	_ =	sdelay $0x4  }
0x417: {  	[tilespmem:s21+$0x0] =	vst v0  }
0x418: {  	v0 =	vld [tilespmem:$0xCA80];
	_ =	sdelay $0x4  }
0x419: {  	[tilespmem:s22+$0x0] =	vst v0  }
0x41a: {  	v0 =	vld [tilespmem:$0xCB00];
	_ =	sdelay $0x4  }
0x41b: {  	[tilespmem:s23+$0x0] =	vst v0  }
0x41c: {  	v0 =	vld [tilespmem:$0xCB80];
	_ =	sdelay $0x4  }
0x41d: {  	[tilespmem:s24+$0x0] =	vst v0  }
0x41e: {  	v0 =	vld [tilespmem:$0xCC00];
	_ =	sdelay $0x4  }
0x41f: {  	[tilespmem:s25+$0x0] =	vst v0  }
0x420: {  	v0 =	vld [tilespmem:$0xCC80];
	_ =	sdelay $0x4  }
0x421: {  	[tilespmem:s26+$0x0] =	vst v0  }
0x422: {  	v0 =	vld [tilespmem:$0xCD00];
	_ =	sdelay $0x4  }
0x423: {  	[tilespmem:s28+$0x0] =	vst v0  }
0x424: {  	v0 =	vld [tilespmem:$0xCD80];
	_ =	sdelay $0x4  }
0x425: {  	[tilespmem:s31+$0x0] =	vst v0  }
0x426: {  	v0 =	vld [tilespmem:$0xCE00];
	_ =	sdelay $0x4  }
0x427: {  	[tilespmem:s0+$0x0] =	vst v0  }
0x428: {  	v0 =	vld [tilespmem:$0xC990];
	_ =	sdelay $0x4  }
0x429: {  	[tilespmem:s20+$0x10] =	vst v0  }
0x42a: {  	v0 =	vld [tilespmem:$0xCA10];
	_ =	sdelay $0x4  }
0x42b: {  	[tilespmem:s21+$0x10] =	vst v0  }
0x42c: {  	v0 =	vld [tilespmem:$0xCA90];
	_ =	sdelay $0x4  }
0x42d: {  	[tilespmem:s22+$0x10] =	vst v0  }
0x42e: {  	v0 =	vld [tilespmem:$0xCB10];
	_ =	sdelay $0x4  }
0x42f: {  	[tilespmem:s23+$0x10] =	vst v0  }
0x430: {  	v0 =	vld [tilespmem:$0xCB90];
	_ =	sdelay $0x4  }
0x431: {  	[tilespmem:s24+$0x10] =	vst v0  }
0x432: {  	v0 =	vld [tilespmem:$0xCC10];
	_ =	sdelay $0x4  }
0x433: {  	[tilespmem:s25+$0x10] =	vst v0  }
0x434: {  	v0 =	vld [tilespmem:$0xCC90];
	_ =	sdelay $0x4  }
0x435: {  	[tilespmem:s26+$0x10] =	vst v0  }
0x436: {  	v0 =	vld [tilespmem:$0xCD10];
	_ =	sdelay $0x4  }
0x437: {  	[tilespmem:s28+$0x10] =	vst v0  }
0x438: {  	v0 =	vld [tilespmem:$0xCD90];
	_ =	sdelay $0x4  }
0x439: {  	[tilespmem:s31+$0x10] =	vst v0  }
0x43a: {  	v0 =	vld [tilespmem:$0xCE10];
	_ =	sdelay $0x4  }
0x43b: {  	[tilespmem:s0+$0x10] =	vst v0  }
0x43c: {  	v0 =	vld [tilespmem:$0xC9A0];
	_ =	sdelay $0x4  }
0x43d: {  	[tilespmem:s20+$0x20] =	vst v0  }
0x43e: {  	v0 =	vld [tilespmem:$0xCA20];
	_ =	sdelay $0x4  }
0x43f: {  	[tilespmem:s21+$0x20] =	vst v0  }
0x440: {  	v0 =	vld [tilespmem:$0xCAA0];
	_ =	sdelay $0x4  }
0x441: {  	[tilespmem:s22+$0x20] =	vst v0  }
0x442: {  	v0 =	vld [tilespmem:$0xCB20];
	_ =	sdelay $0x4  }
0x443: {  	[tilespmem:s23+$0x20] =	vst v0  }
0x444: {  	v0 =	vld [tilespmem:$0xCBA0];
	_ =	sdelay $0x4  }
0x445: {  	[tilespmem:s24+$0x20] =	vst v0  }
0x446: {  	v0 =	vld [tilespmem:$0xCC20];
	_ =	sdelay $0x4  }
0x447: {  	[tilespmem:s25+$0x20] =	vst v0  }
0x448: {  	v0 =	vld [tilespmem:$0xCCA0];
	_ =	sdelay $0x4  }
0x449: {  	[tilespmem:s26+$0x20] =	vst v0  }
0x44a: {  	v0 =	vld [tilespmem:$0xCD20];
	_ =	sdelay $0x4  }
0x44b: {  	[tilespmem:s28+$0x20] =	vst v0  }
0x44c: {  	v0 =	vld [tilespmem:$0xCDA0];
	_ =	sdelay $0x4  }
0x44d: {  	[tilespmem:s31+$0x20] =	vst v0  }
0x44e: {  	v0 =	vld [tilespmem:$0xCE20];
	_ =	sdelay $0x4  }
0x44f: {  	[tilespmem:s0+$0x20] =	vst v0  }
0x450: {  	v0 =	vld [tilespmem:$0xC9B0];
	_ =	sdelay $0x4  }
0x451: {  	[tilespmem:s20+$0x30] =	vst v0  }
0x452: {  	v0 =	vld [tilespmem:$0xCA30];
	_ =	sdelay $0x4  }
0x453: {  	[tilespmem:s21+$0x30] =	vst v0  }
0x454: {  	v0 =	vld [tilespmem:$0xCAB0];
	_ =	sdelay $0x4  }
0x455: {  	[tilespmem:s22+$0x30] =	vst v0  }
0x456: {  	v0 =	vld [tilespmem:$0xCB30];
	_ =	sdelay $0x4  }
0x457: {  	[tilespmem:s23+$0x30] =	vst v0  }
0x458: {  	v0 =	vld [tilespmem:$0xCBB0];
	_ =	sdelay $0x4  }
0x459: {  	[tilespmem:s24+$0x30] =	vst v0  }
0x45a: {  	v0 =	vld [tilespmem:$0xCC30];
	_ =	sdelay $0x4  }
0x45b: {  	[tilespmem:s25+$0x30] =	vst v0  }
0x45c: {  	v0 =	vld [tilespmem:$0xCCB0];
	_ =	sdelay $0x4  }
0x45d: {  	[tilespmem:s26+$0x30] =	vst v0  }
0x45e: {  	v0 =	vld [tilespmem:$0xCD30];
	_ =	sdelay $0x4  }
0x45f: {  	[tilespmem:s28+$0x30] =	vst v0  }
0x460: {  	v0 =	vld [tilespmem:$0xCDB0];
	_ =	sdelay $0x4  }
0x461: {  	[tilespmem:s31+$0x30] =	vst v0  }
0x462: {  	v0 =	vld [tilespmem:$0xCE30];
	_ =	sdelay $0x4  }
0x463: {  	[tilespmem:s0+$0x30] =	vst v0  }
0x464: {  	v0 =	vld [tilespmem:$0xC9C0];
	_ =	sdelay $0x4  }
0x465: {  	[tilespmem:s20+$0x40] =	vst v0  }
0x466: {  	v0 =	vld [tilespmem:$0xCA40];
	_ =	sdelay $0x4  }
0x467: {  	[tilespmem:s21+$0x40] =	vst v0  }
0x468: {  	v0 =	vld [tilespmem:$0xCAC0];
	_ =	sdelay $0x4  }
0x469: {  	[tilespmem:s22+$0x40] =	vst v0  }
0x46a: {  	v0 =	vld [tilespmem:$0xCB40];
	_ =	sdelay $0x4  }
0x46b: {  	[tilespmem:s23+$0x40] =	vst v0  }
0x46c: {  	v0 =	vld [tilespmem:$0xCBC0];
	_ =	sdelay $0x4  }
0x46d: {  	[tilespmem:s24+$0x40] =	vst v0  }
0x46e: {  	v0 =	vld [tilespmem:$0xCC40];
	_ =	sdelay $0x4  }
0x46f: {  	[tilespmem:s25+$0x40] =	vst v0  }
0x470: {  	v0 =	vld [tilespmem:$0xCCC0];
	_ =	sdelay $0x4  }
0x471: {  	[tilespmem:s26+$0x40] =	vst v0  }
0x472: {  	v0 =	vld [tilespmem:$0xCD40];
	_ =	sdelay $0x4  }
0x473: {  	[tilespmem:s28+$0x40] =	vst v0  }
0x474: {  	v0 =	vld [tilespmem:$0xCDC0];
	_ =	sdelay $0x4  }
0x475: {  	[tilespmem:s31+$0x40] =	vst v0  }
0x476: {  	v0 =	vld [tilespmem:$0xCE40];
	_ =	sdelay $0x4  }
0x477: {  	[tilespmem:s0+$0x40] =	vst v0  }
0x478: {  	v0 =	vld [tilespmem:$0xC9D0];
	_ =	sdelay $0x4  }
0x479: {  	[tilespmem:s20+$0x50] =	vst v0  }
0x47a: {  	v0 =	vld [tilespmem:$0xCA50];
	_ =	sdelay $0x4  }
0x47b: {  	[tilespmem:s21+$0x50] =	vst v0  }
0x47c: {  	v0 =	vld [tilespmem:$0xCAD0];
	_ =	sdelay $0x4  }
0x47d: {  	[tilespmem:s22+$0x50] =	vst v0  }
0x47e: {  	v0 =	vld [tilespmem:$0xCB50];
	_ =	sdelay $0x4  }
0x47f: {  	[tilespmem:s23+$0x50] =	vst v0  }
0x480: {  	v0 =	vld [tilespmem:$0xCBD0];
	_ =	sdelay $0x4  }
0x481: {  	[tilespmem:s24+$0x50] =	vst v0  }
0x482: {  	v0 =	vld [tilespmem:$0xCC50];
	_ =	sdelay $0x4  }
0x483: {  	[tilespmem:s25+$0x50] =	vst v0  }
0x484: {  	v0 =	vld [tilespmem:$0xCCD0];
	_ =	sdelay $0x4  }
0x485: {  	[tilespmem:s26+$0x50] =	vst v0  }
0x486: {  	v0 =	vld [tilespmem:$0xCD50];
	_ =	sdelay $0x4  }
0x487: {  	[tilespmem:s28+$0x50] =	vst v0  }
0x488: {  	v0 =	vld [tilespmem:$0xCDD0];
	_ =	sdelay $0x4  }
0x489: {  	[tilespmem:s31+$0x50] =	vst v0  }
0x48a: {  	v0 =	vld [tilespmem:$0xCE50];
	_ =	sdelay $0x4  }
0x48b: {  	[tilespmem:s0+$0x50] =	vst v0  }
0x48c: {  	v0 =	vld [tilespmem:$0xC9E0];
	_ =	sdelay $0x4  }
0x48d: {  	[tilespmem:s20+$0x60] =	vst v0  }
0x48e: {  	v0 =	vld [tilespmem:$0xCA60];
	_ =	sdelay $0x4  }
0x48f: {  	[tilespmem:s21+$0x60] =	vst v0  }
0x490: {  	v0 =	vld [tilespmem:$0xCAE0];
	_ =	sdelay $0x4  }
0x491: {  	[tilespmem:s22+$0x60] =	vst v0  }
0x492: {  	v0 =	vld [tilespmem:$0xCB60];
	_ =	sdelay $0x4  }
0x493: {  	[tilespmem:s23+$0x60] =	vst v0  }
0x494: {  	v0 =	vld [tilespmem:$0xCBE0];
	_ =	sdelay $0x4  }
0x495: {  	[tilespmem:s24+$0x60] =	vst v0  }
0x496: {  	v0 =	vld [tilespmem:$0xCC60];
	_ =	sdelay $0x4  }
0x497: {  	[tilespmem:s25+$0x60] =	vst v0  }
0x498: {  	v0 =	vld [tilespmem:$0xCCE0];
	_ =	sdelay $0x4  }
0x499: {  	[tilespmem:s26+$0x60] =	vst v0  }
0x49a: {  	v0 =	vld [tilespmem:$0xCD60];
	_ =	sdelay $0x4  }
0x49b: {  	[tilespmem:s28+$0x60] =	vst v0  }
0x49c: {  	v0 =	vld [tilespmem:$0xCDE0];
	_ =	sdelay $0x4  }
0x49d: {  	[tilespmem:s31+$0x60] =	vst v0  }
0x49e: {  	v0 =	vld [tilespmem:$0xCE60];
	_ =	sdelay $0x4  }
0x49f: {  	[tilespmem:s0+$0x60] =	vst v0  }
0x4a0: {  	v0 =	vld [tilespmem:$0xC9F0];
	_ =	sdelay $0x4  }
0x4a1: {  	[tilespmem:s20+$0x70] =	vst v0  }
0x4a2: {  	v0 =	vld [tilespmem:$0xCA70];
	_ =	sdelay $0x4  }
0x4a3: {  	[tilespmem:s21+$0x70] =	vst v0  }
0x4a4: {  	v0 =	vld [tilespmem:$0xCAF0];
	_ =	sdelay $0x4  }
0x4a5: {  	[tilespmem:s22+$0x70] =	vst v0  }
0x4a6: {  	v0 =	vld [tilespmem:$0xCB70];
	_ =	sdelay $0x4  }
0x4a7: {  	[tilespmem:s23+$0x70] =	vst v0  }
0x4a8: {  	v0 =	vld [tilespmem:$0xCBF0];
	_ =	sdelay $0x4  }
0x4a9: {  	[tilespmem:s24+$0x70] =	vst v0  }
0x4aa: {  	v0 =	vld [tilespmem:$0xCC70];
	_ =	sdelay $0x4  }
0x4ab: {  	[tilespmem:s25+$0x70] =	vst v0  }
0x4ac: {  	v0 =	vld [tilespmem:$0xCCF0];
	_ =	sdelay $0x4  }
0x4ad: {  	[tilespmem:s26+$0x70] =	vst v0  }
0x4ae: {  	v0 =	vld [tilespmem:$0xCD70];
	_ =	sdelay $0x4  }
0x4af: {  	[tilespmem:s28+$0x70] =	vst v0  }
0x4b0: {  	v0 =	vld [tilespmem:$0xCDF0];
	_ =	sdelay $0x4  }
0x4b1: {  	s19 =	sadd.s32 $0x1, s19;
	[tilespmem:s31+$0x70] =	vst v0  }
0x4b2: {  	p0 =	seq.s32 s19, $0x7;
	v0 =	vld [tilespmem:$0xCE70]  }
.Ltmp3:
0x4b3: {  	_ = 	snop;
	(pc) =	sbr.rel @!p0 .LBB2_4-.Ltmp3, $2  }
0x4b4: {  	_ =	sdelay $0x2  }
0x4b5: {  	[tilespmem:s0+$0x70] =	vst v0  }
0x4b6: {  	[tilespmem:$0xD180] =	vst v34  }
0x4b7: {  	[tilespmem:$0xD200] =	vst v33;
	s0 =	simm.s32 $0xD180  }
0x4b8: {  	[hbm4b:s15+s2] =	stream.linear.scatter [tilespmem:s0], [sflag:$0x3], $0x80, $0x38;
	[tilespmem:$0xD280] =	vst v63  }
0x4b9: {  	s18 =	sadd.s32 $0x1, s18;
	_ =	swait.ge [sflag:s1], $0x80  }
0x4ba: {  	p0 =	sne.s32 s18, s17;
	[sflag:s1] =	ssyncset.done $0x0  }
.Ltmp4:
0x4bb: {  	s31 =	simm.s32 $0xD200;
	[sflag:s1] =	ssyncadd.s32 $0xFFFFFF80;
	(pc) =	sbr.rel @p0 .LBB2_1-.Ltmp4, $4  }
0x4bc: {  	[hbm4b:s16+s2] =	stream.linear.scatter [tilespmem:s31], [sflag:$0x3], $0x80, $0x38;
	[tilespmem:$0xD280] =	vst v63  }
0x4bd: {  	_ =	swait.ge [sflag:s1], $0x80  }
0x4be: {  	[sflag:s1] =	ssyncset.done $0x0  }
0x4bf: {  	[sflag:s1] =	ssyncadd.s32 $0xFFFFFF80  }
0x4c0: {  	_ =	sfence.sel $0x180000  }
0x4c1: {  	[bflag:$0x0] =	sbarrier.arrive $0xFFFF  }
0x4c2: {  	_ =	strace $0x90000047  }
0x4c3: {  	s0 =	stileid.u32;
	[bflag:$0x2] =	sbarrier.arrive $0xFFFF  }
0x4c4: {  	p0 =	sne.s32 s0, $0x0;
	s0 =	rddreg [dreg:$0x1]  }
0x4c5: {  	s0 =	sadd.s32 @!p0 $0x100000, s0  }
0x4c6: {  	[sflag:s0] =	ssyncadd.tile.s32 @!p0 $0x1;
	_ =	shalt  }
.Lfunc_end2:
_tile_overlayer_lowered:
.L_overlay_start_2:
0x4c7: {  	(tag) =	ssettag $0x2  }
0x4c8: {  	s0 =	rddreg [dreg:$0x0];
	s2 =	stileid.u32  }
0x4c9: {  	s1 =	rddreg [dreg:$0x1];
	p0 =	sne.s32 s2, $0x0  }
0x4ca: {  	s3 =	rddreg [dreg:$0x2];
	[bflag:$0x3] =	sbarrier.arrive $0xFFFF;
	s2 =	simm.s32 @!p0 $0x1C03  }
0x4cb: {  	[timem:s3], [sflag:s2] =	dma.local @!p0 [hbm:s0], s1  }
0x4cc: {  	s0 =	simm.s32 @!p0 $0x3  }
0x4cd: {  	_ =	swait.ge @!p0 [sflag:s0], s1  }
0x4ce: {  	s1 =	ssub.s32 @!p0 $0x0, s1;
	[sflag:s0] =	ssyncset.done @!p0 $0x0  }
0x4cf: {  	[sflag:s0] =	ssyncadd.s32 @!p0 s1  }
0x4d0: {  	[bflag:$0x3] =	sbarrier.arrive $0xFFFF  }
0x4d1: {  	_ =	shalt  }

</sc_bundles>
